<compile_context>
chip_gen: v7x
topology: tpu7x:2x2x1
jax: 0.10.2.dev20260603
libtpu: 0.0.44.dev20260713+nightly
codegen_flags: <defaults>
</compile_context>

<pallas_src>
import functools

import jax
import jax.numpy as jnp
from jax import lax
from jax.experimental import pallas as pl
from jax.experimental.pallas import tpu as pltpu
from jax.experimental.pallas import tpu_sc as plsc

N = 10000
E = 320000
D_IN = 128
D_HID = 128
D_OUT = 64
HOPS = 10

NC = 2
NS = 16
NP = 10240
RPT = NP // NS
DH = 64

EPW = E // (NC * NS)
EPT = E // NS
CHUNK = 128
NCHUNK = (EPT + CHUNK - 1) // CHUNK
EPT_P = NCHUNK * CHUNK
TRASH = NP
RCH = RPT // CHUNK

_mesh = plsc.VectorSubcoreMesh(core_axis_name="c", subcore_axis_name="s")


def _deg_body(dst_hbm, degp_out, dbuf, cnt, stage, tbuf, wacc):
    cid = lax.axis_index("c")
    sid = lax.axis_index("s")
    wid = cid * NS + sid
    zero = jnp.zeros((16,), jnp.float32)
    ones = jnp.full((16,), 1.0, jnp.float32)

    pltpu.sync_copy(dst_hbm.at[pl.ds(wid * EPW, EPW)], dbuf)

    @pl.loop(0, NP // 16)
    def _zero_cnt(i):
        cnt[pl.ds(i * 16, 16)] = zero

    @pl.loop(0, EPW // 16)
    def _count(i):
        d16 = dbuf[pl.ds(i * 16, 16)]
        plsc.addupdate_scatter(cnt, [d16], ones)

    pltpu.sync_copy(cnt, stage.at[sid])
    plsc.subcore_barrier()

    r0 = sid * RPT

    @pl.loop(0, RPT // 16)
    def _zero_w(i):
        wacc[pl.ds(i * 16, 16)] = zero

    for j in range(NS):
        pltpu.sync_copy(stage.at[j, pl.ds(r0, RPT)], tbuf)

        @pl.loop(0, RPT // 16)
        def _acc(i):
            wacc[pl.ds(i * 16, 16)] = wacc[pl.ds(i * 16, 16)] + tbuf[pl.ds(i * 16, 16)]

    pltpu.sync_copy(wacc, degp_out.at[cid, pl.ds(r0, RPT)])


_deg_call = pl.kernel(
    _deg_body,
    out_type=jax.ShapeDtypeStruct((NC, NP), jnp.float32),
    mesh=_mesh,
    scratch_types=[
        pltpu.VMEM((EPW,), jnp.int32),
        pltpu.VMEM((NP,), jnp.float32),
        pltpu.VMEM_SHARED((NS, NP), jnp.float32),
        pltpu.VMEM((RPT,), jnp.float32),
        pltpu.VMEM((RPT,), jnp.float32),
    ],
    compiler_params=pltpu.CompilerParams(needs_layout_passes=False),
)


NB = 4
NQ = 6
NU = 12


def _hop_body(idx_hbm, degp, s0, zrows, s_work, acc_out,
              t_sh, ib0, ib1, ib2, ib3, ib4, ib5,
              gb0, gb1, gb2, gb3, acc, invd, db0, db1,
              is0, is1, is2, is3, is4, is5,
              gs0, gs1, gs2, gs3, ss0, ss1, ss2, ss3,
              ws0, ws1, zs):
    ib = [ib0, ib1, ib2, ib3, ib4, ib5]
    gb = [gb0, gb1, gb2, gb3]
    isem = [is0, is1, is2, is3, is4, is5]
    gsem = [gs0, gs1, gs2, gs3]
    ssem = [ss0, ss1, ss2, ss3]
    wsem = [ws0, ws1]
    cid = lax.axis_index("c")
    sid = lax.axis_index("s")
    r0 = sid * RPT
    zero = jnp.zeros((16,), jnp.float32)
    s_view = s_work.at[cid]

    def issue_idx(j, q):
        pltpu.async_copy(idx_hbm.at[sid, j], ib[q], isem[q])

    def wait_idx(j, q):
        pltpu.make_async_copy(idx_hbm.at[sid, j], ib[q], isem[q]).wait()

    def issue_gather(b, q):
        pltpu.async_copy(s_view.at[ib[q].at[0]], gb[b], gsem[b])

    def wait_gather(b, q):
        pltpu.make_async_copy(s_view.at[ib[q].at[0]], gb[b], gsem[b]).wait()

    def issue_scatter(b, q):
        pltpu.async_copy(gb[b], t_sh.at[ib[q].at[1]], ssem[b], add=True)

    def wait_scatter(b, q):
        pltpu.make_async_copy(gb[b], t_sh.at[ib[q].at[1]], ssem[b]).wait()

    pltpu.sync_copy(degp.at[0, pl.ds(r0, RPT)], db0)
    pltpu.sync_copy(degp.at[1, pl.ds(r0, RPT)], db1)

    @pl.loop(0, RPT // 16)
    def _invd(i):
        d = jnp.maximum(db0[pl.ds(i * 16, 16)] + db1[pl.ds(i * 16, 16)], 1.0)
        invd[pl.ds(i * 16, 16)] = 1.0 / d

    for c in range(RCH):
        rg = r0 + c * CHUNK
        pltpu.sync_copy(zrows, t_sh.at[pl.ds(rg, CHUNK)])
        pltpu.sync_copy(s0.at[cid, pl.ds(rg, CHUNK)], acc.at[pl.ds(c * CHUNK, CHUNK)])
        pltpu.sync_copy(acc.at[pl.ds(c * CHUNK, CHUNK)], s_view.at[pl.ds(rg, CHUNK)])

    @pl.when(sid == NS - 1)
    def _zt():
        pltpu.sync_copy(zrows.at[pl.ds(0, 16)], t_sh.at[pl.ds(NP, 16)])

    plsc.subcore_barrier()

    def _hop(h, carry):
        issue_idx(0, 0)
        issue_idx(1, 1)
        issue_idx(2, 2)
        wait_idx(0, 0)
        issue_gather(0, 0)
        wait_idx(1, 1)
        issue_gather(1, 1)

        @pl.loop(0, NCHUNK, step=NU)
        def _blk(j0):
            for u in range(NU):
                j = j0 + u

                @pl.when(j + 3 < NCHUNK)
                def _():
                    issue_idx(j + 3, (u + 3) % NQ)

                @pl.when((j >= 2) & (j < NCHUNK + 2))
                def _():
                    wait_scatter((u + 2) % NB, (u + 4) % NQ)

                @pl.when(j + 2 < NCHUNK)
                def _():
                    wait_idx(j + 2, (u + 2) % NQ)
                    issue_gather((u + 2) % NB, (u + 2) % NQ)

                @pl.when(j < NCHUNK)
                def _():
                    wait_gather(u % NB, u % NQ)
                    issue_scatter(u % NB, u % NQ)

        plsc.subcore_barrier()

        for c in range(RCH):
            rg = r0 + c * CHUNK
            rl = c * CHUNK
            w = gb[c % 2]
            if c >= 2:
                pltpu.make_async_copy(
                    gb[c % 2],
                    s_view.at[pl.ds(r0 + (c - 2) * CHUNK, CHUNK)],
                    wsem[c % 2]).wait()
            pltpu.sync_copy(t_sh.at[pl.ds(rg, CHUNK)], w)
            pltpu.async_copy(zrows, t_sh.at[pl.ds(rg, CHUNK)], zs)

            @pl.loop(0, CHUNK)
            def _scale(r):
                inv = invd[pl.ds(rl + r, 16)][0]
                for k in range(DH // 16):
                    v = w[r, pl.ds(k * 16, 16)] * inv
                    w[r, pl.ds(k * 16, 16)] = v
                    acc[rl + r, pl.ds(k * 16, 16)] = (
                        acc[rl + r, pl.ds(k * 16, 16)] + v)

            pltpu.async_copy(w, s_view.at[pl.ds(rg, CHUNK)], wsem[c % 2])

        for c in (RCH - 2, RCH - 1):
            pltpu.make_async_copy(
                gb[c % 2], s_view.at[pl.ds(r0 + c * CHUNK, CHUNK)],
                wsem[c % 2]).wait()
        for c in range(RCH):
            pltpu.make_async_copy(
                zrows, t_sh.at[pl.ds(r0 + c * CHUNK, CHUNK)], zs).wait()
        plsc.subcore_barrier()
        return carry

    lax.fori_loop(0, HOPS, _hop, 0)

    for c in range(RCH):
        rg = r0 + c * CHUNK
        pltpu.sync_copy(acc.at[pl.ds(c * CHUNK, CHUNK)],
                        acc_out.at[cid, pl.ds(rg, CHUNK)])


_hop_call = pl.kernel(
    _hop_body,
    out_type=(
        jax.ShapeDtypeStruct((NC, NP, DH), jnp.float32),
        jax.ShapeDtypeStruct((NC, NP, DH), jnp.float32),
    ),
    mesh=_mesh,
    scratch_types=(
        [pltpu.VMEM_SHARED((NP + 16, DH), jnp.float32)]
        + [pltpu.VMEM((2, CHUNK), jnp.int32)] * NQ
        + [pltpu.VMEM((CHUNK, DH), jnp.float32)] * NB
        + [
            pltpu.VMEM((RPT, DH), jnp.float32),
            pltpu.VMEM((RPT + 16,), jnp.float32),
            pltpu.VMEM((RPT,), jnp.float32),
            pltpu.VMEM((RPT,), jnp.float32),
        ]
        + [pltpu.SemaphoreType.DMA] * (NQ + NB + NB + 3)
    ),
    compiler_params=pltpu.CompilerParams(
        needs_layout_passes=False, use_tc_tiling_on_sc=False),
)


def _mlp1_body(x_ref, w_ref, b_ref, d_ref, oa_ref, ob_ref):
    i = pl.program_id(0)
    h = jnp.dot(x_ref[...], w_ref[...], preferred_element_type=jnp.float32)
    h = jnp.maximum(h + b_ref[...], 0.0)
    d = jnp.maximum(d_ref[:, 0:1] + d_ref[:, 1:2], 1.0)
    s = h * lax.rsqrt(d)
    row = i * 640 + lax.broadcasted_iota(jnp.int32, (640, 1), 0)
    s = jnp.where(row < N, s, 0.0)
    oa_ref[...] = s[:, :DH]
    ob_ref[...] = s[:, DH:]


def _mlp1(x_p, w, b, degp_t):
    return pl.pallas_call(
        _mlp1_body,
        grid=(NP // 640,),
        in_specs=[
            pl.BlockSpec((640, D_IN), lambda i: (i, 0)),
            pl.BlockSpec((D_IN, D_HID), lambda i: (0, 0)),
            pl.BlockSpec((1, D_HID), lambda i: (0, 0)),
            pl.BlockSpec((640, 2), lambda i: (i, 0)),
        ],
        out_specs=(
            pl.BlockSpec((640, DH), lambda i: (i, 0)),
            pl.BlockSpec((640, DH), lambda i: (i, 0)),
        ),
        out_shape=(
            jax.ShapeDtypeStruct((NP, DH), jnp.float32),
            jax.ShapeDtypeStruct((NP, DH), jnp.float32),
        ),
    )(x_p, w, b, degp_t)


def _mlp2_body(a0_ref, a1_ref, d_ref, w_ref, b_ref, y_ref):
    d = jnp.maximum(d_ref[:, 0:1] + d_ref[:, 1:2], 1.0)
    scale = jnp.sqrt(d) * (1.0 / float(HOPS + 1))
    o = jnp.concatenate([a0_ref[...], a1_ref[...]], axis=1) * scale
    y = jnp.dot(o, w_ref[...], preferred_element_type=jnp.float32)
    y_ref[...] = y + b_ref[...]


def _mlp2(a0, a1, degp_t, w, b):
    blk = 1000
    return pl.pallas_call(
        _mlp2_body,
        grid=(N // blk,),
        in_specs=[
            pl.BlockSpec((blk, DH), lambda i: (i, 0)),
            pl.BlockSpec((blk, DH), lambda i: (i, 0)),
            pl.BlockSpec((blk, 2), lambda i: (i, 0)),
            pl.BlockSpec((D_HID, D_OUT), lambda i: (0, 0)),
            pl.BlockSpec((1, D_OUT), lambda i: (0, 0)),
        ],
        out_specs=pl.BlockSpec((blk, D_OUT), lambda i: (i, 0)),
        out_shape=jax.ShapeDtypeStruct((N, D_OUT), jnp.float32),
    )(a0, a1, degp_t, w, b)


@jax.jit
def kernel(x, edge_index, W_in, b_in, W_out, b_out):
    src = edge_index[0]
    dst = edge_index[1]
    pad = EPT_P - EPT
    src_p = jnp.concatenate(
        [src.reshape(NS, EPT), jnp.zeros((NS, pad), jnp.int32)], axis=1
    ).reshape(NS, NCHUNK, 1, CHUNK)
    dst_p = jnp.concatenate(
        [dst.reshape(NS, EPT), jnp.full((NS, pad), TRASH, jnp.int32)], axis=1
    ).reshape(NS, NCHUNK, 1, CHUNK)
    idx_p = jnp.concatenate([src_p, dst_p], axis=2)

    degp = _deg_call(dst)
    degp_t = degp.T

    x_p = jnp.pad(x, ((0, NP - N), (0, 0)))
    s0a, s0b = _mlp1(x_p, W_in, b_in.reshape(1, D_HID), degp_t)
    s0 = jnp.stack([s0a, s0b], axis=0)

    zrows = jnp.zeros((CHUNK, DH), jnp.float32)
    _, acc = _hop_call(idx_p, degp, s0, zrows)

    y = _mlp2(acc[0, :N], acc[1, :N], degp_t[:N], W_out,
              b_out.reshape(1, D_OUT))
    return y

# --- scband reference (transcript-rebuilt; emitter-appended) ---
"""Pipeline reference for scband-base-nn-16200616640931 (READ-ONLY COPY).

The authoritative reference and input builder live on the scoring server;
editing this copy changes nothing except your own understanding.
"""

import jax, jax.numpy as jnp
import numpy as np

N = 10000
E = 320000
D_IN = 128
D_HID = 128
D_OUT = 64
NUM_HOPS = 10


def setup_inputs(seed: int = 0) -> dict:
    key = jax.random.key(seed)
    ks = jax.random.split(key, 6)
    x = jax.random.normal(ks[0], (N, D_IN), dtype=jnp.float32)
    edge_index = jax.random.randint(ks[1], (2, E), 0, N, dtype=jnp.int32)
    # Learned parameters: in_mlp (1 layer, 128->128, relu since plain_last=False),
    # out_mlp (1 layer, 128->64)
    W_in = jax.random.normal(ks[2], (D_IN, D_HID), dtype=jnp.float32) * (1.0 / np.sqrt(D_IN))
    b_in = jnp.zeros((D_HID,), dtype=jnp.float32)
    W_out = jax.random.normal(ks[3], (D_HID, D_OUT), dtype=jnp.float32) * (1.0 / np.sqrt(D_HID))
    b_out = jnp.zeros((D_OUT,), dtype=jnp.float32)
    return {"x": x, "edge_index": edge_index, "W_in": W_in, "b_in": b_in,
            "W_out": W_out, "b_out": b_out}


def reference(x, edge_index, W_in, b_in, W_out, b_out):
    # in_mlp: Linear + ReLU (plain_last=False, norm=None, dropout=0 in eval)
    h = jnp.maximum(x @ W_in + b_in, 0.0)

    src = edge_index[0]
    dst = edge_index[1]
    # Symmetric degree-normalized adjacency propagation (spectral conv hop)
    deg = jnp.zeros((N,), dtype=jnp.float32).at[dst].add(1.0)
    deg = jnp.maximum(deg, 1.0)
    norm = jax.lax.rsqrt(deg[src]) * jax.lax.rsqrt(deg[dst])

    # Decoupled propagation: accumulate hop outputs (fixed polynomial filter)
    out = h
    cur = h
    for _ in range(NUM_HOPS):
        msg = cur[src] * norm[:, None]          # gather (memory-bound)
        cur = jnp.zeros_like(cur).at[dst].add(msg)  # scatter-add (memory-bound)
        out = out + cur
    out = out / float(NUM_HOPS + 1)

    # out_mlp: Linear 128->64
    y = out @ W_out + b_out
    return y

if __name__ == "__main__":
    import jax
    _d = setup_inputs()
    print(jax.jit(kernel)(*tuple(_d.values())))

</pallas_src>

<mosaic_0001>
#map = affine_map<(d0, d1) -> (0)>
#map1 = affine_map<(d0, d1) -> (0, 0)>
module attributes {stable_mosaic.version = 14 : i64} {
  func.func @_deg_body(%arg0: i32, %arg1: i32, %arg2: memref<320000xi32, #tpu.memory_space<hbm>>, %arg3: memref<2x10240xf32, #tpu.memory_space<hbm>>, %arg4: memref<10000xi32, #tpu.memory_space<vmem>>, %arg5: memref<10240xf32, #tpu.memory_space<vmem>>, %arg6: memref<16x10240xf32, #tpu.memory_space<vmem_shared>>, %arg7: memref<640xf32, #tpu.memory_space<vmem>>, %arg8: memref<640xf32, #tpu.memory_space<vmem>>) attributes {dimension_semantics = [#tpu.dimension_semantics<core_parallel>, #tpu.dimension_semantics<subcore_parallel>], iteration_bounds = array<i64: 2, 16>, scalar_prefetch = 0 : i64, scratch_operands = 5 : i64, tpu.core_type = #tpu.core_type<sc_vector_subcore>, window_params = [{transform_indices = #map}, {transform_indices = #map1}]} {
    %mul3A = arith.constant 16 : i32
    %mul3A_0 = arith.muli %arg0, %mul3A : i32
    %add3A = arith.addi %mul3A_0, %arg1 : i32
    %broadcast_in_dim3A = arith.constant 0.000000e+00 : f32
    %broadcast_in_dim3A_1 = vector.broadcast %broadcast_in_dim3A : f32 to vector<16xf32>
    %broadcast_in_dim3A_2 = arith.constant 1.000000e+00 : f32
    %broadcast_in_dim3A_3 = vector.broadcast %broadcast_in_dim3A_2 : f32 to vector<16xf32>
    %mul3A_4 = arith.constant 10000 : i32
    %mul3A_5 = arith.muli %add3A, %mul3A_4 : i32
    "tpu.region"() ({
      %run_scoped3A_117 = tpu.sem_alloc : memref<!tpu.dma_semaphore, #tpu.memory_space<semaphore_mem>>
      %dma_start3A = tpu.memref_slice %arg2[%mul3A_5] : memref<320000xi32, #tpu.memory_space<hbm>> -> memref<10000xi32, #tpu.memory_space<hbm>>
      %dma_start3A_118 = tpu.memref_slice %arg2[%mul3A_5] : memref<320000xi32, #tpu.memory_space<hbm>> -> memref<10000xi32, #tpu.memory_space<hbm>>
      tpu.enqueue_dma source(%dma_start3A_118 : memref<10000xi32, #tpu.memory_space<hbm>>) target(%arg4 : memref<10000xi32, #tpu.memory_space<vmem>>) target_semaphore(%run_scoped3A_117 : memref<!tpu.dma_semaphore, #tpu.memory_space<semaphore_mem>>)
      %dma_wait3A = tpu.memref_slice %arg2[%mul3A_5] : memref<320000xi32, #tpu.memory_space<hbm>> -> memref<10000xi32, #tpu.memory_space<hbm>>
      %dma_wait3A_119 = tpu.memref_slice %arg2[%mul3A_5] : memref<320000xi32, #tpu.memory_space<hbm>> -> memref<10000xi32, #tpu.memory_space<hbm>>
      tpu.wait_dma2 semaphore(%run_scoped3A_117 : memref<!tpu.dma_semaphore, #tpu.memory_space<semaphore_mem>>) src(%dma_wait3A_119 : memref<10000xi32, #tpu.memory_space<hbm>>) dst(%arg4 : memref<10000xi32, #tpu.memory_space<vmem>>)
      tpu.yield
    }) : () -> ()
    %scan3A = arith.constant 0 : i32
    %scan3A_6 = arith.constant 640 : i32
    %scan3A_7 = arith.addi %scan3A, %scan3A_6 : i32
    %scan3A_8 = arith.constant 1 : i32
    scf.for %scan3A_117 = %scan3A to %scan3A_7 step %scan3A_8  : i32 {
      %mul3A_118 = arith.constant 1 : i32
      %mul3A_119 = arith.muli %scan3A_117, %mul3A_118 : i32
      %add3A_120 = arith.constant 0 : i32
      %add3A_121 = arith.addi %add3A_120, %mul3A_119 : i32
      %mul3A_122 = arith.constant 16 : i32
      %mul3A_123 = arith.muli %add3A_121, %mul3A_122 : i32
      %swap3A = arith.index_cast %mul3A_123 : i32 to index
      %swap3A_124 = tpu.vector_load %arg5[%swap3A] {strides = array<i32>} : memref<10240xf32, #tpu.memory_space<vmem>>, vector<16xf32>,
      tpu.vector_store %arg5[%swap3A], %broadcast_in_dim3A_1 {strides = array<i32>} : memref<10240xf32, #tpu.memory_space<vmem>>, vector<16xf32>,
    }
    %scan3A_9 = arith.constant 640 : i32
    %scan3A_10 = arith.constant 0 : i32
    %scan3A_11 = arith.constant 625 : i32
    %scan3A_12 = arith.addi %scan3A_10, %scan3A_11 : i32
    %scan3A_13 = arith.constant 1 : i32
    scf.for %scan3A_117 = %scan3A_10 to %scan3A_12 step %scan3A_13  : i32 {
      %mul3A_118 = arith.constant 1 : i32
      %mul3A_119 = arith.muli %scan3A_117, %mul3A_118 : i32
      %add3A_120 = arith.constant 0 : i32
      %add3A_121 = arith.addi %add3A_120, %mul3A_119 : i32
      %mul3A_122 = arith.constant 16 : i32
      %mul3A_123 = arith.muli %add3A_121, %mul3A_122 : i32
      %get3A = arith.index_cast %mul3A_123 : i32 to index
      %get3A_124 = tpu.vector_load %arg4[%get3A] {strides = array<i32>} : memref<10000xi32, #tpu.memory_space<vmem>>, vector<16xi32>,
      tpu.vector_store_idx %arg5[%get3A_124], %broadcast_in_dim3A_3 {add = true} : memref<10240xf32, #tpu.memory_space<vmem>>[vector<16xi32>], vector<16xf32>,
    }
    %scan3A_14 = arith.constant 625 : i32
    "tpu.region"() ({
      %run_scoped3A_117 = tpu.sem_alloc : memref<!tpu.dma_semaphore, #tpu.memory_space<semaphore_mem>>
      %dma_start3A = arith.constant 0 : i32
      %dma_start3A_118 = tpu.memref_slice %arg6[%arg1, %dma_start3A] : memref<16x10240xf32, #tpu.memory_space<vmem_shared>> -> memref<1x10240xf32, #tpu.memory_space<vmem_shared>>
      %dma_start3A_119 = tpu.memref_squeeze %dma_start3A_118 : memref<1x10240xf32, #tpu.memory_space<vmem_shared>> -> memref<10240xf32, #tpu.memory_space<vmem_shared>>
      %dma_start3A_120 = arith.constant 0 : i32
      %dma_start3A_121 = tpu.memref_slice %arg6[%arg1, %dma_start3A_120] : memref<16x10240xf32, #tpu.memory_space<vmem_shared>> -> memref<1x10240xf32, #tpu.memory_space<vmem_shared>>
      %dma_start3A_122 = tpu.memref_squeeze %dma_start3A_121 : memref<1x10240xf32, #tpu.memory_space<vmem_shared>> -> memref<10240xf32, #tpu.memory_space<vmem_shared>>
      tpu.enqueue_dma source(%arg5 : memref<10240xf32, #tpu.memory_space<vmem>>) target(%dma_start3A_122 : memref<10240xf32, #tpu.memory_space<vmem_shared>>) target_semaphore(%run_scoped3A_117 : memref<!tpu.dma_semaphore, #tpu.memory_space<semaphore_mem>>)
      %dma_wait3A = arith.constant 0 : i32
      %dma_wait3A_123 = tpu.memref_slice %arg6[%arg1, %dma_wait3A] : memref<16x10240xf32, #tpu.memory_space<vmem_shared>> -> memref<1x10240xf32, #tpu.memory_space<vmem_shared>>
      %dma_wait3A_124 = tpu.memref_squeeze %dma_wait3A_123 : memref<1x10240xf32, #tpu.memory_space<vmem_shared>> -> memref<10240xf32, #tpu.memory_space<vmem_shared>>
      %dma_wait3A_125 = arith.constant 0 : i32
      %dma_wait3A_126 = tpu.memref_slice %arg6[%arg1, %dma_wait3A_125] : memref<16x10240xf32, #tpu.memory_space<vmem_shared>> -> memref<1x10240xf32, #tpu.memory_space<vmem_shared>>
      %dma_wait3A_127 = tpu.memref_squeeze %dma_wait3A_126 : memref<1x10240xf32, #tpu.memory_space<vmem_shared>> -> memref<10240xf32, #tpu.memory_space<vmem_shared>>
      tpu.wait_dma2 semaphore(%run_scoped3A_117 : memref<!tpu.dma_semaphore, #tpu.memory_space<semaphore_mem>>) src(%arg5 : memref<10240xf32, #tpu.memory_space<vmem>>) dst(%dma_wait3A_127 : memref<10240xf32, #tpu.memory_space<vmem_shared>>)
      tpu.yield
    }) : () -> ()
    %barrier3A = arith.constant 0 : index
    tpu.barrier barrier_id(%barrier3A)
    %mul3A_15 = arith.constant 640 : i32
    %mul3A_16 = arith.muli %arg1, %mul3A_15 : i32
    %scan3A_17 = arith.constant 0 : i32
    %scan3A_18 = arith.constant 40 : i32
    %scan3A_19 = arith.addi %scan3A_17, %scan3A_18 : i32
    %scan3A_20 = arith.constant 1 : i32
    scf.for %scan3A_117 = %scan3A_17 to %scan3A_19 step %scan3A_20  : i32 {
      %mul3A_118 = arith.constant 1 : i32
      %mul3A_119 = arith.muli %scan3A_117, %mul3A_118 : i32
      %add3A_120 = arith.constant 0 : i32
      %add3A_121 = arith.addi %add3A_120, %mul3A_119 : i32
      %mul3A_122 = arith.constant 16 : i32
      %mul3A_123 = arith.muli %add3A_121, %mul3A_122 : i32
      %swap3A = arith.index_cast %mul3A_123 : i32 to index
      %swap3A_124 = tpu.vector_load %arg8[%swap3A] {strides = array<i32>} : memref<640xf32, #tpu.memory_space<vmem>>, vector<16xf32>,
      tpu.vector_store %arg8[%swap3A], %broadcast_in_dim3A_1 {strides = array<i32>} : memref<640xf32, #tpu.memory_space<vmem>>, vector<16xf32>,
    }
    %scan3A_21 = arith.constant 40 : i32
    %run_scoped3A = arith.constant 0 : i32
    "tpu.region"() ({
      %run_scoped3A_117 = tpu.sem_alloc : memref<!tpu.dma_semaphore, #tpu.memory_space<semaphore_mem>>
      %dma_start3A = tpu.memref_slice %arg6[%run_scoped3A, %mul3A_16] : memref<16x10240xf32, #tpu.memory_space<vmem_shared>> -> memref<1x640xf32, #tpu.memory_space<vmem_shared>>
      %dma_start3A_118 = tpu.memref_squeeze %dma_start3A : memref<1x640xf32, #tpu.memory_space<vmem_shared>> -> memref<640xf32, #tpu.memory_space<vmem_shared>>
      %dma_start3A_119 = tpu.memref_slice %arg6[%run_scoped3A, %mul3A_16] : memref<16x10240xf32, #tpu.memory_space<vmem_shared>> -> memref<1x640xf32, #tpu.memory_space<vmem_shared>>
      %dma_start3A_120 = tpu.memref_squeeze %dma_start3A_119 : memref<1x640xf32, #tpu.memory_space<vmem_shared>> -> memref<640xf32, #tpu.memory_space<vmem_shared>>
      tpu.enqueue_dma source(%dma_start3A_120 : memref<640xf32, #tpu.memory_space<vmem_shared>>) target(%arg7 : memref<640xf32, #tpu.memory_space<vmem>>) target_semaphore(%run_scoped3A_117 : memref<!tpu.dma_semaphore, #tpu.memory_space<semaphore_mem>>)
      %dma_wait3A = tpu.memref_slice %arg6[%run_scoped3A, %mul3A_16] : memref<16x10240xf32, #tpu.memory_space<vmem_shared>> -> memref<1x640xf32, #tpu.memory_space<vmem_shared>>
      %dma_wait3A_121 = tpu.memref_squeeze %dma_wait3A : memref<1x640xf32, #tpu.memory_space<vmem_shared>> -> memref<640xf32, #tpu.memory_space<vmem_shared>>
      %dma_wait3A_122 = tpu.memref_slice %arg6[%run_scoped3A, %mul3A_16] : memref<16x10240xf32, #tpu.memory_space<vmem_shared>> -> memref<1x640xf32, #tpu.memory_space<vmem_shared>>
      %dma_wait3A_123 = tpu.memref_squeeze %dma_wait3A_122 : memref<1x640xf32, #tpu.memory_space<vmem_shared>> -> memref<640xf32, #tpu.memory_space<vmem_shared>>
      tpu.wait_dma2 semaphore(%run_scoped3A_117 : memref<!tpu.dma_semaphore, #tpu.memory_space<semaphore_mem>>) src(%dma_wait3A_123 : memref<640xf32, #tpu.memory_space<vmem_shared>>) dst(%arg7 : memref<640xf32, #tpu.memory_space<vmem>>)
      tpu.yield
    }) : () -> ()
    %scan3A_22 = arith.constant 0 : i32
    %scan3A_23 = arith.constant 40 : i32
    %scan3A_24 = arith.addi %scan3A_22, %scan3A_23 : i32
    %scan3A_25 = arith.constant 1 : i32
    scf.for %scan3A_117 = %scan3A_22 to %scan3A_24 step %scan3A_25  : i32 {
      %mul3A_118 = arith.constant 1 : i32
      %mul3A_119 = arith.muli %scan3A_117, %mul3A_118 : i32
      %add3A_120 = arith.constant 0 : i32
      %add3A_121 = arith.addi %add3A_120, %mul3A_119 : i32
      %mul3A_122 = arith.constant 16 : i32
      %mul3A_123 = arith.muli %add3A_121, %mul3A_122 : i32
      %get3A = arith.index_cast %mul3A_123 : i32 to index
      %get3A_124 = tpu.vector_load %arg8[%get3A] {strides = array<i32>} : memref<640xf32, #tpu.memory_space<vmem>>, vector<16xf32>,
      %mul3A_125 = arith.constant 16 : i32
      %mul3A_126 = arith.muli %add3A_121, %mul3A_125 : i32
      %get3A_127 = arith.index_cast %mul3A_126 : i32 to index
      %get3A_128 = tpu.vector_load %arg7[%get3A_127] {strides = array<i32>} : memref<640xf32, #tpu.memory_space<vmem>>, vector<16xf32>,
      %add3A_129 = arith.addf %get3A_124, %get3A_128 : vector<16xf32>
      %mul3A_130 = arith.constant 16 : i32
      %mul3A_131 = arith.muli %add3A_121, %mul3A_130 : i32
      %swap3A = arith.index_cast %mul3A_131 : i32 to index
      %swap3A_132 = tpu.vector_load %arg8[%swap3A] {strides = array<i32>} : memref<640xf32, #tpu.memory_space<vmem>>, vector<16xf32>,
      tpu.vector_store %arg8[%swap3A], %add3A_129 {strides = array<i32>} : memref<640xf32, #tpu.memory_space<vmem>>, vector<16xf32>,
    }
    %scan3A_26 = arith.constant 40 : i32
    %run_scoped3A_27 = arith.constant 1 : i32
    "tpu.region"() ({
      %run_scoped3A_117 = tpu.sem_alloc : memref<!tpu.dma_semaphore, #tpu.memory_space<semaphore_mem>>
      %dma_start3A = tpu.memref_slice %arg6[%run_scoped3A_27, %mul3A_16] : memref<16x10240xf32, #tpu.memory_space<vmem_shared>> -> memref<1x640xf32, #tpu.memory_space<vmem_shared>>
      %dma_start3A_118 = tpu.memref_squeeze %dma_start3A : memref<1x640xf32, #tpu.memory_space<vmem_shared>> -> memref<640xf32, #tpu.memory_space<vmem_shared>>
      %dma_start3A_119 = tpu.memref_slice %arg6[%run_scoped3A_27, %mul3A_16] : memref<16x10240xf32, #tpu.memory_space<vmem_shared>> -> memref<1x640xf32, #tpu.memory_space<vmem_shared>>
      %dma_start3A_120 = tpu.memref_squeeze %dma_start3A_119 : memref<1x640xf32, #tpu.memory_space<vmem_shared>> -> memref<640xf32, #tpu.memory_space<vmem_shared>>
      tpu.enqueue_dma source(%dma_start3A_120 : memref<640xf32, #tpu.memory_space<vmem_shared>>) target(%arg7 : memref<640xf32, #tpu.memory_space<vmem>>) target_semaphore(%run_scoped3A_117 : memref<!tpu.dma_semaphore, #tpu.memory_space<semaphore_mem>>)
      %dma_wait3A = tpu.memref_slice %arg6[%run_scoped3A_27, %mul3A_16] : memref<16x10240xf32, #tpu.memory_space<vmem_shared>> -> memref<1x640xf32, #tpu.memory_space<vmem_shared>>
      %dma_wait3A_121 = tpu.memref_squeeze %dma_wait3A : memref<1x640xf32, #tpu.memory_space<vmem_shared>> -> memref<640xf32, #tpu.memory_space<vmem_shared>>
      %dma_wait3A_122 = tpu.memref_slice %arg6[%run_scoped3A_27, %mul3A_16] : memref<16x10240xf32, #tpu.memory_space<vmem_shared>> -> memref<1x640xf32, #tpu.memory_space<vmem_shared>>
      %dma_wait3A_123 = tpu.memref_squeeze %dma_wait3A_122 : memref<1x640xf32, #tpu.memory_space<vmem_shared>> -> memref<640xf32, #tpu.memory_space<vmem_shared>>
      tpu.wait_dma2 semaphore(%run_scoped3A_117 : memref<!tpu.dma_semaphore, #tpu.memory_space<semaphore_mem>>) src(%dma_wait3A_123 : memref<640xf32, #tpu.memory_space<vmem_shared>>) dst(%arg7 : memref<640xf32, #tpu.memory_space<vmem>>)
      tpu.yield
    }) : () -> ()
    %scan3A_28 = arith.constant 0 : i32
    %scan3A_29 = arith.constant 40 : i32
    %scan3A_30 = arith.addi %scan3A_28, %scan3A_29 : i32
    %scan3A_31 = arith.constant 1 : i32
    scf.for %scan3A_117 = %scan3A_28 to %scan3A_30 step %scan3A_31  : i32 {
      %mul3A_118 = arith.constant 1 : i32
      %mul3A_119 = arith.muli %scan3A_117, %mul3A_118 : i32
      %add3A_120 = arith.constant 0 : i32
      %add3A_121 = arith.addi %add3A_120, %mul3A_119 : i32
      %mul3A_122 = arith.constant 16 : i32
      %mul3A_123 = arith.muli %add3A_121, %mul3A_122 : i32
      %get3A = arith.index_cast %mul3A_123 : i32 to index
      %get3A_124 = tpu.vector_load %arg8[%get3A] {strides = array<i32>} : memref<640xf32, #tpu.memory_space<vmem>>, vector<16xf32>,
      %mul3A_125 = arith.constant 16 : i32
      %mul3A_126 = arith.muli %add3A_121, %mul3A_125 : i32
      %get3A_127 = arith.index_cast %mul3A_126 : i32 to index
      %get3A_128 = tpu.vector_load %arg7[%get3A_127] {strides = array<i32>} : memref<640xf32, #tpu.memory_space<vmem>>, vector<16xf32>,
      %add3A_129 = arith.addf %get3A_124, %get3A_128 : vector<16xf32>
      %mul3A_130 = arith.constant 16 : i32
      %mul3A_131 = arith.muli %add3A_121, %mul3A_130 : i32
      %swap3A = arith.index_cast %mul3A_131 : i32 to index
      %swap3A_132 = tpu.vector_load %arg8[%swap3A] {strides = array<i32>} : memref<640xf32, #tpu.memory_space<vmem>>, vector<16xf32>,
      tpu.vector_store %arg8[%swap3A], %add3A_129 {strides = array<i32>} : memref<640xf32, #tpu.memory_space<vmem>>, vector<16xf32>,
    }
    %scan3A_32 = arith.constant 40 : i32
    %run_scoped3A_33 = arith.constant 2 : i32
    "tpu.region"() ({
      %run_scoped3A_117 = tpu.sem_alloc : memref<!tpu.dma_semaphore, #tpu.memory_space<semaphore_mem>>
      %dma_start3A = tpu.memref_slice %arg6[%run_scoped3A_33, %mul3A_16] : memref<16x10240xf32, #tpu.memory_space<vmem_shared>> -> memref<1x640xf32, #tpu.memory_space<vmem_shared>>
      %dma_start3A_118 = tpu.memref_squeeze %dma_start3A : memref<1x640xf32, #tpu.memory_space<vmem_shared>> -> memref<640xf32, #tpu.memory_space<vmem_shared>>
      %dma_start3A_119 = tpu.memref_slice %arg6[%run_scoped3A_33, %mul3A_16] : memref<16x10240xf32, #tpu.memory_space<vmem_shared>> -> memref<1x640xf32, #tpu.memory_space<vmem_shared>>
      %dma_start3A_120 = tpu.memref_squeeze %dma_start3A_119 : memref<1x640xf32, #tpu.memory_space<vmem_shared>> -> memref<640xf32, #tpu.memory_space<vmem_shared>>
      tpu.enqueue_dma source(%dma_start3A_120 : memref<640xf32, #tpu.memory_space<vmem_shared>>) target(%arg7 : memref<640xf32, #tpu.memory_space<vmem>>) target_semaphore(%run_scoped3A_117 : memref<!tpu.dma_semaphore, #tpu.memory_space<semaphore_mem>>)
      %dma_wait3A = tpu.memref_slice %arg6[%run_scoped3A_33, %mul3A_16] : memref<16x10240xf32, #tpu.memory_space<vmem_shared>> -> memref<1x640xf32, #tpu.memory_space<vmem_shared>>
      %dma_wait3A_121 = tpu.memref_squeeze %dma_wait3A : memref<1x640xf32, #tpu.memory_space<vmem_shared>> -> memref<640xf32, #tpu.memory_space<vmem_shared>>
      %dma_wait3A_122 = tpu.memref_slice %arg6[%run_scoped3A_33, %mul3A_16] : memref<16x10240xf32, #tpu.memory_space<vmem_shared>> -> memref<1x640xf32, #tpu.memory_space<vmem_shared>>
      %dma_wait3A_123 = tpu.memref_squeeze %dma_wait3A_122 : memref<1x640xf32, #tpu.memory_space<vmem_shared>> -> memref<640xf32, #tpu.memory_space<vmem_shared>>
      tpu.wait_dma2 semaphore(%run_scoped3A_117 : memref<!tpu.dma_semaphore, #tpu.memory_space<semaphore_mem>>) src(%dma_wait3A_123 : memref<640xf32, #tpu.memory_space<vmem_shared>>) dst(%arg7 : memref<640xf32, #tpu.memory_space<vmem>>)
      tpu.yield
    }) : () -> ()
    %scan3A_34 = arith.constant 0 : i32
    %scan3A_35 = arith.constant 40 : i32
    %scan3A_36 = arith.addi %scan3A_34, %scan3A_35 : i32
    %scan3A_37 = arith.constant 1 : i32
    scf.for %scan3A_117 = %scan3A_34 to %scan3A_36 step %scan3A_37  : i32 {
      %mul3A_118 = arith.constant 1 : i32
      %mul3A_119 = arith.muli %scan3A_117, %mul3A_118 : i32
      %add3A_120 = arith.constant 0 : i32
      %add3A_121 = arith.addi %add3A_120, %mul3A_119 : i32
      %mul3A_122 = arith.constant 16 : i32
      %mul3A_123 = arith.muli %add3A_121, %mul3A_122 : i32
      %get3A = arith.index_cast %mul3A_123 : i32 to index
      %get3A_124 = tpu.vector_load %arg8[%get3A] {strides = array<i32>} : memref<640xf32, #tpu.memory_space<vmem>>, vector<16xf32>,
      %mul3A_125 = arith.constant 16 : i32
      %mul3A_126 = arith.muli %add3A_121, %mul3A_125 : i32
      %get3A_127 = arith.index_cast %mul3A_126 : i32 to index
      %get3A_128 = tpu.vector_load %arg7[%get3A_127] {strides = array<i32>} : memref<640xf32, #tpu.memory_space<vmem>>, vector<16xf32>,
      %add3A_129 = arith.addf %get3A_124, %get3A_128 : vector<16xf32>
      %mul3A_130 = arith.constant 16 : i32
      %mul3A_131 = arith.muli %add3A_121, %mul3A_130 : i32
      %swap3A = arith.index_cast %mul3A_131 : i32 to index
      %swap3A_132 = tpu.vector_load %arg8[%swap3A] {strides = array<i32>} : memref<640xf32, #tpu.memory_space<vmem>>, vector<16xf32>,
      tpu.vector_store %arg8[%swap3A], %add3A_129 {strides = array<i32>} : memref<640xf32, #tpu.memory_space<vmem>>, vector<16xf32>,
    }
    %scan3A_38 = arith.constant 40 : i32
    %run_scoped3A_39 = arith.constant 3 : i32
    "tpu.region"() ({
      %run_scoped3A_117 = tpu.sem_alloc : memref<!tpu.dma_semaphore, #tpu.memory_space<semaphore_mem>>
      %dma_start3A = tpu.memref_slice %arg6[%run_scoped3A_39, %mul3A_16] : memref<16x10240xf32, #tpu.memory_space<vmem_shared>> -> memref<1x640xf32, #tpu.memory_space<vmem_shared>>
      %dma_start3A_118 = tpu.memref_squeeze %dma_start3A : memref<1x640xf32, #tpu.memory_space<vmem_shared>> -> memref<640xf32, #tpu.memory_space<vmem_shared>>
      %dma_start3A_119 = tpu.memref_slice %arg6[%run_scoped3A_39, %mul3A_16] : memref<16x10240xf32, #tpu.memory_space<vmem_shared>> -> memref<1x640xf32, #tpu.memory_space<vmem_shared>>
      %dma_start3A_120 = tpu.memref_squeeze %dma_start3A_119 : memref<1x640xf32, #tpu.memory_space<vmem_shared>> -> memref<640xf32, #tpu.memory_space<vmem_shared>>
      tpu.enqueue_dma source(%dma_start3A_120 : memref<640xf32, #tpu.memory_space<vmem_shared>>) target(%arg7 : memref<640xf32, #tpu.memory_space<vmem>>) target_semaphore(%run_scoped3A_117 : memref<!tpu.dma_semaphore, #tpu.memory_space<semaphore_mem>>)
      %dma_wait3A = tpu.memref_slice %arg6[%run_scoped3A_39, %mul3A_16] : memref<16x10240xf32, #tpu.memory_space<vmem_shared>> -> memref<1x640xf32, #tpu.memory_space<vmem_shared>>
      %dma_wait3A_121 = tpu.memref_squeeze %dma_wait3A : memref<1x640xf32, #tpu.memory_space<vmem_shared>> -> memref<640xf32, #tpu.memory_space<vmem_shared>>
      %dma_wait3A_122 = tpu.memref_slice %arg6[%run_scoped3A_39, %mul3A_16] : memref<16x10240xf32, #tpu.memory_space<vmem_shared>> -> memref<1x640xf32, #tpu.memory_space<vmem_shared>>
      %dma_wait3A_123 = tpu.memref_squeeze %dma_wait3A_122 : memref<1x640xf32, #tpu.memory_space<vmem_shared>> -> memref<640xf32, #tpu.memory_space<vmem_shared>>
      tpu.wait_dma2 semaphore(%run_scoped3A_117 : memref<!tpu.dma_semaphore, #tpu.memory_space<semaphore_mem>>) src(%dma_wait3A_123 : memref<640xf32, #tpu.memory_space<vmem_shared>>) dst(%arg7 : memref<640xf32, #tpu.memory_space<vmem>>)
      tpu.yield
    }) : () -> ()
    %scan3A_40 = arith.constant 0 : i32
    %scan3A_41 = arith.constant 40 : i32
    %scan3A_42 = arith.addi %scan3A_40, %scan3A_41 : i32
    %scan3A_43 = arith.constant 1 : i32
    scf.for %scan3A_117 = %scan3A_40 to %scan3A_42 step %scan3A_43  : i32 {
      %mul3A_118 = arith.constant 1 : i32
      %mul3A_119 = arith.muli %scan3A_117, %mul3A_118 : i32
      %add3A_120 = arith.constant 0 : i32
      %add3A_121 = arith.addi %add3A_120, %mul3A_119 : i32
      %mul3A_122 = arith.constant 16 : i32
      %mul3A_123 = arith.muli %add3A_121, %mul3A_122 : i32
      %get3A = arith.index_cast %mul3A_123 : i32 to index
      %get3A_124 = tpu.vector_load %arg8[%get3A] {strides = array<i32>} : memref<640xf32, #tpu.memory_space<vmem>>, vector<16xf32>,
      %mul3A_125 = arith.constant 16 : i32
      %mul3A_126 = arith.muli %add3A_121, %mul3A_125 : i32
      %get3A_127 = arith.index_cast %mul3A_126 : i32 to index
      %get3A_128 = tpu.vector_load %arg7[%get3A_127] {strides = array<i32>} : memref<640xf32, #tpu.memory_space<vmem>>, vector<16xf32>,
      %add3A_129 = arith.addf %get3A_124, %get3A_128 : vector<16xf32>
      %mul3A_130 = arith.constant 16 : i32
      %mul3A_131 = arith.muli %add3A_121, %mul3A_130 : i32
      %swap3A = arith.index_cast %mul3A_131 : i32 to index
      %swap3A_132 = tpu.vector_load %arg8[%swap3A] {strides = array<i32>} : memref<640xf32, #tpu.memory_space<vmem>>, vector<16xf32>,
      tpu.vector_store %arg8[%swap3A], %add3A_129 {strides = array<i32>} : memref<640xf32, #tpu.memory_space<vmem>>, vector<16xf32>,
    }
    %scan3A_44 = arith.constant 40 : i32
    %run_scoped3A_45 = arith.constant 4 : i32
    "tpu.region"() ({
      %run_scoped3A_117 = tpu.sem_alloc : memref<!tpu.dma_semaphore, #tpu.memory_space<semaphore_mem>>
      %dma_start3A = tpu.memref_slice %arg6[%run_scoped3A_45, %mul3A_16] : memref<16x10240xf32, #tpu.memory_space<vmem_shared>> -> memref<1x640xf32, #tpu.memory_space<vmem_shared>>
      %dma_start3A_118 = tpu.memref_squeeze %dma_start3A : memref<1x640xf32, #tpu.memory_space<vmem_shared>> -> memref<640xf32, #tpu.memory_space<vmem_shared>>
      %dma_start3A_119 = tpu.memref_slice %arg6[%run_scoped3A_45, %mul3A_16] : memref<16x10240xf32, #tpu.memory_space<vmem_shared>> -> memref<1x640xf32, #tpu.memory_space<vmem_shared>>
      %dma_start3A_120 = tpu.memref_squeeze %dma_start3A_119 : memref<1x640xf32, #tpu.memory_space<vmem_shared>> -> memref<640xf32, #tpu.memory_space<vmem_shared>>
      tpu.enqueue_dma source(%dma_start3A_120 : memref<640xf32, #tpu.memory_space<vmem_shared>>) target(%arg7 : memref<640xf32, #tpu.memory_space<vmem>>) target_semaphore(%run_scoped3A_117 : memref<!tpu.dma_semaphore, #tpu.memory_space<semaphore_mem>>)
      %dma_wait3A = tpu.memref_slice %arg6[%run_scoped3A_45, %mul3A_16] : memref<16x10240xf32, #tpu.memory_space<vmem_shared>> -> memref<1x640xf32, #tpu.memory_space<vmem_shared>>
      %dma_wait3A_121 = tpu.memref_squeeze %dma_wait3A : memref<1x640xf32, #tpu.memory_space<vmem_shared>> -> memref<640xf32, #tpu.memory_space<vmem_shared>>
      %dma_wait3A_122 = tpu.memref_slice %arg6[%run_scoped3A_45, %mul3A_16] : memref<16x10240xf32, #tpu.memory_space<vmem_shared>> -> memref<1x640xf32, #tpu.memory_space<vmem_shared>>
      %dma_wait3A_123 = tpu.memref_squeeze %dma_wait3A_122 : memref<1x640xf32, #tpu.memory_space<vmem_shared>> -> memref<640xf32, #tpu.memory_space<vmem_shared>>
      tpu.wait_dma2 semaphore(%run_scoped3A_117 : memref<!tpu.dma_semaphore, #tpu.memory_space<semaphore_mem>>) src(%dma_wait3A_123 : memref<640xf32, #tpu.memory_space<vmem_shared>>) dst(%arg7 : memref<640xf32, #tpu.memory_space<vmem>>)
      tpu.yield
    }) : () -> ()
    %scan3A_46 = arith.constant 0 : i32
    %scan3A_47 = arith.constant 40 : i32
    %scan3A_48 = arith.addi %scan3A_46, %scan3A_47 : i32
    %scan3A_49 = arith.constant 1 : i32
    scf.for %scan3A_117 = %scan3A_46 to %scan3A_48 step %scan3A_49  : i32 {
      %mul3A_118 = arith.constant 1 : i32
      %mul3A_119 = arith.muli %scan3A_117, %mul3A_118 : i32
      %add3A_120 = arith.constant 0 : i32
      %add3A_121 = arith.addi %add3A_120, %mul3A_119 : i32
      %mul3A_122 = arith.constant 16 : i32
      %mul3A_123 = arith.muli %add3A_121, %mul3A_122 : i32
      %get3A = arith.index_cast %mul3A_123 : i32 to index
      %get3A_124 = tpu.vector_load %arg8[%get3A] {strides = array<i32>} : memref<640xf32, #tpu.memory_space<vmem>>, vector<16xf32>,
      %mul3A_125 = arith.constant 16 : i32
      %mul3A_126 = arith.muli %add3A_121, %mul3A_125 : i32
      %get3A_127 = arith.index_cast %mul3A_126 : i32 to index
      %get3A_128 = tpu.vector_load %arg7[%get3A_127] {strides = array<i32>} : memref<640xf32, #tpu.memory_space<vmem>>, vector<16xf32>,
      %add3A_129 = arith.addf %get3A_124, %get3A_128 : vector<16xf32>
      %mul3A_130 = arith.constant 16 : i32
      %mul3A_131 = arith.muli %add3A_121, %mul3A_130 : i32
      %swap3A = arith.index_cast %mul3A_131 : i32 to index
      %swap3A_132 = tpu.vector_load %arg8[%swap3A] {strides = array<i32>} : memref<640xf32, #tpu.memory_space<vmem>>, vector<16xf32>,
      tpu.vector_store %arg8[%swap3A], %add3A_129 {strides = array<i32>} : memref<640xf32, #tpu.memory_space<vmem>>, vector<16xf32>,
    }
    %scan3A_50 = arith.constant 40 : i32
    %run_scoped3A_51 = arith.constant 5 : i32
    "tpu.region"() ({
      %run_scoped3A_117 = tpu.sem_alloc : memref<!tpu.dma_semaphore, #tpu.memory_space<semaphore_mem>>
      %dma_start3A = tpu.memref_slice %arg6[%run_scoped3A_51, %mul3A_16] : memref<16x10240xf32, #tpu.memory_space<vmem_shared>> -> memref<1x640xf32, #tpu.memory_space<vmem_shared>>
      %dma_start3A_118 = tpu.memref_squeeze %dma_start3A : memref<1x640xf32, #tpu.memory_space<vmem_shared>> -> memref<640xf32, #tpu.memory_space<vmem_shared>>
      %dma_start3A_119 = tpu.memref_slice %arg6[%run_scoped3A_51, %mul3A_16] : memref<16x10240xf32, #tpu.memory_space<vmem_shared>> -> memref<1x640xf32, #tpu.memory_space<vmem_shared>>
      %dma_start3A_120 = tpu.memref_squeeze %dma_start3A_119 : memref<1x640xf32, #tpu.memory_space<vmem_shared>> -> memref<640xf32, #tpu.memory_space<vmem_shared>>
      tpu.enqueue_dma source(%dma_start3A_120 : memref<640xf32, #tpu.memory_space<vmem_shared>>) target(%arg7 : memref<640xf32, #tpu.memory_space<vmem>>) target_semaphore(%run_scoped3A_117 : memref<!tpu.dma_semaphore, #tpu.memory_space<semaphore_mem>>)
      %dma_wait3A = tpu.memref_slice %arg6[%run_scoped3A_51, %mul3A_16] : memref<16x10240xf32, #tpu.memory_space<vmem_shared>> -> memref<1x640xf32, #tpu.memory_space<vmem_shared>>
      %dma_wait3A_121 = tpu.memref_squeeze %dma_wait3A : memref<1x640xf32, #tpu.memory_space<vmem_shared>> -> memref<640xf32, #tpu.memory_space<vmem_shared>>
      %dma_wait3A_122 = tpu.memref_slice %arg6[%run_scoped3A_51, %mul3A_16] : memref<16x10240xf32, #tpu.memory_space<vmem_shared>> -> memref<1x640xf32, #tpu.memory_space<vmem_shared>>
      %dma_wait3A_123 = tpu.memref_squeeze %dma_wait3A_122 : memref<1x640xf32, #tpu.memory_space<vmem_shared>> -> memref<640xf32, #tpu.memory_space<vmem_shared>>
      tpu.wait_dma2 semaphore(%run_scoped3A_117 : memref<!tpu.dma_semaphore, #tpu.memory_space<semaphore_mem>>) src(%dma_wait3A_123 : memref<640xf32, #tpu.memory_space<vmem_shared>>) dst(%arg7 : memref<640xf32, #tpu.memory_space<vmem>>)
      tpu.yield
    }) : () -> ()
    %scan3A_52 = arith.constant 0 : i32
    %scan3A_53 = arith.constant 40 : i32
    %scan3A_54 = arith.addi %scan3A_52, %scan3A_53 : i32
    %scan3A_55 = arith.constant 1 : i32
    scf.for %scan3A_117 = %scan3A_52 to %scan3A_54 step %scan3A_55  : i32 {
      %mul3A_118 = arith.constant 1 : i32
      %mul3A_119 = arith.muli %scan3A_117, %mul3A_118 : i32
      %add3A_120 = arith.constant 0 : i32
      %add3A_121 = arith.addi %add3A_120, %mul3A_119 : i32
      %mul3A_122 = arith.constant 16 : i32
      %mul3A_123 = arith.muli %add3A_121, %mul3A_122 : i32
      %get3A = arith.index_cast %mul3A_123 : i32 to index
      %get3A_124 = tpu.vector_load %arg8[%get3A] {strides = array<i32>} : memref<640xf32, #tpu.memory_space<vmem>>, vector<16xf32>,
      %mul3A_125 = arith.constant 16 : i32
      %mul3A_126 = arith.muli %add3A_121, %mul3A_125 : i32
      %get3A_127 = arith.index_cast %mul3A_126 : i32 to index
      %get3A_128 = tpu.vector_load %arg7[%get3A_127] {strides = array<i32>} : memref<640xf32, #tpu.memory_space<vmem>>, vector<16xf32>,
      %add3A_129 = arith.addf %get3A_124, %get3A_128 : vector<16xf32>
      %mul3A_130 = arith.constant 16 : i32
      %mul3A_131 = arith.muli %add3A_121, %mul3A_130 : i32
      %swap3A = arith.index_cast %mul3A_131 : i32 to index
      %swap3A_132 = tpu.vector_load %arg8[%swap3A] {strides = array<i32>} : memref<640xf32, #tpu.memory_space<vmem>>, vector<16xf32>,
      tpu.vector_store %arg8[%swap3A], %add3A_129 {strides = array<i32>} : memref<640xf32, #tpu.memory_space<vmem>>, vector<16xf32>,
    }
    %scan3A_56 = arith.constant 40 : i32
    %run_scoped3A_57 = arith.constant 6 : i32
    "tpu.region"() ({
      %run_scoped3A_117 = tpu.sem_alloc : memref<!tpu.dma_semaphore, #tpu.memory_space<semaphore_mem>>
      %dma_start3A = tpu.memref_slice %arg6[%run_scoped3A_57, %mul3A_16] : memref<16x10240xf32, #tpu.memory_space<vmem_shared>> -> memref<1x640xf32, #tpu.memory_space<vmem_shared>>
      %dma_start3A_118 = tpu.memref_squeeze %dma_start3A : memref<1x640xf32, #tpu.memory_space<vmem_shared>> -> memref<640xf32, #tpu.memory_space<vmem_shared>>
      %dma_start3A_119 = tpu.memref_slice %arg6[%run_scoped3A_57, %mul3A_16] : memref<16x10240xf32, #tpu.memory_space<vmem_shared>> -> memref<1x640xf32, #tpu.memory_space<vmem_shared>>
      %dma_start3A_120 = tpu.memref_squeeze %dma_start3A_119 : memref<1x640xf32, #tpu.memory_space<vmem_shared>> -> memref<640xf32, #tpu.memory_space<vmem_shared>>
      tpu.enqueue_dma source(%dma_start3A_120 : memref<640xf32, #tpu.memory_space<vmem_shared>>) target(%arg7 : memref<640xf32, #tpu.memory_space<vmem>>) target_semaphore(%run_scoped3A_117 : memref<!tpu.dma_semaphore, #tpu.memory_space<semaphore_mem>>)
      %dma_wait3A = tpu.memref_slice %arg6[%run_scoped3A_57, %mul3A_16] : memref<16x10240xf32, #tpu.memory_space<vmem_shared>> -> memref<1x640xf32, #tpu.memory_space<vmem_shared>>
      %dma_wait3A_121 = tpu.memref_squeeze %dma_wait3A : memref<1x640xf32, #tpu.memory_space<vmem_shared>> -> memref<640xf32, #tpu.memory_space<vmem_shared>>
      %dma_wait3A_122 = tpu.memref_slice %arg6[%run_scoped3A_57, %mul3A_16] : memref<16x10240xf32, #tpu.memory_space<vmem_shared>> -> memref<1x640xf32, #tpu.memory_space<vmem_shared>>
      %dma_wait3A_123 = tpu.memref_squeeze %dma_wait3A_122 : memref<1x640xf32, #tpu.memory_space<vmem_shared>> -> memref<640xf32, #tpu.memory_space<vmem_shared>>
      tpu.wait_dma2 semaphore(%run_scoped3A_117 : memref<!tpu.dma_semaphore, #tpu.memory_space<semaphore_mem>>) src(%dma_wait3A_123 : memref<640xf32, #tpu.memory_space<vmem_shared>>) dst(%arg7 : memref<640xf32, #tpu.memory_space<vmem>>)
      tpu.yield
    }) : () -> ()
    %scan3A_58 = arith.constant 0 : i32
    %scan3A_59 = arith.constant 40 : i32
    %scan3A_60 = arith.addi %scan3A_58, %scan3A_59 : i32
    %scan3A_61 = arith.constant 1 : i32
    scf.for %scan3A_117 = %scan3A_58 to %scan3A_60 step %scan3A_61  : i32 {
      %mul3A_118 = arith.constant 1 : i32
      %mul3A_119 = arith.muli %scan3A_117, %mul3A_118 : i32
      %add3A_120 = arith.constant 0 : i32
      %add3A_121 = arith.addi %add3A_120, %mul3A_119 : i32
      %mul3A_122 = arith.constant 16 : i32
      %mul3A_123 = arith.muli %add3A_121, %mul3A_122 : i32
      %get3A = arith.index_cast %mul3A_123 : i32 to index
      %get3A_124 = tpu.vector_load %arg8[%get3A] {strides = array<i32>} : memref<640xf32, #tpu.memory_space<vmem>>, vector<16xf32>,
      %mul3A_125 = arith.constant 16 : i32
      %mul3A_126 = arith.muli %add3A_121, %mul3A_125 : i32
      %get3A_127 = arith.index_cast %mul3A_126 : i32 to index
      %get3A_128 = tpu.vector_load %arg7[%get3A_127] {strides = array<i32>} : memref<640xf32, #tpu.memory_space<vmem>>, vector<16xf32>,
      %add3A_129 = arith.addf %get3A_124, %get3A_128 : vector<16xf32>
      %mul3A_130 = arith.constant 16 : i32
      %mul3A_131 = arith.muli %add3A_121, %mul3A_130 : i32
      %swap3A = arith.index_cast %mul3A_131 : i32 to index
      %swap3A_132 = tpu.vector_load %arg8[%swap3A] {strides = array<i32>} : memref<640xf32, #tpu.memory_space<vmem>>, vector<16xf32>,
      tpu.vector_store %arg8[%swap3A], %add3A_129 {strides = array<i32>} : memref<640xf32, #tpu.memory_space<vmem>>, vector<16xf32>,
    }
    %scan3A_62 = arith.constant 40 : i32
    %run_scoped3A_63 = arith.constant 7 : i32
    "tpu.region"() ({
      %run_scoped3A_117 = tpu.sem_alloc : memref<!tpu.dma_semaphore, #tpu.memory_space<semaphore_mem>>
      %dma_start3A = tpu.memref_slice %arg6[%run_scoped3A_63, %mul3A_16] : memref<16x10240xf32, #tpu.memory_space<vmem_shared>> -> memref<1x640xf32, #tpu.memory_space<vmem_shared>>
      %dma_start3A_118 = tpu.memref_squeeze %dma_start3A : memref<1x640xf32, #tpu.memory_space<vmem_shared>> -> memref<640xf32, #tpu.memory_space<vmem_shared>>
      %dma_start3A_119 = tpu.memref_slice %arg6[%run_scoped3A_63, %mul3A_16] : memref<16x10240xf32, #tpu.memory_space<vmem_shared>> -> memref<1x640xf32, #tpu.memory_space<vmem_shared>>
      %dma_start3A_120 = tpu.memref_squeeze %dma_start3A_119 : memref<1x640xf32, #tpu.memory_space<vmem_shared>> -> memref<640xf32, #tpu.memory_space<vmem_shared>>
      tpu.enqueue_dma source(%dma_start3A_120 : memref<640xf32, #tpu.memory_space<vmem_shared>>) target(%arg7 : memref<640xf32, #tpu.memory_space<vmem>>) target_semaphore(%run_scoped3A_117 : memref<!tpu.dma_semaphore, #tpu.memory_space<semaphore_mem>>)
      %dma_wait3A = tpu.memref_slice %arg6[%run_scoped3A_63, %mul3A_16] : memref<16x10240xf32, #tpu.memory_space<vmem_shared>> -> memref<1x640xf32, #tpu.memory_space<vmem_shared>>
      %dma_wait3A_121 = tpu.memref_squeeze %dma_wait3A : memref<1x640xf32, #tpu.memory_space<vmem_shared>> -> memref<640xf32, #tpu.memory_space<vmem_shared>>
      %dma_wait3A_122 = tpu.memref_slice %arg6[%run_scoped3A_63, %mul3A_16] : memref<16x10240xf32, #tpu.memory_space<vmem_shared>> -> memref<1x640xf32, #tpu.memory_space<vmem_shared>>
      %dma_wait3A_123 = tpu.memref_squeeze %dma_wait3A_122 : memref<1x640xf32, #tpu.memory_space<vmem_shared>> -> memref<640xf32, #tpu.memory_space<vmem_shared>>
      tpu.wait_dma2 semaphore(%run_scoped3A_117 : memref<!tpu.dma_semaphore, #tpu.memory_space<semaphore_mem>>) src(%dma_wait3A_123 : memref<640xf32, #tpu.memory_space<vmem_shared>>) dst(%arg7 : memref<640xf32, #tpu.memory_space<vmem>>)
      tpu.yield
    }) : () -> ()
    %scan3A_64 = arith.constant 0 : i32
    %scan3A_65 = arith.constant 40 : i32
    %scan3A_66 = arith.addi %scan3A_64, %scan3A_65 : i32
    %scan3A_67 = arith.constant 1 : i32
    scf.for %scan3A_117 = %scan3A_64 to %scan3A_66 step %scan3A_67  : i32 {
      %mul3A_118 = arith.constant 1 : i32
      %mul3A_119 = arith.muli %scan3A_117, %mul3A_118 : i32
      %add3A_120 = arith.constant 0 : i32
      %add3A_121 = arith.addi %add3A_120, %mul3A_119 : i32
      %mul3A_122 = arith.constant 16 : i32
      %mul3A_123 = arith.muli %add3A_121, %mul3A_122 : i32
      %get3A = arith.index_cast %mul3A_123 : i32 to index
      %get3A_124 = tpu.vector_load %arg8[%get3A] {strides = array<i32>} : memref<640xf32, #tpu.memory_space<vmem>>, vector<16xf32>,
      %mul3A_125 = arith.constant 16 : i32
      %mul3A_126 = arith.muli %add3A_121, %mul3A_125 : i32
      %get3A_127 = arith.index_cast %mul3A_126 : i32 to index
      %get3A_128 = tpu.vector_load %arg7[%get3A_127] {strides = array<i32>} : memref<640xf32, #tpu.memory_space<vmem>>, vector<16xf32>,
      %add3A_129 = arith.addf %get3A_124, %get3A_128 : vector<16xf32>
      %mul3A_130 = arith.constant 16 : i32
      %mul3A_131 = arith.muli %add3A_121, %mul3A_130 : i32
      %swap3A = arith.index_cast %mul3A_131 : i32 to index
      %swap3A_132 = tpu.vector_load %arg8[%swap3A] {strides = array<i32>} : memref<640xf32, #tpu.memory_space<vmem>>, vector<16xf32>,
      tpu.vector_store %arg8[%swap3A], %add3A_129 {strides = array<i32>} : memref<640xf32, #tpu.memory_space<vmem>>, vector<16xf32>,
    }
    %scan3A_68 = arith.constant 40 : i32
    %run_scoped3A_69 = arith.constant 8 : i32
    "tpu.region"() ({
      %run_scoped3A_117 = tpu.sem_alloc : memref<!tpu.dma_semaphore, #tpu.memory_space<semaphore_mem>>
      %dma_start3A = tpu.memref_slice %arg6[%run_scoped3A_69, %mul3A_16] : memref<16x10240xf32, #tpu.memory_space<vmem_shared>> -> memref<1x640xf32, #tpu.memory_space<vmem_shared>>
      %dma_start3A_118 = tpu.memref_squeeze %dma_start3A : memref<1x640xf32, #tpu.memory_space<vmem_shared>> -> memref<640xf32, #tpu.memory_space<vmem_shared>>
      %dma_start3A_119 = tpu.memref_slice %arg6[%run_scoped3A_69, %mul3A_16] : memref<16x10240xf32, #tpu.memory_space<vmem_shared>> -> memref<1x640xf32, #tpu.memory_space<vmem_shared>>
      %dma_start3A_120 = tpu.memref_squeeze %dma_start3A_119 : memref<1x640xf32, #tpu.memory_space<vmem_shared>> -> memref<640xf32, #tpu.memory_space<vmem_shared>>
      tpu.enqueue_dma source(%dma_start3A_120 : memref<640xf32, #tpu.memory_space<vmem_shared>>) target(%arg7 : memref<640xf32, #tpu.memory_space<vmem>>) target_semaphore(%run_scoped3A_117 : memref<!tpu.dma_semaphore, #tpu.memory_space<semaphore_mem>>)
      %dma_wait3A = tpu.memref_slice %arg6[%run_scoped3A_69, %mul3A_16] : memref<16x10240xf32, #tpu.memory_space<vmem_shared>> -> memref<1x640xf32, #tpu.memory_space<vmem_shared>>
      %dma_wait3A_121 = tpu.memref_squeeze %dma_wait3A : memref<1x640xf32, #tpu.memory_space<vmem_shared>> -> memref<640xf32, #tpu.memory_space<vmem_shared>>
      %dma_wait3A_122 = tpu.memref_slice %arg6[%run_scoped3A_69, %mul3A_16] : memref<16x10240xf32, #tpu.memory_space<vmem_shared>> -> memref<1x640xf32, #tpu.memory_space<vmem_shared>>
      %dma_wait3A_123 = tpu.memref_squeeze %dma_wait3A_122 : memref<1x640xf32, #tpu.memory_space<vmem_shared>> -> memref<640xf32, #tpu.memory_space<vmem_shared>>
      tpu.wait_dma2 semaphore(%run_scoped3A_117 : memref<!tpu.dma_semaphore, #tpu.memory_space<semaphore_mem>>) src(%dma_wait3A_123 : memref<640xf32, #tpu.memory_space<vmem_shared>>) dst(%arg7 : memref<640xf32, #tpu.memory_space<vmem>>)
      tpu.yield
    }) : () -> ()
    %scan3A_70 = arith.constant 0 : i32
    %scan3A_71 = arith.constant 40 : i32
    %scan3A_72 = arith.addi %scan3A_70, %scan3A_71 : i32
    %scan3A_73 = arith.constant 1 : i32
    scf.for %scan3A_117 = %scan3A_70 to %scan3A_72 step %scan3A_73  : i32 {
      %mul3A_118 = arith.constant 1 : i32
      %mul3A_119 = arith.muli %scan3A_117, %mul3A_118 : i32
      %add3A_120 = arith.constant 0 : i32
      %add3A_121 = arith.addi %add3A_120, %mul3A_119 : i32
      %mul3A_122 = arith.constant 16 : i32
      %mul3A_123 = arith.muli %add3A_121, %mul3A_122 : i32
      %get3A = arith.index_cast %mul3A_123 : i32 to index
      %get3A_124 = tpu.vector_load %arg8[%get3A] {strides = array<i32>} : memref<640xf32, #tpu.memory_space<vmem>>, vector<16xf32>,
      %mul3A_125 = arith.constant 16 : i32
      %mul3A_126 = arith.muli %add3A_121, %mul3A_125 : i32
      %get3A_127 = arith.index_cast %mul3A_126 : i32 to index
      %get3A_128 = tpu.vector_load %arg7[%get3A_127] {strides = array<i32>} : memref<640xf32, #tpu.memory_space<vmem>>, vector<16xf32>,
      %add3A_129 = arith.addf %get3A_124, %get3A_128 : vector<16xf32>
      %mul3A_130 = arith.constant 16 : i32
      %mul3A_131 = arith.muli %add3A_121, %mul3A_130 : i32
      %swap3A = arith.index_cast %mul3A_131 : i32 to index
      %swap3A_132 = tpu.vector_load %arg8[%swap3A] {strides = array<i32>} : memref<640xf32, #tpu.memory_space<vmem>>, vector<16xf32>,
      tpu.vector_store %arg8[%swap3A], %add3A_129 {strides = array<i32>} : memref<640xf32, #tpu.memory_space<vmem>>, vector<16xf32>,
    }
    %scan3A_74 = arith.constant 40 : i32
    %run_scoped3A_75 = arith.constant 9 : i32
    "tpu.region"() ({
      %run_scoped3A_117 = tpu.sem_alloc : memref<!tpu.dma_semaphore, #tpu.memory_space<semaphore_mem>>
      %dma_start3A = tpu.memref_slice %arg6[%run_scoped3A_75, %mul3A_16] : memref<16x10240xf32, #tpu.memory_space<vmem_shared>> -> memref<1x640xf32, #tpu.memory_space<vmem_shared>>
      %dma_start3A_118 = tpu.memref_squeeze %dma_start3A : memref<1x640xf32, #tpu.memory_space<vmem_shared>> -> memref<640xf32, #tpu.memory_space<vmem_shared>>
      %dma_start3A_119 = tpu.memref_slice %arg6[%run_scoped3A_75, %mul3A_16] : memref<16x10240xf32, #tpu.memory_space<vmem_shared>> -> memref<1x640xf32, #tpu.memory_space<vmem_shared>>
      %dma_start3A_120 = tpu.memref_squeeze %dma_start3A_119 : memref<1x640xf32, #tpu.memory_space<vmem_shared>> -> memref<640xf32, #tpu.memory_space<vmem_shared>>
      tpu.enqueue_dma source(%dma_start3A_120 : memref<640xf32, #tpu.memory_space<vmem_shared>>) target(%arg7 : memref<640xf32, #tpu.memory_space<vmem>>) target_semaphore(%run_scoped3A_117 : memref<!tpu.dma_semaphore, #tpu.memory_space<semaphore_mem>>)
      %dma_wait3A = tpu.memref_slice %arg6[%run_scoped3A_75, %mul3A_16] : memref<16x10240xf32, #tpu.memory_space<vmem_shared>> -> memref<1x640xf32, #tpu.memory_space<vmem_shared>>
      %dma_wait3A_121 = tpu.memref_squeeze %dma_wait3A : memref<1x640xf32, #tpu.memory_space<vmem_shared>> -> memref<640xf32, #tpu.memory_space<vmem_shared>>
      %dma_wait3A_122 = tpu.memref_slice %arg6[%run_scoped3A_75, %mul3A_16] : memref<16x10240xf32, #tpu.memory_space<vmem_shared>> -> memref<1x640xf32, #tpu.memory_space<vmem_shared>>
      %dma_wait3A_123 = tpu.memref_squeeze %dma_wait3A_122 : memref<1x640xf32, #tpu.memory_space<vmem_shared>> -> memref<640xf32, #tpu.memory_space<vmem_shared>>
      tpu.wait_dma2 semaphore(%run_scoped3A_117 : memref<!tpu.dma_semaphore, #tpu.memory_space<semaphore_mem>>) src(%dma_wait3A_123 : memref<640xf32, #tpu.memory_space<vmem_shared>>) dst(%arg7 : memref<640xf32, #tpu.memory_space<vmem>>)
      tpu.yield
    }) : () -> ()
    %scan3A_76 = arith.constant 0 : i32
    %scan3A_77 = arith.constant 40 : i32
    %scan3A_78 = arith.addi %scan3A_76, %scan3A_77 : i32
    %scan3A_79 = arith.constant 1 : i32
    scf.for %scan3A_117 = %scan3A_76 to %scan3A_78 step %scan3A_79  : i32 {
      %mul3A_118 = arith.constant 1 : i32
      %mul3A_119 = arith.muli %scan3A_117, %mul3A_118 : i32
      %add3A_120 = arith.constant 0 : i32
      %add3A_121 = arith.addi %add3A_120, %mul3A_119 : i32
      %mul3A_122 = arith.constant 16 : i32
      %mul3A_123 = arith.muli %add3A_121, %mul3A_122 : i32
      %get3A = arith.index_cast %mul3A_123 : i32 to index
      %get3A_124 = tpu.vector_load %arg8[%get3A] {strides = array<i32>} : memref<640xf32, #tpu.memory_space<vmem>>, vector<16xf32>,
      %mul3A_125 = arith.constant 16 : i32
      %mul3A_126 = arith.muli %add3A_121, %mul3A_125 : i32
      %get3A_127 = arith.index_cast %mul3A_126 : i32 to index
      %get3A_128 = tpu.vector_load %arg7[%get3A_127] {strides = array<i32>} : memref<640xf32, #tpu.memory_space<vmem>>, vector<16xf32>,
      %add3A_129 = arith.addf %get3A_124, %get3A_128 : vector<16xf32>
      %mul3A_130 = arith.constant 16 : i32
      %mul3A_131 = arith.muli %add3A_121, %mul3A_130 : i32
      %swap3A = arith.index_cast %mul3A_131 : i32 to index
      %swap3A_132 = tpu.vector_load %arg8[%swap3A] {strides = array<i32>} : memref<640xf32, #tpu.memory_space<vmem>>, vector<16xf32>,
      tpu.vector_store %arg8[%swap3A], %add3A_129 {strides = array<i32>} : memref<640xf32, #tpu.memory_space<vmem>>, vector<16xf32>,
    }
    %scan3A_80 = arith.constant 40 : i32
    %run_scoped3A_81 = arith.constant 10 : i32
    "tpu.region"() ({
      %run_scoped3A_117 = tpu.sem_alloc : memref<!tpu.dma_semaphore, #tpu.memory_space<semaphore_mem>>
      %dma_start3A = tpu.memref_slice %arg6[%run_scoped3A_81, %mul3A_16] : memref<16x10240xf32, #tpu.memory_space<vmem_shared>> -> memref<1x640xf32, #tpu.memory_space<vmem_shared>>
      %dma_start3A_118 = tpu.memref_squeeze %dma_start3A : memref<1x640xf32, #tpu.memory_space<vmem_shared>> -> memref<640xf32, #tpu.memory_space<vmem_shared>>
      %dma_start3A_119 = tpu.memref_slice %arg6[%run_scoped3A_81, %mul3A_16] : memref<16x10240xf32, #tpu.memory_space<vmem_shared>> -> memref<1x640xf32, #tpu.memory_space<vmem_shared>>
      %dma_start3A_120 = tpu.memref_squeeze %dma_start3A_119 : memref<1x640xf32, #tpu.memory_space<vmem_shared>> -> memref<640xf32, #tpu.memory_space<vmem_shared>>
      tpu.enqueue_dma source(%dma_start3A_120 : memref<640xf32, #tpu.memory_space<vmem_shared>>) target(%arg7 : memref<640xf32, #tpu.memory_space<vmem>>) target_semaphore(%run_scoped3A_117 : memref<!tpu.dma_semaphore, #tpu.memory_space<semaphore_mem>>)
      %dma_wait3A = tpu.memref_slice %arg6[%run_scoped3A_81, %mul3A_16] : memref<16x10240xf32, #tpu.memory_space<vmem_shared>> -> memref<1x640xf32, #tpu.memory_space<vmem_shared>>
      %dma_wait3A_121 = tpu.memref_squeeze %dma_wait3A : memref<1x640xf32, #tpu.memory_space<vmem_shared>> -> memref<640xf32, #tpu.memory_space<vmem_shared>>
      %dma_wait3A_122 = tpu.memref_slice %arg6[%run_scoped3A_81, %mul3A_16] : memref<16x10240xf32, #tpu.memory_space<vmem_shared>> -> memref<1x640xf32, #tpu.memory_space<vmem_shared>>
      %dma_wait3A_123 = tpu.memref_squeeze %dma_wait3A_122 : memref<1x640xf32, #tpu.memory_space<vmem_shared>> -> memref<640xf32, #tpu.memory_space<vmem_shared>>
      tpu.wait_dma2 semaphore(%run_scoped3A_117 : memref<!tpu.dma_semaphore, #tpu.memory_space<semaphore_mem>>) src(%dma_wait3A_123 : memref<640xf32, #tpu.memory_space<vmem_shared>>) dst(%arg7 : memref<640xf32, #tpu.memory_space<vmem>>)
      tpu.yield
    }) : () -> ()
    %scan3A_82 = arith.constant 0 : i32
    %scan3A_83 = arith.constant 40 : i32
    %scan3A_84 = arith.addi %scan3A_82, %scan3A_83 : i32
    %scan3A_85 = arith.constant 1 : i32
    scf.for %scan3A_117 = %scan3A_82 to %scan3A_84 step %scan3A_85  : i32 {
      %mul3A_118 = arith.constant 1 : i32
      %mul3A_119 = arith.muli %scan3A_117, %mul3A_118 : i32
      %add3A_120 = arith.constant 0 : i32
      %add3A_121 = arith.addi %add3A_120, %mul3A_119 : i32
      %mul3A_122 = arith.constant 16 : i32
      %mul3A_123 = arith.muli %add3A_121, %mul3A_122 : i32
      %get3A = arith.index_cast %mul3A_123 : i32 to index
      %get3A_124 = tpu.vector_load %arg8[%get3A] {strides = array<i32>} : memref<640xf32, #tpu.memory_space<vmem>>, vector<16xf32>,
      %mul3A_125 = arith.constant 16 : i32
      %mul3A_126 = arith.muli %add3A_121, %mul3A_125 : i32
      %get3A_127 = arith.index_cast %mul3A_126 : i32 to index
      %get3A_128 = tpu.vector_load %arg7[%get3A_127] {strides = array<i32>} : memref<640xf32, #tpu.memory_space<vmem>>, vector<16xf32>,
      %add3A_129 = arith.addf %get3A_124, %get3A_128 : vector<16xf32>
      %mul3A_130 = arith.constant 16 : i32
      %mul3A_131 = arith.muli %add3A_121, %mul3A_130 : i32
      %swap3A = arith.index_cast %mul3A_131 : i32 to index
      %swap3A_132 = tpu.vector_load %arg8[%swap3A] {strides = array<i32>} : memref<640xf32, #tpu.memory_space<vmem>>, vector<16xf32>,
      tpu.vector_store %arg8[%swap3A], %add3A_129 {strides = array<i32>} : memref<640xf32, #tpu.memory_space<vmem>>, vector<16xf32>,
    }
    %scan3A_86 = arith.constant 40 : i32
    %run_scoped3A_87 = arith.constant 11 : i32
    "tpu.region"() ({
      %run_scoped3A_117 = tpu.sem_alloc : memref<!tpu.dma_semaphore, #tpu.memory_space<semaphore_mem>>
      %dma_start3A = tpu.memref_slice %arg6[%run_scoped3A_87, %mul3A_16] : memref<16x10240xf32, #tpu.memory_space<vmem_shared>> -> memref<1x640xf32, #tpu.memory_space<vmem_shared>>
      %dma_start3A_118 = tpu.memref_squeeze %dma_start3A : memref<1x640xf32, #tpu.memory_space<vmem_shared>> -> memref<640xf32, #tpu.memory_space<vmem_shared>>
      %dma_start3A_119 = tpu.memref_slice %arg6[%run_scoped3A_87, %mul3A_16] : memref<16x10240xf32, #tpu.memory_space<vmem_shared>> -> memref<1x640xf32, #tpu.memory_space<vmem_shared>>
      %dma_start3A_120 = tpu.memref_squeeze %dma_start3A_119 : memref<1x640xf32, #tpu.memory_space<vmem_shared>> -> memref<640xf32, #tpu.memory_space<vmem_shared>>
      tpu.enqueue_dma source(%dma_start3A_120 : memref<640xf32, #tpu.memory_space<vmem_shared>>) target(%arg7 : memref<640xf32, #tpu.memory_space<vmem>>) target_semaphore(%run_scoped3A_117 : memref<!tpu.dma_semaphore, #tpu.memory_space<semaphore_mem>>)
      %dma_wait3A = tpu.memref_slice %arg6[%run_scoped3A_87, %mul3A_16] : memref<16x10240xf32, #tpu.memory_space<vmem_shared>> -> memref<1x640xf32, #tpu.memory_space<vmem_shared>>
      %dma_wait3A_121 = tpu.memref_squeeze %dma_wait3A : memref<1x640xf32, #tpu.memory_space<vmem_shared>> -> memref<640xf32, #tpu.memory_space<vmem_shared>>
      %dma_wait3A_122 = tpu.memref_slice %arg6[%run_scoped3A_87, %mul3A_16] : memref<16x10240xf32, #tpu.memory_space<vmem_shared>> -> memref<1x640xf32, #tpu.memory_space<vmem_shared>>
      %dma_wait3A_123 = tpu.memref_squeeze %dma_wait3A_122 : memref<1x640xf32, #tpu.memory_space<vmem_shared>> -> memref<640xf32, #tpu.memory_space<vmem_shared>>
      tpu.wait_dma2 semaphore(%run_scoped3A_117 : memref<!tpu.dma_semaphore, #tpu.memory_space<semaphore_mem>>) src(%dma_wait3A_123 : memref<640xf32, #tpu.memory_space<vmem_shared>>) dst(%arg7 : memref<640xf32, #tpu.memory_space<vmem>>)
      tpu.yield
    }) : () -> ()
    %scan3A_88 = arith.constant 0 : i32
    %scan3A_89 = arith.constant 40 : i32
    %scan3A_90 = arith.addi %scan3A_88, %scan3A_89 : i32
    %scan3A_91 = arith.constant 1 : i32
    scf.for %scan3A_117 = %scan3A_88 to %scan3A_90 step %scan3A_91  : i32 {
      %mul3A_118 = arith.constant 1 : i32
      %mul3A_119 = arith.muli %scan3A_117, %mul3A_118 : i32
      %add3A_120 = arith.constant 0 : i32
      %add3A_121 = arith.addi %add3A_120, %mul3A_119 : i32
      %mul3A_122 = arith.constant 16 : i32
      %mul3A_123 = arith.muli %add3A_121, %mul3A_122 : i32
      %get3A = arith.index_cast %mul3A_123 : i32 to index
      %get3A_124 = tpu.vector_load %arg8[%get3A] {strides = array<i32>} : memref<640xf32, #tpu.memory_space<vmem>>, vector<16xf32>,
      %mul3A_125 = arith.constant 16 : i32
      %mul3A_126 = arith.muli %add3A_121, %mul3A_125 : i32
      %get3A_127 = arith.index_cast %mul3A_126 : i32 to index
      %get3A_128 = tpu.vector_load %arg7[%get3A_127] {strides = array<i32>} : memref<640xf32, #tpu.memory_space<vmem>>, vector<16xf32>,
      %add3A_129 = arith.addf %get3A_124, %get3A_128 : vector<16xf32>
      %mul3A_130 = arith.constant 16 : i32
      %mul3A_131 = arith.muli %add3A_121, %mul3A_130 : i32
      %swap3A = arith.index_cast %mul3A_131 : i32 to index
      %swap3A_132 = tpu.vector_load %arg8[%swap3A] {strides = array<i32>} : memref<640xf32, #tpu.memory_space<vmem>>, vector<16xf32>,
      tpu.vector_store %arg8[%swap3A], %add3A_129 {strides = array<i32>} : memref<640xf32, #tpu.memory_space<vmem>>, vector<16xf32>,
    }
    %scan3A_92 = arith.constant 40 : i32
    %run_scoped3A_93 = arith.constant 12 : i32
    "tpu.region"() ({
      %run_scoped3A_117 = tpu.sem_alloc : memref<!tpu.dma_semaphore, #tpu.memory_space<semaphore_mem>>
      %dma_start3A = tpu.memref_slice %arg6[%run_scoped3A_93, %mul3A_16] : memref<16x10240xf32, #tpu.memory_space<vmem_shared>> -> memref<1x640xf32, #tpu.memory_space<vmem_shared>>
      %dma_start3A_118 = tpu.memref_squeeze %dma_start3A : memref<1x640xf32, #tpu.memory_space<vmem_shared>> -> memref<640xf32, #tpu.memory_space<vmem_shared>>
      %dma_start3A_119 = tpu.memref_slice %arg6[%run_scoped3A_93, %mul3A_16] : memref<16x10240xf32, #tpu.memory_space<vmem_shared>> -> memref<1x640xf32, #tpu.memory_space<vmem_shared>>
      %dma_start3A_120 = tpu.memref_squeeze %dma_start3A_119 : memref<1x640xf32, #tpu.memory_space<vmem_shared>> -> memref<640xf32, #tpu.memory_space<vmem_shared>>
      tpu.enqueue_dma source(%dma_start3A_120 : memref<640xf32, #tpu.memory_space<vmem_shared>>) target(%arg7 : memref<640xf32, #tpu.memory_space<vmem>>) target_semaphore(%run_scoped3A_117 : memref<!tpu.dma_semaphore, #tpu.memory_space<semaphore_mem>>)
      %dma_wait3A = tpu.memref_slice %arg6[%run_scoped3A_93, %mul3A_16] : memref<16x10240xf32, #tpu.memory_space<vmem_shared>> -> memref<1x640xf32, #tpu.memory_space<vmem_shared>>
      %dma_wait3A_121 = tpu.memref_squeeze %dma_wait3A : memref<1x640xf32, #tpu.memory_space<vmem_shared>> -> memref<640xf32, #tpu.memory_space<vmem_shared>>
      %dma_wait3A_122 = tpu.memref_slice %arg6[%run_scoped3A_93, %mul3A_16] : memref<16x10240xf32, #tpu.memory_space<vmem_shared>> -> memref<1x640xf32, #tpu.memory_space<vmem_shared>>
      %dma_wait3A_123 = tpu.memref_squeeze %dma_wait3A_122 : memref<1x640xf32, #tpu.memory_space<vmem_shared>> -> memref<640xf32, #tpu.memory_space<vmem_shared>>
      tpu.wait_dma2 semaphore(%run_scoped3A_117 : memref<!tpu.dma_semaphore, #tpu.memory_space<semaphore_mem>>) src(%dma_wait3A_123 : memref<640xf32, #tpu.memory_space<vmem_shared>>) dst(%arg7 : memref<640xf32, #tpu.memory_space<vmem>>)
      tpu.yield
    }) : () -> ()
    %scan3A_94 = arith.constant 0 : i32
    %scan3A_95 = arith.constant 40 : i32
    %scan3A_96 = arith.addi %scan3A_94, %scan3A_95 : i32
    %scan3A_97 = arith.constant 1 : i32
    scf.for %scan3A_117 = %scan3A_94 to %scan3A_96 step %scan3A_97  : i32 {
      %mul3A_118 = arith.constant 1 : i32
      %mul3A_119 = arith.muli %scan3A_117, %mul3A_118 : i32
      %add3A_120 = arith.constant 0 : i32
      %add3A_121 = arith.addi %add3A_120, %mul3A_119 : i32
      %mul3A_122 = arith.constant 16 : i32
      %mul3A_123 = arith.muli %add3A_121, %mul3A_122 : i32
      %get3A = arith.index_cast %mul3A_123 : i32 to index
      %get3A_124 = tpu.vector_load %arg8[%get3A] {strides = array<i32>} : memref<640xf32, #tpu.memory_space<vmem>>, vector<16xf32>,
      %mul3A_125 = arith.constant 16 : i32
      %mul3A_126 = arith.muli %add3A_121, %mul3A_125 : i32
      %get3A_127 = arith.index_cast %mul3A_126 : i32 to index
      %get3A_128 = tpu.vector_load %arg7[%get3A_127] {strides = array<i32>} : memref<640xf32, #tpu.memory_space<vmem>>, vector<16xf32>,
      %add3A_129 = arith.addf %get3A_124, %get3A_128 : vector<16xf32>
      %mul3A_130 = arith.constant 16 : i32
      %mul3A_131 = arith.muli %add3A_121, %mul3A_130 : i32
      %swap3A = arith.index_cast %mul3A_131 : i32 to index
      %swap3A_132 = tpu.vector_load %arg8[%swap3A] {strides = array<i32>} : memref<640xf32, #tpu.memory_space<vmem>>, vector<16xf32>,
      tpu.vector_store %arg8[%swap3A], %add3A_129 {strides = array<i32>} : memref<640xf32, #tpu.memory_space<vmem>>, vector<16xf32>,
    }
    %scan3A_98 = arith.constant 40 : i32
    %run_scoped3A_99 = arith.constant 13 : i32
    "tpu.region"() ({
      %run_scoped3A_117 = tpu.sem_alloc : memref<!tpu.dma_semaphore, #tpu.memory_space<semaphore_mem>>
      %dma_start3A = tpu.memref_slice %arg6[%run_scoped3A_99, %mul3A_16] : memref<16x10240xf32, #tpu.memory_space<vmem_shared>> -> memref<1x640xf32, #tpu.memory_space<vmem_shared>>
      %dma_start3A_118 = tpu.memref_squeeze %dma_start3A : memref<1x640xf32, #tpu.memory_space<vmem_shared>> -> memref<640xf32, #tpu.memory_space<vmem_shared>>
      %dma_start3A_119 = tpu.memref_slice %arg6[%run_scoped3A_99, %mul3A_16] : memref<16x10240xf32, #tpu.memory_space<vmem_shared>> -> memref<1x640xf32, #tpu.memory_space<vmem_shared>>
      %dma_start3A_120 = tpu.memref_squeeze %dma_start3A_119 : memref<1x640xf32, #tpu.memory_space<vmem_shared>> -> memref<640xf32, #tpu.memory_space<vmem_shared>>
      tpu.enqueue_dma source(%dma_start3A_120 : memref<640xf32, #tpu.memory_space<vmem_shared>>) target(%arg7 : memref<640xf32, #tpu.memory_space<vmem>>) target_semaphore(%run_scoped3A_117 : memref<!tpu.dma_semaphore, #tpu.memory_space<semaphore_mem>>)
      %dma_wait3A = tpu.memref_slice %arg6[%run_scoped3A_99, %mul3A_16] : memref<16x10240xf32, #tpu.memory_space<vmem_shared>> -> memref<1x640xf32, #tpu.memory_space<vmem_shared>>
      %dma_wait3A_121 = tpu.memref_squeeze %dma_wait3A : memref<1x640xf32, #tpu.memory_space<vmem_shared>> -> memref<640xf32, #tpu.memory_space<vmem_shared>>
      %dma_wait3A_122 = tpu.memref_slice %arg6[%run_scoped3A_99, %mul3A_16] : memref<16x10240xf32, #tpu.memory_space<vmem_shared>> -> memref<1x640xf32, #tpu.memory_space<vmem_shared>>
      %dma_wait3A_123 = tpu.memref_squeeze %dma_wait3A_122 : memref<1x640xf32, #tpu.memory_space<vmem_shared>> -> memref<640xf32, #tpu.memory_space<vmem_shared>>
      tpu.wait_dma2 semaphore(%run_scoped3A_117 : memref<!tpu.dma_semaphore, #tpu.memory_space<semaphore_mem>>) src(%dma_wait3A_123 : memref<640xf32, #tpu.memory_space<vmem_shared>>) dst(%arg7 : memref<640xf32, #tpu.memory_space<vmem>>)
      tpu.yield
    }) : () -> ()
    %scan3A_100 = arith.constant 0 : i32
    %scan3A_101 = arith.constant 40 : i32
    %scan3A_102 = arith.addi %scan3A_100, %scan3A_101 : i32
    %scan3A_103 = arith.constant 1 : i32
    scf.for %scan3A_117 = %scan3A_100 to %scan3A_102 step %scan3A_103  : i32 {
      %mul3A_118 = arith.constant 1 : i32
      %mul3A_119 = arith.muli %scan3A_117, %mul3A_118 : i32
      %add3A_120 = arith.constant 0 : i32
      %add3A_121 = arith.addi %add3A_120, %mul3A_119 : i32
      %mul3A_122 = arith.constant 16 : i32
      %mul3A_123 = arith.muli %add3A_121, %mul3A_122 : i32
      %get3A = arith.index_cast %mul3A_123 : i32 to index
      %get3A_124 = tpu.vector_load %arg8[%get3A] {strides = array<i32>} : memref<640xf32, #tpu.memory_space<vmem>>, vector<16xf32>,
      %mul3A_125 = arith.constant 16 : i32
      %mul3A_126 = arith.muli %add3A_121, %mul3A_125 : i32
      %get3A_127 = arith.index_cast %mul3A_126 : i32 to index
      %get3A_128 = tpu.vector_load %arg7[%get3A_127] {strides = array<i32>} : memref<640xf32, #tpu.memory_space<vmem>>, vector<16xf32>,
      %add3A_129 = arith.addf %get3A_124, %get3A_128 : vector<16xf32>
      %mul3A_130 = arith.constant 16 : i32
      %mul3A_131 = arith.muli %add3A_121, %mul3A_130 : i32
      %swap3A = arith.index_cast %mul3A_131 : i32 to index
      %swap3A_132 = tpu.vector_load %arg8[%swap3A] {strides = array<i32>} : memref<640xf32, #tpu.memory_space<vmem>>, vector<16xf32>,
      tpu.vector_store %arg8[%swap3A], %add3A_129 {strides = array<i32>} : memref<640xf32, #tpu.memory_space<vmem>>, vector<16xf32>,
    }
    %scan3A_104 = arith.constant 40 : i32
    %run_scoped3A_105 = arith.constant 14 : i32
    "tpu.region"() ({
      %run_scoped3A_117 = tpu.sem_alloc : memref<!tpu.dma_semaphore, #tpu.memory_space<semaphore_mem>>
      %dma_start3A = tpu.memref_slice %arg6[%run_scoped3A_105, %mul3A_16] : memref<16x10240xf32, #tpu.memory_space<vmem_shared>> -> memref<1x640xf32, #tpu.memory_space<vmem_shared>>
      %dma_start3A_118 = tpu.memref_squeeze %dma_start3A : memref<1x640xf32, #tpu.memory_space<vmem_shared>> -> memref<640xf32, #tpu.memory_space<vmem_shared>>
      %dma_start3A_119 = tpu.memref_slice %arg6[%run_scoped3A_105, %mul3A_16] : memref<16x10240xf32, #tpu.memory_space<vmem_shared>> -> memref<1x640xf32, #tpu.memory_space<vmem_shared>>
      %dma_start3A_120 = tpu.memref_squeeze %dma_start3A_119 : memref<1x640xf32, #tpu.memory_space<vmem_shared>> -> memref<640xf32, #tpu.memory_space<vmem_shared>>
      tpu.enqueue_dma source(%dma_start3A_120 : memref<640xf32, #tpu.memory_space<vmem_shared>>) target(%arg7 : memref<640xf32, #tpu.memory_space<vmem>>) target_semaphore(%run_scoped3A_117 : memref<!tpu.dma_semaphore, #tpu.memory_space<semaphore_mem>>)
      %dma_wait3A = tpu.memref_slice %arg6[%run_scoped3A_105, %mul3A_16] : memref<16x10240xf32, #tpu.memory_space<vmem_shared>> -> memref<1x640xf32, #tpu.memory_space<vmem_shared>>
      %dma_wait3A_121 = tpu.memref_squeeze %dma_wait3A : memref<1x640xf32, #tpu.memory_space<vmem_shared>> -> memref<640xf32, #tpu.memory_space<vmem_shared>>
      %dma_wait3A_122 = tpu.memref_slice %arg6[%run_scoped3A_105, %mul3A_16] : memref<16x10240xf32, #tpu.memory_space<vmem_shared>> -> memref<1x640xf32, #tpu.memory_space<vmem_shared>>
      %dma_wait3A_123 = tpu.memref_squeeze %dma_wait3A_122 : memref<1x640xf32, #tpu.memory_space<vmem_shared>> -> memref<640xf32, #tpu.memory_space<vmem_shared>>
      tpu.wait_dma2 semaphore(%run_scoped3A_117 : memref<!tpu.dma_semaphore, #tpu.memory_space<semaphore_mem>>) src(%dma_wait3A_123 : memref<640xf32, #tpu.memory_space<vmem_shared>>) dst(%arg7 : memref<640xf32, #tpu.memory_space<vmem>>)
      tpu.yield
    }) : () -> ()
    %scan3A_106 = arith.constant 0 : i32
    %scan3A_107 = arith.constant 40 : i32
    %scan3A_108 = arith.addi %scan3A_106, %scan3A_107 : i32
    %scan3A_109 = arith.constant 1 : i32
    scf.for %scan3A_117 = %scan3A_106 to %scan3A_108 step %scan3A_109  : i32 {
      %mul3A_118 = arith.constant 1 : i32
      %mul3A_119 = arith.muli %scan3A_117, %mul3A_118 : i32
      %add3A_120 = arith.constant 0 : i32
      %add3A_121 = arith.addi %add3A_120, %mul3A_119 : i32
      %mul3A_122 = arith.constant 16 : i32
      %mul3A_123 = arith.muli %add3A_121, %mul3A_122 : i32
      %get3A = arith.index_cast %mul3A_123 : i32 to index
      %get3A_124 = tpu.vector_load %arg8[%get3A] {strides = array<i32>} : memref<640xf32, #tpu.memory_space<vmem>>, vector<16xf32>,
      %mul3A_125 = arith.constant 16 : i32
      %mul3A_126 = arith.muli %add3A_121, %mul3A_125 : i32
      %get3A_127 = arith.index_cast %mul3A_126 : i32 to index
      %get3A_128 = tpu.vector_load %arg7[%get3A_127] {strides = array<i32>} : memref<640xf32, #tpu.memory_space<vmem>>, vector<16xf32>,
      %add3A_129 = arith.addf %get3A_124, %get3A_128 : vector<16xf32>
      %mul3A_130 = arith.constant 16 : i32
      %mul3A_131 = arith.muli %add3A_121, %mul3A_130 : i32
      %swap3A = arith.index_cast %mul3A_131 : i32 to index
      %swap3A_132 = tpu.vector_load %arg8[%swap3A] {strides = array<i32>} : memref<640xf32, #tpu.memory_space<vmem>>, vector<16xf32>,
      tpu.vector_store %arg8[%swap3A], %add3A_129 {strides = array<i32>} : memref<640xf32, #tpu.memory_space<vmem>>, vector<16xf32>,
    }
    %scan3A_110 = arith.constant 40 : i32
    %run_scoped3A_111 = arith.constant 15 : i32
    "tpu.region"() ({
      %run_scoped3A_117 = tpu.sem_alloc : memref<!tpu.dma_semaphore, #tpu.memory_space<semaphore_mem>>
      %dma_start3A = tpu.memref_slice %arg6[%run_scoped3A_111, %mul3A_16] : memref<16x10240xf32, #tpu.memory_space<vmem_shared>> -> memref<1x640xf32, #tpu.memory_space<vmem_shared>>
      %dma_start3A_118 = tpu.memref_squeeze %dma_start3A : memref<1x640xf32, #tpu.memory_space<vmem_shared>> -> memref<640xf32, #tpu.memory_space<vmem_shared>>
      %dma_start3A_119 = tpu.memref_slice %arg6[%run_scoped3A_111, %mul3A_16] : memref<16x10240xf32, #tpu.memory_space<vmem_shared>> -> memref<1x640xf32, #tpu.memory_space<vmem_shared>>
      %dma_start3A_120 = tpu.memref_squeeze %dma_start3A_119 : memref<1x640xf32, #tpu.memory_space<vmem_shared>> -> memref<640xf32, #tpu.memory_space<vmem_shared>>
      tpu.enqueue_dma source(%dma_start3A_120 : memref<640xf32, #tpu.memory_space<vmem_shared>>) target(%arg7 : memref<640xf32, #tpu.memory_space<vmem>>) target_semaphore(%run_scoped3A_117 : memref<!tpu.dma_semaphore, #tpu.memory_space<semaphore_mem>>)
      %dma_wait3A = tpu.memref_slice %arg6[%run_scoped3A_111, %mul3A_16] : memref<16x10240xf32, #tpu.memory_space<vmem_shared>> -> memref<1x640xf32, #tpu.memory_space<vmem_shared>>
      %dma_wait3A_121 = tpu.memref_squeeze %dma_wait3A : memref<1x640xf32, #tpu.memory_space<vmem_shared>> -> memref<640xf32, #tpu.memory_space<vmem_shared>>
      %dma_wait3A_122 = tpu.memref_slice %arg6[%run_scoped3A_111, %mul3A_16] : memref<16x10240xf32, #tpu.memory_space<vmem_shared>> -> memref<1x640xf32, #tpu.memory_space<vmem_shared>>
      %dma_wait3A_123 = tpu.memref_squeeze %dma_wait3A_122 : memref<1x640xf32, #tpu.memory_space<vmem_shared>> -> memref<640xf32, #tpu.memory_space<vmem_shared>>
      tpu.wait_dma2 semaphore(%run_scoped3A_117 : memref<!tpu.dma_semaphore, #tpu.memory_space<semaphore_mem>>) src(%dma_wait3A_123 : memref<640xf32, #tpu.memory_space<vmem_shared>>) dst(%arg7 : memref<640xf32, #tpu.memory_space<vmem>>)
      tpu.yield
    }) : () -> ()
    %scan3A_112 = arith.constant 0 : i32
    %scan3A_113 = arith.constant 40 : i32
    %scan3A_114 = arith.addi %scan3A_112, %scan3A_113 : i32
    %scan3A_115 = arith.constant 1 : i32
    scf.for %scan3A_117 = %scan3A_112 to %scan3A_114 step %scan3A_115  : i32 {
      %mul3A_118 = arith.constant 1 : i32
      %mul3A_119 = arith.muli %scan3A_117, %mul3A_118 : i32
      %add3A_120 = arith.constant 0 : i32
      %add3A_121 = arith.addi %add3A_120, %mul3A_119 : i32
      %mul3A_122 = arith.constant 16 : i32
      %mul3A_123 = arith.muli %add3A_121, %mul3A_122 : i32
      %get3A = arith.index_cast %mul3A_123 : i32 to index
      %get3A_124 = tpu.vector_load %arg8[%get3A] {strides = array<i32>} : memref<640xf32, #tpu.memory_space<vmem>>, vector<16xf32>,
      %mul3A_125 = arith.constant 16 : i32
      %mul3A_126 = arith.muli %add3A_121, %mul3A_125 : i32
      %get3A_127 = arith.index_cast %mul3A_126 : i32 to index
      %get3A_128 = tpu.vector_load %arg7[%get3A_127] {strides = array<i32>} : memref<640xf32, #tpu.memory_space<vmem>>, vector<16xf32>,
      %add3A_129 = arith.addf %get3A_124, %get3A_128 : vector<16xf32>
      %mul3A_130 = arith.constant 16 : i32
      %mul3A_131 = arith.muli %add3A_121, %mul3A_130 : i32
      %swap3A = arith.index_cast %mul3A_131 : i32 to index
      %swap3A_132 = tpu.vector_load %arg8[%swap3A] {strides = array<i32>} : memref<640xf32, #tpu.memory_space<vmem>>, vector<16xf32>,
      tpu.vector_store %arg8[%swap3A], %add3A_129 {strides = array<i32>} : memref<640xf32, #tpu.memory_space<vmem>>, vector<16xf32>,
    }
    %scan3A_116 = arith.constant 40 : i32
    "tpu.region"() ({
      %run_scoped3A_117 = tpu.sem_alloc : memref<!tpu.dma_semaphore, #tpu.memory_space<semaphore_mem>>
      %dma_start3A = tpu.memref_slice %arg3[%arg0, %mul3A_16] : memref<2x10240xf32, #tpu.memory_space<hbm>> -> memref<1x640xf32, #tpu.memory_space<hbm>>
      %dma_start3A_118 = tpu.memref_squeeze %dma_start3A : memref<1x640xf32, #tpu.memory_space<hbm>> -> memref<640xf32, #tpu.memory_space<hbm>>
      %dma_start3A_119 = tpu.memref_slice %arg3[%arg0, %mul3A_16] : memref<2x10240xf32, #tpu.memory_space<hbm>> -> memref<1x640xf32, #tpu.memory_space<hbm>>
      %dma_start3A_120 = tpu.memref_squeeze %dma_start3A_119 : memref<1x640xf32, #tpu.memory_space<hbm>> -> memref<640xf32, #tpu.memory_space<hbm>>
      tpu.enqueue_dma source(%arg8 : memref<640xf32, #tpu.memory_space<vmem>>) target(%dma_start3A_120 : memref<640xf32, #tpu.memory_space<hbm>>) target_semaphore(%run_scoped3A_117 : memref<!tpu.dma_semaphore, #tpu.memory_space<semaphore_mem>>)
      %dma_wait3A = tpu.memref_slice %arg3[%arg0, %mul3A_16] : memref<2x10240xf32, #tpu.memory_space<hbm>> -> memref<1x640xf32, #tpu.memory_space<hbm>>
      %dma_wait3A_121 = tpu.memref_squeeze %dma_wait3A : memref<1x640xf32, #tpu.memory_space<hbm>> -> memref<640xf32, #tpu.memory_space<hbm>>
      %dma_wait3A_122 = tpu.memref_slice %arg3[%arg0, %mul3A_16] : memref<2x10240xf32, #tpu.memory_space<hbm>> -> memref<1x640xf32, #tpu.memory_space<hbm>>
      %dma_wait3A_123 = tpu.memref_squeeze %dma_wait3A_122 : memref<1x640xf32, #tpu.memory_space<hbm>> -> memref<640xf32, #tpu.memory_space<hbm>>
      tpu.wait_dma2 semaphore(%run_scoped3A_117 : memref<!tpu.dma_semaphore, #tpu.memory_space<semaphore_mem>>) src(%arg8 : memref<640xf32, #tpu.memory_space<vmem>>) dst(%dma_wait3A_123 : memref<640xf32, #tpu.memory_space<hbm>>)
      tpu.yield
    }) : () -> ()
    return
  }
}

#map = affine_map<(d0, d1) -> (0, 0, 0, 0)>
#map1 = affine_map<(d0, d1) -> (0, 0)>
#map2 = affine_map<(d0, d1) -> (0, 0, 0)>
module attributes {stable_mosaic.version = 14 : i64} {
  func.func @_hop_body(%arg0: i32, %arg1: i32, %arg2: memref<16x157x2x128xi32, #tpu.memory_space<hbm>>, %arg3: memref<2x10240xf32, #tpu.memory_space<hbm>>, %arg4: memref<2x10240x64xf32, #tpu.memory_space<hbm>>, %arg5: memref<128x64xf32, #tpu.memory_space<hbm>>, %arg6: memref<2x10240x64xf32, #tpu.memory_space<hbm>>, %arg7: memref<2x10240x64xf32, #tpu.memory_space<hbm>>, %arg8: memref<10256x64xf32, #tpu.memory_space<vmem_shared>>, %arg9: memref<2x128xi32, #tpu.memory_space<vmem>>, %arg10: memref<2x128xi32, #tpu.memory_space<vmem>>, %arg11: memref<2x128xi32, #tpu.memory_space<vmem>>, %arg12: memref<2x128xi32, #tpu.memory_space<vmem>>, %arg13: memref<2x128xi32, #tpu.memory_space<vmem>>, %arg14: memref<2x128xi32, #tpu.memory_space<vmem>>, %arg15: memref<128x64xf32, #tpu.memory_space<vmem>>, %arg16: memref<128x64xf32, #tpu.memory_space<vmem>>, %arg17: memref<128x64xf32, #tpu.memory_space<vmem>>, %arg18: memref<128x64xf32, #tpu.memory_space<vmem>>, %arg19: memref<640x64xf32, #tpu.memory_space<vmem>>, %arg20: memref<656xf32, #tpu.memory_space<vmem>>, %arg21: memref<640xf32, #tpu.memory_space<vmem>>, %arg22: memref<640xf32, #tpu.memory_space<vmem>>, %arg23: memref<!tpu.dma_semaphore, #tpu.memory_space<semaphore_mem>>, %arg24: memref<!tpu.dma_semaphore, #tpu.memory_space<semaphore_mem>>, %arg25: memref<!tpu.dma_semaphore, #tpu.memory_space<semaphore_mem>>, %arg26: memref<!tpu.dma_semaphore, #tpu.memory_space<semaphore_mem>>, %arg27: memref<!tpu.dma_semaphore, #tpu.memory_space<semaphore_mem>>, %arg28: memref<!tpu.dma_semaphore, #tpu.memory_space<semaphore_mem>>, %arg29: memref<!tpu.dma_semaphore, #tpu.memory_space<semaphore_mem>>, %arg30: memref<!tpu.dma_semaphore, #tpu.memory_space<semaphore_mem>>, %arg31: memref<!tpu.dma_semaphore, #tpu.memory_space<semaphore_mem>>, %arg32: memref<!tpu.dma_semaphore, #tpu.memory_space<semaphore_mem>>, %arg33: memref<!tpu.dma_semaphore, #tpu.memory_space<semaphore_mem>>, %arg34: memref<!tpu.dma_semaphore, #tpu.memory_space<semaphore_mem>>, %arg35: memref<!tpu.dma_semaphore, #tpu.memory_space<semaphore_mem>>, %arg36: memref<!tpu.dma_semaphore, #tpu.memory_space<semaphore_mem>>, %arg37: memref<!tpu.dma_semaphore, #tpu.memory_space<semaphore_mem>>, %arg38: memref<!tpu.dma_semaphore, #tpu.memory_space<semaphore_mem>>, %arg39: memref<!tpu.dma_semaphore, #tpu.memory_space<semaphore_mem>>) attributes {dimension_semantics = [#tpu.dimension_semantics<core_parallel>, #tpu.dimension_semantics<subcore_parallel>], iteration_bounds = array<i64: 2, 16>, scalar_prefetch = 0 : i64, scratch_operands = 32 : i64, tpu.core_type = #tpu.core_type<sc_vector_subcore>, window_params = [{transform_indices = #map}, {transform_indices = #map1}, {transform_indices = #map2}, {transform_indices = #map1}, {transform_indices = #map2}, {transform_indices = #map2}]} {
    %mul3A = arith.constant 640 : i32
    %mul3A_0 = arith.muli %arg1, %mul3A : i32
    %broadcast_in_dim3A = arith.constant 0.000000e+00 : f32
    %broadcast_in_dim3A_1 = vector.broadcast %broadcast_in_dim3A : f32 to vector<16xf32>
    %run_scoped3A = arith.constant 0 : i32
    "tpu.region"() ({
      %run_scoped3A_34 = tpu.sem_alloc : memref<!tpu.dma_semaphore, #tpu.memory_space<semaphore_mem>>
      %dma_start3A = tpu.memref_slice %arg3[%run_scoped3A, %mul3A_0] : memref<2x10240xf32, #tpu.memory_space<hbm>> -> memref<1x640xf32, #tpu.memory_space<hbm>>
      %dma_start3A_35 = tpu.memref_squeeze %dma_start3A : memref<1x640xf32, #tpu.memory_space<hbm>> -> memref<640xf32, #tpu.memory_space<hbm>>
      %dma_start3A_36 = tpu.memref_slice %arg3[%run_scoped3A, %mul3A_0] : memref<2x10240xf32, #tpu.memory_space<hbm>> -> memref<1x640xf32, #tpu.memory_space<hbm>>
      %dma_start3A_37 = tpu.memref_squeeze %dma_start3A_36 : memref<1x640xf32, #tpu.memory_space<hbm>> -> memref<640xf32, #tpu.memory_space<hbm>>
      tpu.enqueue_dma source(%dma_start3A_37 : memref<640xf32, #tpu.memory_space<hbm>>) target(%arg21 : memref<640xf32, #tpu.memory_space<vmem>>) target_semaphore(%run_scoped3A_34 : memref<!tpu.dma_semaphore, #tpu.memory_space<semaphore_mem>>)
      %dma_wait3A = tpu.memref_slice %arg3[%run_scoped3A, %mul3A_0] : memref<2x10240xf32, #tpu.memory_space<hbm>> -> memref<1x640xf32, #tpu.memory_space<hbm>>
      %dma_wait3A_38 = tpu.memref_squeeze %dma_wait3A : memref<1x640xf32, #tpu.memory_space<hbm>> -> memref<640xf32, #tpu.memory_space<hbm>>
      %dma_wait3A_39 = tpu.memref_slice %arg3[%run_scoped3A, %mul3A_0] : memref<2x10240xf32, #tpu.memory_space<hbm>> -> memref<1x640xf32, #tpu.memory_space<hbm>>
      %dma_wait3A_40 = tpu.memref_squeeze %dma_wait3A_39 : memref<1x640xf32, #tpu.memory_space<hbm>> -> memref<640xf32, #tpu.memory_space<hbm>>
      tpu.wait_dma2 semaphore(%run_scoped3A_34 : memref<!tpu.dma_semaphore, #tpu.memory_space<semaphore_mem>>) src(%dma_wait3A_40 : memref<640xf32, #tpu.memory_space<hbm>>) dst(%arg21 : memref<640xf32, #tpu.memory_space<vmem>>)
      tpu.yield
    }) : () -> ()
    %run_scoped3A_2 = arith.constant 1 : i32
    "tpu.region"() ({
      %run_scoped3A_34 = tpu.sem_alloc : memref<!tpu.dma_semaphore, #tpu.memory_space<semaphore_mem>>
      %dma_start3A = tpu.memref_slice %arg3[%run_scoped3A_2, %mul3A_0] : memref<2x10240xf32, #tpu.memory_space<hbm>> -> memref<1x640xf32, #tpu.memory_space<hbm>>
      %dma_start3A_35 = tpu.memref_squeeze %dma_start3A : memref<1x640xf32, #tpu.memory_space<hbm>> -> memref<640xf32, #tpu.memory_space<hbm>>
      %dma_start3A_36 = tpu.memref_slice %arg3[%run_scoped3A_2, %mul3A_0] : memref<2x10240xf32, #tpu.memory_space<hbm>> -> memref<1x640xf32, #tpu.memory_space<hbm>>
      %dma_start3A_37 = tpu.memref_squeeze %dma_start3A_36 : memref<1x640xf32, #tpu.memory_space<hbm>> -> memref<640xf32, #tpu.memory_space<hbm>>
      tpu.enqueue_dma source(%dma_start3A_37 : memref<640xf32, #tpu.memory_space<hbm>>) target(%arg22 : memref<640xf32, #tpu.memory_space<vmem>>) target_semaphore(%run_scoped3A_34 : memref<!tpu.dma_semaphore, #tpu.memory_space<semaphore_mem>>)
      %dma_wait3A = tpu.memref_slice %arg3[%run_scoped3A_2, %mul3A_0] : memref<2x10240xf32, #tpu.memory_space<hbm>> -> memref<1x640xf32, #tpu.memory_space<hbm>>
      %dma_wait3A_38 = tpu.memref_squeeze %dma_wait3A : memref<1x640xf32, #tpu.memory_space<hbm>> -> memref<640xf32, #tpu.memory_space<hbm>>
      %dma_wait3A_39 = tpu.memref_slice %arg3[%run_scoped3A_2, %mul3A_0] : memref<2x10240xf32, #tpu.memory_space<hbm>> -> memref<1x640xf32, #tpu.memory_space<hbm>>
      %dma_wait3A_40 = tpu.memref_squeeze %dma_wait3A_39 : memref<1x640xf32, #tpu.memory_space<hbm>> -> memref<640xf32, #tpu.memory_space<hbm>>
      tpu.wait_dma2 semaphore(%run_scoped3A_34 : memref<!tpu.dma_semaphore, #tpu.memory_space<semaphore_mem>>) src(%dma_wait3A_40 : memref<640xf32, #tpu.memory_space<hbm>>) dst(%arg22 : memref<640xf32, #tpu.memory_space<vmem>>)
      tpu.yield
    }) : () -> ()
    %scan3A = arith.constant 0 : i32
    %scan3A_3 = arith.constant 40 : i32
    %scan3A_4 = arith.addi %scan3A, %scan3A_3 : i32
    %scan3A_5 = arith.constant 1 : i32
    scf.for %scan3A_34 = %scan3A to %scan3A_4 step %scan3A_5  : i32 {
      %mul3A_35 = arith.constant 1 : i32
      %mul3A_36 = arith.muli %scan3A_34, %mul3A_35 : i32
      %add3A_37 = arith.constant 0 : i32
      %add3A_38 = arith.addi %add3A_37, %mul3A_36 : i32
      %mul3A_39 = arith.constant 16 : i32
      %mul3A_40 = arith.muli %add3A_38, %mul3A_39 : i32
      %get3A = arith.index_cast %mul3A_40 : i32 to index
      %get3A_41 = tpu.vector_load %arg21[%get3A] {strides = array<i32>} : memref<640xf32, #tpu.memory_space<vmem>>, vector<16xf32>,
      %mul3A_42 = arith.constant 16 : i32
      %mul3A_43 = arith.muli %add3A_38, %mul3A_42 : i32
      %get3A_44 = arith.index_cast %mul3A_43 : i32 to index
      %get3A_45 = tpu.vector_load %arg22[%get3A_44] {strides = array<i32>} : memref<640xf32, #tpu.memory_space<vmem>>, vector<16xf32>,
      %add3A_46 = arith.addf %get3A_41, %get3A_45 : vector<16xf32>
      %max3A = arith.constant 1.000000e+00 : f32
      %max3A_47 = vector.broadcast %max3A : f32 to vector<16xf32>
      %max3A_48 = arith.maximumf %add3A_46, %max3A_47 : vector<16xf32>
      %div3A = arith.constant 1.000000e+00 : f32
      %div3A_49 = vector.broadcast %div3A : f32 to vector<16xf32>
      %div3A_50 = arith.divf %div3A_49, %max3A_48 : vector<16xf32>
      %mul3A_51 = arith.constant 16 : i32
      %mul3A_52 = arith.muli %add3A_38, %mul3A_51 : i32
      %swap3A = arith.index_cast %mul3A_52 : i32 to index
      %swap3A_53 = tpu.vector_load %arg20[%swap3A] {strides = array<i32>} : memref<656xf32, #tpu.memory_space<vmem>>, vector<16xf32>,
      tpu.vector_store %arg20[%swap3A], %div3A_50 {strides = array<i32>} : memref<656xf32, #tpu.memory_space<vmem>>, vector<16xf32>,
    }
    %scan3A_6 = arith.constant 40 : i32
    %add3A = arith.constant 0 : i32
    %add3A_7 = arith.addi %mul3A_0, %add3A : i32
    "tpu.region"() ({
      %run_scoped3A_34 = tpu.sem_alloc : memref<!tpu.dma_semaphore, #tpu.memory_space<semaphore_mem>>
      %dma_start3A = arith.constant 0 : i32
      %dma_start3A_35 = tpu.memref_slice %arg8[%add3A_7, %dma_start3A] : memref<10256x64xf32, #tpu.memory_space<vmem_shared>> -> memref<128x64xf32, #tpu.memory_space<vmem_shared>>
      tpu.enqueue_dma source(%arg5 : memref<128x64xf32, #tpu.memory_space<hbm>>) target(%dma_start3A_35 : memref<128x64xf32, #tpu.memory_space<vmem_shared>>) target_semaphore(%run_scoped3A_34 : memref<!tpu.dma_semaphore, #tpu.memory_space<semaphore_mem>>)
      %dma_wait3A = arith.constant 0 : i32
      %dma_wait3A_36 = tpu.memref_slice %arg8[%add3A_7, %dma_wait3A] : memref<10256x64xf32, #tpu.memory_space<vmem_shared>> -> memref<128x64xf32, #tpu.memory_space<vmem_shared>>
      tpu.wait_dma2 semaphore(%run_scoped3A_34 : memref<!tpu.dma_semaphore, #tpu.memory_space<semaphore_mem>>) src(%arg5 : memref<128x64xf32, #tpu.memory_space<hbm>>) dst(%dma_wait3A_36 : memref<128x64xf32, #tpu.memory_space<vmem_shared>>)
      tpu.yield
    }) : () -> ()
    "tpu.region"() ({
      %run_scoped3A_34 = tpu.sem_alloc : memref<!tpu.dma_semaphore, #tpu.memory_space<semaphore_mem>>
      %dma_start3A = arith.constant 0 : i32
      %dma_start3A_35 = arith.constant 0 : i32
      %dma_start3A_36 = tpu.memref_slice %arg19[%dma_start3A, %dma_start3A_35] : memref<640x64xf32, #tpu.memory_space<vmem>> -> memref<128x64xf32, #tpu.memory_space<vmem>>
      %dma_start3A_37 = arith.constant 0 : i32
      %dma_start3A_38 = tpu.memref_slice %arg4[%arg0, %add3A_7, %dma_start3A_37] : memref<2x10240x64xf32, #tpu.memory_space<hbm>> -> memref<1x128x64xf32, #tpu.memory_space<hbm>>
      %dma_start3A_39 = tpu.memref_squeeze %dma_start3A_38 : memref<1x128x64xf32, #tpu.memory_space<hbm>> -> memref<128x64xf32, #tpu.memory_space<hbm>>
      %dma_start3A_40 = arith.constant 0 : i32
      %dma_start3A_41 = arith.constant 0 : i32
      %dma_start3A_42 = tpu.memref_slice %arg19[%dma_start3A_40, %dma_start3A_41] : memref<640x64xf32, #tpu.memory_space<vmem>> -> memref<128x64xf32, #tpu.memory_space<vmem>>
      %dma_start3A_43 = arith.constant 0 : i32
      %dma_start3A_44 = tpu.memref_slice %arg4[%arg0, %add3A_7, %dma_start3A_43] : memref<2x10240x64xf32, #tpu.memory_space<hbm>> -> memref<1x128x64xf32, #tpu.memory_space<hbm>>
      %dma_start3A_45 = tpu.memref_squeeze %dma_start3A_44 : memref<1x128x64xf32, #tpu.memory_space<hbm>> -> memref<128x64xf32, #tpu.memory_space<hbm>>
      tpu.enqueue_dma source(%dma_start3A_45 : memref<128x64xf32, #tpu.memory_space<hbm>>) target(%dma_start3A_42 : memref<128x64xf32, #tpu.memory_space<vmem>>) target_semaphore(%run_scoped3A_34 : memref<!tpu.dma_semaphore, #tpu.memory_space<semaphore_mem>>)
      %dma_wait3A = arith.constant 0 : i32
      %dma_wait3A_46 = arith.constant 0 : i32
      %dma_wait3A_47 = tpu.memref_slice %arg19[%dma_wait3A, %dma_wait3A_46] : memref<640x64xf32, #tpu.memory_space<vmem>> -> memref<128x64xf32, #tpu.memory_space<vmem>>
      %dma_wait3A_48 = arith.constant 0 : i32
      %dma_wait3A_49 = tpu.memref_slice %arg4[%arg0, %add3A_7, %dma_wait3A_48] : memref<2x10240x64xf32, #tpu.memory_space<hbm>> -> memref<1x128x64xf32, #tpu.memory_space<hbm>>
      %dma_wait3A_50 = tpu.memref_squeeze %dma_wait3A_49 : memref<1x128x64xf32, #tpu.memory_space<hbm>> -> memref<128x64xf32, #tpu.memory_space<hbm>>
      %dma_wait3A_51 = arith.constant 0 : i32
      %dma_wait3A_52 = arith.constant 0 : i32
      %dma_wait3A_53 = tpu.memref_slice %arg19[%dma_wait3A_51, %dma_wait3A_52] : memref<640x64xf32, #tpu.memory_space<vmem>> -> memref<128x64xf32, #tpu.memory_space<vmem>>
      %dma_wait3A_54 = arith.constant 0 : i32
      %dma_wait3A_55 = tpu.memref_slice %arg4[%arg0, %add3A_7, %dma_wait3A_54] : memref<2x10240x64xf32, #tpu.memory_space<hbm>> -> memref<1x128x64xf32, #tpu.memory_space<hbm>>
      %dma_wait3A_56 = tpu.memref_squeeze %dma_wait3A_55 : memref<1x128x64xf32, #tpu.memory_space<hbm>> -> memref<128x64xf32, #tpu.memory_space<hbm>>
      tpu.wait_dma2 semaphore(%run_scoped3A_34 : memref<!tpu.dma_semaphore, #tpu.memory_space<semaphore_mem>>) src(%dma_wait3A_56 : memref<128x64xf32, #tpu.memory_space<hbm>>) dst(%dma_wait3A_53 : memref<128x64xf32, #tpu.memory_space<vmem>>)
      tpu.yield
    }) : () -> ()
    "tpu.region"() ({
      %run_scoped3A_34 = tpu.sem_alloc : memref<!tpu.dma_semaphore, #tpu.memory_space<semaphore_mem>>
      %dma_start3A = arith.constant 0 : i32
      %dma_start3A_35 = arith.constant 0 : i32
      %dma_start3A_36 = tpu.memref_slice %arg19[%dma_start3A, %dma_start3A_35] : memref<640x64xf32, #tpu.memory_space<vmem>> -> memref<128x64xf32, #tpu.memory_space<vmem>>
      %dma_start3A_37 = arith.constant 0 : i32
      %dma_start3A_38 = arith.constant 0 : i32
      %dma_start3A_39 = tpu.memref_slice %arg6[%arg0, %dma_start3A_37, %dma_start3A_38] : memref<2x10240x64xf32, #tpu.memory_space<hbm>> -> memref<1x10240x64xf32, #tpu.memory_space<hbm>>
      %dma_start3A_40 = tpu.memref_squeeze %dma_start3A_39 : memref<1x10240x64xf32, #tpu.memory_space<hbm>> -> memref<10240x64xf32, #tpu.memory_space<hbm>>
      %dma_start3A_41 = arith.constant 0 : i32
      %dma_start3A_42 = tpu.memref_slice %dma_start3A_40[%add3A_7, %dma_start3A_41] : memref<10240x64xf32, #tpu.memory_space<hbm>> -> memref<128x64xf32, #tpu.memory_space<hbm>>
      %dma_start3A_43 = arith.constant 0 : i32
      %dma_start3A_44 = arith.constant 0 : i32
      %dma_start3A_45 = tpu.memref_slice %arg6[%arg0, %dma_start3A_43, %dma_start3A_44] : memref<2x10240x64xf32, #tpu.memory_space<hbm>> -> memref<1x10240x64xf32, #tpu.memory_space<hbm>>
      %dma_start3A_46 = tpu.memref_squeeze %dma_start3A_45 : memref<1x10240x64xf32, #tpu.memory_space<hbm>> -> memref<10240x64xf32, #tpu.memory_space<hbm>>
      %dma_start3A_47 = arith.constant 0 : i32
      %dma_start3A_48 = tpu.memref_slice %dma_start3A_46[%add3A_7, %dma_start3A_47] : memref<10240x64xf32, #tpu.memory_space<hbm>> -> memref<128x64xf32, #tpu.memory_space<hbm>>
      %dma_start3A_49 = arith.constant 0 : i32
      %dma_start3A_50 = arith.constant 0 : i32
      %dma_start3A_51 = tpu.memref_slice %arg19[%dma_start3A_49, %dma_start3A_50] : memref<640x64xf32, #tpu.memory_space<vmem>> -> memref<128x64xf32, #tpu.memory_space<vmem>>
      tpu.enqueue_dma source(%dma_start3A_51 : memref<128x64xf32, #tpu.memory_space<vmem>>) target(%dma_start3A_48 : memref<128x64xf32, #tpu.memory_space<hbm>>) target_semaphore(%run_scoped3A_34 : memref<!tpu.dma_semaphore, #tpu.memory_space<semaphore_mem>>)
      %dma_wait3A = arith.constant 0 : i32
      %dma_wait3A_52 = arith.constant 0 : i32
      %dma_wait3A_53 = tpu.memref_slice %arg19[%dma_wait3A, %dma_wait3A_52] : memref<640x64xf32, #tpu.memory_space<vmem>> -> memref<128x64xf32, #tpu.memory_space<vmem>>
      %dma_wait3A_54 = arith.constant 0 : i32
      %dma_wait3A_55 = arith.constant 0 : i32
      %dma_wait3A_56 = tpu.memref_slice %arg6[%arg0, %dma_wait3A_54, %dma_wait3A_55] : memref<2x10240x64xf32, #tpu.memory_space<hbm>> -> memref<1x10240x64xf32, #tpu.memory_space<hbm>>
      %dma_wait3A_57 = tpu.memref_squeeze %dma_wait3A_56 : memref<1x10240x64xf32, #tpu.memory_space<hbm>> -> memref<10240x64xf32, #tpu.memory_space<hbm>>
      %dma_wait3A_58 = arith.constant 0 : i32
      %dma_wait3A_59 = tpu.memref_slice %dma_wait3A_57[%add3A_7, %dma_wait3A_58] : memref<10240x64xf32, #tpu.memory_space<hbm>> -> memref<128x64xf32, #tpu.memory_space<hbm>>
      %dma_wait3A_60 = arith.constant 0 : i32
      %dma_wait3A_61 = arith.constant 0 : i32
      %dma_wait3A_62 = tpu.memref_slice %arg6[%arg0, %dma_wait3A_60, %dma_wait3A_61] : memref<2x10240x64xf32, #tpu.memory_space<hbm>> -> memref<1x10240x64xf32, #tpu.memory_space<hbm>>
      %dma_wait3A_63 = tpu.memref_squeeze %dma_wait3A_62 : memref<1x10240x64xf32, #tpu.memory_space<hbm>> -> memref<10240x64xf32, #tpu.memory_space<hbm>>
      %dma_wait3A_64 = arith.constant 0 : i32
      %dma_wait3A_65 = tpu.memref_slice %dma_wait3A_63[%add3A_7, %dma_wait3A_64] : memref<10240x64xf32, #tpu.memory_space<hbm>> -> memref<128x64xf32, #tpu.memory_space<hbm>>
      %dma_wait3A_66 = arith.constant 0 : i32
      %dma_wait3A_67 = arith.constant 0 : i32
      %dma_wait3A_68 = tpu.memref_slice %arg19[%dma_wait3A_66, %dma_wait3A_67] : memref<640x64xf32, #tpu.memory_space<vmem>> -> memref<128x64xf32, #tpu.memory_space<vmem>>
      tpu.wait_dma2 semaphore(%run_scoped3A_34 : memref<!tpu.dma_semaphore, #tpu.memory_space<semaphore_mem>>) src(%dma_wait3A_68 : memref<128x64xf32, #tpu.memory_space<vmem>>) dst(%dma_wait3A_65 : memref<128x64xf32, #tpu.memory_space<hbm>>)
      tpu.yield
    }) : () -> ()
    %add3A_8 = arith.constant 128 : i32
    %add3A_9 = arith.addi %mul3A_0, %add3A_8 : i32
    "tpu.region"() ({
      %run_scoped3A_34 = tpu.sem_alloc : memref<!tpu.dma_semaphore, #tpu.memory_space<semaphore_mem>>
      %dma_start3A = arith.constant 0 : i32
      %dma_start3A_35 = tpu.memref_slice %arg8[%add3A_9, %dma_start3A] : memref<10256x64xf32, #tpu.memory_space<vmem_shared>> -> memref<128x64xf32, #tpu.memory_space<vmem_shared>>
      tpu.enqueue_dma source(%arg5 : memref<128x64xf32, #tpu.memory_space<hbm>>) target(%dma_start3A_35 : memref<128x64xf32, #tpu.memory_space<vmem_shared>>) target_semaphore(%run_scoped3A_34 : memref<!tpu.dma_semaphore, #tpu.memory_space<semaphore_mem>>)
      %dma_wait3A = arith.constant 0 : i32
      %dma_wait3A_36 = tpu.memref_slice %arg8[%add3A_9, %dma_wait3A] : memref<10256x64xf32, #tpu.memory_space<vmem_shared>> -> memref<128x64xf32, #tpu.memory_space<vmem_shared>>
      tpu.wait_dma2 semaphore(%run_scoped3A_34 : memref<!tpu.dma_semaphore, #tpu.memory_space<semaphore_mem>>) src(%arg5 : memref<128x64xf32, #tpu.memory_space<hbm>>) dst(%dma_wait3A_36 : memref<128x64xf32, #tpu.memory_space<vmem_shared>>)
      tpu.yield
    }) : () -> ()
    "tpu.region"() ({
      %run_scoped3A_34 = tpu.sem_alloc : memref<!tpu.dma_semaphore, #tpu.memory_space<semaphore_mem>>
      %dma_start3A = arith.constant 128 : i32
      %dma_start3A_35 = arith.constant 0 : i32
      %dma_start3A_36 = tpu.memref_slice %arg19[%dma_start3A, %dma_start3A_35] : memref<640x64xf32, #tpu.memory_space<vmem>> -> memref<128x64xf32, #tpu.memory_space<vmem>>
      %dma_start3A_37 = arith.constant 0 : i32
      %dma_start3A_38 = tpu.memref_slice %arg4[%arg0, %add3A_9, %dma_start3A_37] : memref<2x10240x64xf32, #tpu.memory_space<hbm>> -> memref<1x128x64xf32, #tpu.memory_space<hbm>>
      %dma_start3A_39 = tpu.memref_squeeze %dma_start3A_38 : memref<1x128x64xf32, #tpu.memory_space<hbm>> -> memref<128x64xf32, #tpu.memory_space<hbm>>
      %dma_start3A_40 = arith.constant 128 : i32
      %dma_start3A_41 = arith.constant 0 : i32
      %dma_start3A_42 = tpu.memref_slice %arg19[%dma_start3A_40, %dma_start3A_41] : memref<640x64xf32, #tpu.memory_space<vmem>> -> memref<128x64xf32, #tpu.memory_space<vmem>>
      %dma_start3A_43 = arith.constant 0 : i32
      %dma_start3A_44 = tpu.memref_slice %arg4[%arg0, %add3A_9, %dma_start3A_43] : memref<2x10240x64xf32, #tpu.memory_space<hbm>> -> memref<1x128x64xf32, #tpu.memory_space<hbm>>
      %dma_start3A_45 = tpu.memref_squeeze %dma_start3A_44 : memref<1x128x64xf32, #tpu.memory_space<hbm>> -> memref<128x64xf32, #tpu.memory_space<hbm>>
      tpu.enqueue_dma source(%dma_start3A_45 : memref<128x64xf32, #tpu.memory_space<hbm>>) target(%dma_start3A_42 : memref<128x64xf32, #tpu.memory_space<vmem>>) target_semaphore(%run_scoped3A_34 : memref<!tpu.dma_semaphore, #tpu.memory_space<semaphore_mem>>)
      %dma_wait3A = arith.constant 128 : i32
      %dma_wait3A_46 = arith.constant 0 : i32
      %dma_wait3A_47 = tpu.memref_slice %arg19[%dma_wait3A, %dma_wait3A_46] : memref<640x64xf32, #tpu.memory_space<vmem>> -> memref<128x64xf32, #tpu.memory_space<vmem>>
      %dma_wait3A_48 = arith.constant 0 : i32
      %dma_wait3A_49 = tpu.memref_slice %arg4[%arg0, %add3A_9, %dma_wait3A_48] : memref<2x10240x64xf32, #tpu.memory_space<hbm>> -> memref<1x128x64xf32, #tpu.memory_space<hbm>>
      %dma_wait3A_50 = tpu.memref_squeeze %dma_wait3A_49 : memref<1x128x64xf32, #tpu.memory_space<hbm>> -> memref<128x64xf32, #tpu.memory_space<hbm>>
      %dma_wait3A_51 = arith.constant 128 : i32
      %dma_wait3A_52 = arith.constant 0 : i32
      %dma_wait3A_53 = tpu.memref_slice %arg19[%dma_wait3A_51, %dma_wait3A_52] : memref<640x64xf32, #tpu.memory_space<vmem>> -> memref<128x64xf32, #tpu.memory_space<vmem>>
      %dma_wait3A_54 = arith.constant 0 : i32
      %dma_wait3A_55 = tpu.memref_slice %arg4[%arg0, %add3A_9, %dma_wait3A_54] : memref<2x10240x64xf32, #tpu.memory_space<hbm>> -> memref<1x128x64xf32, #tpu.memory_space<hbm>>
      %dma_wait3A_56 = tpu.memref_squeeze %dma_wait3A_55 : memref<1x128x64xf32, #tpu.memory_space<hbm>> -> memref<128x64xf32, #tpu.memory_space<hbm>>
      tpu.wait_dma2 semaphore(%run_scoped3A_34 : memref<!tpu.dma_semaphore, #tpu.memory_space<semaphore_mem>>) src(%dma_wait3A_56 : memref<128x64xf32, #tpu.memory_space<hbm>>) dst(%dma_wait3A_53 : memref<128x64xf32, #tpu.memory_space<vmem>>)
      tpu.yield
    }) : () -> ()
    "tpu.region"() ({
      %run_scoped3A_34 = tpu.sem_alloc : memref<!tpu.dma_semaphore, #tpu.memory_space<semaphore_mem>>
      %dma_start3A = arith.constant 128 : i32
      %dma_start3A_35 = arith.constant 0 : i32
      %dma_start3A_36 = tpu.memref_slice %arg19[%dma_start3A, %dma_start3A_35] : memref<640x64xf32, #tpu.memory_space<vmem>> -> memref<128x64xf32, #tpu.memory_space<vmem>>
      %dma_start3A_37 = arith.constant 0 : i32
      %dma_start3A_38 = arith.constant 0 : i32
      %dma_start3A_39 = tpu.memref_slice %arg6[%arg0, %dma_start3A_37, %dma_start3A_38] : memref<2x10240x64xf32, #tpu.memory_space<hbm>> -> memref<1x10240x64xf32, #tpu.memory_space<hbm>>
      %dma_start3A_40 = tpu.memref_squeeze %dma_start3A_39 : memref<1x10240x64xf32, #tpu.memory_space<hbm>> -> memref<10240x64xf32, #tpu.memory_space<hbm>>
      %dma_start3A_41 = arith.constant 0 : i32
      %dma_start3A_42 = tpu.memref_slice %dma_start3A_40[%add3A_9, %dma_start3A_41] : memref<10240x64xf32, #tpu.memory_space<hbm>> -> memref<128x64xf32, #tpu.memory_space<hbm>>
      %dma_start3A_43 = arith.constant 0 : i32
      %dma_start3A_44 = arith.constant 0 : i32
      %dma_start3A_45 = tpu.memref_slice %arg6[%arg0, %dma_start3A_43, %dma_start3A_44] : memref<2x10240x64xf32, #tpu.memory_space<hbm>> -> memref<1x10240x64xf32, #tpu.memory_space<hbm>>
      %dma_start3A_46 = tpu.memref_squeeze %dma_start3A_45 : memref<1x10240x64xf32, #tpu.memory_space<hbm>> -> memref<10240x64xf32, #tpu.memory_space<hbm>>
      %dma_start3A_47 = arith.constant 0 : i32
      %dma_start3A_48 = tpu.memref_slice %dma_start3A_46[%add3A_9, %dma_start3A_47] : memref<10240x64xf32, #tpu.memory_space<hbm>> -> memref<128x64xf32, #tpu.memory_space<hbm>>
      %dma_start3A_49 = arith.constant 128 : i32
      %dma_start3A_50 = arith.constant 0 : i32
      %dma_start3A_51 = tpu.memref_slice %arg19[%dma_start3A_49, %dma_start3A_50] : memref<640x64xf32, #tpu.memory_space<vmem>> -> memref<128x64xf32, #tpu.memory_space<vmem>>
      tpu.enqueue_dma source(%dma_start3A_51 : memref<128x64xf32, #tpu.memory_space<vmem>>) target(%dma_start3A_48 : memref<128x64xf32, #tpu.memory_space<hbm>>) target_semaphore(%run_scoped3A_34 : memref<!tpu.dma_semaphore, #tpu.memory_space<semaphore_mem>>)
      %dma_wait3A = arith.constant 128 : i32
      %dma_wait3A_52 = arith.constant 0 : i32
      %dma_wait3A_53 = tpu.memref_slice %arg19[%dma_wait3A, %dma_wait3A_52] : memref<640x64xf32, #tpu.memory_space<vmem>> -> memref<128x64xf32, #tpu.memory_space<vmem>>
      %dma_wait3A_54 = arith.constant 0 : i32
      %dma_wait3A_55 = arith.constant 0 : i32
      %dma_wait3A_56 = tpu.memref_slice %arg6[%arg0, %dma_wait3A_54, %dma_wait3A_55] : memref<2x10240x64xf32, #tpu.memory_space<hbm>> -> memref<1x10240x64xf32, #tpu.memory_space<hbm>>
      %dma_wait3A_57 = tpu.memref_squeeze %dma_wait3A_56 : memref<1x10240x64xf32, #tpu.memory_space<hbm>> -> memref<10240x64xf32, #tpu.memory_space<hbm>>
      %dma_wait3A_58 = arith.constant 0 : i32
      %dma_wait3A_59 = tpu.memref_slice %dma_wait3A_57[%add3A_9, %dma_wait3A_58] : memref<10240x64xf32, #tpu.memory_space<hbm>> -> memref<128x64xf32, #tpu.memory_space<hbm>>
      %dma_wait3A_60 = arith.constant 0 : i32
      %dma_wait3A_61 = arith.constant 0 : i32
      %dma_wait3A_62 = tpu.memref_slice %arg6[%arg0, %dma_wait3A_60, %dma_wait3A_61] : memref<2x10240x64xf32, #tpu.memory_space<hbm>> -> memref<1x10240x64xf32, #tpu.memory_space<hbm>>
      %dma_wait3A_63 = tpu.memref_squeeze %dma_wait3A_62 : memref<1x10240x64xf32, #tpu.memory_space<hbm>> -> memref<10240x64xf32, #tpu.memory_space<hbm>>
      %dma_wait3A_64 = arith.constant 0 : i32
      %dma_wait3A_65 = tpu.memref_slice %dma_wait3A_63[%add3A_9, %dma_wait3A_64] : memref<10240x64xf32, #tpu.memory_space<hbm>> -> memref<128x64xf32, #tpu.memory_space<hbm>>
      %dma_wait3A_66 = arith.constant 128 : i32
      %dma_wait3A_67 = arith.constant 0 : i32
      %dma_wait3A_68 = tpu.memref_slice %arg19[%dma_wait3A_66, %dma_wait3A_67] : memref<640x64xf32, #tpu.memory_space<vmem>> -> memref<128x64xf32, #tpu.memory_space<vmem>>
      tpu.wait_dma2 semaphore(%run_scoped3A_34 : memref<!tpu.dma_semaphore, #tpu.memory_space<semaphore_mem>>) src(%dma_wait3A_68 : memref<128x64xf32, #tpu.memory_space<vmem>>) dst(%dma_wait3A_65 : memref<128x64xf32, #tpu.memory_space<hbm>>)
      tpu.yield
    }) : () -> ()
    %add3A_10 = arith.constant 256 : i32
    %add3A_11 = arith.addi %mul3A_0, %add3A_10 : i32
    "tpu.region"() ({
      %run_scoped3A_34 = tpu.sem_alloc : memref<!tpu.dma_semaphore, #tpu.memory_space<semaphore_mem>>
      %dma_start3A = arith.constant 0 : i32
      %dma_start3A_35 = tpu.memref_slice %arg8[%add3A_11, %dma_start3A] : memref<10256x64xf32, #tpu.memory_space<vmem_shared>> -> memref<128x64xf32, #tpu.memory_space<vmem_shared>>
      tpu.enqueue_dma source(%arg5 : memref<128x64xf32, #tpu.memory_space<hbm>>) target(%dma_start3A_35 : memref<128x64xf32, #tpu.memory_space<vmem_shared>>) target_semaphore(%run_scoped3A_34 : memref<!tpu.dma_semaphore, #tpu.memory_space<semaphore_mem>>)
      %dma_wait3A = arith.constant 0 : i32
      %dma_wait3A_36 = tpu.memref_slice %arg8[%add3A_11, %dma_wait3A] : memref<10256x64xf32, #tpu.memory_space<vmem_shared>> -> memref<128x64xf32, #tpu.memory_space<vmem_shared>>
      tpu.wait_dma2 semaphore(%run_scoped3A_34 : memref<!tpu.dma_semaphore, #tpu.memory_space<semaphore_mem>>) src(%arg5 : memref<128x64xf32, #tpu.memory_space<hbm>>) dst(%dma_wait3A_36 : memref<128x64xf32, #tpu.memory_space<vmem_shared>>)
      tpu.yield
    }) : () -> ()
    "tpu.region"() ({
      %run_scoped3A_34 = tpu.sem_alloc : memref<!tpu.dma_semaphore, #tpu.memory_space<semaphore_mem>>
      %dma_start3A = arith.constant 256 : i32
      %dma_start3A_35 = arith.constant 0 : i32
      %dma_start3A_36 = tpu.memref_slice %arg19[%dma_start3A, %dma_start3A_35] : memref<640x64xf32, #tpu.memory_space<vmem>> -> memref<128x64xf32, #tpu.memory_space<vmem>>
      %dma_start3A_37 = arith.constant 0 : i32
      %dma_start3A_38 = tpu.memref_slice %arg4[%arg0, %add3A_11, %dma_start3A_37] : memref<2x10240x64xf32, #tpu.memory_space<hbm>> -> memref<1x128x64xf32, #tpu.memory_space<hbm>>
      %dma_start3A_39 = tpu.memref_squeeze %dma_start3A_38 : memref<1x128x64xf32, #tpu.memory_space<hbm>> -> memref<128x64xf32, #tpu.memory_space<hbm>>
      %dma_start3A_40 = arith.constant 256 : i32
      %dma_start3A_41 = arith.constant 0 : i32
      %dma_start3A_42 = tpu.memref_slice %arg19[%dma_start3A_40, %dma_start3A_41] : memref<640x64xf32, #tpu.memory_space<vmem>> -> memref<128x64xf32, #tpu.memory_space<vmem>>
      %dma_start3A_43 = arith.constant 0 : i32
      %dma_start3A_44 = tpu.memref_slice %arg4[%arg0, %add3A_11, %dma_start3A_43] : memref<2x10240x64xf32, #tpu.memory_space<hbm>> -> memref<1x128x64xf32, #tpu.memory_space<hbm>>
      %dma_start3A_45 = tpu.memref_squeeze %dma_start3A_44 : memref<1x128x64xf32, #tpu.memory_space<hbm>> -> memref<128x64xf32, #tpu.memory_space<hbm>>
      tpu.enqueue_dma source(%dma_start3A_45 : memref<128x64xf32, #tpu.memory_space<hbm>>) target(%dma_start3A_42 : memref<128x64xf32, #tpu.memory_space<vmem>>) target_semaphore(%run_scoped3A_34 : memref<!tpu.dma_semaphore, #tpu.memory_space<semaphore_mem>>)
      %dma_wait3A = arith.constant 256 : i32
      %dma_wait3A_46 = arith.constant 0 : i32
      %dma_wait3A_47 = tpu.memref_slice %arg19[%dma_wait3A, %dma_wait3A_46] : memref<640x64xf32, #tpu.memory_space<vmem>> -> memref<128x64xf32, #tpu.memory_space<vmem>>
      %dma_wait3A_48 = arith.constant 0 : i32
      %dma_wait3A_49 = tpu.memref_slice %arg4[%arg0, %add3A_11, %dma_wait3A_48] : memref<2x10240x64xf32, #tpu.memory_space<hbm>> -> memref<1x128x64xf32, #tpu.memory_space<hbm>>
      %dma_wait3A_50 = tpu.memref_squeeze %dma_wait3A_49 : memref<1x128x64xf32, #tpu.memory_space<hbm>> -> memref<128x64xf32, #tpu.memory_space<hbm>>
      %dma_wait3A_51 = arith.constant 256 : i32
      %dma_wait3A_52 = arith.constant 0 : i32
      %dma_wait3A_53 = tpu.memref_slice %arg19[%dma_wait3A_51, %dma_wait3A_52] : memref<640x64xf32, #tpu.memory_space<vmem>> -> memref<128x64xf32, #tpu.memory_space<vmem>>
      %dma_wait3A_54 = arith.constant 0 : i32
      %dma_wait3A_55 = tpu.memref_slice %arg4[%arg0, %add3A_11, %dma_wait3A_54] : memref<2x10240x64xf32, #tpu.memory_space<hbm>> -> memref<1x128x64xf32, #tpu.memory_space<hbm>>
      %dma_wait3A_56 = tpu.memref_squeeze %dma_wait3A_55 : memref<1x128x64xf32, #tpu.memory_space<hbm>> -> memref<128x64xf32, #tpu.memory_space<hbm>>
      tpu.wait_dma2 semaphore(%run_scoped3A_34 : memref<!tpu.dma_semaphore, #tpu.memory_space<semaphore_mem>>) src(%dma_wait3A_56 : memref<128x64xf32, #tpu.memory_space<hbm>>) dst(%dma_wait3A_53 : memref<128x64xf32, #tpu.memory_space<vmem>>)
      tpu.yield
    }) : () -> ()
    "tpu.region"() ({
      %run_scoped3A_34 = tpu.sem_alloc : memref<!tpu.dma_semaphore, #tpu.memory_space<semaphore_mem>>
      %dma_start3A = arith.constant 256 : i32
      %dma_start3A_35 = arith.constant 0 : i32
      %dma_start3A_36 = tpu.memref_slice %arg19[%dma_start3A, %dma_start3A_35] : memref<640x64xf32, #tpu.memory_space<vmem>> -> memref<128x64xf32, #tpu.memory_space<vmem>>
      %dma_start3A_37 = arith.constant 0 : i32
      %dma_start3A_38 = arith.constant 0 : i32
      %dma_start3A_39 = tpu.memref_slice %arg6[%arg0, %dma_start3A_37, %dma_start3A_38] : memref<2x10240x64xf32, #tpu.memory_space<hbm>> -> memref<1x10240x64xf32, #tpu.memory_space<hbm>>
      %dma_start3A_40 = tpu.memref_squeeze %dma_start3A_39 : memref<1x10240x64xf32, #tpu.memory_space<hbm>> -> memref<10240x64xf32, #tpu.memory_space<hbm>>
      %dma_start3A_41 = arith.constant 0 : i32
      %dma_start3A_42 = tpu.memref_slice %dma_start3A_40[%add3A_11, %dma_start3A_41] : memref<10240x64xf32, #tpu.memory_space<hbm>> -> memref<128x64xf32, #tpu.memory_space<hbm>>
      %dma_start3A_43 = arith.constant 0 : i32
      %dma_start3A_44 = arith.constant 0 : i32
      %dma_start3A_45 = tpu.memref_slice %arg6[%arg0, %dma_start3A_43, %dma_start3A_44] : memref<2x10240x64xf32, #tpu.memory_space<hbm>> -> memref<1x10240x64xf32, #tpu.memory_space<hbm>>
      %dma_start3A_46 = tpu.memref_squeeze %dma_start3A_45 : memref<1x10240x64xf32, #tpu.memory_space<hbm>> -> memref<10240x64xf32, #tpu.memory_space<hbm>>
      %dma_start3A_47 = arith.constant 0 : i32
      %dma_start3A_48 = tpu.memref_slice %dma_start3A_46[%add3A_11, %dma_start3A_47] : memref<10240x64xf32, #tpu.memory_space<hbm>> -> memref<128x64xf32, #tpu.memory_space<hbm>>
      %dma_start3A_49 = arith.constant 256 : i32
      %dma_start3A_50 = arith.constant 0 : i32
      %dma_start3A_51 = tpu.memref_slice %arg19[%dma_start3A_49, %dma_start3A_50] : memref<640x64xf32, #tpu.memory_space<vmem>> -> memref<128x64xf32, #tpu.memory_space<vmem>>
      tpu.enqueue_dma source(%dma_start3A_51 : memref<128x64xf32, #tpu.memory_space<vmem>>) target(%dma_start3A_48 : memref<128x64xf32, #tpu.memory_space<hbm>>) target_semaphore(%run_scoped3A_34 : memref<!tpu.dma_semaphore, #tpu.memory_space<semaphore_mem>>)
      %dma_wait3A = arith.constant 256 : i32
      %dma_wait3A_52 = arith.constant 0 : i32
      %dma_wait3A_53 = tpu.memref_slice %arg19[%dma_wait3A, %dma_wait3A_52] : memref<640x64xf32, #tpu.memory_space<vmem>> -> memref<128x64xf32, #tpu.memory_space<vmem>>
      %dma_wait3A_54 = arith.constant 0 : i32
      %dma_wait3A_55 = arith.constant 0 : i32
      %dma_wait3A_56 = tpu.memref_slice %arg6[%arg0, %dma_wait3A_54, %dma_wait3A_55] : memref<2x10240x64xf32, #tpu.memory_space<hbm>> -> memref<1x10240x64xf32, #tpu.memory_space<hbm>>
      %dma_wait3A_57 = tpu.memref_squeeze %dma_wait3A_56 : memref<1x10240x64xf32, #tpu.memory_space<hbm>> -> memref<10240x64xf32, #tpu.memory_space<hbm>>
      %dma_wait3A_58 = arith.constant 0 : i32
      %dma_wait3A_59 = tpu.memref_slice %dma_wait3A_57[%add3A_11, %dma_wait3A_58] : memref<10240x64xf32, #tpu.memory_space<hbm>> -> memref<128x64xf32, #tpu.memory_space<hbm>>
      %dma_wait3A_60 = arith.constant 0 : i32
      %dma_wait3A_61 = arith.constant 0 : i32
      %dma_wait3A_62 = tpu.memref_slice %arg6[%arg0, %dma_wait3A_60, %dma_wait3A_61] : memref<2x10240x64xf32, #tpu.memory_space<hbm>> -> memref<1x10240x64xf32, #tpu.memory_space<hbm>>
      %dma_wait3A_63 = tpu.memref_squeeze %dma_wait3A_62 : memref<1x10240x64xf32, #tpu.memory_space<hbm>> -> memref<10240x64xf32, #tpu.memory_space<hbm>>
      %dma_wait3A_64 = arith.constant 0 : i32
      %dma_wait3A_65 = tpu.memref_slice %dma_wait3A_63[%add3A_11, %dma_wait3A_64] : memref<10240x64xf32, #tpu.memory_space<hbm>> -> memref<128x64xf32, #tpu.memory_space<hbm>>
      %dma_wait3A_66 = arith.constant 256 : i32
      %dma_wait3A_67 = arith.constant 0 : i32
      %dma_wait3A_68 = tpu.memref_slice %arg19[%dma_wait3A_66, %dma_wait3A_67] : memref<640x64xf32, #tpu.memory_space<vmem>> -> memref<128x64xf32, #tpu.memory_space<vmem>>
      tpu.wait_dma2 semaphore(%run_scoped3A_34 : memref<!tpu.dma_semaphore, #tpu.memory_space<semaphore_mem>>) src(%dma_wait3A_68 : memref<128x64xf32, #tpu.memory_space<vmem>>) dst(%dma_wait3A_65 : memref<128x64xf32, #tpu.memory_space<hbm>>)
      tpu.yield
    }) : () -> ()
    %add3A_12 = arith.constant 384 : i32
    %add3A_13 = arith.addi %mul3A_0, %add3A_12 : i32
    "tpu.region"() ({
      %run_scoped3A_34 = tpu.sem_alloc : memref<!tpu.dma_semaphore, #tpu.memory_space<semaphore_mem>>
      %dma_start3A = arith.constant 0 : i32
      %dma_start3A_35 = tpu.memref_slice %arg8[%add3A_13, %dma_start3A] : memref<10256x64xf32, #tpu.memory_space<vmem_shared>> -> memref<128x64xf32, #tpu.memory_space<vmem_shared>>
      tpu.enqueue_dma source(%arg5 : memref<128x64xf32, #tpu.memory_space<hbm>>) target(%dma_start3A_35 : memref<128x64xf32, #tpu.memory_space<vmem_shared>>) target_semaphore(%run_scoped3A_34 : memref<!tpu.dma_semaphore, #tpu.memory_space<semaphore_mem>>)
      %dma_wait3A = arith.constant 0 : i32
      %dma_wait3A_36 = tpu.memref_slice %arg8[%add3A_13, %dma_wait3A] : memref<10256x64xf32, #tpu.memory_space<vmem_shared>> -> memref<128x64xf32, #tpu.memory_space<vmem_shared>>
      tpu.wait_dma2 semaphore(%run_scoped3A_34 : memref<!tpu.dma_semaphore, #tpu.memory_space<semaphore_mem>>) src(%arg5 : memref<128x64xf32, #tpu.memory_space<hbm>>) dst(%dma_wait3A_36 : memref<128x64xf32, #tpu.memory_space<vmem_shared>>)
      tpu.yield
    }) : () -> ()
    "tpu.region"() ({
      %run_scoped3A_34 = tpu.sem_alloc : memref<!tpu.dma_semaphore, #tpu.memory_space<semaphore_mem>>
      %dma_start3A = arith.constant 384 : i32
      %dma_start3A_35 = arith.constant 0 : i32
      %dma_start3A_36 = tpu.memref_slice %arg19[%dma_start3A, %dma_start3A_35] : memref<640x64xf32, #tpu.memory_space<vmem>> -> memref<128x64xf32, #tpu.memory_space<vmem>>
      %dma_start3A_37 = arith.constant 0 : i32
      %dma_start3A_38 = tpu.memref_slice %arg4[%arg0, %add3A_13, %dma_start3A_37] : memref<2x10240x64xf32, #tpu.memory_space<hbm>> -> memref<1x128x64xf32, #tpu.memory_space<hbm>>
      %dma_start3A_39 = tpu.memref_squeeze %dma_start3A_38 : memref<1x128x64xf32, #tpu.memory_space<hbm>> -> memref<128x64xf32, #tpu.memory_space<hbm>>
      %dma_start3A_40 = arith.constant 384 : i32
      %dma_start3A_41 = arith.constant 0 : i32
      %dma_start3A_42 = tpu.memref_slice %arg19[%dma_start3A_40, %dma_start3A_41] : memref<640x64xf32, #tpu.memory_space<vmem>> -> memref<128x64xf32, #tpu.memory_space<vmem>>
      %dma_start3A_43 = arith.constant 0 : i32
      %dma_start3A_44 = tpu.memref_slice %arg4[%arg0, %add3A_13, %dma_start3A_43] : memref<2x10240x64xf32, #tpu.memory_space<hbm>> -> memref<1x128x64xf32, #tpu.memory_space<hbm>>
      %dma_start3A_45 = tpu.memref_squeeze %dma_start3A_44 : memref<1x128x64xf32, #tpu.memory_space<hbm>> -> memref<128x64xf32, #tpu.memory_space<hbm>>
      tpu.enqueue_dma source(%dma_start3A_45 : memref<128x64xf32, #tpu.memory_space<hbm>>) target(%dma_start3A_42 : memref<128x64xf32, #tpu.memory_space<vmem>>) target_semaphore(%run_scoped3A_34 : memref<!tpu.dma_semaphore, #tpu.memory_space<semaphore_mem>>)
      %dma_wait3A = arith.constant 384 : i32
      %dma_wait3A_46 = arith.constant 0 : i32
      %dma_wait3A_47 = tpu.memref_slice %arg19[%dma_wait3A, %dma_wait3A_46] : memref<640x64xf32, #tpu.memory_space<vmem>> -> memref<128x64xf32, #tpu.memory_space<vmem>>
      %dma_wait3A_48 = arith.constant 0 : i32
      %dma_wait3A_49 = tpu.memref_slice %arg4[%arg0, %add3A_13, %dma_wait3A_48] : memref<2x10240x64xf32, #tpu.memory_space<hbm>> -> memref<1x128x64xf32, #tpu.memory_space<hbm>>
      %dma_wait3A_50 = tpu.memref_squeeze %dma_wait3A_49 : memref<1x128x64xf32, #tpu.memory_space<hbm>> -> memref<128x64xf32, #tpu.memory_space<hbm>>
      %dma_wait3A_51 = arith.constant 384 : i32
      %dma_wait3A_52 = arith.constant 0 : i32
      %dma_wait3A_53 = tpu.memref_slice %arg19[%dma_wait3A_51, %dma_wait3A_52] : memref<640x64xf32, #tpu.memory_space<vmem>> -> memref<128x64xf32, #tpu.memory_space<vmem>>
      %dma_wait3A_54 = arith.constant 0 : i32
      %dma_wait3A_55 = tpu.memref_slice %arg4[%arg0, %add3A_13, %dma_wait3A_54] : memref<2x10240x64xf32, #tpu.memory_space<hbm>> -> memref<1x128x64xf32, #tpu.memory_space<hbm>>
      %dma_wait3A_56 = tpu.memref_squeeze %dma_wait3A_55 : memref<1x128x64xf32, #tpu.memory_space<hbm>> -> memref<128x64xf32, #tpu.memory_space<hbm>>
      tpu.wait_dma2 semaphore(%run_scoped3A_34 : memref<!tpu.dma_semaphore, #tpu.memory_space<semaphore_mem>>) src(%dma_wait3A_56 : memref<128x64xf32, #tpu.memory_space<hbm>>) dst(%dma_wait3A_53 : memref<128x64xf32, #tpu.memory_space<vmem>>)
      tpu.yield
    }) : () -> ()
    "tpu.region"() ({
      %run_scoped3A_34 = tpu.sem_alloc : memref<!tpu.dma_semaphore, #tpu.memory_space<semaphore_mem>>
      %dma_start3A = arith.constant 384 : i32
      %dma_start3A_35 = arith.constant 0 : i32
      %dma_start3A_36 = tpu.memref_slice %arg19[%dma_start3A, %dma_start3A_35] : memref<640x64xf32, #tpu.memory_space<vmem>> -> memref<128x64xf32, #tpu.memory_space<vmem>>
      %dma_start3A_37 = arith.constant 0 : i32
      %dma_start3A_38 = arith.constant 0 : i32
      %dma_start3A_39 = tpu.memref_slice %arg6[%arg0, %dma_start3A_37, %dma_start3A_38] : memref<2x10240x64xf32, #tpu.memory_space<hbm>> -> memref<1x10240x64xf32, #tpu.memory_space<hbm>>
      %dma_start3A_40 = tpu.memref_squeeze %dma_start3A_39 : memref<1x10240x64xf32, #tpu.memory_space<hbm>> -> memref<10240x64xf32, #tpu.memory_space<hbm>>
      %dma_start3A_41 = arith.constant 0 : i32
      %dma_start3A_42 = tpu.memref_slice %dma_start3A_40[%add3A_13, %dma_start3A_41] : memref<10240x64xf32, #tpu.memory_space<hbm>> -> memref<128x64xf32, #tpu.memory_space<hbm>>
      %dma_start3A_43 = arith.constant 0 : i32
      %dma_start3A_44 = arith.constant 0 : i32
      %dma_start3A_45 = tpu.memref_slice %arg6[%arg0, %dma_start3A_43, %dma_start3A_44] : memref<2x10240x64xf32, #tpu.memory_space<hbm>> -> memref<1x10240x64xf32, #tpu.memory_space<hbm>>
      %dma_start3A_46 = tpu.memref_squeeze %dma_start3A_45 : memref<1x10240x64xf32, #tpu.memory_space<hbm>> -> memref<10240x64xf32, #tpu.memory_space<hbm>>
      %dma_start3A_47 = arith.constant 0 : i32
      %dma_start3A_48 = tpu.memref_slice %dma_start3A_46[%add3A_13, %dma_start3A_47] : memref<10240x64xf32, #tpu.memory_space<hbm>> -> memref<128x64xf32, #tpu.memory_space<hbm>>
      %dma_start3A_49 = arith.constant 384 : i32
      %dma_start3A_50 = arith.constant 0 : i32
      %dma_start3A_51 = tpu.memref_slice %arg19[%dma_start3A_49, %dma_start3A_50] : memref<640x64xf32, #tpu.memory_space<vmem>> -> memref<128x64xf32, #tpu.memory_space<vmem>>
      tpu.enqueue_dma source(%dma_start3A_51 : memref<128x64xf32, #tpu.memory_space<vmem>>) target(%dma_start3A_48 : memref<128x64xf32, #tpu.memory_space<hbm>>) target_semaphore(%run_scoped3A_34 : memref<!tpu.dma_semaphore, #tpu.memory_space<semaphore_mem>>)
      %dma_wait3A = arith.constant 384 : i32
      %dma_wait3A_52 = arith.constant 0 : i32
      %dma_wait3A_53 = tpu.memref_slice %arg19[%dma_wait3A, %dma_wait3A_52] : memref<640x64xf32, #tpu.memory_space<vmem>> -> memref<128x64xf32, #tpu.memory_space<vmem>>
      %dma_wait3A_54 = arith.constant 0 : i32
      %dma_wait3A_55 = arith.constant 0 : i32
      %dma_wait3A_56 = tpu.memref_slice %arg6[%arg0, %dma_wait3A_54, %dma_wait3A_55] : memref<2x10240x64xf32, #tpu.memory_space<hbm>> -> memref<1x10240x64xf32, #tpu.memory_space<hbm>>
      %dma_wait3A_57 = tpu.memref_squeeze %dma_wait3A_56 : memref<1x10240x64xf32, #tpu.memory_space<hbm>> -> memref<10240x64xf32, #tpu.memory_space<hbm>>
      %dma_wait3A_58 = arith.constant 0 : i32
      %dma_wait3A_59 = tpu.memref_slice %dma_wait3A_57[%add3A_13, %dma_wait3A_58] : memref<10240x64xf32, #tpu.memory_space<hbm>> -> memref<128x64xf32, #tpu.memory_space<hbm>>
      %dma_wait3A_60 = arith.constant 0 : i32
      %dma_wait3A_61 = arith.constant 0 : i32
      %dma_wait3A_62 = tpu.memref_slice %arg6[%arg0, %dma_wait3A_60, %dma_wait3A_61] : memref<2x10240x64xf32, #tpu.memory_space<hbm>> -> memref<1x10240x64xf32, #tpu.memory_space<hbm>>
      %dma_wait3A_63 = tpu.memref_squeeze %dma_wait3A_62 : memref<1x10240x64xf32, #tpu.memory_space<hbm>> -> memref<10240x64xf32, #tpu.memory_space<hbm>>
      %dma_wait3A_64 = arith.constant 0 : i32
      %dma_wait3A_65 = tpu.memref_slice %dma_wait3A_63[%add3A_13, %dma_wait3A_64] : memref<10240x64xf32, #tpu.memory_space<hbm>> -> memref<128x64xf32, #tpu.memory_space<hbm>>
      %dma_wait3A_66 = arith.constant 384 : i32
      %dma_wait3A_67 = arith.constant 0 : i32
      %dma_wait3A_68 = tpu.memref_slice %arg19[%dma_wait3A_66, %dma_wait3A_67] : memref<640x64xf32, #tpu.memory_space<vmem>> -> memref<128x64xf32, #tpu.memory_space<vmem>>
      tpu.wait_dma2 semaphore(%run_scoped3A_34 : memref<!tpu.dma_semaphore, #tpu.memory_space<semaphore_mem>>) src(%dma_wait3A_68 : memref<128x64xf32, #tpu.memory_space<vmem>>) dst(%dma_wait3A_65 : memref<128x64xf32, #tpu.memory_space<hbm>>)
      tpu.yield
    }) : () -> ()
    %add3A_14 = arith.constant 512 : i32
    %add3A_15 = arith.addi %mul3A_0, %add3A_14 : i32
    "tpu.region"() ({
      %run_scoped3A_34 = tpu.sem_alloc : memref<!tpu.dma_semaphore, #tpu.memory_space<semaphore_mem>>
      %dma_start3A = arith.constant 0 : i32
      %dma_start3A_35 = tpu.memref_slice %arg8[%add3A_15, %dma_start3A] : memref<10256x64xf32, #tpu.memory_space<vmem_shared>> -> memref<128x64xf32, #tpu.memory_space<vmem_shared>>
      tpu.enqueue_dma source(%arg5 : memref<128x64xf32, #tpu.memory_space<hbm>>) target(%dma_start3A_35 : memref<128x64xf32, #tpu.memory_space<vmem_shared>>) target_semaphore(%run_scoped3A_34 : memref<!tpu.dma_semaphore, #tpu.memory_space<semaphore_mem>>)
      %dma_wait3A = arith.constant 0 : i32
      %dma_wait3A_36 = tpu.memref_slice %arg8[%add3A_15, %dma_wait3A] : memref<10256x64xf32, #tpu.memory_space<vmem_shared>> -> memref<128x64xf32, #tpu.memory_space<vmem_shared>>
      tpu.wait_dma2 semaphore(%run_scoped3A_34 : memref<!tpu.dma_semaphore, #tpu.memory_space<semaphore_mem>>) src(%arg5 : memref<128x64xf32, #tpu.memory_space<hbm>>) dst(%dma_wait3A_36 : memref<128x64xf32, #tpu.memory_space<vmem_shared>>)
      tpu.yield
    }) : () -> ()
    "tpu.region"() ({
      %run_scoped3A_34 = tpu.sem_alloc : memref<!tpu.dma_semaphore, #tpu.memory_space<semaphore_mem>>
      %dma_start3A = arith.constant 512 : i32
      %dma_start3A_35 = arith.constant 0 : i32
      %dma_start3A_36 = tpu.memref_slice %arg19[%dma_start3A, %dma_start3A_35] : memref<640x64xf32, #tpu.memory_space<vmem>> -> memref<128x64xf32, #tpu.memory_space<vmem>>
      %dma_start3A_37 = arith.constant 0 : i32
      %dma_start3A_38 = tpu.memref_slice %arg4[%arg0, %add3A_15, %dma_start3A_37] : memref<2x10240x64xf32, #tpu.memory_space<hbm>> -> memref<1x128x64xf32, #tpu.memory_space<hbm>>
      %dma_start3A_39 = tpu.memref_squeeze %dma_start3A_38 : memref<1x128x64xf32, #tpu.memory_space<hbm>> -> memref<128x64xf32, #tpu.memory_space<hbm>>
      %dma_start3A_40 = arith.constant 512 : i32
      %dma_start3A_41 = arith.constant 0 : i32
      %dma_start3A_42 = tpu.memref_slice %arg19[%dma_start3A_40, %dma_start3A_41] : memref<640x64xf32, #tpu.memory_space<vmem>> -> memref<128x64xf32, #tpu.memory_space<vmem>>
      %dma_start3A_43 = arith.constant 0 : i32
      %dma_start3A_44 = tpu.memref_slice %arg4[%arg0, %add3A_15, %dma_start3A_43] : memref<2x10240x64xf32, #tpu.memory_space<hbm>> -> memref<1x128x64xf32, #tpu.memory_space<hbm>>
      %dma_start3A_45 = tpu.memref_squeeze %dma_start3A_44 : memref<1x128x64xf32, #tpu.memory_space<hbm>> -> memref<128x64xf32, #tpu.memory_space<hbm>>
      tpu.enqueue_dma source(%dma_start3A_45 : memref<128x64xf32, #tpu.memory_space<hbm>>) target(%dma_start3A_42 : memref<128x64xf32, #tpu.memory_space<vmem>>) target_semaphore(%run_scoped3A_34 : memref<!tpu.dma_semaphore, #tpu.memory_space<semaphore_mem>>)
      %dma_wait3A = arith.constant 512 : i32
      %dma_wait3A_46 = arith.constant 0 : i32
      %dma_wait3A_47 = tpu.memref_slice %arg19[%dma_wait3A, %dma_wait3A_46] : memref<640x64xf32, #tpu.memory_space<vmem>> -> memref<128x64xf32, #tpu.memory_space<vmem>>
      %dma_wait3A_48 = arith.constant 0 : i32
      %dma_wait3A_49 = tpu.memref_slice %arg4[%arg0, %add3A_15, %dma_wait3A_48] : memref<2x10240x64xf32, #tpu.memory_space<hbm>> -> memref<1x128x64xf32, #tpu.memory_space<hbm>>
      %dma_wait3A_50 = tpu.memref_squeeze %dma_wait3A_49 : memref<1x128x64xf32, #tpu.memory_space<hbm>> -> memref<128x64xf32, #tpu.memory_space<hbm>>
      %dma_wait3A_51 = arith.constant 512 : i32
      %dma_wait3A_52 = arith.constant 0 : i32
      %dma_wait3A_53 = tpu.memref_slice %arg19[%dma_wait3A_51, %dma_wait3A_52] : memref<640x64xf32, #tpu.memory_space<vmem>> -> memref<128x64xf32, #tpu.memory_space<vmem>>
      %dma_wait3A_54 = arith.constant 0 : i32
      %dma_wait3A_55 = tpu.memref_slice %arg4[%arg0, %add3A_15, %dma_wait3A_54] : memref<2x10240x64xf32, #tpu.memory_space<hbm>> -> memref<1x128x64xf32, #tpu.memory_space<hbm>>
      %dma_wait3A_56 = tpu.memref_squeeze %dma_wait3A_55 : memref<1x128x64xf32, #tpu.memory_space<hbm>> -> memref<128x64xf32, #tpu.memory_space<hbm>>
      tpu.wait_dma2 semaphore(%run_scoped3A_34 : memref<!tpu.dma_semaphore, #tpu.memory_space<semaphore_mem>>) src(%dma_wait3A_56 : memref<128x64xf32, #tpu.memory_space<hbm>>) dst(%dma_wait3A_53 : memref<128x64xf32, #tpu.memory_space<vmem>>)
      tpu.yield
    }) : () -> ()
    "tpu.region"() ({
      %run_scoped3A_34 = tpu.sem_alloc : memref<!tpu.dma_semaphore, #tpu.memory_space<semaphore_mem>>
      %dma_start3A = arith.constant 512 : i32
      %dma_start3A_35 = arith.constant 0 : i32
      %dma_start3A_36 = tpu.memref_slice %arg19[%dma_start3A, %dma_start3A_35] : memref<640x64xf32, #tpu.memory_space<vmem>> -> memref<128x64xf32, #tpu.memory_space<vmem>>
      %dma_start3A_37 = arith.constant 0 : i32
      %dma_start3A_38 = arith.constant 0 : i32
      %dma_start3A_39 = tpu.memref_slice %arg6[%arg0, %dma_start3A_37, %dma_start3A_38] : memref<2x10240x64xf32, #tpu.memory_space<hbm>> -> memref<1x10240x64xf32, #tpu.memory_space<hbm>>
      %dma_start3A_40 = tpu.memref_squeeze %dma_start3A_39 : memref<1x10240x64xf32, #tpu.memory_space<hbm>> -> memref<10240x64xf32, #tpu.memory_space<hbm>>
      %dma_start3A_41 = arith.constant 0 : i32
      %dma_start3A_42 = tpu.memref_slice %dma_start3A_40[%add3A_15, %dma_start3A_41] : memref<10240x64xf32, #tpu.memory_space<hbm>> -> memref<128x64xf32, #tpu.memory_space<hbm>>
      %dma_start3A_43 = arith.constant 0 : i32
      %dma_start3A_44 = arith.constant 0 : i32
      %dma_start3A_45 = tpu.memref_slice %arg6[%arg0, %dma_start3A_43, %dma_start3A_44] : memref<2x10240x64xf32, #tpu.memory_space<hbm>> -> memref<1x10240x64xf32, #tpu.memory_space<hbm>>
      %dma_start3A_46 = tpu.memref_squeeze %dma_start3A_45 : memref<1x10240x64xf32, #tpu.memory_space<hbm>> -> memref<10240x64xf32, #tpu.memory_space<hbm>>
      %dma_start3A_47 = arith.constant 0 : i32
      %dma_start3A_48 = tpu.memref_slice %dma_start3A_46[%add3A_15, %dma_start3A_47] : memref<10240x64xf32, #tpu.memory_space<hbm>> -> memref<128x64xf32, #tpu.memory_space<hbm>>
      %dma_start3A_49 = arith.constant 512 : i32
      %dma_start3A_50 = arith.constant 0 : i32
      %dma_start3A_51 = tpu.memref_slice %arg19[%dma_start3A_49, %dma_start3A_50] : memref<640x64xf32, #tpu.memory_space<vmem>> -> memref<128x64xf32, #tpu.memory_space<vmem>>
      tpu.enqueue_dma source(%dma_start3A_51 : memref<128x64xf32, #tpu.memory_space<vmem>>) target(%dma_start3A_48 : memref<128x64xf32, #tpu.memory_space<hbm>>) target_semaphore(%run_scoped3A_34 : memref<!tpu.dma_semaphore, #tpu.memory_space<semaphore_mem>>)
      %dma_wait3A = arith.constant 512 : i32
      %dma_wait3A_52 = arith.constant 0 : i32
      %dma_wait3A_53 = tpu.memref_slice %arg19[%dma_wait3A, %dma_wait3A_52] : memref<640x64xf32, #tpu.memory_space<vmem>> -> memref<128x64xf32, #tpu.memory_space<vmem>>
      %dma_wait3A_54 = arith.constant 0 : i32
      %dma_wait3A_55 = arith.constant 0 : i32
      %dma_wait3A_56 = tpu.memref_slice %arg6[%arg0, %dma_wait3A_54, %dma_wait3A_55] : memref<2x10240x64xf32, #tpu.memory_space<hbm>> -> memref<1x10240x64xf32, #tpu.memory_space<hbm>>
      %dma_wait3A_57 = tpu.memref_squeeze %dma_wait3A_56 : memref<1x10240x64xf32, #tpu.memory_space<hbm>> -> memref<10240x64xf32, #tpu.memory_space<hbm>>
      %dma_wait3A_58 = arith.constant 0 : i32
      %dma_wait3A_59 = tpu.memref_slice %dma_wait3A_57[%add3A_15, %dma_wait3A_58] : memref<10240x64xf32, #tpu.memory_space<hbm>> -> memref<128x64xf32, #tpu.memory_space<hbm>>
      %dma_wait3A_60 = arith.constant 0 : i32
      %dma_wait3A_61 = arith.constant 0 : i32
      %dma_wait3A_62 = tpu.memref_slice %arg6[%arg0, %dma_wait3A_60, %dma_wait3A_61] : memref<2x10240x64xf32, #tpu.memory_space<hbm>> -> memref<1x10240x64xf32, #tpu.memory_space<hbm>>
      %dma_wait3A_63 = tpu.memref_squeeze %dma_wait3A_62 : memref<1x10240x64xf32, #tpu.memory_space<hbm>> -> memref<10240x64xf32, #tpu.memory_space<hbm>>
      %dma_wait3A_64 = arith.constant 0 : i32
      %dma_wait3A_65 = tpu.memref_slice %dma_wait3A_63[%add3A_15, %dma_wait3A_64] : memref<10240x64xf32, #tpu.memory_space<hbm>> -> memref<128x64xf32, #tpu.memory_space<hbm>>
      %dma_wait3A_66 = arith.constant 512 : i32
      %dma_wait3A_67 = arith.constant 0 : i32
      %dma_wait3A_68 = tpu.memref_slice %arg19[%dma_wait3A_66, %dma_wait3A_67] : memref<640x64xf32, #tpu.memory_space<vmem>> -> memref<128x64xf32, #tpu.memory_space<vmem>>
      tpu.wait_dma2 semaphore(%run_scoped3A_34 : memref<!tpu.dma_semaphore, #tpu.memory_space<semaphore_mem>>) src(%dma_wait3A_68 : memref<128x64xf32, #tpu.memory_space<vmem>>) dst(%dma_wait3A_65 : memref<128x64xf32, #tpu.memory_space<hbm>>)
      tpu.yield
    }) : () -> ()
    %eq3A = arith.constant 15 : i32
    %eq3A_16 = arith.cmpi eq, %arg1, %eq3A : i32
    %convert_element_type3A = arith.extui %eq3A_16 : i1 to i32
    %cond3A = arith.constant 0 : i32
    %cond3A_17 = arith.cmpi ne, %convert_element_type3A, %cond3A : i32
    scf.if %cond3A_17 {
      "tpu.region"() ({
        %run_scoped3A_34 = tpu.sem_alloc : memref<!tpu.dma_semaphore, #tpu.memory_space<semaphore_mem>>
        %dma_start3A = arith.constant 10240 : i32
        %dma_start3A_35 = arith.constant 0 : i32
        %dma_start3A_36 = tpu.memref_slice %arg8[%dma_start3A, %dma_start3A_35] : memref<10256x64xf32, #tpu.memory_space<vmem_shared>> -> memref<16x64xf32, #tpu.memory_space<vmem_shared>>
        %dma_start3A_37 = arith.constant 0 : i32
        %dma_start3A_38 = arith.constant 0 : i32
        %dma_start3A_39 = tpu.memref_slice %arg5[%dma_start3A_37, %dma_start3A_38] : memref<128x64xf32, #tpu.memory_space<hbm>> -> memref<16x64xf32, #tpu.memory_space<hbm>>
        tpu.enqueue_dma source(%dma_start3A_39 : memref<16x64xf32, #tpu.memory_space<hbm>>) target(%dma_start3A_36 : memref<16x64xf32, #tpu.memory_space<vmem_shared>>) target_semaphore(%run_scoped3A_34 : memref<!tpu.dma_semaphore, #tpu.memory_space<semaphore_mem>>)
        %dma_wait3A = arith.constant 10240 : i32
        %dma_wait3A_40 = arith.constant 0 : i32
        %dma_wait3A_41 = tpu.memref_slice %arg8[%dma_wait3A, %dma_wait3A_40] : memref<10256x64xf32, #tpu.memory_space<vmem_shared>> -> memref<16x64xf32, #tpu.memory_space<vmem_shared>>
        %dma_wait3A_42 = arith.constant 0 : i32
        %dma_wait3A_43 = arith.constant 0 : i32
        %dma_wait3A_44 = tpu.memref_slice %arg5[%dma_wait3A_42, %dma_wait3A_43] : memref<128x64xf32, #tpu.memory_space<hbm>> -> memref<16x64xf32, #tpu.memory_space<hbm>>
        tpu.wait_dma2 semaphore(%run_scoped3A_34 : memref<!tpu.dma_semaphore, #tpu.memory_space<semaphore_mem>>) src(%dma_wait3A_44 : memref<16x64xf32, #tpu.memory_space<hbm>>) dst(%dma_wait3A_41 : memref<16x64xf32, #tpu.memory_space<vmem_shared>>)
        tpu.yield
      }) : () -> ()
    } else {
    }
    %barrier3A = arith.constant 0 : index
    tpu.barrier barrier_id(%barrier3A)
    %scan3A_18 = arith.constant 0 : i32
    %scan3A_19 = arith.constant 0 : i32
    %scan3A_20 = arith.constant 10 : i32
    %scan3A_21 = arith.addi %scan3A_19, %scan3A_20 : i32
    %scan3A_22 = arith.constant 1 : i32
    scf.for %scan3A_34 = %scan3A_19 to %scan3A_21 step %scan3A_22  : i32 {
      %dma_start3A = arith.constant 0 : i32
      %dma_start3A_35 = arith.constant 0 : i32
      %dma_start3A_36 = arith.constant 0 : i32
      %dma_start3A_37 = tpu.memref_slice %arg2[%arg1, %dma_start3A, %dma_start3A_35, %dma_start3A_36] : memref<16x157x2x128xi32, #tpu.memory_space<hbm>> -> memref<1x1x2x128xi32, #tpu.memory_space<hbm>>
      %dma_start3A_38 = tpu.memref_squeeze %dma_start3A_37 : memref<1x1x2x128xi32, #tpu.memory_space<hbm>> -> memref<2x128xi32, #tpu.memory_space<hbm>>
      %dma_start3A_39 = arith.constant 0 : i32
      %dma_start3A_40 = arith.constant 0 : i32
      %dma_start3A_41 = tpu.memref_slice %arg2[%arg1, %dma_start3A, %dma_start3A_39, %dma_start3A_40] : memref<16x157x2x128xi32, #tpu.memory_space<hbm>> -> memref<1x1x2x128xi32, #tpu.memory_space<hbm>>
      %dma_start3A_42 = tpu.memref_squeeze %dma_start3A_41 : memref<1x1x2x128xi32, #tpu.memory_space<hbm>> -> memref<2x128xi32, #tpu.memory_space<hbm>>
      tpu.enqueue_dma source(%dma_start3A_42 : memref<2x128xi32, #tpu.memory_space<hbm>>) target(%arg9 : memref<2x128xi32, #tpu.memory_space<vmem>>) target_semaphore(%arg23 : memref<!tpu.dma_semaphore, #tpu.memory_space<semaphore_mem>>)
      %dma_start3A_43 = arith.constant 1 : i32
      %dma_start3A_44 = arith.constant 0 : i32
      %dma_start3A_45 = arith.constant 0 : i32
      %dma_start3A_46 = tpu.memref_slice %arg2[%arg1, %dma_start3A_43, %dma_start3A_44, %dma_start3A_45] : memref<16x157x2x128xi32, #tpu.memory_space<hbm>> -> memref<1x1x2x128xi32, #tpu.memory_space<hbm>>
      %dma_start3A_47 = tpu.memref_squeeze %dma_start3A_46 : memref<1x1x2x128xi32, #tpu.memory_space<hbm>> -> memref<2x128xi32, #tpu.memory_space<hbm>>
      %dma_start3A_48 = arith.constant 0 : i32
      %dma_start3A_49 = arith.constant 0 : i32
      %dma_start3A_50 = tpu.memref_slice %arg2[%arg1, %dma_start3A_43, %dma_start3A_48, %dma_start3A_49] : memref<16x157x2x128xi32, #tpu.memory_space<hbm>> -> memref<1x1x2x128xi32, #tpu.memory_space<hbm>>
      %dma_start3A_51 = tpu.memref_squeeze %dma_start3A_50 : memref<1x1x2x128xi32, #tpu.memory_space<hbm>> -> memref<2x128xi32, #tpu.memory_space<hbm>>
      tpu.enqueue_dma source(%dma_start3A_51 : memref<2x128xi32, #tpu.memory_space<hbm>>) target(%arg10 : memref<2x128xi32, #tpu.memory_space<vmem>>) target_semaphore(%arg24 : memref<!tpu.dma_semaphore, #tpu.memory_space<semaphore_mem>>)
      %dma_start3A_52 = arith.constant 2 : i32
      %dma_start3A_53 = arith.constant 0 : i32
      %dma_start3A_54 = arith.constant 0 : i32
      %dma_start3A_55 = tpu.memref_slice %arg2[%arg1, %dma_start3A_52, %dma_start3A_53, %dma_start3A_54] : memref<16x157x2x128xi32, #tpu.memory_space<hbm>> -> memref<1x1x2x128xi32, #tpu.memory_space<hbm>>
      %dma_start3A_56 = tpu.memref_squeeze %dma_start3A_55 : memref<1x1x2x128xi32, #tpu.memory_space<hbm>> -> memref<2x128xi32, #tpu.memory_space<hbm>>
      %dma_start3A_57 = arith.constant 0 : i32
      %dma_start3A_58 = arith.constant 0 : i32
      %dma_start3A_59 = tpu.memref_slice %arg2[%arg1, %dma_start3A_52, %dma_start3A_57, %dma_start3A_58] : memref<16x157x2x128xi32, #tpu.memory_space<hbm>> -> memref<1x1x2x128xi32, #tpu.memory_space<hbm>>
      %dma_start3A_60 = tpu.memref_squeeze %dma_start3A_59 : memref<1x1x2x128xi32, #tpu.memory_space<hbm>> -> memref<2x128xi32, #tpu.memory_space<hbm>>
      tpu.enqueue_dma source(%dma_start3A_60 : memref<2x128xi32, #tpu.memory_space<hbm>>) target(%arg11 : memref<2x128xi32, #tpu.memory_space<vmem>>) target_semaphore(%arg25 : memref<!tpu.dma_semaphore, #tpu.memory_space<semaphore_mem>>)
      %dma_wait3A = arith.constant 0 : i32
      %dma_wait3A_61 = arith.constant 0 : i32
      %dma_wait3A_62 = arith.constant 0 : i32
      %dma_wait3A_63 = tpu.memref_slice %arg2[%arg1, %dma_wait3A, %dma_wait3A_61, %dma_wait3A_62] : memref<16x157x2x128xi32, #tpu.memory_space<hbm>> -> memref<1x1x2x128xi32, #tpu.memory_space<hbm>>
      %dma_wait3A_64 = tpu.memref_squeeze %dma_wait3A_63 : memref<1x1x2x128xi32, #tpu.memory_space<hbm>> -> memref<2x128xi32, #tpu.memory_space<hbm>>
      %dma_wait3A_65 = arith.constant 0 : i32
      %dma_wait3A_66 = arith.constant 0 : i32
      %dma_wait3A_67 = tpu.memref_slice %arg2[%arg1, %dma_wait3A, %dma_wait3A_65, %dma_wait3A_66] : memref<16x157x2x128xi32, #tpu.memory_space<hbm>> -> memref<1x1x2x128xi32, #tpu.memory_space<hbm>>
      %dma_wait3A_68 = tpu.memref_squeeze %dma_wait3A_67 : memref<1x1x2x128xi32, #tpu.memory_space<hbm>> -> memref<2x128xi32, #tpu.memory_space<hbm>>
      tpu.wait_dma2 semaphore(%arg23 : memref<!tpu.dma_semaphore, #tpu.memory_space<semaphore_mem>>) src(%dma_wait3A_68 : memref<2x128xi32, #tpu.memory_space<hbm>>) dst(%arg9 : memref<2x128xi32, #tpu.memory_space<vmem>>)
      %dma_start3A_69 = arith.constant 0 : i32
      %dma_start3A_70 = arith.constant 0 : i32
      %dma_start3A_71 = tpu.memref_slice %arg9[%dma_start3A_69, %dma_start3A_70] : memref<2x128xi32, #tpu.memory_space<vmem>> -> memref<1x128xi32, #tpu.memory_space<vmem>>
      %dma_start3A_72 = tpu.memref_squeeze %dma_start3A_71 : memref<1x128xi32, #tpu.memory_space<vmem>> -> memref<128xi32, #tpu.memory_space<vmem>>
      %dma_start3A_73 = arith.constant 0 : i32
      %dma_start3A_74 = arith.constant 0 : i32
      %dma_start3A_75 = tpu.memref_slice %arg6[%arg0, %dma_start3A_73, %dma_start3A_74] : memref<2x10240x64xf32, #tpu.memory_space<hbm>> -> memref<1x10240x64xf32, #tpu.memory_space<hbm>>
      %dma_start3A_76 = tpu.memref_squeeze %dma_start3A_75 : memref<1x10240x64xf32, #tpu.memory_space<hbm>> -> memref<10240x64xf32, #tpu.memory_space<hbm>>
      %dma_start3A_77 = arith.constant 0 : i32
      %dma_start3A_78 = arith.constant 0 : i32
      %dma_start3A_79 = tpu.memref_slice %dma_start3A_76[%dma_start3A_77, %dma_start3A_78] : memref<10240x64xf32, #tpu.memory_space<hbm>> -> memref<10240x64xf32, #tpu.memory_space<hbm>>
      tpu.enqueue_indirect_dma source(%dma_start3A_79 : memref<10240x64xf32, #tpu.memory_space<hbm>>) target(%arg15 : memref<128x64xf32, #tpu.memory_space<vmem>>) offsets(%dma_start3A_72 : memref<128xi32, #tpu.memory_space<vmem>>) semaphore(%arg29 : memref<!tpu.dma_semaphore, #tpu.memory_space<semaphore_mem>>)
      %dma_wait3A_80 = arith.constant 1 : i32
      %dma_wait3A_81 = arith.constant 0 : i32
      %dma_wait3A_82 = arith.constant 0 : i32
      %dma_wait3A_83 = tpu.memref_slice %arg2[%arg1, %dma_wait3A_80, %dma_wait3A_81, %dma_wait3A_82] : memref<16x157x2x128xi32, #tpu.memory_space<hbm>> -> memref<1x1x2x128xi32, #tpu.memory_space<hbm>>
      %dma_wait3A_84 = tpu.memref_squeeze %dma_wait3A_83 : memref<1x1x2x128xi32, #tpu.memory_space<hbm>> -> memref<2x128xi32, #tpu.memory_space<hbm>>
      %dma_wait3A_85 = arith.constant 0 : i32
      %dma_wait3A_86 = arith.constant 0 : i32
      %dma_wait3A_87 = tpu.memref_slice %arg2[%arg1, %dma_wait3A_80, %dma_wait3A_85, %dma_wait3A_86] : memref<16x157x2x128xi32, #tpu.memory_space<hbm>> -> memref<1x1x2x128xi32, #tpu.memory_space<hbm>>
      %dma_wait3A_88 = tpu.memref_squeeze %dma_wait3A_87 : memref<1x1x2x128xi32, #tpu.memory_space<hbm>> -> memref<2x128xi32, #tpu.memory_space<hbm>>
      tpu.wait_dma2 semaphore(%arg24 : memref<!tpu.dma_semaphore, #tpu.memory_space<semaphore_mem>>) src(%dma_wait3A_88 : memref<2x128xi32, #tpu.memory_space<hbm>>) dst(%arg10 : memref<2x128xi32, #tpu.memory_space<vmem>>)
      %dma_start3A_89 = arith.constant 0 : i32
      %dma_start3A_90 = arith.constant 0 : i32
      %dma_start3A_91 = tpu.memref_slice %arg10[%dma_start3A_89, %dma_start3A_90] : memref<2x128xi32, #tpu.memory_space<vmem>> -> memref<1x128xi32, #tpu.memory_space<vmem>>
      %dma_start3A_92 = tpu.memref_squeeze %dma_start3A_91 : memref<1x128xi32, #tpu.memory_space<vmem>> -> memref<128xi32, #tpu.memory_space<vmem>>
      %dma_start3A_93 = arith.constant 0 : i32
      %dma_start3A_94 = arith.constant 0 : i32
      %dma_start3A_95 = tpu.memref_slice %arg6[%arg0, %dma_start3A_93, %dma_start3A_94] : memref<2x10240x64xf32, #tpu.memory_space<hbm>> -> memref<1x10240x64xf32, #tpu.memory_space<hbm>>
      %dma_start3A_96 = tpu.memref_squeeze %dma_start3A_95 : memref<1x10240x64xf32, #tpu.memory_space<hbm>> -> memref<10240x64xf32, #tpu.memory_space<hbm>>
      %dma_start3A_97 = arith.constant 0 : i32
      %dma_start3A_98 = arith.constant 0 : i32
      %dma_start3A_99 = tpu.memref_slice %dma_start3A_96[%dma_start3A_97, %dma_start3A_98] : memref<10240x64xf32, #tpu.memory_space<hbm>> -> memref<10240x64xf32, #tpu.memory_space<hbm>>
      tpu.enqueue_indirect_dma source(%dma_start3A_99 : memref<10240x64xf32, #tpu.memory_space<hbm>>) target(%arg16 : memref<128x64xf32, #tpu.memory_space<vmem>>) offsets(%dma_start3A_92 : memref<128xi32, #tpu.memory_space<vmem>>) semaphore(%arg30 : memref<!tpu.dma_semaphore, #tpu.memory_space<semaphore_mem>>)
      %scan3A_100 = arith.constant 0 : i32
      %scan3A_101 = arith.constant 14 : i32
      %scan3A_102 = arith.addi %scan3A_100, %scan3A_101 : i32
      %scan3A_103 = arith.constant 1 : i32
      scf.for %scan3A_302 = %scan3A_100 to %scan3A_102 step %scan3A_103  : i32 {
        %mul3A_303 = arith.constant 12 : i32
        %mul3A_304 = arith.muli %scan3A_302, %mul3A_303 : i32
        %add3A_305 = arith.constant 0 : i32
        %add3A_306 = arith.addi %add3A_305, %mul3A_304 : i32
        %add3A_307 = arith.constant 0 : i32
        %add3A_308 = arith.addi %add3A_306, %add3A_307 : i32
        %add3A_309 = arith.constant 3 : i32
        %add3A_310 = arith.addi %add3A_308, %add3A_309 : i32
        %lt3A = arith.constant 157 : i32
        %lt3A_311 = arith.cmpi slt, %add3A_310, %lt3A : i32
        %convert_element_type3A_312 = arith.extui %lt3A_311 : i1 to i32
        %cond3A_313 = arith.constant 0 : i32
        %cond3A_314 = arith.cmpi ne, %convert_element_type3A_312, %cond3A_313 : i32
        scf.if %cond3A_314 {
          %add3A_652 = arith.constant 3 : i32
          %add3A_653 = arith.addi %add3A_308, %add3A_652 : i32
          %dma_start3A_654 = arith.constant 0 : i32
          %dma_start3A_655 = arith.constant 0 : i32
          %dma_start3A_656 = tpu.memref_slice %arg2[%arg1, %add3A_653, %dma_start3A_654, %dma_start3A_655] : memref<16x157x2x128xi32, #tpu.memory_space<hbm>> -> memref<1x1x2x128xi32, #tpu.memory_space<hbm>>
          %dma_start3A_657 = tpu.memref_squeeze %dma_start3A_656 : memref<1x1x2x128xi32, #tpu.memory_space<hbm>> -> memref<2x128xi32, #tpu.memory_space<hbm>>
          %dma_start3A_658 = arith.constant 0 : i32
          %dma_start3A_659 = arith.constant 0 : i32
          %dma_start3A_660 = tpu.memref_slice %arg2[%arg1, %add3A_653, %dma_start3A_658, %dma_start3A_659] : memref<16x157x2x128xi32, #tpu.memory_space<hbm>> -> memref<1x1x2x128xi32, #tpu.memory_space<hbm>>
          %dma_start3A_661 = tpu.memref_squeeze %dma_start3A_660 : memref<1x1x2x128xi32, #tpu.memory_space<hbm>> -> memref<2x128xi32, #tpu.memory_space<hbm>>
          tpu.enqueue_dma source(%dma_start3A_661 : memref<2x128xi32, #tpu.memory_space<hbm>>) target(%arg12 : memref<2x128xi32, #tpu.memory_space<vmem>>) target_semaphore(%arg26 : memref<!tpu.dma_semaphore, #tpu.memory_space<semaphore_mem>>)
        } else {
        }
        %ge3A = arith.constant 2 : i32
        %ge3A_315 = arith.cmpi sge, %add3A_308, %ge3A : i32
        %lt3A_316 = arith.constant 159 : i32
        %lt3A_317 = arith.cmpi slt, %add3A_308, %lt3A_316 : i32
        %and3A = arith.andi %ge3A_315, %lt3A_317 : i1
        %convert_element_type3A_318 = arith.extui %and3A : i1 to i32
        %cond3A_319 = arith.constant 0 : i32
        %cond3A_320 = arith.cmpi ne, %convert_element_type3A_318, %cond3A_319 : i32
        scf.if %cond3A_320 {
          %dma_wait3A_652 = arith.constant 1 : i32
          %dma_wait3A_653 = arith.constant 0 : i32
          %dma_wait3A_654 = tpu.memref_slice %arg13[%dma_wait3A_652, %dma_wait3A_653] : memref<2x128xi32, #tpu.memory_space<vmem>> -> memref<1x128xi32, #tpu.memory_space<vmem>>
          %dma_wait3A_655 = tpu.memref_squeeze %dma_wait3A_654 : memref<1x128xi32, #tpu.memory_space<vmem>> -> memref<128xi32, #tpu.memory_space<vmem>>
          %dma_wait3A_656 = arith.constant 0 : i32
          %dma_wait3A_657 = arith.constant 0 : i32
          %dma_wait3A_658 = tpu.memref_slice %arg8[%dma_wait3A_656, %dma_wait3A_657] : memref<10256x64xf32, #tpu.memory_space<vmem_shared>> -> memref<10256x64xf32, #tpu.memory_space<vmem_shared>>
          tpu.wait_indirect_dma semaphore(%arg35 : memref<!tpu.dma_semaphore, #tpu.memory_space<semaphore_mem>>) src(%arg17 : memref<128x64xf32, #tpu.memory_space<vmem>>) dst(%dma_wait3A_658 : memref<10256x64xf32, #tpu.memory_space<vmem_shared>>)
        } else {
        }
        %add3A_321 = arith.constant 2 : i32
        %add3A_322 = arith.addi %add3A_308, %add3A_321 : i32
        %lt3A_323 = arith.constant 157 : i32
        %lt3A_324 = arith.cmpi slt, %add3A_322, %lt3A_323 : i32
        %convert_element_type3A_325 = arith.extui %lt3A_324 : i1 to i32
        %cond3A_326 = arith.constant 0 : i32
        %cond3A_327 = arith.cmpi ne, %convert_element_type3A_325, %cond3A_326 : i32
        scf.if %cond3A_327 {
          %add3A_652 = arith.constant 2 : i32
          %add3A_653 = arith.addi %add3A_308, %add3A_652 : i32
          %dma_wait3A_654 = arith.constant 0 : i32
          %dma_wait3A_655 = arith.constant 0 : i32
          %dma_wait3A_656 = tpu.memref_slice %arg2[%arg1, %add3A_653, %dma_wait3A_654, %dma_wait3A_655] : memref<16x157x2x128xi32, #tpu.memory_space<hbm>> -> memref<1x1x2x128xi32, #tpu.memory_space<hbm>>
          %dma_wait3A_657 = tpu.memref_squeeze %dma_wait3A_656 : memref<1x1x2x128xi32, #tpu.memory_space<hbm>> -> memref<2x128xi32, #tpu.memory_space<hbm>>
          %dma_wait3A_658 = arith.constant 0 : i32
          %dma_wait3A_659 = arith.constant 0 : i32
          %dma_wait3A_660 = tpu.memref_slice %arg2[%arg1, %add3A_653, %dma_wait3A_658, %dma_wait3A_659] : memref<16x157x2x128xi32, #tpu.memory_space<hbm>> -> memref<1x1x2x128xi32, #tpu.memory_space<hbm>>
          %dma_wait3A_661 = tpu.memref_squeeze %dma_wait3A_660 : memref<1x1x2x128xi32, #tpu.memory_space<hbm>> -> memref<2x128xi32, #tpu.memory_space<hbm>>
          tpu.wait_dma2 semaphore(%arg25 : memref<!tpu.dma_semaphore, #tpu.memory_space<semaphore_mem>>) src(%dma_wait3A_661 : memref<2x128xi32, #tpu.memory_space<hbm>>) dst(%arg11 : memref<2x128xi32, #tpu.memory_space<vmem>>)
          %dma_start3A_662 = arith.constant 0 : i32
          %dma_start3A_663 = arith.constant 0 : i32
          %dma_start3A_664 = tpu.memref_slice %arg11[%dma_start3A_662, %dma_start3A_663] : memref<2x128xi32, #tpu.memory_space<vmem>> -> memref<1x128xi32, #tpu.memory_space<vmem>>
          %dma_start3A_665 = tpu.memref_squeeze %dma_start3A_664 : memref<1x128xi32, #tpu.memory_space<vmem>> -> memref<128xi32, #tpu.memory_space<vmem>>
          %dma_start3A_666 = arith.constant 0 : i32
          %dma_start3A_667 = arith.constant 0 : i32
          %dma_start3A_668 = tpu.memref_slice %arg6[%arg0, %dma_start3A_666, %dma_start3A_667] : memref<2x10240x64xf32, #tpu.memory_space<hbm>> -> memref<1x10240x64xf32, #tpu.memory_space<hbm>>
          %dma_start3A_669 = tpu.memref_squeeze %dma_start3A_668 : memref<1x10240x64xf32, #tpu.memory_space<hbm>> -> memref<10240x64xf32, #tpu.memory_space<hbm>>
          %dma_start3A_670 = arith.constant 0 : i32
          %dma_start3A_671 = arith.constant 0 : i32
          %dma_start3A_672 = tpu.memref_slice %dma_start3A_669[%dma_start3A_670, %dma_start3A_671] : memref<10240x64xf32, #tpu.memory_space<hbm>> -> memref<10240x64xf32, #tpu.memory_space<hbm>>
          tpu.enqueue_indirect_dma source(%dma_start3A_672 : memref<10240x64xf32, #tpu.memory_space<hbm>>) target(%arg17 : memref<128x64xf32, #tpu.memory_space<vmem>>) offsets(%dma_start3A_665 : memref<128xi32, #tpu.memory_space<vmem>>) semaphore(%arg31 : memref<!tpu.dma_semaphore, #tpu.memory_space<semaphore_mem>>)
        } else {
        }
        %lt3A_328 = arith.constant 157 : i32
        %lt3A_329 = arith.cmpi slt, %add3A_308, %lt3A_328 : i32
        %convert_element_type3A_330 = arith.extui %lt3A_329 : i1 to i32
        %cond3A_331 = arith.constant 0 : i32
        %cond3A_332 = arith.cmpi ne, %convert_element_type3A_330, %cond3A_331 : i32
        scf.if %cond3A_332 {
          %dma_wait3A_652 = arith.constant 0 : i32
          %dma_wait3A_653 = arith.constant 0 : i32
          %dma_wait3A_654 = tpu.memref_slice %arg9[%dma_wait3A_652, %dma_wait3A_653] : memref<2x128xi32, #tpu.memory_space<vmem>> -> memref<1x128xi32, #tpu.memory_space<vmem>>
          %dma_wait3A_655 = tpu.memref_squeeze %dma_wait3A_654 : memref<1x128xi32, #tpu.memory_space<vmem>> -> memref<128xi32, #tpu.memory_space<vmem>>
          %dma_wait3A_656 = arith.constant 0 : i32
          %dma_wait3A_657 = arith.constant 0 : i32
          %dma_wait3A_658 = tpu.memref_slice %arg6[%arg0, %dma_wait3A_656, %dma_wait3A_657] : memref<2x10240x64xf32, #tpu.memory_space<hbm>> -> memref<1x10240x64xf32, #tpu.memory_space<hbm>>
          %dma_wait3A_659 = tpu.memref_squeeze %dma_wait3A_658 : memref<1x10240x64xf32, #tpu.memory_space<hbm>> -> memref<10240x64xf32, #tpu.memory_space<hbm>>
          %dma_wait3A_660 = arith.constant 0 : i32
          %dma_wait3A_661 = arith.constant 0 : i32
          %dma_wait3A_662 = tpu.memref_slice %dma_wait3A_659[%dma_wait3A_660, %dma_wait3A_661] : memref<10240x64xf32, #tpu.memory_space<hbm>> -> memref<10240x64xf32, #tpu.memory_space<hbm>>
          tpu.wait_indirect_dma semaphore(%arg29 : memref<!tpu.dma_semaphore, #tpu.memory_space<semaphore_mem>>) src(%dma_wait3A_662 : memref<10240x64xf32, #tpu.memory_space<hbm>>) dst(%arg15 : memref<128x64xf32, #tpu.memory_space<vmem>>)
          %dma_start3A_663 = arith.constant 1 : i32
          %dma_start3A_664 = arith.constant 0 : i32
          %dma_start3A_665 = tpu.memref_slice %arg9[%dma_start3A_663, %dma_start3A_664] : memref<2x128xi32, #tpu.memory_space<vmem>> -> memref<1x128xi32, #tpu.memory_space<vmem>>
          %dma_start3A_666 = tpu.memref_squeeze %dma_start3A_665 : memref<1x128xi32, #tpu.memory_space<vmem>> -> memref<128xi32, #tpu.memory_space<vmem>>
          %dma_start3A_667 = arith.constant 0 : i32
          %dma_start3A_668 = arith.constant 0 : i32
          %dma_start3A_669 = tpu.memref_slice %arg8[%dma_start3A_667, %dma_start3A_668] : memref<10256x64xf32, #tpu.memory_space<vmem_shared>> -> memref<10256x64xf32, #tpu.memory_space<vmem_shared>>
          tpu.enqueue_indirect_dma source(%arg15 : memref<128x64xf32, #tpu.memory_space<vmem>>) target(%dma_start3A_669 : memref<10256x64xf32, #tpu.memory_space<vmem_shared>>) offsets(%dma_start3A_666 : memref<128xi32, #tpu.memory_space<vmem>>) semaphore(%arg33 : memref<!tpu.dma_semaphore, #tpu.memory_space<semaphore_mem>>) {add = true}
        } else {
        }
        %add3A_333 = arith.constant 1 : i32
        %add3A_334 = arith.addi %add3A_306, %add3A_333 : i32
        %add3A_335 = arith.constant 3 : i32
        %add3A_336 = arith.addi %add3A_334, %add3A_335 : i32
        %lt3A_337 = arith.constant 157 : i32
        %lt3A_338 = arith.cmpi slt, %add3A_336, %lt3A_337 : i32
        %convert_element_type3A_339 = arith.extui %lt3A_338 : i1 to i32
        %cond3A_340 = arith.constant 0 : i32
        %cond3A_341 = arith.cmpi ne, %convert_element_type3A_339, %cond3A_340 : i32
        scf.if %cond3A_341 {
          %add3A_652 = arith.constant 3 : i32
          %add3A_653 = arith.addi %add3A_334, %add3A_652 : i32
          %dma_start3A_654 = arith.constant 0 : i32
          %dma_start3A_655 = arith.constant 0 : i32
          %dma_start3A_656 = tpu.memref_slice %arg2[%arg1, %add3A_653, %dma_start3A_654, %dma_start3A_655] : memref<16x157x2x128xi32, #tpu.memory_space<hbm>> -> memref<1x1x2x128xi32, #tpu.memory_space<hbm>>
          %dma_start3A_657 = tpu.memref_squeeze %dma_start3A_656 : memref<1x1x2x128xi32, #tpu.memory_space<hbm>> -> memref<2x128xi32, #tpu.memory_space<hbm>>
          %dma_start3A_658 = arith.constant 0 : i32
          %dma_start3A_659 = arith.constant 0 : i32
          %dma_start3A_660 = tpu.memref_slice %arg2[%arg1, %add3A_653, %dma_start3A_658, %dma_start3A_659] : memref<16x157x2x128xi32, #tpu.memory_space<hbm>> -> memref<1x1x2x128xi32, #tpu.memory_space<hbm>>
          %dma_start3A_661 = tpu.memref_squeeze %dma_start3A_660 : memref<1x1x2x128xi32, #tpu.memory_space<hbm>> -> memref<2x128xi32, #tpu.memory_space<hbm>>
          tpu.enqueue_dma source(%dma_start3A_661 : memref<2x128xi32, #tpu.memory_space<hbm>>) target(%arg13 : memref<2x128xi32, #tpu.memory_space<vmem>>) target_semaphore(%arg27 : memref<!tpu.dma_semaphore, #tpu.memory_space<semaphore_mem>>)
        } else {
        }
        %ge3A_342 = arith.constant 2 : i32
        %ge3A_343 = arith.cmpi sge, %add3A_334, %ge3A_342 : i32
        %lt3A_344 = arith.constant 159 : i32
        %lt3A_345 = arith.cmpi slt, %add3A_334, %lt3A_344 : i32
        %and3A_346 = arith.andi %ge3A_343, %lt3A_345 : i1
        %convert_element_type3A_347 = arith.extui %and3A_346 : i1 to i32
        %cond3A_348 = arith.constant 0 : i32
        %cond3A_349 = arith.cmpi ne, %convert_element_type3A_347, %cond3A_348 : i32
        scf.if %cond3A_349 {
          %dma_wait3A_652 = arith.constant 1 : i32
          %dma_wait3A_653 = arith.constant 0 : i32
          %dma_wait3A_654 = tpu.memref_slice %arg14[%dma_wait3A_652, %dma_wait3A_653] : memref<2x128xi32, #tpu.memory_space<vmem>> -> memref<1x128xi32, #tpu.memory_space<vmem>>
          %dma_wait3A_655 = tpu.memref_squeeze %dma_wait3A_654 : memref<1x128xi32, #tpu.memory_space<vmem>> -> memref<128xi32, #tpu.memory_space<vmem>>
          %dma_wait3A_656 = arith.constant 0 : i32
          %dma_wait3A_657 = arith.constant 0 : i32
          %dma_wait3A_658 = tpu.memref_slice %arg8[%dma_wait3A_656, %dma_wait3A_657] : memref<10256x64xf32, #tpu.memory_space<vmem_shared>> -> memref<10256x64xf32, #tpu.memory_space<vmem_shared>>
          tpu.wait_indirect_dma semaphore(%arg36 : memref<!tpu.dma_semaphore, #tpu.memory_space<semaphore_mem>>) src(%arg18 : memref<128x64xf32, #tpu.memory_space<vmem>>) dst(%dma_wait3A_658 : memref<10256x64xf32, #tpu.memory_space<vmem_shared>>)
        } else {
        }
        %add3A_350 = arith.constant 2 : i32
        %add3A_351 = arith.addi %add3A_334, %add3A_350 : i32
        %lt3A_352 = arith.constant 157 : i32
        %lt3A_353 = arith.cmpi slt, %add3A_351, %lt3A_352 : i32
        %convert_element_type3A_354 = arith.extui %lt3A_353 : i1 to i32
        %cond3A_355 = arith.constant 0 : i32
        %cond3A_356 = arith.cmpi ne, %convert_element_type3A_354, %cond3A_355 : i32
        scf.if %cond3A_356 {
          %add3A_652 = arith.constant 2 : i32
          %add3A_653 = arith.addi %add3A_334, %add3A_652 : i32
          %dma_wait3A_654 = arith.constant 0 : i32
          %dma_wait3A_655 = arith.constant 0 : i32
          %dma_wait3A_656 = tpu.memref_slice %arg2[%arg1, %add3A_653, %dma_wait3A_654, %dma_wait3A_655] : memref<16x157x2x128xi32, #tpu.memory_space<hbm>> -> memref<1x1x2x128xi32, #tpu.memory_space<hbm>>
          %dma_wait3A_657 = tpu.memref_squeeze %dma_wait3A_656 : memref<1x1x2x128xi32, #tpu.memory_space<hbm>> -> memref<2x128xi32, #tpu.memory_space<hbm>>
          %dma_wait3A_658 = arith.constant 0 : i32
          %dma_wait3A_659 = arith.constant 0 : i32
          %dma_wait3A_660 = tpu.memref_slice %arg2[%arg1, %add3A_653, %dma_wait3A_658, %dma_wait3A_659] : memref<16x157x2x128xi32, #tpu.memory_space<hbm>> -> memref<1x1x2x128xi32, #tpu.memory_space<hbm>>
          %dma_wait3A_661 = tpu.memref_squeeze %dma_wait3A_660 : memref<1x1x2x128xi32, #tpu.memory_space<hbm>> -> memref<2x128xi32, #tpu.memory_space<hbm>>
          tpu.wait_dma2 semaphore(%arg26 : memref<!tpu.dma_semaphore, #tpu.memory_space<semaphore_mem>>) src(%dma_wait3A_661 : memref<2x128xi32, #tpu.memory_space<hbm>>) dst(%arg12 : memref<2x128xi32, #tpu.memory_space<vmem>>)
          %dma_start3A_662 = arith.constant 0 : i32
          %dma_start3A_663 = arith.constant 0 : i32
          %dma_start3A_664 = tpu.memref_slice %arg12[%dma_start3A_662, %dma_start3A_663] : memref<2x128xi32, #tpu.memory_space<vmem>> -> memref<1x128xi32, #tpu.memory_space<vmem>>
          %dma_start3A_665 = tpu.memref_squeeze %dma_start3A_664 : memref<1x128xi32, #tpu.memory_space<vmem>> -> memref<128xi32, #tpu.memory_space<vmem>>
          %dma_start3A_666 = arith.constant 0 : i32
          %dma_start3A_667 = arith.constant 0 : i32
          %dma_start3A_668 = tpu.memref_slice %arg6[%arg0, %dma_start3A_666, %dma_start3A_667] : memref<2x10240x64xf32, #tpu.memory_space<hbm>> -> memref<1x10240x64xf32, #tpu.memory_space<hbm>>
          %dma_start3A_669 = tpu.memref_squeeze %dma_start3A_668 : memref<1x10240x64xf32, #tpu.memory_space<hbm>> -> memref<10240x64xf32, #tpu.memory_space<hbm>>
          %dma_start3A_670 = arith.constant 0 : i32
          %dma_start3A_671 = arith.constant 0 : i32
          %dma_start3A_672 = tpu.memref_slice %dma_start3A_669[%dma_start3A_670, %dma_start3A_671] : memref<10240x64xf32, #tpu.memory_space<hbm>> -> memref<10240x64xf32, #tpu.memory_space<hbm>>
          tpu.enqueue_indirect_dma source(%dma_start3A_672 : memref<10240x64xf32, #tpu.memory_space<hbm>>) target(%arg18 : memref<128x64xf32, #tpu.memory_space<vmem>>) offsets(%dma_start3A_665 : memref<128xi32, #tpu.memory_space<vmem>>) semaphore(%arg32 : memref<!tpu.dma_semaphore, #tpu.memory_space<semaphore_mem>>)
        } else {
        }
        %lt3A_357 = arith.constant 157 : i32
        %lt3A_358 = arith.cmpi slt, %add3A_334, %lt3A_357 : i32
        %convert_element_type3A_359 = arith.extui %lt3A_358 : i1 to i32
        %cond3A_360 = arith.constant 0 : i32
        %cond3A_361 = arith.cmpi ne, %convert_element_type3A_359, %cond3A_360 : i32
        scf.if %cond3A_361 {
          %dma_wait3A_652 = arith.constant 0 : i32
          %dma_wait3A_653 = arith.constant 0 : i32
          %dma_wait3A_654 = tpu.memref_slice %arg10[%dma_wait3A_652, %dma_wait3A_653] : memref<2x128xi32, #tpu.memory_space<vmem>> -> memref<1x128xi32, #tpu.memory_space<vmem>>
          %dma_wait3A_655 = tpu.memref_squeeze %dma_wait3A_654 : memref<1x128xi32, #tpu.memory_space<vmem>> -> memref<128xi32, #tpu.memory_space<vmem>>
          %dma_wait3A_656 = arith.constant 0 : i32
          %dma_wait3A_657 = arith.constant 0 : i32
          %dma_wait3A_658 = tpu.memref_slice %arg6[%arg0, %dma_wait3A_656, %dma_wait3A_657] : memref<2x10240x64xf32, #tpu.memory_space<hbm>> -> memref<1x10240x64xf32, #tpu.memory_space<hbm>>
          %dma_wait3A_659 = tpu.memref_squeeze %dma_wait3A_658 : memref<1x10240x64xf32, #tpu.memory_space<hbm>> -> memref<10240x64xf32, #tpu.memory_space<hbm>>
          %dma_wait3A_660 = arith.constant 0 : i32
          %dma_wait3A_661 = arith.constant 0 : i32
          %dma_wait3A_662 = tpu.memref_slice %dma_wait3A_659[%dma_wait3A_660, %dma_wait3A_661] : memref<10240x64xf32, #tpu.memory_space<hbm>> -> memref<10240x64xf32, #tpu.memory_space<hbm>>
          tpu.wait_indirect_dma semaphore(%arg30 : memref<!tpu.dma_semaphore, #tpu.memory_space<semaphore_mem>>) src(%dma_wait3A_662 : memref<10240x64xf32, #tpu.memory_space<hbm>>) dst(%arg16 : memref<128x64xf32, #tpu.memory_space<vmem>>)
          %dma_start3A_663 = arith.constant 1 : i32
          %dma_start3A_664 = arith.constant 0 : i32
          %dma_start3A_665 = tpu.memref_slice %arg10[%dma_start3A_663, %dma_start3A_664] : memref<2x128xi32, #tpu.memory_space<vmem>> -> memref<1x128xi32, #tpu.memory_space<vmem>>
          %dma_start3A_666 = tpu.memref_squeeze %dma_start3A_665 : memref<1x128xi32, #tpu.memory_space<vmem>> -> memref<128xi32, #tpu.memory_space<vmem>>
          %dma_start3A_667 = arith.constant 0 : i32
          %dma_start3A_668 = arith.constant 0 : i32
          %dma_start3A_669 = tpu.memref_slice %arg8[%dma_start3A_667, %dma_start3A_668] : memref<10256x64xf32, #tpu.memory_space<vmem_shared>> -> memref<10256x64xf32, #tpu.memory_space<vmem_shared>>
          tpu.enqueue_indirect_dma source(%arg16 : memref<128x64xf32, #tpu.memory_space<vmem>>) target(%dma_start3A_669 : memref<10256x64xf32, #tpu.memory_space<vmem_shared>>) offsets(%dma_start3A_666 : memref<128xi32, #tpu.memory_space<vmem>>) semaphore(%arg34 : memref<!tpu.dma_semaphore, #tpu.memory_space<semaphore_mem>>) {add = true}
        } else {
        }
        %add3A_362 = arith.constant 2 : i32
        %add3A_363 = arith.addi %add3A_306, %add3A_362 : i32
        %add3A_364 = arith.constant 3 : i32
        %add3A_365 = arith.addi %add3A_363, %add3A_364 : i32
        %lt3A_366 = arith.constant 157 : i32
        %lt3A_367 = arith.cmpi slt, %add3A_365, %lt3A_366 : i32
        %convert_element_type3A_368 = arith.extui %lt3A_367 : i1 to i32
        %cond3A_369 = arith.constant 0 : i32
        %cond3A_370 = arith.cmpi ne, %convert_element_type3A_368, %cond3A_369 : i32
        scf.if %cond3A_370 {
          %add3A_652 = arith.constant 3 : i32
          %add3A_653 = arith.addi %add3A_363, %add3A_652 : i32
          %dma_start3A_654 = arith.constant 0 : i32
          %dma_start3A_655 = arith.constant 0 : i32
          %dma_start3A_656 = tpu.memref_slice %arg2[%arg1, %add3A_653, %dma_start3A_654, %dma_start3A_655] : memref<16x157x2x128xi32, #tpu.memory_space<hbm>> -> memref<1x1x2x128xi32, #tpu.memory_space<hbm>>
          %dma_start3A_657 = tpu.memref_squeeze %dma_start3A_656 : memref<1x1x2x128xi32, #tpu.memory_space<hbm>> -> memref<2x128xi32, #tpu.memory_space<hbm>>
          %dma_start3A_658 = arith.constant 0 : i32
          %dma_start3A_659 = arith.constant 0 : i32
          %dma_start3A_660 = tpu.memref_slice %arg2[%arg1, %add3A_653, %dma_start3A_658, %dma_start3A_659] : memref<16x157x2x128xi32, #tpu.memory_space<hbm>> -> memref<1x1x2x128xi32, #tpu.memory_space<hbm>>
          %dma_start3A_661 = tpu.memref_squeeze %dma_start3A_660 : memref<1x1x2x128xi32, #tpu.memory_space<hbm>> -> memref<2x128xi32, #tpu.memory_space<hbm>>
          tpu.enqueue_dma source(%dma_start3A_661 : memref<2x128xi32, #tpu.memory_space<hbm>>) target(%arg14 : memref<2x128xi32, #tpu.memory_space<vmem>>) target_semaphore(%arg28 : memref<!tpu.dma_semaphore, #tpu.memory_space<semaphore_mem>>)
        } else {
        }
        %ge3A_371 = arith.constant 2 : i32
        %ge3A_372 = arith.cmpi sge, %add3A_363, %ge3A_371 : i32
        %lt3A_373 = arith.constant 159 : i32
        %lt3A_374 = arith.cmpi slt, %add3A_363, %lt3A_373 : i32
        %and3A_375 = arith.andi %ge3A_372, %lt3A_374 : i1
        %convert_element_type3A_376 = arith.extui %and3A_375 : i1 to i32
        %cond3A_377 = arith.constant 0 : i32
        %cond3A_378 = arith.cmpi ne, %convert_element_type3A_376, %cond3A_377 : i32
        scf.if %cond3A_378 {
          %dma_wait3A_652 = arith.constant 1 : i32
          %dma_wait3A_653 = arith.constant 0 : i32
          %dma_wait3A_654 = tpu.memref_slice %arg9[%dma_wait3A_652, %dma_wait3A_653] : memref<2x128xi32, #tpu.memory_space<vmem>> -> memref<1x128xi32, #tpu.memory_space<vmem>>
          %dma_wait3A_655 = tpu.memref_squeeze %dma_wait3A_654 : memref<1x128xi32, #tpu.memory_space<vmem>> -> memref<128xi32, #tpu.memory_space<vmem>>
          %dma_wait3A_656 = arith.constant 0 : i32
          %dma_wait3A_657 = arith.constant 0 : i32
          %dma_wait3A_658 = tpu.memref_slice %arg8[%dma_wait3A_656, %dma_wait3A_657] : memref<10256x64xf32, #tpu.memory_space<vmem_shared>> -> memref<10256x64xf32, #tpu.memory_space<vmem_shared>>
          tpu.wait_indirect_dma semaphore(%arg33 : memref<!tpu.dma_semaphore, #tpu.memory_space<semaphore_mem>>) src(%arg15 : memref<128x64xf32, #tpu.memory_space<vmem>>) dst(%dma_wait3A_658 : memref<10256x64xf32, #tpu.memory_space<vmem_shared>>)
        } else {
        }
        %add3A_379 = arith.constant 2 : i32
        %add3A_380 = arith.addi %add3A_363, %add3A_379 : i32
        %lt3A_381 = arith.constant 157 : i32
        %lt3A_382 = arith.cmpi slt, %add3A_380, %lt3A_381 : i32
        %convert_element_type3A_383 = arith.extui %lt3A_382 : i1 to i32
        %cond3A_384 = arith.constant 0 : i32
        %cond3A_385 = arith.cmpi ne, %convert_element_type3A_383, %cond3A_384 : i32
        scf.if %cond3A_385 {
          %add3A_652 = arith.constant 2 : i32
          %add3A_653 = arith.addi %add3A_363, %add3A_652 : i32
          %dma_wait3A_654 = arith.constant 0 : i32
          %dma_wait3A_655 = arith.constant 0 : i32
          %dma_wait3A_656 = tpu.memref_slice %arg2[%arg1, %add3A_653, %dma_wait3A_654, %dma_wait3A_655] : memref<16x157x2x128xi32, #tpu.memory_space<hbm>> -> memref<1x1x2x128xi32, #tpu.memory_space<hbm>>
          %dma_wait3A_657 = tpu.memref_squeeze %dma_wait3A_656 : memref<1x1x2x128xi32, #tpu.memory_space<hbm>> -> memref<2x128xi32, #tpu.memory_space<hbm>>
          %dma_wait3A_658 = arith.constant 0 : i32
          %dma_wait3A_659 = arith.constant 0 : i32
          %dma_wait3A_660 = tpu.memref_slice %arg2[%arg1, %add3A_653, %dma_wait3A_658, %dma_wait3A_659] : memref<16x157x2x128xi32, #tpu.memory_space<hbm>> -> memref<1x1x2x128xi32, #tpu.memory_space<hbm>>
          %dma_wait3A_661 = tpu.memref_squeeze %dma_wait3A_660 : memref<1x1x2x128xi32, #tpu.memory_space<hbm>> -> memref<2x128xi32, #tpu.memory_space<hbm>>
          tpu.wait_dma2 semaphore(%arg27 : memref<!tpu.dma_semaphore, #tpu.memory_space<semaphore_mem>>) src(%dma_wait3A_661 : memref<2x128xi32, #tpu.memory_space<hbm>>) dst(%arg13 : memref<2x128xi32, #tpu.memory_space<vmem>>)
          %dma_start3A_662 = arith.constant 0 : i32
          %dma_start3A_663 = arith.constant 0 : i32
          %dma_start3A_664 = tpu.memref_slice %arg13[%dma_start3A_662, %dma_start3A_663] : memref<2x128xi32, #tpu.memory_space<vmem>> -> memref<1x128xi32, #tpu.memory_space<vmem>>
          %dma_start3A_665 = tpu.memref_squeeze %dma_start3A_664 : memref<1x128xi32, #tpu.memory_space<vmem>> -> memref<128xi32, #tpu.memory_space<vmem>>
          %dma_start3A_666 = arith.constant 0 : i32
          %dma_start3A_667 = arith.constant 0 : i32
          %dma_start3A_668 = tpu.memref_slice %arg6[%arg0, %dma_start3A_666, %dma_start3A_667] : memref<2x10240x64xf32, #tpu.memory_space<hbm>> -> memref<1x10240x64xf32, #tpu.memory_space<hbm>>
          %dma_start3A_669 = tpu.memref_squeeze %dma_start3A_668 : memref<1x10240x64xf32, #tpu.memory_space<hbm>> -> memref<10240x64xf32, #tpu.memory_space<hbm>>
          %dma_start3A_670 = arith.constant 0 : i32
          %dma_start3A_671 = arith.constant 0 : i32
          %dma_start3A_672 = tpu.memref_slice %dma_start3A_669[%dma_start3A_670, %dma_start3A_671] : memref<10240x64xf32, #tpu.memory_space<hbm>> -> memref<10240x64xf32, #tpu.memory_space<hbm>>
          tpu.enqueue_indirect_dma source(%dma_start3A_672 : memref<10240x64xf32, #tpu.memory_space<hbm>>) target(%arg15 : memref<128x64xf32, #tpu.memory_space<vmem>>) offsets(%dma_start3A_665 : memref<128xi32, #tpu.memory_space<vmem>>) semaphore(%arg29 : memref<!tpu.dma_semaphore, #tpu.memory_space<semaphore_mem>>)
        } else {
        }
        %lt3A_386 = arith.constant 157 : i32
        %lt3A_387 = arith.cmpi slt, %add3A_363, %lt3A_386 : i32
        %convert_element_type3A_388 = arith.extui %lt3A_387 : i1 to i32
        %cond3A_389 = arith.constant 0 : i32
        %cond3A_390 = arith.cmpi ne, %convert_element_type3A_388, %cond3A_389 : i32
        scf.if %cond3A_390 {
          %dma_wait3A_652 = arith.constant 0 : i32
          %dma_wait3A_653 = arith.constant 0 : i32
          %dma_wait3A_654 = tpu.memref_slice %arg11[%dma_wait3A_652, %dma_wait3A_653] : memref<2x128xi32, #tpu.memory_space<vmem>> -> memref<1x128xi32, #tpu.memory_space<vmem>>
          %dma_wait3A_655 = tpu.memref_squeeze %dma_wait3A_654 : memref<1x128xi32, #tpu.memory_space<vmem>> -> memref<128xi32, #tpu.memory_space<vmem>>
          %dma_wait3A_656 = arith.constant 0 : i32
          %dma_wait3A_657 = arith.constant 0 : i32
          %dma_wait3A_658 = tpu.memref_slice %arg6[%arg0, %dma_wait3A_656, %dma_wait3A_657] : memref<2x10240x64xf32, #tpu.memory_space<hbm>> -> memref<1x10240x64xf32, #tpu.memory_space<hbm>>
          %dma_wait3A_659 = tpu.memref_squeeze %dma_wait3A_658 : memref<1x10240x64xf32, #tpu.memory_space<hbm>> -> memref<10240x64xf32, #tpu.memory_space<hbm>>
          %dma_wait3A_660 = arith.constant 0 : i32
          %dma_wait3A_661 = arith.constant 0 : i32
          %dma_wait3A_662 = tpu.memref_slice %dma_wait3A_659[%dma_wait3A_660, %dma_wait3A_661] : memref<10240x64xf32, #tpu.memory_space<hbm>> -> memref<10240x64xf32, #tpu.memory_space<hbm>>
          tpu.wait_indirect_dma semaphore(%arg31 : memref<!tpu.dma_semaphore, #tpu.memory_space<semaphore_mem>>) src(%dma_wait3A_662 : memref<10240x64xf32, #tpu.memory_space<hbm>>) dst(%arg17 : memref<128x64xf32, #tpu.memory_space<vmem>>)
          %dma_start3A_663 = arith.constant 1 : i32
          %dma_start3A_664 = arith.constant 0 : i32
          %dma_start3A_665 = tpu.memref_slice %arg11[%dma_start3A_663, %dma_start3A_664] : memref<2x128xi32, #tpu.memory_space<vmem>> -> memref<1x128xi32, #tpu.memory_space<vmem>>
          %dma_start3A_666 = tpu.memref_squeeze %dma_start3A_665 : memref<1x128xi32, #tpu.memory_space<vmem>> -> memref<128xi32, #tpu.memory_space<vmem>>
          %dma_start3A_667 = arith.constant 0 : i32
          %dma_start3A_668 = arith.constant 0 : i32
          %dma_start3A_669 = tpu.memref_slice %arg8[%dma_start3A_667, %dma_start3A_668] : memref<10256x64xf32, #tpu.memory_space<vmem_shared>> -> memref<10256x64xf32, #tpu.memory_space<vmem_shared>>
          tpu.enqueue_indirect_dma source(%arg17 : memref<128x64xf32, #tpu.memory_space<vmem>>) target(%dma_start3A_669 : memref<10256x64xf32, #tpu.memory_space<vmem_shared>>) offsets(%dma_start3A_666 : memref<128xi32, #tpu.memory_space<vmem>>) semaphore(%arg35 : memref<!tpu.dma_semaphore, #tpu.memory_space<semaphore_mem>>) {add = true}
        } else {
        }
        %add3A_391 = arith.constant 3 : i32
        %add3A_392 = arith.addi %add3A_306, %add3A_391 : i32
        %add3A_393 = arith.constant 3 : i32
        %add3A_394 = arith.addi %add3A_392, %add3A_393 : i32
        %lt3A_395 = arith.constant 157 : i32
        %lt3A_396 = arith.cmpi slt, %add3A_394, %lt3A_395 : i32
        %convert_element_type3A_397 = arith.extui %lt3A_396 : i1 to i32
        %cond3A_398 = arith.constant 0 : i32
        %cond3A_399 = arith.cmpi ne, %convert_element_type3A_397, %cond3A_398 : i32
        scf.if %cond3A_399 {
          %add3A_652 = arith.constant 3 : i32
          %add3A_653 = arith.addi %add3A_392, %add3A_652 : i32
          %dma_start3A_654 = arith.constant 0 : i32
          %dma_start3A_655 = arith.constant 0 : i32
          %dma_start3A_656 = tpu.memref_slice %arg2[%arg1, %add3A_653, %dma_start3A_654, %dma_start3A_655] : memref<16x157x2x128xi32, #tpu.memory_space<hbm>> -> memref<1x1x2x128xi32, #tpu.memory_space<hbm>>
          %dma_start3A_657 = tpu.memref_squeeze %dma_start3A_656 : memref<1x1x2x128xi32, #tpu.memory_space<hbm>> -> memref<2x128xi32, #tpu.memory_space<hbm>>
          %dma_start3A_658 = arith.constant 0 : i32
          %dma_start3A_659 = arith.constant 0 : i32
          %dma_start3A_660 = tpu.memref_slice %arg2[%arg1, %add3A_653, %dma_start3A_658, %dma_start3A_659] : memref<16x157x2x128xi32, #tpu.memory_space<hbm>> -> memref<1x1x2x128xi32, #tpu.memory_space<hbm>>
          %dma_start3A_661 = tpu.memref_squeeze %dma_start3A_660 : memref<1x1x2x128xi32, #tpu.memory_space<hbm>> -> memref<2x128xi32, #tpu.memory_space<hbm>>
          tpu.enqueue_dma source(%dma_start3A_661 : memref<2x128xi32, #tpu.memory_space<hbm>>) target(%arg9 : memref<2x128xi32, #tpu.memory_space<vmem>>) target_semaphore(%arg23 : memref<!tpu.dma_semaphore, #tpu.memory_space<semaphore_mem>>)
        } else {
        }
        %ge3A_400 = arith.constant 2 : i32
        %ge3A_401 = arith.cmpi sge, %add3A_392, %ge3A_400 : i32
        %lt3A_402 = arith.constant 159 : i32
        %lt3A_403 = arith.cmpi slt, %add3A_392, %lt3A_402 : i32
        %and3A_404 = arith.andi %ge3A_401, %lt3A_403 : i1
        %convert_element_type3A_405 = arith.extui %and3A_404 : i1 to i32
        %cond3A_406 = arith.constant 0 : i32
        %cond3A_407 = arith.cmpi ne, %convert_element_type3A_405, %cond3A_406 : i32
        scf.if %cond3A_407 {
          %dma_wait3A_652 = arith.constant 1 : i32
          %dma_wait3A_653 = arith.constant 0 : i32
          %dma_wait3A_654 = tpu.memref_slice %arg10[%dma_wait3A_652, %dma_wait3A_653] : memref<2x128xi32, #tpu.memory_space<vmem>> -> memref<1x128xi32, #tpu.memory_space<vmem>>
          %dma_wait3A_655 = tpu.memref_squeeze %dma_wait3A_654 : memref<1x128xi32, #tpu.memory_space<vmem>> -> memref<128xi32, #tpu.memory_space<vmem>>
          %dma_wait3A_656 = arith.constant 0 : i32
          %dma_wait3A_657 = arith.constant 0 : i32
          %dma_wait3A_658 = tpu.memref_slice %arg8[%dma_wait3A_656, %dma_wait3A_657] : memref<10256x64xf32, #tpu.memory_space<vmem_shared>> -> memref<10256x64xf32, #tpu.memory_space<vmem_shared>>
          tpu.wait_indirect_dma semaphore(%arg34 : memref<!tpu.dma_semaphore, #tpu.memory_space<semaphore_mem>>) src(%arg16 : memref<128x64xf32, #tpu.memory_space<vmem>>) dst(%dma_wait3A_658 : memref<10256x64xf32, #tpu.memory_space<vmem_shared>>)
        } else {
        }
        %add3A_408 = arith.constant 2 : i32
        %add3A_409 = arith.addi %add3A_392, %add3A_408 : i32
        %lt3A_410 = arith.constant 157 : i32
        %lt3A_411 = arith.cmpi slt, %add3A_409, %lt3A_410 : i32
        %convert_element_type3A_412 = arith.extui %lt3A_411 : i1 to i32
        %cond3A_413 = arith.constant 0 : i32
        %cond3A_414 = arith.cmpi ne, %convert_element_type3A_412, %cond3A_413 : i32
        scf.if %cond3A_414 {
          %add3A_652 = arith.constant 2 : i32
          %add3A_653 = arith.addi %add3A_392, %add3A_652 : i32
          %dma_wait3A_654 = arith.constant 0 : i32
          %dma_wait3A_655 = arith.constant 0 : i32
          %dma_wait3A_656 = tpu.memref_slice %arg2[%arg1, %add3A_653, %dma_wait3A_654, %dma_wait3A_655] : memref<16x157x2x128xi32, #tpu.memory_space<hbm>> -> memref<1x1x2x128xi32, #tpu.memory_space<hbm>>
          %dma_wait3A_657 = tpu.memref_squeeze %dma_wait3A_656 : memref<1x1x2x128xi32, #tpu.memory_space<hbm>> -> memref<2x128xi32, #tpu.memory_space<hbm>>
          %dma_wait3A_658 = arith.constant 0 : i32
          %dma_wait3A_659 = arith.constant 0 : i32
          %dma_wait3A_660 = tpu.memref_slice %arg2[%arg1, %add3A_653, %dma_wait3A_658, %dma_wait3A_659] : memref<16x157x2x128xi32, #tpu.memory_space<hbm>> -> memref<1x1x2x128xi32, #tpu.memory_space<hbm>>
          %dma_wait3A_661 = tpu.memref_squeeze %dma_wait3A_660 : memref<1x1x2x128xi32, #tpu.memory_space<hbm>> -> memref<2x128xi32, #tpu.memory_space<hbm>>
          tpu.wait_dma2 semaphore(%arg28 : memref<!tpu.dma_semaphore, #tpu.memory_space<semaphore_mem>>) src(%dma_wait3A_661 : memref<2x128xi32, #tpu.memory_space<hbm>>) dst(%arg14 : memref<2x128xi32, #tpu.memory_space<vmem>>)
          %dma_start3A_662 = arith.constant 0 : i32
          %dma_start3A_663 = arith.constant 0 : i32
          %dma_start3A_664 = tpu.memref_slice %arg14[%dma_start3A_662, %dma_start3A_663] : memref<2x128xi32, #tpu.memory_space<vmem>> -> memref<1x128xi32, #tpu.memory_space<vmem>>
          %dma_start3A_665 = tpu.memref_squeeze %dma_start3A_664 : memref<1x128xi32, #tpu.memory_space<vmem>> -> memref<128xi32, #tpu.memory_space<vmem>>
          %dma_start3A_666 = arith.constant 0 : i32
          %dma_start3A_667 = arith.constant 0 : i32
          %dma_start3A_668 = tpu.memref_slice %arg6[%arg0, %dma_start3A_666, %dma_start3A_667] : memref<2x10240x64xf32, #tpu.memory_space<hbm>> -> memref<1x10240x64xf32, #tpu.memory_space<hbm>>
          %dma_start3A_669 = tpu.memref_squeeze %dma_start3A_668 : memref<1x10240x64xf32, #tpu.memory_space<hbm>> -> memref<10240x64xf32, #tpu.memory_space<hbm>>
          %dma_start3A_670 = arith.constant 0 : i32
          %dma_start3A_671 = arith.constant 0 : i32
          %dma_start3A_672 = tpu.memref_slice %dma_start3A_669[%dma_start3A_670, %dma_start3A_671] : memref<10240x64xf32, #tpu.memory_space<hbm>> -> memref<10240x64xf32, #tpu.memory_space<hbm>>
          tpu.enqueue_indirect_dma source(%dma_start3A_672 : memref<10240x64xf32, #tpu.memory_space<hbm>>) target(%arg16 : memref<128x64xf32, #tpu.memory_space<vmem>>) offsets(%dma_start3A_665 : memref<128xi32, #tpu.memory_space<vmem>>) semaphore(%arg30 : memref<!tpu.dma_semaphore, #tpu.memory_space<semaphore_mem>>)
        } else {
        }
        %lt3A_415 = arith.constant 157 : i32
        %lt3A_416 = arith.cmpi slt, %add3A_392, %lt3A_415 : i32
        %convert_element_type3A_417 = arith.extui %lt3A_416 : i1 to i32
        %cond3A_418 = arith.constant 0 : i32
        %cond3A_419 = arith.cmpi ne, %convert_element_type3A_417, %cond3A_418 : i32
        scf.if %cond3A_419 {
          %dma_wait3A_652 = arith.constant 0 : i32
          %dma_wait3A_653 = arith.constant 0 : i32
          %dma_wait3A_654 = tpu.memref_slice %arg12[%dma_wait3A_652, %dma_wait3A_653] : memref<2x128xi32, #tpu.memory_space<vmem>> -> memref<1x128xi32, #tpu.memory_space<vmem>>
          %dma_wait3A_655 = tpu.memref_squeeze %dma_wait3A_654 : memref<1x128xi32, #tpu.memory_space<vmem>> -> memref<128xi32, #tpu.memory_space<vmem>>
          %dma_wait3A_656 = arith.constant 0 : i32
          %dma_wait3A_657 = arith.constant 0 : i32
          %dma_wait3A_658 = tpu.memref_slice %arg6[%arg0, %dma_wait3A_656, %dma_wait3A_657] : memref<2x10240x64xf32, #tpu.memory_space<hbm>> -> memref<1x10240x64xf32, #tpu.memory_space<hbm>>
          %dma_wait3A_659 = tpu.memref_squeeze %dma_wait3A_658 : memref<1x10240x64xf32, #tpu.memory_space<hbm>> -> memref<10240x64xf32, #tpu.memory_space<hbm>>
          %dma_wait3A_660 = arith.constant 0 : i32
          %dma_wait3A_661 = arith.constant 0 : i32
          %dma_wait3A_662 = tpu.memref_slice %dma_wait3A_659[%dma_wait3A_660, %dma_wait3A_661] : memref<10240x64xf32, #tpu.memory_space<hbm>> -> memref<10240x64xf32, #tpu.memory_space<hbm>>
          tpu.wait_indirect_dma semaphore(%arg32 : memref<!tpu.dma_semaphore, #tpu.memory_space<semaphore_mem>>) src(%dma_wait3A_662 : memref<10240x64xf32, #tpu.memory_space<hbm>>) dst(%arg18 : memref<128x64xf32, #tpu.memory_space<vmem>>)
          %dma_start3A_663 = arith.constant 1 : i32
          %dma_start3A_664 = arith.constant 0 : i32
          %dma_start3A_665 = tpu.memref_slice %arg12[%dma_start3A_663, %dma_start3A_664] : memref<2x128xi32, #tpu.memory_space<vmem>> -> memref<1x128xi32, #tpu.memory_space<vmem>>
          %dma_start3A_666 = tpu.memref_squeeze %dma_start3A_665 : memref<1x128xi32, #tpu.memory_space<vmem>> -> memref<128xi32, #tpu.memory_space<vmem>>
          %dma_start3A_667 = arith.constant 0 : i32
          %dma_start3A_668 = arith.constant 0 : i32
          %dma_start3A_669 = tpu.memref_slice %arg8[%dma_start3A_667, %dma_start3A_668] : memref<10256x64xf32, #tpu.memory_space<vmem_shared>> -> memref<10256x64xf32, #tpu.memory_space<vmem_shared>>
          tpu.enqueue_indirect_dma source(%arg18 : memref<128x64xf32, #tpu.memory_space<vmem>>) target(%dma_start3A_669 : memref<10256x64xf32, #tpu.memory_space<vmem_shared>>) offsets(%dma_start3A_666 : memref<128xi32, #tpu.memory_space<vmem>>) semaphore(%arg36 : memref<!tpu.dma_semaphore, #tpu.memory_space<semaphore_mem>>) {add = true}
        } else {
        }
        %add3A_420 = arith.constant 4 : i32
        %add3A_421 = arith.addi %add3A_306, %add3A_420 : i32
        %add3A_422 = arith.constant 3 : i32
        %add3A_423 = arith.addi %add3A_421, %add3A_422 : i32
        %lt3A_424 = arith.constant 157 : i32
        %lt3A_425 = arith.cmpi slt, %add3A_423, %lt3A_424 : i32
        %convert_element_type3A_426 = arith.extui %lt3A_425 : i1 to i32
        %cond3A_427 = arith.constant 0 : i32
        %cond3A_428 = arith.cmpi ne, %convert_element_type3A_426, %cond3A_427 : i32
        scf.if %cond3A_428 {
          %add3A_652 = arith.constant 3 : i32
          %add3A_653 = arith.addi %add3A_421, %add3A_652 : i32
          %dma_start3A_654 = arith.constant 0 : i32
          %dma_start3A_655 = arith.constant 0 : i32
          %dma_start3A_656 = tpu.memref_slice %arg2[%arg1, %add3A_653, %dma_start3A_654, %dma_start3A_655] : memref<16x157x2x128xi32, #tpu.memory_space<hbm>> -> memref<1x1x2x128xi32, #tpu.memory_space<hbm>>
          %dma_start3A_657 = tpu.memref_squeeze %dma_start3A_656 : memref<1x1x2x128xi32, #tpu.memory_space<hbm>> -> memref<2x128xi32, #tpu.memory_space<hbm>>
          %dma_start3A_658 = arith.constant 0 : i32
          %dma_start3A_659 = arith.constant 0 : i32
          %dma_start3A_660 = tpu.memref_slice %arg2[%arg1, %add3A_653, %dma_start3A_658, %dma_start3A_659] : memref<16x157x2x128xi32, #tpu.memory_space<hbm>> -> memref<1x1x2x128xi32, #tpu.memory_space<hbm>>
          %dma_start3A_661 = tpu.memref_squeeze %dma_start3A_660 : memref<1x1x2x128xi32, #tpu.memory_space<hbm>> -> memref<2x128xi32, #tpu.memory_space<hbm>>
          tpu.enqueue_dma source(%dma_start3A_661 : memref<2x128xi32, #tpu.memory_space<hbm>>) target(%arg10 : memref<2x128xi32, #tpu.memory_space<vmem>>) target_semaphore(%arg24 : memref<!tpu.dma_semaphore, #tpu.memory_space<semaphore_mem>>)
        } else {
        }
        %ge3A_429 = arith.constant 2 : i32
        %ge3A_430 = arith.cmpi sge, %add3A_421, %ge3A_429 : i32
        %lt3A_431 = arith.constant 159 : i32
        %lt3A_432 = arith.cmpi slt, %add3A_421, %lt3A_431 : i32
        %and3A_433 = arith.andi %ge3A_430, %lt3A_432 : i1
        %convert_element_type3A_434 = arith.extui %and3A_433 : i1 to i32
        %cond3A_435 = arith.constant 0 : i32
        %cond3A_436 = arith.cmpi ne, %convert_element_type3A_434, %cond3A_435 : i32
        scf.if %cond3A_436 {
          %dma_wait3A_652 = arith.constant 1 : i32
          %dma_wait3A_653 = arith.constant 0 : i32
          %dma_wait3A_654 = tpu.memref_slice %arg11[%dma_wait3A_652, %dma_wait3A_653] : memref<2x128xi32, #tpu.memory_space<vmem>> -> memref<1x128xi32, #tpu.memory_space<vmem>>
          %dma_wait3A_655 = tpu.memref_squeeze %dma_wait3A_654 : memref<1x128xi32, #tpu.memory_space<vmem>> -> memref<128xi32, #tpu.memory_space<vmem>>
          %dma_wait3A_656 = arith.constant 0 : i32
          %dma_wait3A_657 = arith.constant 0 : i32
          %dma_wait3A_658 = tpu.memref_slice %arg8[%dma_wait3A_656, %dma_wait3A_657] : memref<10256x64xf32, #tpu.memory_space<vmem_shared>> -> memref<10256x64xf32, #tpu.memory_space<vmem_shared>>
          tpu.wait_indirect_dma semaphore(%arg35 : memref<!tpu.dma_semaphore, #tpu.memory_space<semaphore_mem>>) src(%arg17 : memref<128x64xf32, #tpu.memory_space<vmem>>) dst(%dma_wait3A_658 : memref<10256x64xf32, #tpu.memory_space<vmem_shared>>)
        } else {
        }
        %add3A_437 = arith.constant 2 : i32
        %add3A_438 = arith.addi %add3A_421, %add3A_437 : i32
        %lt3A_439 = arith.constant 157 : i32
        %lt3A_440 = arith.cmpi slt, %add3A_438, %lt3A_439 : i32
        %convert_element_type3A_441 = arith.extui %lt3A_440 : i1 to i32
        %cond3A_442 = arith.constant 0 : i32
        %cond3A_443 = arith.cmpi ne, %convert_element_type3A_441, %cond3A_442 : i32
        scf.if %cond3A_443 {
          %add3A_652 = arith.constant 2 : i32
          %add3A_653 = arith.addi %add3A_421, %add3A_652 : i32
          %dma_wait3A_654 = arith.constant 0 : i32
          %dma_wait3A_655 = arith.constant 0 : i32
          %dma_wait3A_656 = tpu.memref_slice %arg2[%arg1, %add3A_653, %dma_wait3A_654, %dma_wait3A_655] : memref<16x157x2x128xi32, #tpu.memory_space<hbm>> -> memref<1x1x2x128xi32, #tpu.memory_space<hbm>>
          %dma_wait3A_657 = tpu.memref_squeeze %dma_wait3A_656 : memref<1x1x2x128xi32, #tpu.memory_space<hbm>> -> memref<2x128xi32, #tpu.memory_space<hbm>>
          %dma_wait3A_658 = arith.constant 0 : i32
          %dma_wait3A_659 = arith.constant 0 : i32
          %dma_wait3A_660 = tpu.memref_slice %arg2[%arg1, %add3A_653, %dma_wait3A_658, %dma_wait3A_659] : memref<16x157x2x128xi32, #tpu.memory_space<hbm>> -> memref<1x1x2x128xi32, #tpu.memory_space<hbm>>
          %dma_wait3A_661 = tpu.memref_squeeze %dma_wait3A_660 : memref<1x1x2x128xi32, #tpu.memory_space<hbm>> -> memref<2x128xi32, #tpu.memory_space<hbm>>
          tpu.wait_dma2 semaphore(%arg23 : memref<!tpu.dma_semaphore, #tpu.memory_space<semaphore_mem>>) src(%dma_wait3A_661 : memref<2x128xi32, #tpu.memory_space<hbm>>) dst(%arg9 : memref<2x128xi32, #tpu.memory_space<vmem>>)
          %dma_start3A_662 = arith.constant 0 : i32
          %dma_start3A_663 = arith.constant 0 : i32
          %dma_start3A_664 = tpu.memref_slice %arg9[%dma_start3A_662, %dma_start3A_663] : memref<2x128xi32, #tpu.memory_space<vmem>> -> memref<1x128xi32, #tpu.memory_space<vmem>>
          %dma_start3A_665 = tpu.memref_squeeze %dma_start3A_664 : memref<1x128xi32, #tpu.memory_space<vmem>> -> memref<128xi32, #tpu.memory_space<vmem>>
          %dma_start3A_666 = arith.constant 0 : i32
          %dma_start3A_667 = arith.constant 0 : i32
          %dma_start3A_668 = tpu.memref_slice %arg6[%arg0, %dma_start3A_666, %dma_start3A_667] : memref<2x10240x64xf32, #tpu.memory_space<hbm>> -> memref<1x10240x64xf32, #tpu.memory_space<hbm>>
          %dma_start3A_669 = tpu.memref_squeeze %dma_start3A_668 : memref<1x10240x64xf32, #tpu.memory_space<hbm>> -> memref<10240x64xf32, #tpu.memory_space<hbm>>
          %dma_start3A_670 = arith.constant 0 : i32
          %dma_start3A_671 = arith.constant 0 : i32
          %dma_start3A_672 = tpu.memref_slice %dma_start3A_669[%dma_start3A_670, %dma_start3A_671] : memref<10240x64xf32, #tpu.memory_space<hbm>> -> memref<10240x64xf32, #tpu.memory_space<hbm>>
          tpu.enqueue_indirect_dma source(%dma_start3A_672 : memref<10240x64xf32, #tpu.memory_space<hbm>>) target(%arg17 : memref<128x64xf32, #tpu.memory_space<vmem>>) offsets(%dma_start3A_665 : memref<128xi32, #tpu.memory_space<vmem>>) semaphore(%arg31 : memref<!tpu.dma_semaphore, #tpu.memory_space<semaphore_mem>>)
        } else {
        }
        %lt3A_444 = arith.constant 157 : i32
        %lt3A_445 = arith.cmpi slt, %add3A_421, %lt3A_444 : i32
        %convert_element_type3A_446 = arith.extui %lt3A_445 : i1 to i32
        %cond3A_447 = arith.constant 0 : i32
        %cond3A_448 = arith.cmpi ne, %convert_element_type3A_446, %cond3A_447 : i32
        scf.if %cond3A_448 {
          %dma_wait3A_652 = arith.constant 0 : i32
          %dma_wait3A_653 = arith.constant 0 : i32
          %dma_wait3A_654 = tpu.memref_slice %arg13[%dma_wait3A_652, %dma_wait3A_653] : memref<2x128xi32, #tpu.memory_space<vmem>> -> memref<1x128xi32, #tpu.memory_space<vmem>>
          %dma_wait3A_655 = tpu.memref_squeeze %dma_wait3A_654 : memref<1x128xi32, #tpu.memory_space<vmem>> -> memref<128xi32, #tpu.memory_space<vmem>>
          %dma_wait3A_656 = arith.constant 0 : i32
          %dma_wait3A_657 = arith.constant 0 : i32
          %dma_wait3A_658 = tpu.memref_slice %arg6[%arg0, %dma_wait3A_656, %dma_wait3A_657] : memref<2x10240x64xf32, #tpu.memory_space<hbm>> -> memref<1x10240x64xf32, #tpu.memory_space<hbm>>
          %dma_wait3A_659 = tpu.memref_squeeze %dma_wait3A_658 : memref<1x10240x64xf32, #tpu.memory_space<hbm>> -> memref<10240x64xf32, #tpu.memory_space<hbm>>
          %dma_wait3A_660 = arith.constant 0 : i32
          %dma_wait3A_661 = arith.constant 0 : i32
          %dma_wait3A_662 = tpu.memref_slice %dma_wait3A_659[%dma_wait3A_660, %dma_wait3A_661] : memref<10240x64xf32, #tpu.memory_space<hbm>> -> memref<10240x64xf32, #tpu.memory_space<hbm>>
          tpu.wait_indirect_dma semaphore(%arg29 : memref<!tpu.dma_semaphore, #tpu.memory_space<semaphore_mem>>) src(%dma_wait3A_662 : memref<10240x64xf32, #tpu.memory_space<hbm>>) dst(%arg15 : memref<128x64xf32, #tpu.memory_space<vmem>>)
          %dma_start3A_663 = arith.constant 1 : i32
          %dma_start3A_664 = arith.constant 0 : i32
          %dma_start3A_665 = tpu.memref_slice %arg13[%dma_start3A_663, %dma_start3A_664] : memref<2x128xi32, #tpu.memory_space<vmem>> -> memref<1x128xi32, #tpu.memory_space<vmem>>
          %dma_start3A_666 = tpu.memref_squeeze %dma_start3A_665 : memref<1x128xi32, #tpu.memory_space<vmem>> -> memref<128xi32, #tpu.memory_space<vmem>>
          %dma_start3A_667 = arith.constant 0 : i32
          %dma_start3A_668 = arith.constant 0 : i32
          %dma_start3A_669 = tpu.memref_slice %arg8[%dma_start3A_667, %dma_start3A_668] : memref<10256x64xf32, #tpu.memory_space<vmem_shared>> -> memref<10256x64xf32, #tpu.memory_space<vmem_shared>>
          tpu.enqueue_indirect_dma source(%arg15 : memref<128x64xf32, #tpu.memory_space<vmem>>) target(%dma_start3A_669 : memref<10256x64xf32, #tpu.memory_space<vmem_shared>>) offsets(%dma_start3A_666 : memref<128xi32, #tpu.memory_space<vmem>>) semaphore(%arg33 : memref<!tpu.dma_semaphore, #tpu.memory_space<semaphore_mem>>) {add = true}
        } else {
        }
        %add3A_449 = arith.constant 5 : i32
        %add3A_450 = arith.addi %add3A_306, %add3A_449 : i32
        %add3A_451 = arith.constant 3 : i32
        %add3A_452 = arith.addi %add3A_450, %add3A_451 : i32
        %lt3A_453 = arith.constant 157 : i32
        %lt3A_454 = arith.cmpi slt, %add3A_452, %lt3A_453 : i32
        %convert_element_type3A_455 = arith.extui %lt3A_454 : i1 to i32
        %cond3A_456 = arith.constant 0 : i32
        %cond3A_457 = arith.cmpi ne, %convert_element_type3A_455, %cond3A_456 : i32
        scf.if %cond3A_457 {
          %add3A_652 = arith.constant 3 : i32
          %add3A_653 = arith.addi %add3A_450, %add3A_652 : i32
          %dma_start3A_654 = arith.constant 0 : i32
          %dma_start3A_655 = arith.constant 0 : i32
          %dma_start3A_656 = tpu.memref_slice %arg2[%arg1, %add3A_653, %dma_start3A_654, %dma_start3A_655] : memref<16x157x2x128xi32, #tpu.memory_space<hbm>> -> memref<1x1x2x128xi32, #tpu.memory_space<hbm>>
          %dma_start3A_657 = tpu.memref_squeeze %dma_start3A_656 : memref<1x1x2x128xi32, #tpu.memory_space<hbm>> -> memref<2x128xi32, #tpu.memory_space<hbm>>
          %dma_start3A_658 = arith.constant 0 : i32
          %dma_start3A_659 = arith.constant 0 : i32
          %dma_start3A_660 = tpu.memref_slice %arg2[%arg1, %add3A_653, %dma_start3A_658, %dma_start3A_659] : memref<16x157x2x128xi32, #tpu.memory_space<hbm>> -> memref<1x1x2x128xi32, #tpu.memory_space<hbm>>
          %dma_start3A_661 = tpu.memref_squeeze %dma_start3A_660 : memref<1x1x2x128xi32, #tpu.memory_space<hbm>> -> memref<2x128xi32, #tpu.memory_space<hbm>>
          tpu.enqueue_dma source(%dma_start3A_661 : memref<2x128xi32, #tpu.memory_space<hbm>>) target(%arg11 : memref<2x128xi32, #tpu.memory_space<vmem>>) target_semaphore(%arg25 : memref<!tpu.dma_semaphore, #tpu.memory_space<semaphore_mem>>)
        } else {
        }
        %ge3A_458 = arith.constant 2 : i32
        %ge3A_459 = arith.cmpi sge, %add3A_450, %ge3A_458 : i32
        %lt3A_460 = arith.constant 159 : i32
        %lt3A_461 = arith.cmpi slt, %add3A_450, %lt3A_460 : i32
        %and3A_462 = arith.andi %ge3A_459, %lt3A_461 : i1
        %convert_element_type3A_463 = arith.extui %and3A_462 : i1 to i32
        %cond3A_464 = arith.constant 0 : i32
        %cond3A_465 = arith.cmpi ne, %convert_element_type3A_463, %cond3A_464 : i32
        scf.if %cond3A_465 {
          %dma_wait3A_652 = arith.constant 1 : i32
          %dma_wait3A_653 = arith.constant 0 : i32
          %dma_wait3A_654 = tpu.memref_slice %arg12[%dma_wait3A_652, %dma_wait3A_653] : memref<2x128xi32, #tpu.memory_space<vmem>> -> memref<1x128xi32, #tpu.memory_space<vmem>>
          %dma_wait3A_655 = tpu.memref_squeeze %dma_wait3A_654 : memref<1x128xi32, #tpu.memory_space<vmem>> -> memref<128xi32, #tpu.memory_space<vmem>>
          %dma_wait3A_656 = arith.constant 0 : i32
          %dma_wait3A_657 = arith.constant 0 : i32
          %dma_wait3A_658 = tpu.memref_slice %arg8[%dma_wait3A_656, %dma_wait3A_657] : memref<10256x64xf32, #tpu.memory_space<vmem_shared>> -> memref<10256x64xf32, #tpu.memory_space<vmem_shared>>
          tpu.wait_indirect_dma semaphore(%arg36 : memref<!tpu.dma_semaphore, #tpu.memory_space<semaphore_mem>>) src(%arg18 : memref<128x64xf32, #tpu.memory_space<vmem>>) dst(%dma_wait3A_658 : memref<10256x64xf32, #tpu.memory_space<vmem_shared>>)
        } else {
        }
        %add3A_466 = arith.constant 2 : i32
        %add3A_467 = arith.addi %add3A_450, %add3A_466 : i32
        %lt3A_468 = arith.constant 157 : i32
        %lt3A_469 = arith.cmpi slt, %add3A_467, %lt3A_468 : i32
        %convert_element_type3A_470 = arith.extui %lt3A_469 : i1 to i32
        %cond3A_471 = arith.constant 0 : i32
        %cond3A_472 = arith.cmpi ne, %convert_element_type3A_470, %cond3A_471 : i32
        scf.if %cond3A_472 {
          %add3A_652 = arith.constant 2 : i32
          %add3A_653 = arith.addi %add3A_450, %add3A_652 : i32
          %dma_wait3A_654 = arith.constant 0 : i32
          %dma_wait3A_655 = arith.constant 0 : i32
          %dma_wait3A_656 = tpu.memref_slice %arg2[%arg1, %add3A_653, %dma_wait3A_654, %dma_wait3A_655] : memref<16x157x2x128xi32, #tpu.memory_space<hbm>> -> memref<1x1x2x128xi32, #tpu.memory_space<hbm>>
          %dma_wait3A_657 = tpu.memref_squeeze %dma_wait3A_656 : memref<1x1x2x128xi32, #tpu.memory_space<hbm>> -> memref<2x128xi32, #tpu.memory_space<hbm>>
          %dma_wait3A_658 = arith.constant 0 : i32
          %dma_wait3A_659 = arith.constant 0 : i32
          %dma_wait3A_660 = tpu.memref_slice %arg2[%arg1, %add3A_653, %dma_wait3A_658, %dma_wait3A_659] : memref<16x157x2x128xi32, #tpu.memory_space<hbm>> -> memref<1x1x2x128xi32, #tpu.memory_space<hbm>>
          %dma_wait3A_661 = tpu.memref_squeeze %dma_wait3A_660 : memref<1x1x2x128xi32, #tpu.memory_space<hbm>> -> memref<2x128xi32, #tpu.memory_space<hbm>>
          tpu.wait_dma2 semaphore(%arg24 : memref<!tpu.dma_semaphore, #tpu.memory_space<semaphore_mem>>) src(%dma_wait3A_661 : memref<2x128xi32, #tpu.memory_space<hbm>>) dst(%arg10 : memref<2x128xi32, #tpu.memory_space<vmem>>)
          %dma_start3A_662 = arith.constant 0 : i32
          %dma_start3A_663 = arith.constant 0 : i32
          %dma_start3A_664 = tpu.memref_slice %arg10[%dma_start3A_662, %dma_start3A_663] : memref<2x128xi32, #tpu.memory_space<vmem>> -> memref<1x128xi32, #tpu.memory_space<vmem>>
          %dma_start3A_665 = tpu.memref_squeeze %dma_start3A_664 : memref<1x128xi32, #tpu.memory_space<vmem>> -> memref<128xi32, #tpu.memory_space<vmem>>
          %dma_start3A_666 = arith.constant 0 : i32
          %dma_start3A_667 = arith.constant 0 : i32
          %dma_start3A_668 = tpu.memref_slice %arg6[%arg0, %dma_start3A_666, %dma_start3A_667] : memref<2x10240x64xf32, #tpu.memory_space<hbm>> -> memref<1x10240x64xf32, #tpu.memory_space<hbm>>
          %dma_start3A_669 = tpu.memref_squeeze %dma_start3A_668 : memref<1x10240x64xf32, #tpu.memory_space<hbm>> -> memref<10240x64xf32, #tpu.memory_space<hbm>>
          %dma_start3A_670 = arith.constant 0 : i32
          %dma_start3A_671 = arith.constant 0 : i32
          %dma_start3A_672 = tpu.memref_slice %dma_start3A_669[%dma_start3A_670, %dma_start3A_671] : memref<10240x64xf32, #tpu.memory_space<hbm>> -> memref<10240x64xf32, #tpu.memory_space<hbm>>
          tpu.enqueue_indirect_dma source(%dma_start3A_672 : memref<10240x64xf32, #tpu.memory_space<hbm>>) target(%arg18 : memref<128x64xf32, #tpu.memory_space<vmem>>) offsets(%dma_start3A_665 : memref<128xi32, #tpu.memory_space<vmem>>) semaphore(%arg32 : memref<!tpu.dma_semaphore, #tpu.memory_space<semaphore_mem>>)
        } else {
        }
        %lt3A_473 = arith.constant 157 : i32
        %lt3A_474 = arith.cmpi slt, %add3A_450, %lt3A_473 : i32
        %convert_element_type3A_475 = arith.extui %lt3A_474 : i1 to i32
        %cond3A_476 = arith.constant 0 : i32
        %cond3A_477 = arith.cmpi ne, %convert_element_type3A_475, %cond3A_476 : i32
        scf.if %cond3A_477 {
          %dma_wait3A_652 = arith.constant 0 : i32
          %dma_wait3A_653 = arith.constant 0 : i32
          %dma_wait3A_654 = tpu.memref_slice %arg14[%dma_wait3A_652, %dma_wait3A_653] : memref<2x128xi32, #tpu.memory_space<vmem>> -> memref<1x128xi32, #tpu.memory_space<vmem>>
          %dma_wait3A_655 = tpu.memref_squeeze %dma_wait3A_654 : memref<1x128xi32, #tpu.memory_space<vmem>> -> memref<128xi32, #tpu.memory_space<vmem>>
          %dma_wait3A_656 = arith.constant 0 : i32
          %dma_wait3A_657 = arith.constant 0 : i32
          %dma_wait3A_658 = tpu.memref_slice %arg6[%arg0, %dma_wait3A_656, %dma_wait3A_657] : memref<2x10240x64xf32, #tpu.memory_space<hbm>> -> memref<1x10240x64xf32, #tpu.memory_space<hbm>>
          %dma_wait3A_659 = tpu.memref_squeeze %dma_wait3A_658 : memref<1x10240x64xf32, #tpu.memory_space<hbm>> -> memref<10240x64xf32, #tpu.memory_space<hbm>>
          %dma_wait3A_660 = arith.constant 0 : i32
          %dma_wait3A_661 = arith.constant 0 : i32
          %dma_wait3A_662 = tpu.memref_slice %dma_wait3A_659[%dma_wait3A_660, %dma_wait3A_661] : memref<10240x64xf32, #tpu.memory_space<hbm>> -> memref<10240x64xf32, #tpu.memory_space<hbm>>
          tpu.wait_indirect_dma semaphore(%arg30 : memref<!tpu.dma_semaphore, #tpu.memory_space<semaphore_mem>>) src(%dma_wait3A_662 : memref<10240x64xf32, #tpu.memory_space<hbm>>) dst(%arg16 : memref<128x64xf32, #tpu.memory_space<vmem>>)
          %dma_start3A_663 = arith.constant 1 : i32
          %dma_start3A_664 = arith.constant 0 : i32
          %dma_start3A_665 = tpu.memref_slice %arg14[%dma_start3A_663, %dma_start3A_664] : memref<2x128xi32, #tpu.memory_space<vmem>> -> memref<1x128xi32, #tpu.memory_space<vmem>>
          %dma_start3A_666 = tpu.memref_squeeze %dma_start3A_665 : memref<1x128xi32, #tpu.memory_space<vmem>> -> memref<128xi32, #tpu.memory_space<vmem>>
          %dma_start3A_667 = arith.constant 0 : i32
          %dma_start3A_668 = arith.constant 0 : i32
          %dma_start3A_669 = tpu.memref_slice %arg8[%dma_start3A_667, %dma_start3A_668] : memref<10256x64xf32, #tpu.memory_space<vmem_shared>> -> memref<10256x64xf32, #tpu.memory_space<vmem_shared>>
          tpu.enqueue_indirect_dma source(%arg16 : memref<128x64xf32, #tpu.memory_space<vmem>>) target(%dma_start3A_669 : memref<10256x64xf32, #tpu.memory_space<vmem_shared>>) offsets(%dma_start3A_666 : memref<128xi32, #tpu.memory_space<vmem>>) semaphore(%arg34 : memref<!tpu.dma_semaphore, #tpu.memory_space<semaphore_mem>>) {add = true}
        } else {
        }
        %add3A_478 = arith.constant 6 : i32
        %add3A_479 = arith.addi %add3A_306, %add3A_478 : i32
        %add3A_480 = arith.constant 3 : i32
        %add3A_481 = arith.addi %add3A_479, %add3A_480 : i32
        %lt3A_482 = arith.constant 157 : i32
        %lt3A_483 = arith.cmpi slt, %add3A_481, %lt3A_482 : i32
        %convert_element_type3A_484 = arith.extui %lt3A_483 : i1 to i32
        %cond3A_485 = arith.constant 0 : i32
        %cond3A_486 = arith.cmpi ne, %convert_element_type3A_484, %cond3A_485 : i32
        scf.if %cond3A_486 {
          %add3A_652 = arith.constant 3 : i32
          %add3A_653 = arith.addi %add3A_479, %add3A_652 : i32
          %dma_start3A_654 = arith.constant 0 : i32
          %dma_start3A_655 = arith.constant 0 : i32
          %dma_start3A_656 = tpu.memref_slice %arg2[%arg1, %add3A_653, %dma_start3A_654, %dma_start3A_655] : memref<16x157x2x128xi32, #tpu.memory_space<hbm>> -> memref<1x1x2x128xi32, #tpu.memory_space<hbm>>
          %dma_start3A_657 = tpu.memref_squeeze %dma_start3A_656 : memref<1x1x2x128xi32, #tpu.memory_space<hbm>> -> memref<2x128xi32, #tpu.memory_space<hbm>>
          %dma_start3A_658 = arith.constant 0 : i32
          %dma_start3A_659 = arith.constant 0 : i32
          %dma_start3A_660 = tpu.memref_slice %arg2[%arg1, %add3A_653, %dma_start3A_658, %dma_start3A_659] : memref<16x157x2x128xi32, #tpu.memory_space<hbm>> -> memref<1x1x2x128xi32, #tpu.memory_space<hbm>>
          %dma_start3A_661 = tpu.memref_squeeze %dma_start3A_660 : memref<1x1x2x128xi32, #tpu.memory_space<hbm>> -> memref<2x128xi32, #tpu.memory_space<hbm>>
          tpu.enqueue_dma source(%dma_start3A_661 : memref<2x128xi32, #tpu.memory_space<hbm>>) target(%arg12 : memref<2x128xi32, #tpu.memory_space<vmem>>) target_semaphore(%arg26 : memref<!tpu.dma_semaphore, #tpu.memory_space<semaphore_mem>>)
        } else {
        }
        %ge3A_487 = arith.constant 2 : i32
        %ge3A_488 = arith.cmpi sge, %add3A_479, %ge3A_487 : i32
        %lt3A_489 = arith.constant 159 : i32
        %lt3A_490 = arith.cmpi slt, %add3A_479, %lt3A_489 : i32
        %and3A_491 = arith.andi %ge3A_488, %lt3A_490 : i1
        %convert_element_type3A_492 = arith.extui %and3A_491 : i1 to i32
        %cond3A_493 = arith.constant 0 : i32
        %cond3A_494 = arith.cmpi ne, %convert_element_type3A_492, %cond3A_493 : i32
        scf.if %cond3A_494 {
          %dma_wait3A_652 = arith.constant 1 : i32
          %dma_wait3A_653 = arith.constant 0 : i32
          %dma_wait3A_654 = tpu.memref_slice %arg13[%dma_wait3A_652, %dma_wait3A_653] : memref<2x128xi32, #tpu.memory_space<vmem>> -> memref<1x128xi32, #tpu.memory_space<vmem>>
          %dma_wait3A_655 = tpu.memref_squeeze %dma_wait3A_654 : memref<1x128xi32, #tpu.memory_space<vmem>> -> memref<128xi32, #tpu.memory_space<vmem>>
          %dma_wait3A_656 = arith.constant 0 : i32
          %dma_wait3A_657 = arith.constant 0 : i32
          %dma_wait3A_658 = tpu.memref_slice %arg8[%dma_wait3A_656, %dma_wait3A_657] : memref<10256x64xf32, #tpu.memory_space<vmem_shared>> -> memref<10256x64xf32, #tpu.memory_space<vmem_shared>>
          tpu.wait_indirect_dma semaphore(%arg33 : memref<!tpu.dma_semaphore, #tpu.memory_space<semaphore_mem>>) src(%arg15 : memref<128x64xf32, #tpu.memory_space<vmem>>) dst(%dma_wait3A_658 : memref<10256x64xf32, #tpu.memory_space<vmem_shared>>)
        } else {
        }
        %add3A_495 = arith.constant 2 : i32
        %add3A_496 = arith.addi %add3A_479, %add3A_495 : i32
        %lt3A_497 = arith.constant 157 : i32
        %lt3A_498 = arith.cmpi slt, %add3A_496, %lt3A_497 : i32
        %convert_element_type3A_499 = arith.extui %lt3A_498 : i1 to i32
        %cond3A_500 = arith.constant 0 : i32
        %cond3A_501 = arith.cmpi ne, %convert_element_type3A_499, %cond3A_500 : i32
        scf.if %cond3A_501 {
          %add3A_652 = arith.constant 2 : i32
          %add3A_653 = arith.addi %add3A_479, %add3A_652 : i32
          %dma_wait3A_654 = arith.constant 0 : i32
          %dma_wait3A_655 = arith.constant 0 : i32
          %dma_wait3A_656 = tpu.memref_slice %arg2[%arg1, %add3A_653, %dma_wait3A_654, %dma_wait3A_655] : memref<16x157x2x128xi32, #tpu.memory_space<hbm>> -> memref<1x1x2x128xi32, #tpu.memory_space<hbm>>
          %dma_wait3A_657 = tpu.memref_squeeze %dma_wait3A_656 : memref<1x1x2x128xi32, #tpu.memory_space<hbm>> -> memref<2x128xi32, #tpu.memory_space<hbm>>
          %dma_wait3A_658 = arith.constant 0 : i32
          %dma_wait3A_659 = arith.constant 0 : i32
          %dma_wait3A_660 = tpu.memref_slice %arg2[%arg1, %add3A_653, %dma_wait3A_658, %dma_wait3A_659] : memref<16x157x2x128xi32, #tpu.memory_space<hbm>> -> memref<1x1x2x128xi32, #tpu.memory_space<hbm>>
          %dma_wait3A_661 = tpu.memref_squeeze %dma_wait3A_660 : memref<1x1x2x128xi32, #tpu.memory_space<hbm>> -> memref<2x128xi32, #tpu.memory_space<hbm>>
          tpu.wait_dma2 semaphore(%arg25 : memref<!tpu.dma_semaphore, #tpu.memory_space<semaphore_mem>>) src(%dma_wait3A_661 : memref<2x128xi32, #tpu.memory_space<hbm>>) dst(%arg11 : memref<2x128xi32, #tpu.memory_space<vmem>>)
          %dma_start3A_662 = arith.constant 0 : i32
          %dma_start3A_663 = arith.constant 0 : i32
          %dma_start3A_664 = tpu.memref_slice %arg11[%dma_start3A_662, %dma_start3A_663] : memref<2x128xi32, #tpu.memory_space<vmem>> -> memref<1x128xi32, #tpu.memory_space<vmem>>
          %dma_start3A_665 = tpu.memref_squeeze %dma_start3A_664 : memref<1x128xi32, #tpu.memory_space<vmem>> -> memref<128xi32, #tpu.memory_space<vmem>>
          %dma_start3A_666 = arith.constant 0 : i32
          %dma_start3A_667 = arith.constant 0 : i32
          %dma_start3A_668 = tpu.memref_slice %arg6[%arg0, %dma_start3A_666, %dma_start3A_667] : memref<2x10240x64xf32, #tpu.memory_space<hbm>> -> memref<1x10240x64xf32, #tpu.memory_space<hbm>>
          %dma_start3A_669 = tpu.memref_squeeze %dma_start3A_668 : memref<1x10240x64xf32, #tpu.memory_space<hbm>> -> memref<10240x64xf32, #tpu.memory_space<hbm>>
          %dma_start3A_670 = arith.constant 0 : i32
          %dma_start3A_671 = arith.constant 0 : i32
          %dma_start3A_672 = tpu.memref_slice %dma_start3A_669[%dma_start3A_670, %dma_start3A_671] : memref<10240x64xf32, #tpu.memory_space<hbm>> -> memref<10240x64xf32, #tpu.memory_space<hbm>>
          tpu.enqueue_indirect_dma source(%dma_start3A_672 : memref<10240x64xf32, #tpu.memory_space<hbm>>) target(%arg15 : memref<128x64xf32, #tpu.memory_space<vmem>>) offsets(%dma_start3A_665 : memref<128xi32, #tpu.memory_space<vmem>>) semaphore(%arg29 : memref<!tpu.dma_semaphore, #tpu.memory_space<semaphore_mem>>)
        } else {
        }
        %lt3A_502 = arith.constant 157 : i32
        %lt3A_503 = arith.cmpi slt, %add3A_479, %lt3A_502 : i32
        %convert_element_type3A_504 = arith.extui %lt3A_503 : i1 to i32
        %cond3A_505 = arith.constant 0 : i32
        %cond3A_506 = arith.cmpi ne, %convert_element_type3A_504, %cond3A_505 : i32
        scf.if %cond3A_506 {
          %dma_wait3A_652 = arith.constant 0 : i32
          %dma_wait3A_653 = arith.constant 0 : i32
          %dma_wait3A_654 = tpu.memref_slice %arg9[%dma_wait3A_652, %dma_wait3A_653] : memref<2x128xi32, #tpu.memory_space<vmem>> -> memref<1x128xi32, #tpu.memory_space<vmem>>
          %dma_wait3A_655 = tpu.memref_squeeze %dma_wait3A_654 : memref<1x128xi32, #tpu.memory_space<vmem>> -> memref<128xi32, #tpu.memory_space<vmem>>
          %dma_wait3A_656 = arith.constant 0 : i32
          %dma_wait3A_657 = arith.constant 0 : i32
          %dma_wait3A_658 = tpu.memref_slice %arg6[%arg0, %dma_wait3A_656, %dma_wait3A_657] : memref<2x10240x64xf32, #tpu.memory_space<hbm>> -> memref<1x10240x64xf32, #tpu.memory_space<hbm>>
          %dma_wait3A_659 = tpu.memref_squeeze %dma_wait3A_658 : memref<1x10240x64xf32, #tpu.memory_space<hbm>> -> memref<10240x64xf32, #tpu.memory_space<hbm>>
          %dma_wait3A_660 = arith.constant 0 : i32
          %dma_wait3A_661 = arith.constant 0 : i32
          %dma_wait3A_662 = tpu.memref_slice %dma_wait3A_659[%dma_wait3A_660, %dma_wait3A_661] : memref<10240x64xf32, #tpu.memory_space<hbm>> -> memref<10240x64xf32, #tpu.memory_space<hbm>>
          tpu.wait_indirect_dma semaphore(%arg31 : memref<!tpu.dma_semaphore, #tpu.memory_space<semaphore_mem>>) src(%dma_wait3A_662 : memref<10240x64xf32, #tpu.memory_space<hbm>>) dst(%arg17 : memref<128x64xf32, #tpu.memory_space<vmem>>)
          %dma_start3A_663 = arith.constant 1 : i32
          %dma_start3A_664 = arith.constant 0 : i32
          %dma_start3A_665 = tpu.memref_slice %arg9[%dma_start3A_663, %dma_start3A_664] : memref<2x128xi32, #tpu.memory_space<vmem>> -> memref<1x128xi32, #tpu.memory_space<vmem>>
          %dma_start3A_666 = tpu.memref_squeeze %dma_start3A_665 : memref<1x128xi32, #tpu.memory_space<vmem>> -> memref<128xi32, #tpu.memory_space<vmem>>
          %dma_start3A_667 = arith.constant 0 : i32
          %dma_start3A_668 = arith.constant 0 : i32
          %dma_start3A_669 = tpu.memref_slice %arg8[%dma_start3A_667, %dma_start3A_668] : memref<10256x64xf32, #tpu.memory_space<vmem_shared>> -> memref<10256x64xf32, #tpu.memory_space<vmem_shared>>
          tpu.enqueue_indirect_dma source(%arg17 : memref<128x64xf32, #tpu.memory_space<vmem>>) target(%dma_start3A_669 : memref<10256x64xf32, #tpu.memory_space<vmem_shared>>) offsets(%dma_start3A_666 : memref<128xi32, #tpu.memory_space<vmem>>) semaphore(%arg35 : memref<!tpu.dma_semaphore, #tpu.memory_space<semaphore_mem>>) {add = true}
        } else {
        }
        %add3A_507 = arith.constant 7 : i32
        %add3A_508 = arith.addi %add3A_306, %add3A_507 : i32
        %add3A_509 = arith.constant 3 : i32
        %add3A_510 = arith.addi %add3A_508, %add3A_509 : i32
        %lt3A_511 = arith.constant 157 : i32
        %lt3A_512 = arith.cmpi slt, %add3A_510, %lt3A_511 : i32
        %convert_element_type3A_513 = arith.extui %lt3A_512 : i1 to i32
        %cond3A_514 = arith.constant 0 : i32
        %cond3A_515 = arith.cmpi ne, %convert_element_type3A_513, %cond3A_514 : i32
        scf.if %cond3A_515 {
          %add3A_652 = arith.constant 3 : i32
          %add3A_653 = arith.addi %add3A_508, %add3A_652 : i32
          %dma_start3A_654 = arith.constant 0 : i32
          %dma_start3A_655 = arith.constant 0 : i32
          %dma_start3A_656 = tpu.memref_slice %arg2[%arg1, %add3A_653, %dma_start3A_654, %dma_start3A_655] : memref<16x157x2x128xi32, #tpu.memory_space<hbm>> -> memref<1x1x2x128xi32, #tpu.memory_space<hbm>>
          %dma_start3A_657 = tpu.memref_squeeze %dma_start3A_656 : memref<1x1x2x128xi32, #tpu.memory_space<hbm>> -> memref<2x128xi32, #tpu.memory_space<hbm>>
          %dma_start3A_658 = arith.constant 0 : i32
          %dma_start3A_659 = arith.constant 0 : i32
          %dma_start3A_660 = tpu.memref_slice %arg2[%arg1, %add3A_653, %dma_start3A_658, %dma_start3A_659] : memref<16x157x2x128xi32, #tpu.memory_space<hbm>> -> memref<1x1x2x128xi32, #tpu.memory_space<hbm>>
          %dma_start3A_661 = tpu.memref_squeeze %dma_start3A_660 : memref<1x1x2x128xi32, #tpu.memory_space<hbm>> -> memref<2x128xi32, #tpu.memory_space<hbm>>
          tpu.enqueue_dma source(%dma_start3A_661 : memref<2x128xi32, #tpu.memory_space<hbm>>) target(%arg13 : memref<2x128xi32, #tpu.memory_space<vmem>>) target_semaphore(%arg27 : memref<!tpu.dma_semaphore, #tpu.memory_space<semaphore_mem>>)
        } else {
        }
        %ge3A_516 = arith.constant 2 : i32
        %ge3A_517 = arith.cmpi sge, %add3A_508, %ge3A_516 : i32
        %lt3A_518 = arith.constant 159 : i32
        %lt3A_519 = arith.cmpi slt, %add3A_508, %lt3A_518 : i32
        %and3A_520 = arith.andi %ge3A_517, %lt3A_519 : i1
        %convert_element_type3A_521 = arith.extui %and3A_520 : i1 to i32
        %cond3A_522 = arith.constant 0 : i32
        %cond3A_523 = arith.cmpi ne, %convert_element_type3A_521, %cond3A_522 : i32
        scf.if %cond3A_523 {
          %dma_wait3A_652 = arith.constant 1 : i32
          %dma_wait3A_653 = arith.constant 0 : i32
          %dma_wait3A_654 = tpu.memref_slice %arg14[%dma_wait3A_652, %dma_wait3A_653] : memref<2x128xi32, #tpu.memory_space<vmem>> -> memref<1x128xi32, #tpu.memory_space<vmem>>
          %dma_wait3A_655 = tpu.memref_squeeze %dma_wait3A_654 : memref<1x128xi32, #tpu.memory_space<vmem>> -> memref<128xi32, #tpu.memory_space<vmem>>
          %dma_wait3A_656 = arith.constant 0 : i32
          %dma_wait3A_657 = arith.constant 0 : i32
          %dma_wait3A_658 = tpu.memref_slice %arg8[%dma_wait3A_656, %dma_wait3A_657] : memref<10256x64xf32, #tpu.memory_space<vmem_shared>> -> memref<10256x64xf32, #tpu.memory_space<vmem_shared>>
          tpu.wait_indirect_dma semaphore(%arg34 : memref<!tpu.dma_semaphore, #tpu.memory_space<semaphore_mem>>) src(%arg16 : memref<128x64xf32, #tpu.memory_space<vmem>>) dst(%dma_wait3A_658 : memref<10256x64xf32, #tpu.memory_space<vmem_shared>>)
        } else {
        }
        %add3A_524 = arith.constant 2 : i32
        %add3A_525 = arith.addi %add3A_508, %add3A_524 : i32
        %lt3A_526 = arith.constant 157 : i32
        %lt3A_527 = arith.cmpi slt, %add3A_525, %lt3A_526 : i32
        %convert_element_type3A_528 = arith.extui %lt3A_527 : i1 to i32
        %cond3A_529 = arith.constant 0 : i32
        %cond3A_530 = arith.cmpi ne, %convert_element_type3A_528, %cond3A_529 : i32
        scf.if %cond3A_530 {
          %add3A_652 = arith.constant 2 : i32
          %add3A_653 = arith.addi %add3A_508, %add3A_652 : i32
          %dma_wait3A_654 = arith.constant 0 : i32
          %dma_wait3A_655 = arith.constant 0 : i32
          %dma_wait3A_656 = tpu.memref_slice %arg2[%arg1, %add3A_653, %dma_wait3A_654, %dma_wait3A_655] : memref<16x157x2x128xi32, #tpu.memory_space<hbm>> -> memref<1x1x2x128xi32, #tpu.memory_space<hbm>>
          %dma_wait3A_657 = tpu.memref_squeeze %dma_wait3A_656 : memref<1x1x2x128xi32, #tpu.memory_space<hbm>> -> memref<2x128xi32, #tpu.memory_space<hbm>>
          %dma_wait3A_658 = arith.constant 0 : i32
          %dma_wait3A_659 = arith.constant 0 : i32
          %dma_wait3A_660 = tpu.memref_slice %arg2[%arg1, %add3A_653, %dma_wait3A_658, %dma_wait3A_659] : memref<16x157x2x128xi32, #tpu.memory_space<hbm>> -> memref<1x1x2x128xi32, #tpu.memory_space<hbm>>
          %dma_wait3A_661 = tpu.memref_squeeze %dma_wait3A_660 : memref<1x1x2x128xi32, #tpu.memory_space<hbm>> -> memref<2x128xi32, #tpu.memory_space<hbm>>
          tpu.wait_dma2 semaphore(%arg26 : memref<!tpu.dma_semaphore, #tpu.memory_space<semaphore_mem>>) src(%dma_wait3A_661 : memref<2x128xi32, #tpu.memory_space<hbm>>) dst(%arg12 : memref<2x128xi32, #tpu.memory_space<vmem>>)
          %dma_start3A_662 = arith.constant 0 : i32
          %dma_start3A_663 = arith.constant 0 : i32
          %dma_start3A_664 = tpu.memref_slice %arg12[%dma_start3A_662, %dma_start3A_663] : memref<2x128xi32, #tpu.memory_space<vmem>> -> memref<1x128xi32, #tpu.memory_space<vmem>>
          %dma_start3A_665 = tpu.memref_squeeze %dma_start3A_664 : memref<1x128xi32, #tpu.memory_space<vmem>> -> memref<128xi32, #tpu.memory_space<vmem>>
          %dma_start3A_666 = arith.constant 0 : i32
          %dma_start3A_667 = arith.constant 0 : i32
          %dma_start3A_668 = tpu.memref_slice %arg6[%arg0, %dma_start3A_666, %dma_start3A_667] : memref<2x10240x64xf32, #tpu.memory_space<hbm>> -> memref<1x10240x64xf32, #tpu.memory_space<hbm>>
          %dma_start3A_669 = tpu.memref_squeeze %dma_start3A_668 : memref<1x10240x64xf32, #tpu.memory_space<hbm>> -> memref<10240x64xf32, #tpu.memory_space<hbm>>
          %dma_start3A_670 = arith.constant 0 : i32
          %dma_start3A_671 = arith.constant 0 : i32
          %dma_start3A_672 = tpu.memref_slice %dma_start3A_669[%dma_start3A_670, %dma_start3A_671] : memref<10240x64xf32, #tpu.memory_space<hbm>> -> memref<10240x64xf32, #tpu.memory_space<hbm>>
          tpu.enqueue_indirect_dma source(%dma_start3A_672 : memref<10240x64xf32, #tpu.memory_space<hbm>>) target(%arg16 : memref<128x64xf32, #tpu.memory_space<vmem>>) offsets(%dma_start3A_665 : memref<128xi32, #tpu.memory_space<vmem>>) semaphore(%arg30 : memref<!tpu.dma_semaphore, #tpu.memory_space<semaphore_mem>>)
        } else {
        }
        %lt3A_531 = arith.constant 157 : i32
        %lt3A_532 = arith.cmpi slt, %add3A_508, %lt3A_531 : i32
        %convert_element_type3A_533 = arith.extui %lt3A_532 : i1 to i32
        %cond3A_534 = arith.constant 0 : i32
        %cond3A_535 = arith.cmpi ne, %convert_element_type3A_533, %cond3A_534 : i32
        scf.if %cond3A_535 {
          %dma_wait3A_652 = arith.constant 0 : i32
          %dma_wait3A_653 = arith.constant 0 : i32
          %dma_wait3A_654 = tpu.memref_slice %arg10[%dma_wait3A_652, %dma_wait3A_653] : memref<2x128xi32, #tpu.memory_space<vmem>> -> memref<1x128xi32, #tpu.memory_space<vmem>>
          %dma_wait3A_655 = tpu.memref_squeeze %dma_wait3A_654 : memref<1x128xi32, #tpu.memory_space<vmem>> -> memref<128xi32, #tpu.memory_space<vmem>>
          %dma_wait3A_656 = arith.constant 0 : i32
          %dma_wait3A_657 = arith.constant 0 : i32
          %dma_wait3A_658 = tpu.memref_slice %arg6[%arg0, %dma_wait3A_656, %dma_wait3A_657] : memref<2x10240x64xf32, #tpu.memory_space<hbm>> -> memref<1x10240x64xf32, #tpu.memory_space<hbm>>
          %dma_wait3A_659 = tpu.memref_squeeze %dma_wait3A_658 : memref<1x10240x64xf32, #tpu.memory_space<hbm>> -> memref<10240x64xf32, #tpu.memory_space<hbm>>
          %dma_wait3A_660 = arith.constant 0 : i32
          %dma_wait3A_661 = arith.constant 0 : i32
          %dma_wait3A_662 = tpu.memref_slice %dma_wait3A_659[%dma_wait3A_660, %dma_wait3A_661] : memref<10240x64xf32, #tpu.memory_space<hbm>> -> memref<10240x64xf32, #tpu.memory_space<hbm>>
          tpu.wait_indirect_dma semaphore(%arg32 : memref<!tpu.dma_semaphore, #tpu.memory_space<semaphore_mem>>) src(%dma_wait3A_662 : memref<10240x64xf32, #tpu.memory_space<hbm>>) dst(%arg18 : memref<128x64xf32, #tpu.memory_space<vmem>>)
          %dma_start3A_663 = arith.constant 1 : i32
          %dma_start3A_664 = arith.constant 0 : i32
          %dma_start3A_665 = tpu.memref_slice %arg10[%dma_start3A_663, %dma_start3A_664] : memref<2x128xi32, #tpu.memory_space<vmem>> -> memref<1x128xi32, #tpu.memory_space<vmem>>
          %dma_start3A_666 = tpu.memref_squeeze %dma_start3A_665 : memref<1x128xi32, #tpu.memory_space<vmem>> -> memref<128xi32, #tpu.memory_space<vmem>>
          %dma_start3A_667 = arith.constant 0 : i32
          %dma_start3A_668 = arith.constant 0 : i32
          %dma_start3A_669 = tpu.memref_slice %arg8[%dma_start3A_667, %dma_start3A_668] : memref<10256x64xf32, #tpu.memory_space<vmem_shared>> -> memref<10256x64xf32, #tpu.memory_space<vmem_shared>>
          tpu.enqueue_indirect_dma source(%arg18 : memref<128x64xf32, #tpu.memory_space<vmem>>) target(%dma_start3A_669 : memref<10256x64xf32, #tpu.memory_space<vmem_shared>>) offsets(%dma_start3A_666 : memref<128xi32, #tpu.memory_space<vmem>>) semaphore(%arg36 : memref<!tpu.dma_semaphore, #tpu.memory_space<semaphore_mem>>) {add = true}
        } else {
        }
        %add3A_536 = arith.constant 8 : i32
        %add3A_537 = arith.addi %add3A_306, %add3A_536 : i32
        %add3A_538 = arith.constant 3 : i32
        %add3A_539 = arith.addi %add3A_537, %add3A_538 : i32
        %lt3A_540 = arith.constant 157 : i32
        %lt3A_541 = arith.cmpi slt, %add3A_539, %lt3A_540 : i32
        %convert_element_type3A_542 = arith.extui %lt3A_541 : i1 to i32
        %cond3A_543 = arith.constant 0 : i32
        %cond3A_544 = arith.cmpi ne, %convert_element_type3A_542, %cond3A_543 : i32
        scf.if %cond3A_544 {
          %add3A_652 = arith.constant 3 : i32
          %add3A_653 = arith.addi %add3A_537, %add3A_652 : i32
          %dma_start3A_654 = arith.constant 0 : i32
          %dma_start3A_655 = arith.constant 0 : i32
          %dma_start3A_656 = tpu.memref_slice %arg2[%arg1, %add3A_653, %dma_start3A_654, %dma_start3A_655] : memref<16x157x2x128xi32, #tpu.memory_space<hbm>> -> memref<1x1x2x128xi32, #tpu.memory_space<hbm>>
          %dma_start3A_657 = tpu.memref_squeeze %dma_start3A_656 : memref<1x1x2x128xi32, #tpu.memory_space<hbm>> -> memref<2x128xi32, #tpu.memory_space<hbm>>
          %dma_start3A_658 = arith.constant 0 : i32
          %dma_start3A_659 = arith.constant 0 : i32
          %dma_start3A_660 = tpu.memref_slice %arg2[%arg1, %add3A_653, %dma_start3A_658, %dma_start3A_659] : memref<16x157x2x128xi32, #tpu.memory_space<hbm>> -> memref<1x1x2x128xi32, #tpu.memory_space<hbm>>
          %dma_start3A_661 = tpu.memref_squeeze %dma_start3A_660 : memref<1x1x2x128xi32, #tpu.memory_space<hbm>> -> memref<2x128xi32, #tpu.memory_space<hbm>>
          tpu.enqueue_dma source(%dma_start3A_661 : memref<2x128xi32, #tpu.memory_space<hbm>>) target(%arg14 : memref<2x128xi32, #tpu.memory_space<vmem>>) target_semaphore(%arg28 : memref<!tpu.dma_semaphore, #tpu.memory_space<semaphore_mem>>)
        } else {
        }
        %ge3A_545 = arith.constant 2 : i32
        %ge3A_546 = arith.cmpi sge, %add3A_537, %ge3A_545 : i32
        %lt3A_547 = arith.constant 159 : i32
        %lt3A_548 = arith.cmpi slt, %add3A_537, %lt3A_547 : i32
        %and3A_549 = arith.andi %ge3A_546, %lt3A_548 : i1
        %convert_element_type3A_550 = arith.extui %and3A_549 : i1 to i32
        %cond3A_551 = arith.constant 0 : i32
        %cond3A_552 = arith.cmpi ne, %convert_element_type3A_550, %cond3A_551 : i32
        scf.if %cond3A_552 {
          %dma_wait3A_652 = arith.constant 1 : i32
          %dma_wait3A_653 = arith.constant 0 : i32
          %dma_wait3A_654 = tpu.memref_slice %arg9[%dma_wait3A_652, %dma_wait3A_653] : memref<2x128xi32, #tpu.memory_space<vmem>> -> memref<1x128xi32, #tpu.memory_space<vmem>>
          %dma_wait3A_655 = tpu.memref_squeeze %dma_wait3A_654 : memref<1x128xi32, #tpu.memory_space<vmem>> -> memref<128xi32, #tpu.memory_space<vmem>>
          %dma_wait3A_656 = arith.constant 0 : i32
          %dma_wait3A_657 = arith.constant 0 : i32
          %dma_wait3A_658 = tpu.memref_slice %arg8[%dma_wait3A_656, %dma_wait3A_657] : memref<10256x64xf32, #tpu.memory_space<vmem_shared>> -> memref<10256x64xf32, #tpu.memory_space<vmem_shared>>
          tpu.wait_indirect_dma semaphore(%arg35 : memref<!tpu.dma_semaphore, #tpu.memory_space<semaphore_mem>>) src(%arg17 : memref<128x64xf32, #tpu.memory_space<vmem>>) dst(%dma_wait3A_658 : memref<10256x64xf32, #tpu.memory_space<vmem_shared>>)
        } else {
        }
        %add3A_553 = arith.constant 2 : i32
        %add3A_554 = arith.addi %add3A_537, %add3A_553 : i32
        %lt3A_555 = arith.constant 157 : i32
        %lt3A_556 = arith.cmpi slt, %add3A_554, %lt3A_555 : i32
        %convert_element_type3A_557 = arith.extui %lt3A_556 : i1 to i32
        %cond3A_558 = arith.constant 0 : i32
        %cond3A_559 = arith.cmpi ne, %convert_element_type3A_557, %cond3A_558 : i32
        scf.if %cond3A_559 {
          %add3A_652 = arith.constant 2 : i32
          %add3A_653 = arith.addi %add3A_537, %add3A_652 : i32
          %dma_wait3A_654 = arith.constant 0 : i32
          %dma_wait3A_655 = arith.constant 0 : i32
          %dma_wait3A_656 = tpu.memref_slice %arg2[%arg1, %add3A_653, %dma_wait3A_654, %dma_wait3A_655] : memref<16x157x2x128xi32, #tpu.memory_space<hbm>> -> memref<1x1x2x128xi32, #tpu.memory_space<hbm>>
          %dma_wait3A_657 = tpu.memref_squeeze %dma_wait3A_656 : memref<1x1x2x128xi32, #tpu.memory_space<hbm>> -> memref<2x128xi32, #tpu.memory_space<hbm>>
          %dma_wait3A_658 = arith.constant 0 : i32
          %dma_wait3A_659 = arith.constant 0 : i32
          %dma_wait3A_660 = tpu.memref_slice %arg2[%arg1, %add3A_653, %dma_wait3A_658, %dma_wait3A_659] : memref<16x157x2x128xi32, #tpu.memory_space<hbm>> -> memref<1x1x2x128xi32, #tpu.memory_space<hbm>>
          %dma_wait3A_661 = tpu.memref_squeeze %dma_wait3A_660 : memref<1x1x2x128xi32, #tpu.memory_space<hbm>> -> memref<2x128xi32, #tpu.memory_space<hbm>>
          tpu.wait_dma2 semaphore(%arg27 : memref<!tpu.dma_semaphore, #tpu.memory_space<semaphore_mem>>) src(%dma_wait3A_661 : memref<2x128xi32, #tpu.memory_space<hbm>>) dst(%arg13 : memref<2x128xi32, #tpu.memory_space<vmem>>)
          %dma_start3A_662 = arith.constant 0 : i32
          %dma_start3A_663 = arith.constant 0 : i32
          %dma_start3A_664 = tpu.memref_slice %arg13[%dma_start3A_662, %dma_start3A_663] : memref<2x128xi32, #tpu.memory_space<vmem>> -> memref<1x128xi32, #tpu.memory_space<vmem>>
          %dma_start3A_665 = tpu.memref_squeeze %dma_start3A_664 : memref<1x128xi32, #tpu.memory_space<vmem>> -> memref<128xi32, #tpu.memory_space<vmem>>
          %dma_start3A_666 = arith.constant 0 : i32
          %dma_start3A_667 = arith.constant 0 : i32
          %dma_start3A_668 = tpu.memref_slice %arg6[%arg0, %dma_start3A_666, %dma_start3A_667] : memref<2x10240x64xf32, #tpu.memory_space<hbm>> -> memref<1x10240x64xf32, #tpu.memory_space<hbm>>
          %dma_start3A_669 = tpu.memref_squeeze %dma_start3A_668 : memref<1x10240x64xf32, #tpu.memory_space<hbm>> -> memref<10240x64xf32, #tpu.memory_space<hbm>>
          %dma_start3A_670 = arith.constant 0 : i32
          %dma_start3A_671 = arith.constant 0 : i32
          %dma_start3A_672 = tpu.memref_slice %dma_start3A_669[%dma_start3A_670, %dma_start3A_671] : memref<10240x64xf32, #tpu.memory_space<hbm>> -> memref<10240x64xf32, #tpu.memory_space<hbm>>
          tpu.enqueue_indirect_dma source(%dma_start3A_672 : memref<10240x64xf32, #tpu.memory_space<hbm>>) target(%arg17 : memref<128x64xf32, #tpu.memory_space<vmem>>) offsets(%dma_start3A_665 : memref<128xi32, #tpu.memory_space<vmem>>) semaphore(%arg31 : memref<!tpu.dma_semaphore, #tpu.memory_space<semaphore_mem>>)
        } else {
        }
        %lt3A_560 = arith.constant 157 : i32
        %lt3A_561 = arith.cmpi slt, %add3A_537, %lt3A_560 : i32
        %convert_element_type3A_562 = arith.extui %lt3A_561 : i1 to i32
        %cond3A_563 = arith.constant 0 : i32
        %cond3A_564 = arith.cmpi ne, %convert_element_type3A_562, %cond3A_563 : i32
        scf.if %cond3A_564 {
          %dma_wait3A_652 = arith.constant 0 : i32
          %dma_wait3A_653 = arith.constant 0 : i32
          %dma_wait3A_654 = tpu.memref_slice %arg11[%dma_wait3A_652, %dma_wait3A_653] : memref<2x128xi32, #tpu.memory_space<vmem>> -> memref<1x128xi32, #tpu.memory_space<vmem>>
          %dma_wait3A_655 = tpu.memref_squeeze %dma_wait3A_654 : memref<1x128xi32, #tpu.memory_space<vmem>> -> memref<128xi32, #tpu.memory_space<vmem>>
          %dma_wait3A_656 = arith.constant 0 : i32
          %dma_wait3A_657 = arith.constant 0 : i32
          %dma_wait3A_658 = tpu.memref_slice %arg6[%arg0, %dma_wait3A_656, %dma_wait3A_657] : memref<2x10240x64xf32, #tpu.memory_space<hbm>> -> memref<1x10240x64xf32, #tpu.memory_space<hbm>>
          %dma_wait3A_659 = tpu.memref_squeeze %dma_wait3A_658 : memref<1x10240x64xf32, #tpu.memory_space<hbm>> -> memref<10240x64xf32, #tpu.memory_space<hbm>>
          %dma_wait3A_660 = arith.constant 0 : i32
          %dma_wait3A_661 = arith.constant 0 : i32
          %dma_wait3A_662 = tpu.memref_slice %dma_wait3A_659[%dma_wait3A_660, %dma_wait3A_661] : memref<10240x64xf32, #tpu.memory_space<hbm>> -> memref<10240x64xf32, #tpu.memory_space<hbm>>
          tpu.wait_indirect_dma semaphore(%arg29 : memref<!tpu.dma_semaphore, #tpu.memory_space<semaphore_mem>>) src(%dma_wait3A_662 : memref<10240x64xf32, #tpu.memory_space<hbm>>) dst(%arg15 : memref<128x64xf32, #tpu.memory_space<vmem>>)
          %dma_start3A_663 = arith.constant 1 : i32
          %dma_start3A_664 = arith.constant 0 : i32
          %dma_start3A_665 = tpu.memref_slice %arg11[%dma_start3A_663, %dma_start3A_664] : memref<2x128xi32, #tpu.memory_space<vmem>> -> memref<1x128xi32, #tpu.memory_space<vmem>>
          %dma_start3A_666 = tpu.memref_squeeze %dma_start3A_665 : memref<1x128xi32, #tpu.memory_space<vmem>> -> memref<128xi32, #tpu.memory_space<vmem>>
          %dma_start3A_667 = arith.constant 0 : i32
          %dma_start3A_668 = arith.constant 0 : i32
          %dma_start3A_669 = tpu.memref_slice %arg8[%dma_start3A_667, %dma_start3A_668] : memref<10256x64xf32, #tpu.memory_space<vmem_shared>> -> memref<10256x64xf32, #tpu.memory_space<vmem_shared>>
          tpu.enqueue_indirect_dma source(%arg15 : memref<128x64xf32, #tpu.memory_space<vmem>>) target(%dma_start3A_669 : memref<10256x64xf32, #tpu.memory_space<vmem_shared>>) offsets(%dma_start3A_666 : memref<128xi32, #tpu.memory_space<vmem>>) semaphore(%arg33 : memref<!tpu.dma_semaphore, #tpu.memory_space<semaphore_mem>>) {add = true}
        } else {
        }
        %add3A_565 = arith.constant 9 : i32
        %add3A_566 = arith.addi %add3A_306, %add3A_565 : i32
        %add3A_567 = arith.constant 3 : i32
        %add3A_568 = arith.addi %add3A_566, %add3A_567 : i32
        %lt3A_569 = arith.constant 157 : i32
        %lt3A_570 = arith.cmpi slt, %add3A_568, %lt3A_569 : i32
        %convert_element_type3A_571 = arith.extui %lt3A_570 : i1 to i32
        %cond3A_572 = arith.constant 0 : i32
        %cond3A_573 = arith.cmpi ne, %convert_element_type3A_571, %cond3A_572 : i32
        scf.if %cond3A_573 {
          %add3A_652 = arith.constant 3 : i32
          %add3A_653 = arith.addi %add3A_566, %add3A_652 : i32
          %dma_start3A_654 = arith.constant 0 : i32
          %dma_start3A_655 = arith.constant 0 : i32
          %dma_start3A_656 = tpu.memref_slice %arg2[%arg1, %add3A_653, %dma_start3A_654, %dma_start3A_655] : memref<16x157x2x128xi32, #tpu.memory_space<hbm>> -> memref<1x1x2x128xi32, #tpu.memory_space<hbm>>
          %dma_start3A_657 = tpu.memref_squeeze %dma_start3A_656 : memref<1x1x2x128xi32, #tpu.memory_space<hbm>> -> memref<2x128xi32, #tpu.memory_space<hbm>>
          %dma_start3A_658 = arith.constant 0 : i32
          %dma_start3A_659 = arith.constant 0 : i32
          %dma_start3A_660 = tpu.memref_slice %arg2[%arg1, %add3A_653, %dma_start3A_658, %dma_start3A_659] : memref<16x157x2x128xi32, #tpu.memory_space<hbm>> -> memref<1x1x2x128xi32, #tpu.memory_space<hbm>>
          %dma_start3A_661 = tpu.memref_squeeze %dma_start3A_660 : memref<1x1x2x128xi32, #tpu.memory_space<hbm>> -> memref<2x128xi32, #tpu.memory_space<hbm>>
          tpu.enqueue_dma source(%dma_start3A_661 : memref<2x128xi32, #tpu.memory_space<hbm>>) target(%arg9 : memref<2x128xi32, #tpu.memory_space<vmem>>) target_semaphore(%arg23 : memref<!tpu.dma_semaphore, #tpu.memory_space<semaphore_mem>>)
        } else {
        }
        %ge3A_574 = arith.constant 2 : i32
        %ge3A_575 = arith.cmpi sge, %add3A_566, %ge3A_574 : i32
        %lt3A_576 = arith.constant 159 : i32
        %lt3A_577 = arith.cmpi slt, %add3A_566, %lt3A_576 : i32
        %and3A_578 = arith.andi %ge3A_575, %lt3A_577 : i1
        %convert_element_type3A_579 = arith.extui %and3A_578 : i1 to i32
        %cond3A_580 = arith.constant 0 : i32
        %cond3A_581 = arith.cmpi ne, %convert_element_type3A_579, %cond3A_580 : i32
        scf.if %cond3A_581 {
          %dma_wait3A_652 = arith.constant 1 : i32
          %dma_wait3A_653 = arith.constant 0 : i32
          %dma_wait3A_654 = tpu.memref_slice %arg10[%dma_wait3A_652, %dma_wait3A_653] : memref<2x128xi32, #tpu.memory_space<vmem>> -> memref<1x128xi32, #tpu.memory_space<vmem>>
          %dma_wait3A_655 = tpu.memref_squeeze %dma_wait3A_654 : memref<1x128xi32, #tpu.memory_space<vmem>> -> memref<128xi32, #tpu.memory_space<vmem>>
          %dma_wait3A_656 = arith.constant 0 : i32
          %dma_wait3A_657 = arith.constant 0 : i32
          %dma_wait3A_658 = tpu.memref_slice %arg8[%dma_wait3A_656, %dma_wait3A_657] : memref<10256x64xf32, #tpu.memory_space<vmem_shared>> -> memref<10256x64xf32, #tpu.memory_space<vmem_shared>>
          tpu.wait_indirect_dma semaphore(%arg36 : memref<!tpu.dma_semaphore, #tpu.memory_space<semaphore_mem>>) src(%arg18 : memref<128x64xf32, #tpu.memory_space<vmem>>) dst(%dma_wait3A_658 : memref<10256x64xf32, #tpu.memory_space<vmem_shared>>)
        } else {
        }
        %add3A_582 = arith.constant 2 : i32
        %add3A_583 = arith.addi %add3A_566, %add3A_582 : i32
        %lt3A_584 = arith.constant 157 : i32
        %lt3A_585 = arith.cmpi slt, %add3A_583, %lt3A_584 : i32
        %convert_element_type3A_586 = arith.extui %lt3A_585 : i1 to i32
        %cond3A_587 = arith.constant 0 : i32
        %cond3A_588 = arith.cmpi ne, %convert_element_type3A_586, %cond3A_587 : i32
        scf.if %cond3A_588 {
          %add3A_652 = arith.constant 2 : i32
          %add3A_653 = arith.addi %add3A_566, %add3A_652 : i32
          %dma_wait3A_654 = arith.constant 0 : i32
          %dma_wait3A_655 = arith.constant 0 : i32
          %dma_wait3A_656 = tpu.memref_slice %arg2[%arg1, %add3A_653, %dma_wait3A_654, %dma_wait3A_655] : memref<16x157x2x128xi32, #tpu.memory_space<hbm>> -> memref<1x1x2x128xi32, #tpu.memory_space<hbm>>
          %dma_wait3A_657 = tpu.memref_squeeze %dma_wait3A_656 : memref<1x1x2x128xi32, #tpu.memory_space<hbm>> -> memref<2x128xi32, #tpu.memory_space<hbm>>
          %dma_wait3A_658 = arith.constant 0 : i32
          %dma_wait3A_659 = arith.constant 0 : i32
          %dma_wait3A_660 = tpu.memref_slice %arg2[%arg1, %add3A_653, %dma_wait3A_658, %dma_wait3A_659] : memref<16x157x2x128xi32, #tpu.memory_space<hbm>> -> memref<1x1x2x128xi32, #tpu.memory_space<hbm>>
          %dma_wait3A_661 = tpu.memref_squeeze %dma_wait3A_660 : memref<1x1x2x128xi32, #tpu.memory_space<hbm>> -> memref<2x128xi32, #tpu.memory_space<hbm>>
          tpu.wait_dma2 semaphore(%arg28 : memref<!tpu.dma_semaphore, #tpu.memory_space<semaphore_mem>>) src(%dma_wait3A_661 : memref<2x128xi32, #tpu.memory_space<hbm>>) dst(%arg14 : memref<2x128xi32, #tpu.memory_space<vmem>>)
          %dma_start3A_662 = arith.constant 0 : i32
          %dma_start3A_663 = arith.constant 0 : i32
          %dma_start3A_664 = tpu.memref_slice %arg14[%dma_start3A_662, %dma_start3A_663] : memref<2x128xi32, #tpu.memory_space<vmem>> -> memref<1x128xi32, #tpu.memory_space<vmem>>
          %dma_start3A_665 = tpu.memref_squeeze %dma_start3A_664 : memref<1x128xi32, #tpu.memory_space<vmem>> -> memref<128xi32, #tpu.memory_space<vmem>>
          %dma_start3A_666 = arith.constant 0 : i32
          %dma_start3A_667 = arith.constant 0 : i32
          %dma_start3A_668 = tpu.memref_slice %arg6[%arg0, %dma_start3A_666, %dma_start3A_667] : memref<2x10240x64xf32, #tpu.memory_space<hbm>> -> memref<1x10240x64xf32, #tpu.memory_space<hbm>>
          %dma_start3A_669 = tpu.memref_squeeze %dma_start3A_668 : memref<1x10240x64xf32, #tpu.memory_space<hbm>> -> memref<10240x64xf32, #tpu.memory_space<hbm>>
          %dma_start3A_670 = arith.constant 0 : i32
          %dma_start3A_671 = arith.constant 0 : i32
          %dma_start3A_672 = tpu.memref_slice %dma_start3A_669[%dma_start3A_670, %dma_start3A_671] : memref<10240x64xf32, #tpu.memory_space<hbm>> -> memref<10240x64xf32, #tpu.memory_space<hbm>>
          tpu.enqueue_indirect_dma source(%dma_start3A_672 : memref<10240x64xf32, #tpu.memory_space<hbm>>) target(%arg18 : memref<128x64xf32, #tpu.memory_space<vmem>>) offsets(%dma_start3A_665 : memref<128xi32, #tpu.memory_space<vmem>>) semaphore(%arg32 : memref<!tpu.dma_semaphore, #tpu.memory_space<semaphore_mem>>)
        } else {
        }
        %lt3A_589 = arith.constant 157 : i32
        %lt3A_590 = arith.cmpi slt, %add3A_566, %lt3A_589 : i32
        %convert_element_type3A_591 = arith.extui %lt3A_590 : i1 to i32
        %cond3A_592 = arith.constant 0 : i32
        %cond3A_593 = arith.cmpi ne, %convert_element_type3A_591, %cond3A_592 : i32
        scf.if %cond3A_593 {
          %dma_wait3A_652 = arith.constant 0 : i32
          %dma_wait3A_653 = arith.constant 0 : i32
          %dma_wait3A_654 = tpu.memref_slice %arg12[%dma_wait3A_652, %dma_wait3A_653] : memref<2x128xi32, #tpu.memory_space<vmem>> -> memref<1x128xi32, #tpu.memory_space<vmem>>
          %dma_wait3A_655 = tpu.memref_squeeze %dma_wait3A_654 : memref<1x128xi32, #tpu.memory_space<vmem>> -> memref<128xi32, #tpu.memory_space<vmem>>
          %dma_wait3A_656 = arith.constant 0 : i32
          %dma_wait3A_657 = arith.constant 0 : i32
          %dma_wait3A_658 = tpu.memref_slice %arg6[%arg0, %dma_wait3A_656, %dma_wait3A_657] : memref<2x10240x64xf32, #tpu.memory_space<hbm>> -> memref<1x10240x64xf32, #tpu.memory_space<hbm>>
          %dma_wait3A_659 = tpu.memref_squeeze %dma_wait3A_658 : memref<1x10240x64xf32, #tpu.memory_space<hbm>> -> memref<10240x64xf32, #tpu.memory_space<hbm>>
          %dma_wait3A_660 = arith.constant 0 : i32
          %dma_wait3A_661 = arith.constant 0 : i32
          %dma_wait3A_662 = tpu.memref_slice %dma_wait3A_659[%dma_wait3A_660, %dma_wait3A_661] : memref<10240x64xf32, #tpu.memory_space<hbm>> -> memref<10240x64xf32, #tpu.memory_space<hbm>>
          tpu.wait_indirect_dma semaphore(%arg30 : memref<!tpu.dma_semaphore, #tpu.memory_space<semaphore_mem>>) src(%dma_wait3A_662 : memref<10240x64xf32, #tpu.memory_space<hbm>>) dst(%arg16 : memref<128x64xf32, #tpu.memory_space<vmem>>)
          %dma_start3A_663 = arith.constant 1 : i32
          %dma_start3A_664 = arith.constant 0 : i32
          %dma_start3A_665 = tpu.memref_slice %arg12[%dma_start3A_663, %dma_start3A_664] : memref<2x128xi32, #tpu.memory_space<vmem>> -> memref<1x128xi32, #tpu.memory_space<vmem>>
          %dma_start3A_666 = tpu.memref_squeeze %dma_start3A_665 : memref<1x128xi32, #tpu.memory_space<vmem>> -> memref<128xi32, #tpu.memory_space<vmem>>
          %dma_start3A_667 = arith.constant 0 : i32
          %dma_start3A_668 = arith.constant 0 : i32
          %dma_start3A_669 = tpu.memref_slice %arg8[%dma_start3A_667, %dma_start3A_668] : memref<10256x64xf32, #tpu.memory_space<vmem_shared>> -> memref<10256x64xf32, #tpu.memory_space<vmem_shared>>
          tpu.enqueue_indirect_dma source(%arg16 : memref<128x64xf32, #tpu.memory_space<vmem>>) target(%dma_start3A_669 : memref<10256x64xf32, #tpu.memory_space<vmem_shared>>) offsets(%dma_start3A_666 : memref<128xi32, #tpu.memory_space<vmem>>) semaphore(%arg34 : memref<!tpu.dma_semaphore, #tpu.memory_space<semaphore_mem>>) {add = true}
        } else {
        }
        %add3A_594 = arith.constant 10 : i32
        %add3A_595 = arith.addi %add3A_306, %add3A_594 : i32
        %add3A_596 = arith.constant 3 : i32
        %add3A_597 = arith.addi %add3A_595, %add3A_596 : i32
        %lt3A_598 = arith.constant 157 : i32
        %lt3A_599 = arith.cmpi slt, %add3A_597, %lt3A_598 : i32
        %convert_element_type3A_600 = arith.extui %lt3A_599 : i1 to i32
        %cond3A_601 = arith.constant 0 : i32
        %cond3A_602 = arith.cmpi ne, %convert_element_type3A_600, %cond3A_601 : i32
        scf.if %cond3A_602 {
          %add3A_652 = arith.constant 3 : i32
          %add3A_653 = arith.addi %add3A_595, %add3A_652 : i32
          %dma_start3A_654 = arith.constant 0 : i32
          %dma_start3A_655 = arith.constant 0 : i32
          %dma_start3A_656 = tpu.memref_slice %arg2[%arg1, %add3A_653, %dma_start3A_654, %dma_start3A_655] : memref<16x157x2x128xi32, #tpu.memory_space<hbm>> -> memref<1x1x2x128xi32, #tpu.memory_space<hbm>>
          %dma_start3A_657 = tpu.memref_squeeze %dma_start3A_656 : memref<1x1x2x128xi32, #tpu.memory_space<hbm>> -> memref<2x128xi32, #tpu.memory_space<hbm>>
          %dma_start3A_658 = arith.constant 0 : i32
          %dma_start3A_659 = arith.constant 0 : i32
          %dma_start3A_660 = tpu.memref_slice %arg2[%arg1, %add3A_653, %dma_start3A_658, %dma_start3A_659] : memref<16x157x2x128xi32, #tpu.memory_space<hbm>> -> memref<1x1x2x128xi32, #tpu.memory_space<hbm>>
          %dma_start3A_661 = tpu.memref_squeeze %dma_start3A_660 : memref<1x1x2x128xi32, #tpu.memory_space<hbm>> -> memref<2x128xi32, #tpu.memory_space<hbm>>
          tpu.enqueue_dma source(%dma_start3A_661 : memref<2x128xi32, #tpu.memory_space<hbm>>) target(%arg10 : memref<2x128xi32, #tpu.memory_space<vmem>>) target_semaphore(%arg24 : memref<!tpu.dma_semaphore, #tpu.memory_space<semaphore_mem>>)
        } else {
        }
        %ge3A_603 = arith.constant 2 : i32
        %ge3A_604 = arith.cmpi sge, %add3A_595, %ge3A_603 : i32
        %lt3A_605 = arith.constant 159 : i32
        %lt3A_606 = arith.cmpi slt, %add3A_595, %lt3A_605 : i32
        %and3A_607 = arith.andi %ge3A_604, %lt3A_606 : i1
        %convert_element_type3A_608 = arith.extui %and3A_607 : i1 to i32
        %cond3A_609 = arith.constant 0 : i32
        %cond3A_610 = arith.cmpi ne, %convert_element_type3A_608, %cond3A_609 : i32
        scf.if %cond3A_610 {
          %dma_wait3A_652 = arith.constant 1 : i32
          %dma_wait3A_653 = arith.constant 0 : i32
          %dma_wait3A_654 = tpu.memref_slice %arg11[%dma_wait3A_652, %dma_wait3A_653] : memref<2x128xi32, #tpu.memory_space<vmem>> -> memref<1x128xi32, #tpu.memory_space<vmem>>
          %dma_wait3A_655 = tpu.memref_squeeze %dma_wait3A_654 : memref<1x128xi32, #tpu.memory_space<vmem>> -> memref<128xi32, #tpu.memory_space<vmem>>
          %dma_wait3A_656 = arith.constant 0 : i32
          %dma_wait3A_657 = arith.constant 0 : i32
          %dma_wait3A_658 = tpu.memref_slice %arg8[%dma_wait3A_656, %dma_wait3A_657] : memref<10256x64xf32, #tpu.memory_space<vmem_shared>> -> memref<10256x64xf32, #tpu.memory_space<vmem_shared>>
          tpu.wait_indirect_dma semaphore(%arg33 : memref<!tpu.dma_semaphore, #tpu.memory_space<semaphore_mem>>) src(%arg15 : memref<128x64xf32, #tpu.memory_space<vmem>>) dst(%dma_wait3A_658 : memref<10256x64xf32, #tpu.memory_space<vmem_shared>>)
        } else {
        }
        %add3A_611 = arith.constant 2 : i32
        %add3A_612 = arith.addi %add3A_595, %add3A_611 : i32
        %lt3A_613 = arith.constant 157 : i32
        %lt3A_614 = arith.cmpi slt, %add3A_612, %lt3A_613 : i32
        %convert_element_type3A_615 = arith.extui %lt3A_614 : i1 to i32
        %cond3A_616 = arith.constant 0 : i32
        %cond3A_617 = arith.cmpi ne, %convert_element_type3A_615, %cond3A_616 : i32
        scf.if %cond3A_617 {
          %add3A_652 = arith.constant 2 : i32
          %add3A_653 = arith.addi %add3A_595, %add3A_652 : i32
          %dma_wait3A_654 = arith.constant 0 : i32
          %dma_wait3A_655 = arith.constant 0 : i32
          %dma_wait3A_656 = tpu.memref_slice %arg2[%arg1, %add3A_653, %dma_wait3A_654, %dma_wait3A_655] : memref<16x157x2x128xi32, #tpu.memory_space<hbm>> -> memref<1x1x2x128xi32, #tpu.memory_space<hbm>>
          %dma_wait3A_657 = tpu.memref_squeeze %dma_wait3A_656 : memref<1x1x2x128xi32, #tpu.memory_space<hbm>> -> memref<2x128xi32, #tpu.memory_space<hbm>>
          %dma_wait3A_658 = arith.constant 0 : i32
          %dma_wait3A_659 = arith.constant 0 : i32
          %dma_wait3A_660 = tpu.memref_slice %arg2[%arg1, %add3A_653, %dma_wait3A_658, %dma_wait3A_659] : memref<16x157x2x128xi32, #tpu.memory_space<hbm>> -> memref<1x1x2x128xi32, #tpu.memory_space<hbm>>
          %dma_wait3A_661 = tpu.memref_squeeze %dma_wait3A_660 : memref<1x1x2x128xi32, #tpu.memory_space<hbm>> -> memref<2x128xi32, #tpu.memory_space<hbm>>
          tpu.wait_dma2 semaphore(%arg23 : memref<!tpu.dma_semaphore, #tpu.memory_space<semaphore_mem>>) src(%dma_wait3A_661 : memref<2x128xi32, #tpu.memory_space<hbm>>) dst(%arg9 : memref<2x128xi32, #tpu.memory_space<vmem>>)
          %dma_start3A_662 = arith.constant 0 : i32
          %dma_start3A_663 = arith.constant 0 : i32
          %dma_start3A_664 = tpu.memref_slice %arg9[%dma_start3A_662, %dma_start3A_663] : memref<2x128xi32, #tpu.memory_space<vmem>> -> memref<1x128xi32, #tpu.memory_space<vmem>>
          %dma_start3A_665 = tpu.memref_squeeze %dma_start3A_664 : memref<1x128xi32, #tpu.memory_space<vmem>> -> memref<128xi32, #tpu.memory_space<vmem>>
          %dma_start3A_666 = arith.constant 0 : i32
          %dma_start3A_667 = arith.constant 0 : i32
          %dma_start3A_668 = tpu.memref_slice %arg6[%arg0, %dma_start3A_666, %dma_start3A_667] : memref<2x10240x64xf32, #tpu.memory_space<hbm>> -> memref<1x10240x64xf32, #tpu.memory_space<hbm>>
          %dma_start3A_669 = tpu.memref_squeeze %dma_start3A_668 : memref<1x10240x64xf32, #tpu.memory_space<hbm>> -> memref<10240x64xf32, #tpu.memory_space<hbm>>
          %dma_start3A_670 = arith.constant 0 : i32
          %dma_start3A_671 = arith.constant 0 : i32
          %dma_start3A_672 = tpu.memref_slice %dma_start3A_669[%dma_start3A_670, %dma_start3A_671] : memref<10240x64xf32, #tpu.memory_space<hbm>> -> memref<10240x64xf32, #tpu.memory_space<hbm>>
          tpu.enqueue_indirect_dma source(%dma_start3A_672 : memref<10240x64xf32, #tpu.memory_space<hbm>>) target(%arg15 : memref<128x64xf32, #tpu.memory_space<vmem>>) offsets(%dma_start3A_665 : memref<128xi32, #tpu.memory_space<vmem>>) semaphore(%arg29 : memref<!tpu.dma_semaphore, #tpu.memory_space<semaphore_mem>>)
        } else {
        }
        %lt3A_618 = arith.constant 157 : i32
        %lt3A_619 = arith.cmpi slt, %add3A_595, %lt3A_618 : i32
        %convert_element_type3A_620 = arith.extui %lt3A_619 : i1 to i32
        %cond3A_621 = arith.constant 0 : i32
        %cond3A_622 = arith.cmpi ne, %convert_element_type3A_620, %cond3A_621 : i32
        scf.if %cond3A_622 {
          %dma_wait3A_652 = arith.constant 0 : i32
          %dma_wait3A_653 = arith.constant 0 : i32
          %dma_wait3A_654 = tpu.memref_slice %arg13[%dma_wait3A_652, %dma_wait3A_653] : memref<2x128xi32, #tpu.memory_space<vmem>> -> memref<1x128xi32, #tpu.memory_space<vmem>>
          %dma_wait3A_655 = tpu.memref_squeeze %dma_wait3A_654 : memref<1x128xi32, #tpu.memory_space<vmem>> -> memref<128xi32, #tpu.memory_space<vmem>>
          %dma_wait3A_656 = arith.constant 0 : i32
          %dma_wait3A_657 = arith.constant 0 : i32
          %dma_wait3A_658 = tpu.memref_slice %arg6[%arg0, %dma_wait3A_656, %dma_wait3A_657] : memref<2x10240x64xf32, #tpu.memory_space<hbm>> -> memref<1x10240x64xf32, #tpu.memory_space<hbm>>
          %dma_wait3A_659 = tpu.memref_squeeze %dma_wait3A_658 : memref<1x10240x64xf32, #tpu.memory_space<hbm>> -> memref<10240x64xf32, #tpu.memory_space<hbm>>
          %dma_wait3A_660 = arith.constant 0 : i32
          %dma_wait3A_661 = arith.constant 0 : i32
          %dma_wait3A_662 = tpu.memref_slice %dma_wait3A_659[%dma_wait3A_660, %dma_wait3A_661] : memref<10240x64xf32, #tpu.memory_space<hbm>> -> memref<10240x64xf32, #tpu.memory_space<hbm>>
          tpu.wait_indirect_dma semaphore(%arg31 : memref<!tpu.dma_semaphore, #tpu.memory_space<semaphore_mem>>) src(%dma_wait3A_662 : memref<10240x64xf32, #tpu.memory_space<hbm>>) dst(%arg17 : memref<128x64xf32, #tpu.memory_space<vmem>>)
          %dma_start3A_663 = arith.constant 1 : i32
          %dma_start3A_664 = arith.constant 0 : i32
          %dma_start3A_665 = tpu.memref_slice %arg13[%dma_start3A_663, %dma_start3A_664] : memref<2x128xi32, #tpu.memory_space<vmem>> -> memref<1x128xi32, #tpu.memory_space<vmem>>
          %dma_start3A_666 = tpu.memref_squeeze %dma_start3A_665 : memref<1x128xi32, #tpu.memory_space<vmem>> -> memref<128xi32, #tpu.memory_space<vmem>>
          %dma_start3A_667 = arith.constant 0 : i32
          %dma_start3A_668 = arith.constant 0 : i32
          %dma_start3A_669 = tpu.memref_slice %arg8[%dma_start3A_667, %dma_start3A_668] : memref<10256x64xf32, #tpu.memory_space<vmem_shared>> -> memref<10256x64xf32, #tpu.memory_space<vmem_shared>>
          tpu.enqueue_indirect_dma source(%arg17 : memref<128x64xf32, #tpu.memory_space<vmem>>) target(%dma_start3A_669 : memref<10256x64xf32, #tpu.memory_space<vmem_shared>>) offsets(%dma_start3A_666 : memref<128xi32, #tpu.memory_space<vmem>>) semaphore(%arg35 : memref<!tpu.dma_semaphore, #tpu.memory_space<semaphore_mem>>) {add = true}
        } else {
        }
        %add3A_623 = arith.constant 11 : i32
        %add3A_624 = arith.addi %add3A_306, %add3A_623 : i32
        %add3A_625 = arith.constant 3 : i32
        %add3A_626 = arith.addi %add3A_624, %add3A_625 : i32
        %lt3A_627 = arith.constant 157 : i32
        %lt3A_628 = arith.cmpi slt, %add3A_626, %lt3A_627 : i32
        %convert_element_type3A_629 = arith.extui %lt3A_628 : i1 to i32
        %cond3A_630 = arith.constant 0 : i32
        %cond3A_631 = arith.cmpi ne, %convert_element_type3A_629, %cond3A_630 : i32
        scf.if %cond3A_631 {
          %add3A_652 = arith.constant 3 : i32
          %add3A_653 = arith.addi %add3A_624, %add3A_652 : i32
          %dma_start3A_654 = arith.constant 0 : i32
          %dma_start3A_655 = arith.constant 0 : i32
          %dma_start3A_656 = tpu.memref_slice %arg2[%arg1, %add3A_653, %dma_start3A_654, %dma_start3A_655] : memref<16x157x2x128xi32, #tpu.memory_space<hbm>> -> memref<1x1x2x128xi32, #tpu.memory_space<hbm>>
          %dma_start3A_657 = tpu.memref_squeeze %dma_start3A_656 : memref<1x1x2x128xi32, #tpu.memory_space<hbm>> -> memref<2x128xi32, #tpu.memory_space<hbm>>
          %dma_start3A_658 = arith.constant 0 : i32
          %dma_start3A_659 = arith.constant 0 : i32
          %dma_start3A_660 = tpu.memref_slice %arg2[%arg1, %add3A_653, %dma_start3A_658, %dma_start3A_659] : memref<16x157x2x128xi32, #tpu.memory_space<hbm>> -> memref<1x1x2x128xi32, #tpu.memory_space<hbm>>
          %dma_start3A_661 = tpu.memref_squeeze %dma_start3A_660 : memref<1x1x2x128xi32, #tpu.memory_space<hbm>> -> memref<2x128xi32, #tpu.memory_space<hbm>>
          tpu.enqueue_dma source(%dma_start3A_661 : memref<2x128xi32, #tpu.memory_space<hbm>>) target(%arg11 : memref<2x128xi32, #tpu.memory_space<vmem>>) target_semaphore(%arg25 : memref<!tpu.dma_semaphore, #tpu.memory_space<semaphore_mem>>)
        } else {
        }
        %ge3A_632 = arith.constant 2 : i32
        %ge3A_633 = arith.cmpi sge, %add3A_624, %ge3A_632 : i32
        %lt3A_634 = arith.constant 159 : i32
        %lt3A_635 = arith.cmpi slt, %add3A_624, %lt3A_634 : i32
        %and3A_636 = arith.andi %ge3A_633, %lt3A_635 : i1
        %convert_element_type3A_637 = arith.extui %and3A_636 : i1 to i32
        %cond3A_638 = arith.constant 0 : i32
        %cond3A_639 = arith.cmpi ne, %convert_element_type3A_637, %cond3A_638 : i32
        scf.if %cond3A_639 {
          %dma_wait3A_652 = arith.constant 1 : i32
          %dma_wait3A_653 = arith.constant 0 : i32
          %dma_wait3A_654 = tpu.memref_slice %arg12[%dma_wait3A_652, %dma_wait3A_653] : memref<2x128xi32, #tpu.memory_space<vmem>> -> memref<1x128xi32, #tpu.memory_space<vmem>>
          %dma_wait3A_655 = tpu.memref_squeeze %dma_wait3A_654 : memref<1x128xi32, #tpu.memory_space<vmem>> -> memref<128xi32, #tpu.memory_space<vmem>>
          %dma_wait3A_656 = arith.constant 0 : i32
          %dma_wait3A_657 = arith.constant 0 : i32
          %dma_wait3A_658 = tpu.memref_slice %arg8[%dma_wait3A_656, %dma_wait3A_657] : memref<10256x64xf32, #tpu.memory_space<vmem_shared>> -> memref<10256x64xf32, #tpu.memory_space<vmem_shared>>
          tpu.wait_indirect_dma semaphore(%arg34 : memref<!tpu.dma_semaphore, #tpu.memory_space<semaphore_mem>>) src(%arg16 : memref<128x64xf32, #tpu.memory_space<vmem>>) dst(%dma_wait3A_658 : memref<10256x64xf32, #tpu.memory_space<vmem_shared>>)
        } else {
        }
        %add3A_640 = arith.constant 2 : i32
        %add3A_641 = arith.addi %add3A_624, %add3A_640 : i32
        %lt3A_642 = arith.constant 157 : i32
        %lt3A_643 = arith.cmpi slt, %add3A_641, %lt3A_642 : i32
        %convert_element_type3A_644 = arith.extui %lt3A_643 : i1 to i32
        %cond3A_645 = arith.constant 0 : i32
        %cond3A_646 = arith.cmpi ne, %convert_element_type3A_644, %cond3A_645 : i32
        scf.if %cond3A_646 {
          %add3A_652 = arith.constant 2 : i32
          %add3A_653 = arith.addi %add3A_624, %add3A_652 : i32
          %dma_wait3A_654 = arith.constant 0 : i32
          %dma_wait3A_655 = arith.constant 0 : i32
          %dma_wait3A_656 = tpu.memref_slice %arg2[%arg1, %add3A_653, %dma_wait3A_654, %dma_wait3A_655] : memref<16x157x2x128xi32, #tpu.memory_space<hbm>> -> memref<1x1x2x128xi32, #tpu.memory_space<hbm>>
          %dma_wait3A_657 = tpu.memref_squeeze %dma_wait3A_656 : memref<1x1x2x128xi32, #tpu.memory_space<hbm>> -> memref<2x128xi32, #tpu.memory_space<hbm>>
          %dma_wait3A_658 = arith.constant 0 : i32
          %dma_wait3A_659 = arith.constant 0 : i32
          %dma_wait3A_660 = tpu.memref_slice %arg2[%arg1, %add3A_653, %dma_wait3A_658, %dma_wait3A_659] : memref<16x157x2x128xi32, #tpu.memory_space<hbm>> -> memref<1x1x2x128xi32, #tpu.memory_space<hbm>>
          %dma_wait3A_661 = tpu.memref_squeeze %dma_wait3A_660 : memref<1x1x2x128xi32, #tpu.memory_space<hbm>> -> memref<2x128xi32, #tpu.memory_space<hbm>>
          tpu.wait_dma2 semaphore(%arg24 : memref<!tpu.dma_semaphore, #tpu.memory_space<semaphore_mem>>) src(%dma_wait3A_661 : memref<2x128xi32, #tpu.memory_space<hbm>>) dst(%arg10 : memref<2x128xi32, #tpu.memory_space<vmem>>)
          %dma_start3A_662 = arith.constant 0 : i32
          %dma_start3A_663 = arith.constant 0 : i32
          %dma_start3A_664 = tpu.memref_slice %arg10[%dma_start3A_662, %dma_start3A_663] : memref<2x128xi32, #tpu.memory_space<vmem>> -> memref<1x128xi32, #tpu.memory_space<vmem>>
          %dma_start3A_665 = tpu.memref_squeeze %dma_start3A_664 : memref<1x128xi32, #tpu.memory_space<vmem>> -> memref<128xi32, #tpu.memory_space<vmem>>
          %dma_start3A_666 = arith.constant 0 : i32
          %dma_start3A_667 = arith.constant 0 : i32
          %dma_start3A_668 = tpu.memref_slice %arg6[%arg0, %dma_start3A_666, %dma_start3A_667] : memref<2x10240x64xf32, #tpu.memory_space<hbm>> -> memref<1x10240x64xf32, #tpu.memory_space<hbm>>
          %dma_start3A_669 = tpu.memref_squeeze %dma_start3A_668 : memref<1x10240x64xf32, #tpu.memory_space<hbm>> -> memref<10240x64xf32, #tpu.memory_space<hbm>>
          %dma_start3A_670 = arith.constant 0 : i32
          %dma_start3A_671 = arith.constant 0 : i32
          %dma_start3A_672 = tpu.memref_slice %dma_start3A_669[%dma_start3A_670, %dma_start3A_671] : memref<10240x64xf32, #tpu.memory_space<hbm>> -> memref<10240x64xf32, #tpu.memory_space<hbm>>
          tpu.enqueue_indirect_dma source(%dma_start3A_672 : memref<10240x64xf32, #tpu.memory_space<hbm>>) target(%arg16 : memref<128x64xf32, #tpu.memory_space<vmem>>) offsets(%dma_start3A_665 : memref<128xi32, #tpu.memory_space<vmem>>) semaphore(%arg30 : memref<!tpu.dma_semaphore, #tpu.memory_space<semaphore_mem>>)
        } else {
        }
        %lt3A_647 = arith.constant 157 : i32
        %lt3A_648 = arith.cmpi slt, %add3A_624, %lt3A_647 : i32
        %convert_element_type3A_649 = arith.extui %lt3A_648 : i1 to i32
        %cond3A_650 = arith.constant 0 : i32
        %cond3A_651 = arith.cmpi ne, %convert_element_type3A_649, %cond3A_650 : i32
        scf.if %cond3A_651 {
          %dma_wait3A_652 = arith.constant 0 : i32
          %dma_wait3A_653 = arith.constant 0 : i32
          %dma_wait3A_654 = tpu.memref_slice %arg14[%dma_wait3A_652, %dma_wait3A_653] : memref<2x128xi32, #tpu.memory_space<vmem>> -> memref<1x128xi32, #tpu.memory_space<vmem>>
          %dma_wait3A_655 = tpu.memref_squeeze %dma_wait3A_654 : memref<1x128xi32, #tpu.memory_space<vmem>> -> memref<128xi32, #tpu.memory_space<vmem>>
          %dma_wait3A_656 = arith.constant 0 : i32
          %dma_wait3A_657 = arith.constant 0 : i32
          %dma_wait3A_658 = tpu.memref_slice %arg6[%arg0, %dma_wait3A_656, %dma_wait3A_657] : memref<2x10240x64xf32, #tpu.memory_space<hbm>> -> memref<1x10240x64xf32, #tpu.memory_space<hbm>>
          %dma_wait3A_659 = tpu.memref_squeeze %dma_wait3A_658 : memref<1x10240x64xf32, #tpu.memory_space<hbm>> -> memref<10240x64xf32, #tpu.memory_space<hbm>>
          %dma_wait3A_660 = arith.constant 0 : i32
          %dma_wait3A_661 = arith.constant 0 : i32
          %dma_wait3A_662 = tpu.memref_slice %dma_wait3A_659[%dma_wait3A_660, %dma_wait3A_661] : memref<10240x64xf32, #tpu.memory_space<hbm>> -> memref<10240x64xf32, #tpu.memory_space<hbm>>
          tpu.wait_indirect_dma semaphore(%arg32 : memref<!tpu.dma_semaphore, #tpu.memory_space<semaphore_mem>>) src(%dma_wait3A_662 : memref<10240x64xf32, #tpu.memory_space<hbm>>) dst(%arg18 : memref<128x64xf32, #tpu.memory_space<vmem>>)
          %dma_start3A_663 = arith.constant 1 : i32
          %dma_start3A_664 = arith.constant 0 : i32
          %dma_start3A_665 = tpu.memref_slice %arg14[%dma_start3A_663, %dma_start3A_664] : memref<2x128xi32, #tpu.memory_space<vmem>> -> memref<1x128xi32, #tpu.memory_space<vmem>>
          %dma_start3A_666 = tpu.memref_squeeze %dma_start3A_665 : memref<1x128xi32, #tpu.memory_space<vmem>> -> memref<128xi32, #tpu.memory_space<vmem>>
          %dma_start3A_667 = arith.constant 0 : i32
          %dma_start3A_668 = arith.constant 0 : i32
          %dma_start3A_669 = tpu.memref_slice %arg8[%dma_start3A_667, %dma_start3A_668] : memref<10256x64xf32, #tpu.memory_space<vmem_shared>> -> memref<10256x64xf32, #tpu.memory_space<vmem_shared>>
          tpu.enqueue_indirect_dma source(%arg18 : memref<128x64xf32, #tpu.memory_space<vmem>>) target(%dma_start3A_669 : memref<10256x64xf32, #tpu.memory_space<vmem_shared>>) offsets(%dma_start3A_666 : memref<128xi32, #tpu.memory_space<vmem>>) semaphore(%arg36 : memref<!tpu.dma_semaphore, #tpu.memory_space<semaphore_mem>>) {add = true}
        } else {
        }
      }
      %scan3A_104 = arith.constant 14 : i32
      %barrier3A_105 = arith.constant 0 : index
      tpu.barrier barrier_id(%barrier3A_105)
      %add3A_106 = arith.constant 0 : i32
      %add3A_107 = arith.addi %mul3A_0, %add3A_106 : i32
      "tpu.region"() ({
        %run_scoped3A_302 = tpu.sem_alloc : memref<!tpu.dma_semaphore, #tpu.memory_space<semaphore_mem>>
        %dma_start3A_303 = arith.constant 0 : i32
        %dma_start3A_304 = tpu.memref_slice %arg8[%add3A_107, %dma_start3A_303] : memref<10256x64xf32, #tpu.memory_space<vmem_shared>> -> memref<128x64xf32, #tpu.memory_space<vmem_shared>>
        %dma_start3A_305 = arith.constant 0 : i32
        %dma_start3A_306 = tpu.memref_slice %arg8[%add3A_107, %dma_start3A_305] : memref<10256x64xf32, #tpu.memory_space<vmem_shared>> -> memref<128x64xf32, #tpu.memory_space<vmem_shared>>
        tpu.enqueue_dma source(%dma_start3A_306 : memref<128x64xf32, #tpu.memory_space<vmem_shared>>) target(%arg15 : memref<128x64xf32, #tpu.memory_space<vmem>>) target_semaphore(%run_scoped3A_302 : memref<!tpu.dma_semaphore, #tpu.memory_space<semaphore_mem>>)
        %dma_wait3A_307 = arith.constant 0 : i32
        %dma_wait3A_308 = tpu.memref_slice %arg8[%add3A_107, %dma_wait3A_307] : memref<10256x64xf32, #tpu.memory_space<vmem_shared>> -> memref<128x64xf32, #tpu.memory_space<vmem_shared>>
        %dma_wait3A_309 = arith.constant 0 : i32
        %dma_wait3A_310 = tpu.memref_slice %arg8[%add3A_107, %dma_wait3A_309] : memref<10256x64xf32, #tpu.memory_space<vmem_shared>> -> memref<128x64xf32, #tpu.memory_space<vmem_shared>>
        tpu.wait_dma2 semaphore(%run_scoped3A_302 : memref<!tpu.dma_semaphore, #tpu.memory_space<semaphore_mem>>) src(%dma_wait3A_310 : memref<128x64xf32, #tpu.memory_space<vmem_shared>>) dst(%arg15 : memref<128x64xf32, #tpu.memory_space<vmem>>)
        tpu.yield
      }) : () -> ()
      %dma_start3A_108 = arith.constant 0 : i32
      %dma_start3A_109 = tpu.memref_slice %arg8[%add3A_107, %dma_start3A_108] : memref<10256x64xf32, #tpu.memory_space<vmem_shared>> -> memref<128x64xf32, #tpu.memory_space<vmem_shared>>
      tpu.enqueue_dma source(%arg5 : memref<128x64xf32, #tpu.memory_space<hbm>>) target(%dma_start3A_109 : memref<128x64xf32, #tpu.memory_space<vmem_shared>>) target_semaphore(%arg39 : memref<!tpu.dma_semaphore, #tpu.memory_space<semaphore_mem>>)
      %scan3A_110 = arith.constant 0 : i32
      %scan3A_111 = arith.constant 128 : i32
      %scan3A_112 = arith.addi %scan3A_110, %scan3A_111 : i32
      %scan3A_113 = arith.constant 1 : i32
      scf.for %scan3A_302 = %scan3A_110 to %scan3A_112 step %scan3A_113  : i32 {
        %mul3A_303 = arith.constant 1 : i32
        %mul3A_304 = arith.muli %scan3A_302, %mul3A_303 : i32
        %add3A_305 = arith.constant 0 : i32
        %add3A_306 = arith.addi %add3A_305, %mul3A_304 : i32
        %add3A_307 = arith.constant 0 : i32
        %add3A_308 = arith.addi %add3A_307, %add3A_306 : i32
        %get3A = arith.index_cast %add3A_308 : i32 to index
        %get3A_309 = tpu.vector_load %arg20[%get3A] {strides = array<i32>} : memref<656xf32, #tpu.memory_space<vmem>>, vector<16xf32>,
        %slice3A = vector.extract_strided_slice %get3A_309 {offsets = [0], sizes = [1], strides = [1]} : vector<16xf32> to vector<1xf32>
        %squeeze3A = vector.extract %slice3A[0] : f32 from vector<1xf32>
        %get3A_310 = arith.index_cast %add3A_306 : i32 to index
        %get3A_311 = arith.constant 0 : index
        %get3A_312 = tpu.vector_load %arg15[%get3A_310, %get3A_311] {strides = array<i32>} : memref<128x64xf32, #tpu.memory_space<vmem>>, vector<16xf32>,
        %mul3A_313 = vector.broadcast %squeeze3A : f32 to vector<16xf32>
        %mul3A_314 = arith.mulf %get3A_312, %mul3A_313 : vector<16xf32>
        %swap3A = arith.index_cast %add3A_306 : i32 to index
        %swap3A_315 = arith.constant 0 : index
        %swap3A_316 = tpu.vector_load %arg15[%swap3A, %swap3A_315] {strides = array<i32>} : memref<128x64xf32, #tpu.memory_space<vmem>>, vector<16xf32>,
        tpu.vector_store %arg15[%swap3A, %swap3A_315], %mul3A_314 {strides = array<i32>} : memref<128x64xf32, #tpu.memory_space<vmem>>, vector<16xf32>,
        %add3A_317 = arith.constant 0 : i32
        %add3A_318 = arith.addi %add3A_317, %add3A_306 : i32
        %get3A_319 = arith.index_cast %add3A_318 : i32 to index
        %get3A_320 = arith.constant 0 : index
        %get3A_321 = tpu.vector_load %arg19[%get3A_319, %get3A_320] {strides = array<i32>} : memref<640x64xf32, #tpu.memory_space<vmem>>, vector<16xf32>,
        %add3A_322 = arith.addf %get3A_321, %mul3A_314 : vector<16xf32>
        %add3A_323 = arith.constant 0 : i32
        %add3A_324 = arith.addi %add3A_323, %add3A_306 : i32
        %swap3A_325 = arith.index_cast %add3A_324 : i32 to index
        %swap3A_326 = arith.constant 0 : index
        %swap3A_327 = tpu.vector_load %arg19[%swap3A_325, %swap3A_326] {strides = array<i32>} : memref<640x64xf32, #tpu.memory_space<vmem>>, vector<16xf32>,
        tpu.vector_store %arg19[%swap3A_325, %swap3A_326], %add3A_322 {strides = array<i32>} : memref<640x64xf32, #tpu.memory_space<vmem>>, vector<16xf32>,
        %get3A_328 = arith.index_cast %add3A_306 : i32 to index
        %get3A_329 = arith.constant 16 : index
        %get3A_330 = tpu.vector_load %arg15[%get3A_328, %get3A_329] {strides = array<i32>} : memref<128x64xf32, #tpu.memory_space<vmem>>, vector<16xf32>,
        %mul3A_331 = vector.broadcast %squeeze3A : f32 to vector<16xf32>
        %mul3A_332 = arith.mulf %get3A_330, %mul3A_331 : vector<16xf32>
        %swap3A_333 = arith.index_cast %add3A_306 : i32 to index
        %swap3A_334 = arith.constant 16 : index
        %swap3A_335 = tpu.vector_load %arg15[%swap3A_333, %swap3A_334] {strides = array<i32>} : memref<128x64xf32, #tpu.memory_space<vmem>>, vector<16xf32>,
        tpu.vector_store %arg15[%swap3A_333, %swap3A_334], %mul3A_332 {strides = array<i32>} : memref<128x64xf32, #tpu.memory_space<vmem>>, vector<16xf32>,
        %add3A_336 = arith.constant 0 : i32
        %add3A_337 = arith.addi %add3A_336, %add3A_306 : i32
        %get3A_338 = arith.index_cast %add3A_337 : i32 to index
        %get3A_339 = arith.constant 16 : index
        %get3A_340 = tpu.vector_load %arg19[%get3A_338, %get3A_339] {strides = array<i32>} : memref<640x64xf32, #tpu.memory_space<vmem>>, vector<16xf32>,
        %add3A_341 = arith.addf %get3A_340, %mul3A_332 : vector<16xf32>
        %add3A_342 = arith.constant 0 : i32
        %add3A_343 = arith.addi %add3A_342, %add3A_306 : i32
        %swap3A_344 = arith.index_cast %add3A_343 : i32 to index
        %swap3A_345 = arith.constant 16 : index
        %swap3A_346 = tpu.vector_load %arg19[%swap3A_344, %swap3A_345] {strides = array<i32>} : memref<640x64xf32, #tpu.memory_space<vmem>>, vector<16xf32>,
        tpu.vector_store %arg19[%swap3A_344, %swap3A_345], %add3A_341 {strides = array<i32>} : memref<640x64xf32, #tpu.memory_space<vmem>>, vector<16xf32>,
        %get3A_347 = arith.index_cast %add3A_306 : i32 to index
        %get3A_348 = arith.constant 32 : index
        %get3A_349 = tpu.vector_load %arg15[%get3A_347, %get3A_348] {strides = array<i32>} : memref<128x64xf32, #tpu.memory_space<vmem>>, vector<16xf32>,
        %mul3A_350 = vector.broadcast %squeeze3A : f32 to vector<16xf32>
        %mul3A_351 = arith.mulf %get3A_349, %mul3A_350 : vector<16xf32>
        %swap3A_352 = arith.index_cast %add3A_306 : i32 to index
        %swap3A_353 = arith.constant 32 : index
        %swap3A_354 = tpu.vector_load %arg15[%swap3A_352, %swap3A_353] {strides = array<i32>} : memref<128x64xf32, #tpu.memory_space<vmem>>, vector<16xf32>,
        tpu.vector_store %arg15[%swap3A_352, %swap3A_353], %mul3A_351 {strides = array<i32>} : memref<128x64xf32, #tpu.memory_space<vmem>>, vector<16xf32>,
        %add3A_355 = arith.constant 0 : i32
        %add3A_356 = arith.addi %add3A_355, %add3A_306 : i32
        %get3A_357 = arith.index_cast %add3A_356 : i32 to index
        %get3A_358 = arith.constant 32 : index
        %get3A_359 = tpu.vector_load %arg19[%get3A_357, %get3A_358] {strides = array<i32>} : memref<640x64xf32, #tpu.memory_space<vmem>>, vector<16xf32>,
        %add3A_360 = arith.addf %get3A_359, %mul3A_351 : vector<16xf32>
        %add3A_361 = arith.constant 0 : i32
        %add3A_362 = arith.addi %add3A_361, %add3A_306 : i32
        %swap3A_363 = arith.index_cast %add3A_362 : i32 to index
        %swap3A_364 = arith.constant 32 : index
        %swap3A_365 = tpu.vector_load %arg19[%swap3A_363, %swap3A_364] {strides = array<i32>} : memref<640x64xf32, #tpu.memory_space<vmem>>, vector<16xf32>,
        tpu.vector_store %arg19[%swap3A_363, %swap3A_364], %add3A_360 {strides = array<i32>} : memref<640x64xf32, #tpu.memory_space<vmem>>, vector<16xf32>,
        %get3A_366 = arith.index_cast %add3A_306 : i32 to index
        %get3A_367 = arith.constant 48 : index
        %get3A_368 = tpu.vector_load %arg15[%get3A_366, %get3A_367] {strides = array<i32>} : memref<128x64xf32, #tpu.memory_space<vmem>>, vector<16xf32>,
        %mul3A_369 = vector.broadcast %squeeze3A : f32 to vector<16xf32>
        %mul3A_370 = arith.mulf %get3A_368, %mul3A_369 : vector<16xf32>
        %swap3A_371 = arith.index_cast %add3A_306 : i32 to index
        %swap3A_372 = arith.constant 48 : index
        %swap3A_373 = tpu.vector_load %arg15[%swap3A_371, %swap3A_372] {strides = array<i32>} : memref<128x64xf32, #tpu.memory_space<vmem>>, vector<16xf32>,
        tpu.vector_store %arg15[%swap3A_371, %swap3A_372], %mul3A_370 {strides = array<i32>} : memref<128x64xf32, #tpu.memory_space<vmem>>, vector<16xf32>,
        %add3A_374 = arith.constant 0 : i32
        %add3A_375 = arith.addi %add3A_374, %add3A_306 : i32
        %get3A_376 = arith.index_cast %add3A_375 : i32 to index
        %get3A_377 = arith.constant 48 : index
        %get3A_378 = tpu.vector_load %arg19[%get3A_376, %get3A_377] {strides = array<i32>} : memref<640x64xf32, #tpu.memory_space<vmem>>, vector<16xf32>,
        %add3A_379 = arith.addf %get3A_378, %mul3A_370 : vector<16xf32>
        %add3A_380 = arith.constant 0 : i32
        %add3A_381 = arith.addi %add3A_380, %add3A_306 : i32
        %swap3A_382 = arith.index_cast %add3A_381 : i32 to index
        %swap3A_383 = arith.constant 48 : index
        %swap3A_384 = tpu.vector_load %arg19[%swap3A_382, %swap3A_383] {strides = array<i32>} : memref<640x64xf32, #tpu.memory_space<vmem>>, vector<16xf32>,
        tpu.vector_store %arg19[%swap3A_382, %swap3A_383], %add3A_379 {strides = array<i32>} : memref<640x64xf32, #tpu.memory_space<vmem>>, vector<16xf32>,
      }
      %scan3A_114 = arith.constant 128 : i32
      %dma_start3A_115 = arith.constant 0 : i32
      %dma_start3A_116 = arith.constant 0 : i32
      %dma_start3A_117 = tpu.memref_slice %arg6[%arg0, %dma_start3A_115, %dma_start3A_116] : memref<2x10240x64xf32, #tpu.memory_space<hbm>> -> memref<1x10240x64xf32, #tpu.memory_space<hbm>>
      %dma_start3A_118 = tpu.memref_squeeze %dma_start3A_117 : memref<1x10240x64xf32, #tpu.memory_space<hbm>> -> memref<10240x64xf32, #tpu.memory_space<hbm>>
      %dma_start3A_119 = arith.constant 0 : i32
      %dma_start3A_120 = tpu.memref_slice %dma_start3A_118[%add3A_107, %dma_start3A_119] : memref<10240x64xf32, #tpu.memory_space<hbm>> -> memref<128x64xf32, #tpu.memory_space<hbm>>
      %dma_start3A_121 = arith.constant 0 : i32
      %dma_start3A_122 = arith.constant 0 : i32
      %dma_start3A_123 = tpu.memref_slice %arg6[%arg0, %dma_start3A_121, %dma_start3A_122] : memref<2x10240x64xf32, #tpu.memory_space<hbm>> -> memref<1x10240x64xf32, #tpu.memory_space<hbm>>
      %dma_start3A_124 = tpu.memref_squeeze %dma_start3A_123 : memref<1x10240x64xf32, #tpu.memory_space<hbm>> -> memref<10240x64xf32, #tpu.memory_space<hbm>>
      %dma_start3A_125 = arith.constant 0 : i32
      %dma_start3A_126 = tpu.memref_slice %dma_start3A_124[%add3A_107, %dma_start3A_125] : memref<10240x64xf32, #tpu.memory_space<hbm>> -> memref<128x64xf32, #tpu.memory_space<hbm>>
      tpu.enqueue_dma source(%arg15 : memref<128x64xf32, #tpu.memory_space<vmem>>) target(%dma_start3A_126 : memref<128x64xf32, #tpu.memory_space<hbm>>) target_semaphore(%arg37 : memref<!tpu.dma_semaphore, #tpu.memory_space<semaphore_mem>>)
      %add3A_127 = arith.constant 128 : i32
      %add3A_128 = arith.addi %mul3A_0, %add3A_127 : i32
      "tpu.region"() ({
        %run_scoped3A_302 = tpu.sem_alloc : memref<!tpu.dma_semaphore, #tpu.memory_space<semaphore_mem>>
        %dma_start3A_303 = arith.constant 0 : i32
        %dma_start3A_304 = tpu.memref_slice %arg8[%add3A_128, %dma_start3A_303] : memref<10256x64xf32, #tpu.memory_space<vmem_shared>> -> memref<128x64xf32, #tpu.memory_space<vmem_shared>>
        %dma_start3A_305 = arith.constant 0 : i32
        %dma_start3A_306 = tpu.memref_slice %arg8[%add3A_128, %dma_start3A_305] : memref<10256x64xf32, #tpu.memory_space<vmem_shared>> -> memref<128x64xf32, #tpu.memory_space<vmem_shared>>
        tpu.enqueue_dma source(%dma_start3A_306 : memref<128x64xf32, #tpu.memory_space<vmem_shared>>) target(%arg16 : memref<128x64xf32, #tpu.memory_space<vmem>>) target_semaphore(%run_scoped3A_302 : memref<!tpu.dma_semaphore, #tpu.memory_space<semaphore_mem>>)
        %dma_wait3A_307 = arith.constant 0 : i32
        %dma_wait3A_308 = tpu.memref_slice %arg8[%add3A_128, %dma_wait3A_307] : memref<10256x64xf32, #tpu.memory_space<vmem_shared>> -> memref<128x64xf32, #tpu.memory_space<vmem_shared>>
        %dma_wait3A_309 = arith.constant 0 : i32
        %dma_wait3A_310 = tpu.memref_slice %arg8[%add3A_128, %dma_wait3A_309] : memref<10256x64xf32, #tpu.memory_space<vmem_shared>> -> memref<128x64xf32, #tpu.memory_space<vmem_shared>>
        tpu.wait_dma2 semaphore(%run_scoped3A_302 : memref<!tpu.dma_semaphore, #tpu.memory_space<semaphore_mem>>) src(%dma_wait3A_310 : memref<128x64xf32, #tpu.memory_space<vmem_shared>>) dst(%arg16 : memref<128x64xf32, #tpu.memory_space<vmem>>)
        tpu.yield
      }) : () -> ()
      %dma_start3A_129 = arith.constant 0 : i32
      %dma_start3A_130 = tpu.memref_slice %arg8[%add3A_128, %dma_start3A_129] : memref<10256x64xf32, #tpu.memory_space<vmem_shared>> -> memref<128x64xf32, #tpu.memory_space<vmem_shared>>
      tpu.enqueue_dma source(%arg5 : memref<128x64xf32, #tpu.memory_space<hbm>>) target(%dma_start3A_130 : memref<128x64xf32, #tpu.memory_space<vmem_shared>>) target_semaphore(%arg39 : memref<!tpu.dma_semaphore, #tpu.memory_space<semaphore_mem>>)
      %scan3A_131 = arith.constant 0 : i32
      %scan3A_132 = arith.constant 128 : i32
      %scan3A_133 = arith.addi %scan3A_131, %scan3A_132 : i32
      %scan3A_134 = arith.constant 1 : i32
      scf.for %scan3A_302 = %scan3A_131 to %scan3A_133 step %scan3A_134  : i32 {
        %mul3A_303 = arith.constant 1 : i32
        %mul3A_304 = arith.muli %scan3A_302, %mul3A_303 : i32
        %add3A_305 = arith.constant 0 : i32
        %add3A_306 = arith.addi %add3A_305, %mul3A_304 : i32
        %add3A_307 = arith.constant 128 : i32
        %add3A_308 = arith.addi %add3A_307, %add3A_306 : i32
        %get3A = arith.index_cast %add3A_308 : i32 to index
        %get3A_309 = tpu.vector_load %arg20[%get3A] {strides = array<i32>} : memref<656xf32, #tpu.memory_space<vmem>>, vector<16xf32>,
        %slice3A = vector.extract_strided_slice %get3A_309 {offsets = [0], sizes = [1], strides = [1]} : vector<16xf32> to vector<1xf32>
        %squeeze3A = vector.extract %slice3A[0] : f32 from vector<1xf32>
        %get3A_310 = arith.index_cast %add3A_306 : i32 to index
        %get3A_311 = arith.constant 0 : index
        %get3A_312 = tpu.vector_load %arg16[%get3A_310, %get3A_311] {strides = array<i32>} : memref<128x64xf32, #tpu.memory_space<vmem>>, vector<16xf32>,
        %mul3A_313 = vector.broadcast %squeeze3A : f32 to vector<16xf32>
        %mul3A_314 = arith.mulf %get3A_312, %mul3A_313 : vector<16xf32>
        %swap3A = arith.index_cast %add3A_306 : i32 to index
        %swap3A_315 = arith.constant 0 : index
        %swap3A_316 = tpu.vector_load %arg16[%swap3A, %swap3A_315] {strides = array<i32>} : memref<128x64xf32, #tpu.memory_space<vmem>>, vector<16xf32>,
        tpu.vector_store %arg16[%swap3A, %swap3A_315], %mul3A_314 {strides = array<i32>} : memref<128x64xf32, #tpu.memory_space<vmem>>, vector<16xf32>,
        %add3A_317 = arith.constant 128 : i32
        %add3A_318 = arith.addi %add3A_317, %add3A_306 : i32
        %get3A_319 = arith.index_cast %add3A_318 : i32 to index
        %get3A_320 = arith.constant 0 : index
        %get3A_321 = tpu.vector_load %arg19[%get3A_319, %get3A_320] {strides = array<i32>} : memref<640x64xf32, #tpu.memory_space<vmem>>, vector<16xf32>,
        %add3A_322 = arith.addf %get3A_321, %mul3A_314 : vector<16xf32>
        %add3A_323 = arith.constant 128 : i32
        %add3A_324 = arith.addi %add3A_323, %add3A_306 : i32
        %swap3A_325 = arith.index_cast %add3A_324 : i32 to index
        %swap3A_326 = arith.constant 0 : index
        %swap3A_327 = tpu.vector_load %arg19[%swap3A_325, %swap3A_326] {strides = array<i32>} : memref<640x64xf32, #tpu.memory_space<vmem>>, vector<16xf32>,
        tpu.vector_store %arg19[%swap3A_325, %swap3A_326], %add3A_322 {strides = array<i32>} : memref<640x64xf32, #tpu.memory_space<vmem>>, vector<16xf32>,
        %get3A_328 = arith.index_cast %add3A_306 : i32 to index
        %get3A_329 = arith.constant 16 : index
        %get3A_330 = tpu.vector_load %arg16[%get3A_328, %get3A_329] {strides = array<i32>} : memref<128x64xf32, #tpu.memory_space<vmem>>, vector<16xf32>,
        %mul3A_331 = vector.broadcast %squeeze3A : f32 to vector<16xf32>
        %mul3A_332 = arith.mulf %get3A_330, %mul3A_331 : vector<16xf32>
        %swap3A_333 = arith.index_cast %add3A_306 : i32 to index
        %swap3A_334 = arith.constant 16 : index
        %swap3A_335 = tpu.vector_load %arg16[%swap3A_333, %swap3A_334] {strides = array<i32>} : memref<128x64xf32, #tpu.memory_space<vmem>>, vector<16xf32>,
        tpu.vector_store %arg16[%swap3A_333, %swap3A_334], %mul3A_332 {strides = array<i32>} : memref<128x64xf32, #tpu.memory_space<vmem>>, vector<16xf32>,
        %add3A_336 = arith.constant 128 : i32
        %add3A_337 = arith.addi %add3A_336, %add3A_306 : i32
        %get3A_338 = arith.index_cast %add3A_337 : i32 to index
        %get3A_339 = arith.constant 16 : index
        %get3A_340 = tpu.vector_load %arg19[%get3A_338, %get3A_339] {strides = array<i32>} : memref<640x64xf32, #tpu.memory_space<vmem>>, vector<16xf32>,
        %add3A_341 = arith.addf %get3A_340, %mul3A_332 : vector<16xf32>
        %add3A_342 = arith.constant 128 : i32
        %add3A_343 = arith.addi %add3A_342, %add3A_306 : i32
        %swap3A_344 = arith.index_cast %add3A_343 : i32 to index
        %swap3A_345 = arith.constant 16 : index
        %swap3A_346 = tpu.vector_load %arg19[%swap3A_344, %swap3A_345] {strides = array<i32>} : memref<640x64xf32, #tpu.memory_space<vmem>>, vector<16xf32>,
        tpu.vector_store %arg19[%swap3A_344, %swap3A_345], %add3A_341 {strides = array<i32>} : memref<640x64xf32, #tpu.memory_space<vmem>>, vector<16xf32>,
        %get3A_347 = arith.index_cast %add3A_306 : i32 to index
        %get3A_348 = arith.constant 32 : index
        %get3A_349 = tpu.vector_load %arg16[%get3A_347, %get3A_348] {strides = array<i32>} : memref<128x64xf32, #tpu.memory_space<vmem>>, vector<16xf32>,
        %mul3A_350 = vector.broadcast %squeeze3A : f32 to vector<16xf32>
        %mul3A_351 = arith.mulf %get3A_349, %mul3A_350 : vector<16xf32>
        %swap3A_352 = arith.index_cast %add3A_306 : i32 to index
        %swap3A_353 = arith.constant 32 : index
        %swap3A_354 = tpu.vector_load %arg16[%swap3A_352, %swap3A_353] {strides = array<i32>} : memref<128x64xf32, #tpu.memory_space<vmem>>, vector<16xf32>,
        tpu.vector_store %arg16[%swap3A_352, %swap3A_353], %mul3A_351 {strides = array<i32>} : memref<128x64xf32, #tpu.memory_space<vmem>>, vector<16xf32>,
        %add3A_355 = arith.constant 128 : i32
        %add3A_356 = arith.addi %add3A_355, %add3A_306 : i32
        %get3A_357 = arith.index_cast %add3A_356 : i32 to index
        %get3A_358 = arith.constant 32 : index
        %get3A_359 = tpu.vector_load %arg19[%get3A_357, %get3A_358] {strides = array<i32>} : memref<640x64xf32, #tpu.memory_space<vmem>>, vector<16xf32>,
        %add3A_360 = arith.addf %get3A_359, %mul3A_351 : vector<16xf32>
        %add3A_361 = arith.constant 128 : i32
        %add3A_362 = arith.addi %add3A_361, %add3A_306 : i32
        %swap3A_363 = arith.index_cast %add3A_362 : i32 to index
        %swap3A_364 = arith.constant 32 : index
        %swap3A_365 = tpu.vector_load %arg19[%swap3A_363, %swap3A_364] {strides = array<i32>} : memref<640x64xf32, #tpu.memory_space<vmem>>, vector<16xf32>,
        tpu.vector_store %arg19[%swap3A_363, %swap3A_364], %add3A_360 {strides = array<i32>} : memref<640x64xf32, #tpu.memory_space<vmem>>, vector<16xf32>,
        %get3A_366 = arith.index_cast %add3A_306 : i32 to index
        %get3A_367 = arith.constant 48 : index
        %get3A_368 = tpu.vector_load %arg16[%get3A_366, %get3A_367] {strides = array<i32>} : memref<128x64xf32, #tpu.memory_space<vmem>>, vector<16xf32>,
        %mul3A_369 = vector.broadcast %squeeze3A : f32 to vector<16xf32>
        %mul3A_370 = arith.mulf %get3A_368, %mul3A_369 : vector<16xf32>
        %swap3A_371 = arith.index_cast %add3A_306 : i32 to index
        %swap3A_372 = arith.constant 48 : index
        %swap3A_373 = tpu.vector_load %arg16[%swap3A_371, %swap3A_372] {strides = array<i32>} : memref<128x64xf32, #tpu.memory_space<vmem>>, vector<16xf32>,
        tpu.vector_store %arg16[%swap3A_371, %swap3A_372], %mul3A_370 {strides = array<i32>} : memref<128x64xf32, #tpu.memory_space<vmem>>, vector<16xf32>,
        %add3A_374 = arith.constant 128 : i32
        %add3A_375 = arith.addi %add3A_374, %add3A_306 : i32
        %get3A_376 = arith.index_cast %add3A_375 : i32 to index
        %get3A_377 = arith.constant 48 : index
        %get3A_378 = tpu.vector_load %arg19[%get3A_376, %get3A_377] {strides = array<i32>} : memref<640x64xf32, #tpu.memory_space<vmem>>, vector<16xf32>,
        %add3A_379 = arith.addf %get3A_378, %mul3A_370 : vector<16xf32>
        %add3A_380 = arith.constant 128 : i32
        %add3A_381 = arith.addi %add3A_380, %add3A_306 : i32
        %swap3A_382 = arith.index_cast %add3A_381 : i32 to index
        %swap3A_383 = arith.constant 48 : index
        %swap3A_384 = tpu.vector_load %arg19[%swap3A_382, %swap3A_383] {strides = array<i32>} : memref<640x64xf32, #tpu.memory_space<vmem>>, vector<16xf32>,
        tpu.vector_store %arg19[%swap3A_382, %swap3A_383], %add3A_379 {strides = array<i32>} : memref<640x64xf32, #tpu.memory_space<vmem>>, vector<16xf32>,
      }
      %scan3A_135 = arith.constant 128 : i32
      %dma_start3A_136 = arith.constant 0 : i32
      %dma_start3A_137 = arith.constant 0 : i32
      %dma_start3A_138 = tpu.memref_slice %arg6[%arg0, %dma_start3A_136, %dma_start3A_137] : memref<2x10240x64xf32, #tpu.memory_space<hbm>> -> memref<1x10240x64xf32, #tpu.memory_space<hbm>>
      %dma_start3A_139 = tpu.memref_squeeze %dma_start3A_138 : memref<1x10240x64xf32, #tpu.memory_space<hbm>> -> memref<10240x64xf32, #tpu.memory_space<hbm>>
      %dma_start3A_140 = arith.constant 0 : i32
      %dma_start3A_141 = tpu.memref_slice %dma_start3A_139[%add3A_128, %dma_start3A_140] : memref<10240x64xf32, #tpu.memory_space<hbm>> -> memref<128x64xf32, #tpu.memory_space<hbm>>
      %dma_start3A_142 = arith.constant 0 : i32
      %dma_start3A_143 = arith.constant 0 : i32
      %dma_start3A_144 = tpu.memref_slice %arg6[%arg0, %dma_start3A_142, %dma_start3A_143] : memref<2x10240x64xf32, #tpu.memory_space<hbm>> -> memref<1x10240x64xf32, #tpu.memory_space<hbm>>
      %dma_start3A_145 = tpu.memref_squeeze %dma_start3A_144 : memref<1x10240x64xf32, #tpu.memory_space<hbm>> -> memref<10240x64xf32, #tpu.memory_space<hbm>>
      %dma_start3A_146 = arith.constant 0 : i32
      %dma_start3A_147 = tpu.memref_slice %dma_start3A_145[%add3A_128, %dma_start3A_146] : memref<10240x64xf32, #tpu.memory_space<hbm>> -> memref<128x64xf32, #tpu.memory_space<hbm>>
      tpu.enqueue_dma source(%arg16 : memref<128x64xf32, #tpu.memory_space<vmem>>) target(%dma_start3A_147 : memref<128x64xf32, #tpu.memory_space<hbm>>) target_semaphore(%arg38 : memref<!tpu.dma_semaphore, #tpu.memory_space<semaphore_mem>>)
      %add3A_148 = arith.constant 256 : i32
      %add3A_149 = arith.addi %mul3A_0, %add3A_148 : i32
      %add3A_150 = arith.constant 0 : i32
      %add3A_151 = arith.addi %mul3A_0, %add3A_150 : i32
      %dma_wait3A_152 = arith.constant 0 : i32
      %dma_wait3A_153 = arith.constant 0 : i32
      %dma_wait3A_154 = tpu.memref_slice %arg6[%arg0, %dma_wait3A_152, %dma_wait3A_153] : memref<2x10240x64xf32, #tpu.memory_space<hbm>> -> memref<1x10240x64xf32, #tpu.memory_space<hbm>>
      %dma_wait3A_155 = tpu.memref_squeeze %dma_wait3A_154 : memref<1x10240x64xf32, #tpu.memory_space<hbm>> -> memref<10240x64xf32, #tpu.memory_space<hbm>>
      %dma_wait3A_156 = arith.constant 0 : i32
      %dma_wait3A_157 = tpu.memref_slice %dma_wait3A_155[%add3A_151, %dma_wait3A_156] : memref<10240x64xf32, #tpu.memory_space<hbm>> -> memref<128x64xf32, #tpu.memory_space<hbm>>
      %dma_wait3A_158 = arith.constant 0 : i32
      %dma_wait3A_159 = arith.constant 0 : i32
      %dma_wait3A_160 = tpu.memref_slice %arg6[%arg0, %dma_wait3A_158, %dma_wait3A_159] : memref<2x10240x64xf32, #tpu.memory_space<hbm>> -> memref<1x10240x64xf32, #tpu.memory_space<hbm>>
      %dma_wait3A_161 = tpu.memref_squeeze %dma_wait3A_160 : memref<1x10240x64xf32, #tpu.memory_space<hbm>> -> memref<10240x64xf32, #tpu.memory_space<hbm>>
      %dma_wait3A_162 = arith.constant 0 : i32
      %dma_wait3A_163 = tpu.memref_slice %dma_wait3A_161[%add3A_151, %dma_wait3A_162] : memref<10240x64xf32, #tpu.memory_space<hbm>> -> memref<128x64xf32, #tpu.memory_space<hbm>>
      tpu.wait_dma2 semaphore(%arg37 : memref<!tpu.dma_semaphore, #tpu.memory_space<semaphore_mem>>) src(%arg15 : memref<128x64xf32, #tpu.memory_space<vmem>>) dst(%dma_wait3A_163 : memref<128x64xf32, #tpu.memory_space<hbm>>)
      "tpu.region"() ({
        %run_scoped3A_302 = tpu.sem_alloc : memref<!tpu.dma_semaphore, #tpu.memory_space<semaphore_mem>>
        %dma_start3A_303 = arith.constant 0 : i32
        %dma_start3A_304 = tpu.memref_slice %arg8[%add3A_149, %dma_start3A_303] : memref<10256x64xf32, #tpu.memory_space<vmem_shared>> -> memref<128x64xf32, #tpu.memory_space<vmem_shared>>
        %dma_start3A_305 = arith.constant 0 : i32
        %dma_start3A_306 = tpu.memref_slice %arg8[%add3A_149, %dma_start3A_305] : memref<10256x64xf32, #tpu.memory_space<vmem_shared>> -> memref<128x64xf32, #tpu.memory_space<vmem_shared>>
        tpu.enqueue_dma source(%dma_start3A_306 : memref<128x64xf32, #tpu.memory_space<vmem_shared>>) target(%arg15 : memref<128x64xf32, #tpu.memory_space<vmem>>) target_semaphore(%run_scoped3A_302 : memref<!tpu.dma_semaphore, #tpu.memory_space<semaphore_mem>>)
        %dma_wait3A_307 = arith.constant 0 : i32
        %dma_wait3A_308 = tpu.memref_slice %arg8[%add3A_149, %dma_wait3A_307] : memref<10256x64xf32, #tpu.memory_space<vmem_shared>> -> memref<128x64xf32, #tpu.memory_space<vmem_shared>>
        %dma_wait3A_309 = arith.constant 0 : i32
        %dma_wait3A_310 = tpu.memref_slice %arg8[%add3A_149, %dma_wait3A_309] : memref<10256x64xf32, #tpu.memory_space<vmem_shared>> -> memref<128x64xf32, #tpu.memory_space<vmem_shared>>
        tpu.wait_dma2 semaphore(%run_scoped3A_302 : memref<!tpu.dma_semaphore, #tpu.memory_space<semaphore_mem>>) src(%dma_wait3A_310 : memref<128x64xf32, #tpu.memory_space<vmem_shared>>) dst(%arg15 : memref<128x64xf32, #tpu.memory_space<vmem>>)
        tpu.yield
      }) : () -> ()
      %dma_start3A_164 = arith.constant 0 : i32
      %dma_start3A_165 = tpu.memref_slice %arg8[%add3A_149, %dma_start3A_164] : memref<10256x64xf32, #tpu.memory_space<vmem_shared>> -> memref<128x64xf32, #tpu.memory_space<vmem_shared>>
      tpu.enqueue_dma source(%arg5 : memref<128x64xf32, #tpu.memory_space<hbm>>) target(%dma_start3A_165 : memref<128x64xf32, #tpu.memory_space<vmem_shared>>) target_semaphore(%arg39 : memref<!tpu.dma_semaphore, #tpu.memory_space<semaphore_mem>>)
      %scan3A_166 = arith.constant 0 : i32
      %scan3A_167 = arith.constant 128 : i32
      %scan3A_168 = arith.addi %scan3A_166, %scan3A_167 : i32
      %scan3A_169 = arith.constant 1 : i32
      scf.for %scan3A_302 = %scan3A_166 to %scan3A_168 step %scan3A_169  : i32 {
        %mul3A_303 = arith.constant 1 : i32
        %mul3A_304 = arith.muli %scan3A_302, %mul3A_303 : i32
        %add3A_305 = arith.constant 0 : i32
        %add3A_306 = arith.addi %add3A_305, %mul3A_304 : i32
        %add3A_307 = arith.constant 256 : i32
        %add3A_308 = arith.addi %add3A_307, %add3A_306 : i32
        %get3A = arith.index_cast %add3A_308 : i32 to index
        %get3A_309 = tpu.vector_load %arg20[%get3A] {strides = array<i32>} : memref<656xf32, #tpu.memory_space<vmem>>, vector<16xf32>,
        %slice3A = vector.extract_strided_slice %get3A_309 {offsets = [0], sizes = [1], strides = [1]} : vector<16xf32> to vector<1xf32>
        %squeeze3A = vector.extract %slice3A[0] : f32 from vector<1xf32>
        %get3A_310 = arith.index_cast %add3A_306 : i32 to index
        %get3A_311 = arith.constant 0 : index
        %get3A_312 = tpu.vector_load %arg15[%get3A_310, %get3A_311] {strides = array<i32>} : memref<128x64xf32, #tpu.memory_space<vmem>>, vector<16xf32>,
        %mul3A_313 = vector.broadcast %squeeze3A : f32 to vector<16xf32>
        %mul3A_314 = arith.mulf %get3A_312, %mul3A_313 : vector<16xf32>
        %swap3A = arith.index_cast %add3A_306 : i32 to index
        %swap3A_315 = arith.constant 0 : index
        %swap3A_316 = tpu.vector_load %arg15[%swap3A, %swap3A_315] {strides = array<i32>} : memref<128x64xf32, #tpu.memory_space<vmem>>, vector<16xf32>,
        tpu.vector_store %arg15[%swap3A, %swap3A_315], %mul3A_314 {strides = array<i32>} : memref<128x64xf32, #tpu.memory_space<vmem>>, vector<16xf32>,
        %add3A_317 = arith.constant 256 : i32
        %add3A_318 = arith.addi %add3A_317, %add3A_306 : i32
        %get3A_319 = arith.index_cast %add3A_318 : i32 to index
        %get3A_320 = arith.constant 0 : index
        %get3A_321 = tpu.vector_load %arg19[%get3A_319, %get3A_320] {strides = array<i32>} : memref<640x64xf32, #tpu.memory_space<vmem>>, vector<16xf32>,
        %add3A_322 = arith.addf %get3A_321, %mul3A_314 : vector<16xf32>
        %add3A_323 = arith.constant 256 : i32
        %add3A_324 = arith.addi %add3A_323, %add3A_306 : i32
        %swap3A_325 = arith.index_cast %add3A_324 : i32 to index
        %swap3A_326 = arith.constant 0 : index
        %swap3A_327 = tpu.vector_load %arg19[%swap3A_325, %swap3A_326] {strides = array<i32>} : memref<640x64xf32, #tpu.memory_space<vmem>>, vector<16xf32>,
        tpu.vector_store %arg19[%swap3A_325, %swap3A_326], %add3A_322 {strides = array<i32>} : memref<640x64xf32, #tpu.memory_space<vmem>>, vector<16xf32>,
        %get3A_328 = arith.index_cast %add3A_306 : i32 to index
        %get3A_329 = arith.constant 16 : index
        %get3A_330 = tpu.vector_load %arg15[%get3A_328, %get3A_329] {strides = array<i32>} : memref<128x64xf32, #tpu.memory_space<vmem>>, vector<16xf32>,
        %mul3A_331 = vector.broadcast %squeeze3A : f32 to vector<16xf32>
        %mul3A_332 = arith.mulf %get3A_330, %mul3A_331 : vector<16xf32>
        %swap3A_333 = arith.index_cast %add3A_306 : i32 to index
        %swap3A_334 = arith.constant 16 : index
        %swap3A_335 = tpu.vector_load %arg15[%swap3A_333, %swap3A_334] {strides = array<i32>} : memref<128x64xf32, #tpu.memory_space<vmem>>, vector<16xf32>,
        tpu.vector_store %arg15[%swap3A_333, %swap3A_334], %mul3A_332 {strides = array<i32>} : memref<128x64xf32, #tpu.memory_space<vmem>>, vector<16xf32>,
        %add3A_336 = arith.constant 256 : i32
        %add3A_337 = arith.addi %add3A_336, %add3A_306 : i32
        %get3A_338 = arith.index_cast %add3A_337 : i32 to index
        %get3A_339 = arith.constant 16 : index
        %get3A_340 = tpu.vector_load %arg19[%get3A_338, %get3A_339] {strides = array<i32>} : memref<640x64xf32, #tpu.memory_space<vmem>>, vector<16xf32>,
        %add3A_341 = arith.addf %get3A_340, %mul3A_332 : vector<16xf32>
        %add3A_342 = arith.constant 256 : i32
        %add3A_343 = arith.addi %add3A_342, %add3A_306 : i32
        %swap3A_344 = arith.index_cast %add3A_343 : i32 to index
        %swap3A_345 = arith.constant 16 : index
        %swap3A_346 = tpu.vector_load %arg19[%swap3A_344, %swap3A_345] {strides = array<i32>} : memref<640x64xf32, #tpu.memory_space<vmem>>, vector<16xf32>,
        tpu.vector_store %arg19[%swap3A_344, %swap3A_345], %add3A_341 {strides = array<i32>} : memref<640x64xf32, #tpu.memory_space<vmem>>, vector<16xf32>,
        %get3A_347 = arith.index_cast %add3A_306 : i32 to index
        %get3A_348 = arith.constant 32 : index
        %get3A_349 = tpu.vector_load %arg15[%get3A_347, %get3A_348] {strides = array<i32>} : memref<128x64xf32, #tpu.memory_space<vmem>>, vector<16xf32>,
        %mul3A_350 = vector.broadcast %squeeze3A : f32 to vector<16xf32>
        %mul3A_351 = arith.mulf %get3A_349, %mul3A_350 : vector<16xf32>
        %swap3A_352 = arith.index_cast %add3A_306 : i32 to index
        %swap3A_353 = arith.constant 32 : index
        %swap3A_354 = tpu.vector_load %arg15[%swap3A_352, %swap3A_353] {strides = array<i32>} : memref<128x64xf32, #tpu.memory_space<vmem>>, vector<16xf32>,
        tpu.vector_store %arg15[%swap3A_352, %swap3A_353], %mul3A_351 {strides = array<i32>} : memref<128x64xf32, #tpu.memory_space<vmem>>, vector<16xf32>,
        %add3A_355 = arith.constant 256 : i32
        %add3A_356 = arith.addi %add3A_355, %add3A_306 : i32
        %get3A_357 = arith.index_cast %add3A_356 : i32 to index
        %get3A_358 = arith.constant 32 : index
        %get3A_359 = tpu.vector_load %arg19[%get3A_357, %get3A_358] {strides = array<i32>} : memref<640x64xf32, #tpu.memory_space<vmem>>, vector<16xf32>,
        %add3A_360 = arith.addf %get3A_359, %mul3A_351 : vector<16xf32>
        %add3A_361 = arith.constant 256 : i32
        %add3A_362 = arith.addi %add3A_361, %add3A_306 : i32
        %swap3A_363 = arith.index_cast %add3A_362 : i32 to index
        %swap3A_364 = arith.constant 32 : index
        %swap3A_365 = tpu.vector_load %arg19[%swap3A_363, %swap3A_364] {strides = array<i32>} : memref<640x64xf32, #tpu.memory_space<vmem>>, vector<16xf32>,
        tpu.vector_store %arg19[%swap3A_363, %swap3A_364], %add3A_360 {strides = array<i32>} : memref<640x64xf32, #tpu.memory_space<vmem>>, vector<16xf32>,
        %get3A_366 = arith.index_cast %add3A_306 : i32 to index
        %get3A_367 = arith.constant 48 : index
        %get3A_368 = tpu.vector_load %arg15[%get3A_366, %get3A_367] {strides = array<i32>} : memref<128x64xf32, #tpu.memory_space<vmem>>, vector<16xf32>,
        %mul3A_369 = vector.broadcast %squeeze3A : f32 to vector<16xf32>
        %mul3A_370 = arith.mulf %get3A_368, %mul3A_369 : vector<16xf32>
        %swap3A_371 = arith.index_cast %add3A_306 : i32 to index
        %swap3A_372 = arith.constant 48 : index
        %swap3A_373 = tpu.vector_load %arg15[%swap3A_371, %swap3A_372] {strides = array<i32>} : memref<128x64xf32, #tpu.memory_space<vmem>>, vector<16xf32>,
        tpu.vector_store %arg15[%swap3A_371, %swap3A_372], %mul3A_370 {strides = array<i32>} : memref<128x64xf32, #tpu.memory_space<vmem>>, vector<16xf32>,
        %add3A_374 = arith.constant 256 : i32
        %add3A_375 = arith.addi %add3A_374, %add3A_306 : i32
        %get3A_376 = arith.index_cast %add3A_375 : i32 to index
        %get3A_377 = arith.constant 48 : index
        %get3A_378 = tpu.vector_load %arg19[%get3A_376, %get3A_377] {strides = array<i32>} : memref<640x64xf32, #tpu.memory_space<vmem>>, vector<16xf32>,
        %add3A_379 = arith.addf %get3A_378, %mul3A_370 : vector<16xf32>
        %add3A_380 = arith.constant 256 : i32
        %add3A_381 = arith.addi %add3A_380, %add3A_306 : i32
        %swap3A_382 = arith.index_cast %add3A_381 : i32 to index
        %swap3A_383 = arith.constant 48 : index
        %swap3A_384 = tpu.vector_load %arg19[%swap3A_382, %swap3A_383] {strides = array<i32>} : memref<640x64xf32, #tpu.memory_space<vmem>>, vector<16xf32>,
        tpu.vector_store %arg19[%swap3A_382, %swap3A_383], %add3A_379 {strides = array<i32>} : memref<640x64xf32, #tpu.memory_space<vmem>>, vector<16xf32>,
      }
      %scan3A_170 = arith.constant 128 : i32
      %dma_start3A_171 = arith.constant 0 : i32
      %dma_start3A_172 = arith.constant 0 : i32
      %dma_start3A_173 = tpu.memref_slice %arg6[%arg0, %dma_start3A_171, %dma_start3A_172] : memref<2x10240x64xf32, #tpu.memory_space<hbm>> -> memref<1x10240x64xf32, #tpu.memory_space<hbm>>
      %dma_start3A_174 = tpu.memref_squeeze %dma_start3A_173 : memref<1x10240x64xf32, #tpu.memory_space<hbm>> -> memref<10240x64xf32, #tpu.memory_space<hbm>>
      %dma_start3A_175 = arith.constant 0 : i32
      %dma_start3A_176 = tpu.memref_slice %dma_start3A_174[%add3A_149, %dma_start3A_175] : memref<10240x64xf32, #tpu.memory_space<hbm>> -> memref<128x64xf32, #tpu.memory_space<hbm>>
      %dma_start3A_177 = arith.constant 0 : i32
      %dma_start3A_178 = arith.constant 0 : i32
      %dma_start3A_179 = tpu.memref_slice %arg6[%arg0, %dma_start3A_177, %dma_start3A_178] : memref<2x10240x64xf32, #tpu.memory_space<hbm>> -> memref<1x10240x64xf32, #tpu.memory_space<hbm>>
      %dma_start3A_180 = tpu.memref_squeeze %dma_start3A_179 : memref<1x10240x64xf32, #tpu.memory_space<hbm>> -> memref<10240x64xf32, #tpu.memory_space<hbm>>
      %dma_start3A_181 = arith.constant 0 : i32
      %dma_start3A_182 = tpu.memref_slice %dma_start3A_180[%add3A_149, %dma_start3A_181] : memref<10240x64xf32, #tpu.memory_space<hbm>> -> memref<128x64xf32, #tpu.memory_space<hbm>>
      tpu.enqueue_dma source(%arg15 : memref<128x64xf32, #tpu.memory_space<vmem>>) target(%dma_start3A_182 : memref<128x64xf32, #tpu.memory_space<hbm>>) target_semaphore(%arg37 : memref<!tpu.dma_semaphore, #tpu.memory_space<semaphore_mem>>)
      %add3A_183 = arith.constant 384 : i32
      %add3A_184 = arith.addi %mul3A_0, %add3A_183 : i32
      %add3A_185 = arith.constant 128 : i32
      %add3A_186 = arith.addi %mul3A_0, %add3A_185 : i32
      %dma_wait3A_187 = arith.constant 0 : i32
      %dma_wait3A_188 = arith.constant 0 : i32
      %dma_wait3A_189 = tpu.memref_slice %arg6[%arg0, %dma_wait3A_187, %dma_wait3A_188] : memref<2x10240x64xf32, #tpu.memory_space<hbm>> -> memref<1x10240x64xf32, #tpu.memory_space<hbm>>
      %dma_wait3A_190 = tpu.memref_squeeze %dma_wait3A_189 : memref<1x10240x64xf32, #tpu.memory_space<hbm>> -> memref<10240x64xf32, #tpu.memory_space<hbm>>
      %dma_wait3A_191 = arith.constant 0 : i32
      %dma_wait3A_192 = tpu.memref_slice %dma_wait3A_190[%add3A_186, %dma_wait3A_191] : memref<10240x64xf32, #tpu.memory_space<hbm>> -> memref<128x64xf32, #tpu.memory_space<hbm>>
      %dma_wait3A_193 = arith.constant 0 : i32
      %dma_wait3A_194 = arith.constant 0 : i32
      %dma_wait3A_195 = tpu.memref_slice %arg6[%arg0, %dma_wait3A_193, %dma_wait3A_194] : memref<2x10240x64xf32, #tpu.memory_space<hbm>> -> memref<1x10240x64xf32, #tpu.memory_space<hbm>>
      %dma_wait3A_196 = tpu.memref_squeeze %dma_wait3A_195 : memref<1x10240x64xf32, #tpu.memory_space<hbm>> -> memref<10240x64xf32, #tpu.memory_space<hbm>>
      %dma_wait3A_197 = arith.constant 0 : i32
      %dma_wait3A_198 = tpu.memref_slice %dma_wait3A_196[%add3A_186, %dma_wait3A_197] : memref<10240x64xf32, #tpu.memory_space<hbm>> -> memref<128x64xf32, #tpu.memory_space<hbm>>
      tpu.wait_dma2 semaphore(%arg38 : memref<!tpu.dma_semaphore, #tpu.memory_space<semaphore_mem>>) src(%arg16 : memref<128x64xf32, #tpu.memory_space<vmem>>) dst(%dma_wait3A_198 : memref<128x64xf32, #tpu.memory_space<hbm>>)
      "tpu.region"() ({
        %run_scoped3A_302 = tpu.sem_alloc : memref<!tpu.dma_semaphore, #tpu.memory_space<semaphore_mem>>
        %dma_start3A_303 = arith.constant 0 : i32
        %dma_start3A_304 = tpu.memref_slice %arg8[%add3A_184, %dma_start3A_303] : memref<10256x64xf32, #tpu.memory_space<vmem_shared>> -> memref<128x64xf32, #tpu.memory_space<vmem_shared>>
        %dma_start3A_305 = arith.constant 0 : i32
        %dma_start3A_306 = tpu.memref_slice %arg8[%add3A_184, %dma_start3A_305] : memref<10256x64xf32, #tpu.memory_space<vmem_shared>> -> memref<128x64xf32, #tpu.memory_space<vmem_shared>>
        tpu.enqueue_dma source(%dma_start3A_306 : memref<128x64xf32, #tpu.memory_space<vmem_shared>>) target(%arg16 : memref<128x64xf32, #tpu.memory_space<vmem>>) target_semaphore(%run_scoped3A_302 : memref<!tpu.dma_semaphore, #tpu.memory_space<semaphore_mem>>)
        %dma_wait3A_307 = arith.constant 0 : i32
        %dma_wait3A_308 = tpu.memref_slice %arg8[%add3A_184, %dma_wait3A_307] : memref<10256x64xf32, #tpu.memory_space<vmem_shared>> -> memref<128x64xf32, #tpu.memory_space<vmem_shared>>
        %dma_wait3A_309 = arith.constant 0 : i32
        %dma_wait3A_310 = tpu.memref_slice %arg8[%add3A_184, %dma_wait3A_309] : memref<10256x64xf32, #tpu.memory_space<vmem_shared>> -> memref<128x64xf32, #tpu.memory_space<vmem_shared>>
        tpu.wait_dma2 semaphore(%run_scoped3A_302 : memref<!tpu.dma_semaphore, #tpu.memory_space<semaphore_mem>>) src(%dma_wait3A_310 : memref<128x64xf32, #tpu.memory_space<vmem_shared>>) dst(%arg16 : memref<128x64xf32, #tpu.memory_space<vmem>>)
        tpu.yield
      }) : () -> ()
      %dma_start3A_199 = arith.constant 0 : i32
      %dma_start3A_200 = tpu.memref_slice %arg8[%add3A_184, %dma_start3A_199] : memref<10256x64xf32, #tpu.memory_space<vmem_shared>> -> memref<128x64xf32, #tpu.memory_space<vmem_shared>>
      tpu.enqueue_dma source(%arg5 : memref<128x64xf32, #tpu.memory_space<hbm>>) target(%dma_start3A_200 : memref<128x64xf32, #tpu.memory_space<vmem_shared>>) target_semaphore(%arg39 : memref<!tpu.dma_semaphore, #tpu.memory_space<semaphore_mem>>)
      %scan3A_201 = arith.constant 0 : i32
      %scan3A_202 = arith.constant 128 : i32
      %scan3A_203 = arith.addi %scan3A_201, %scan3A_202 : i32
      %scan3A_204 = arith.constant 1 : i32
      scf.for %scan3A_302 = %scan3A_201 to %scan3A_203 step %scan3A_204  : i32 {
        %mul3A_303 = arith.constant 1 : i32
        %mul3A_304 = arith.muli %scan3A_302, %mul3A_303 : i32
        %add3A_305 = arith.constant 0 : i32
        %add3A_306 = arith.addi %add3A_305, %mul3A_304 : i32
        %add3A_307 = arith.constant 384 : i32
        %add3A_308 = arith.addi %add3A_307, %add3A_306 : i32
        %get3A = arith.index_cast %add3A_308 : i32 to index
        %get3A_309 = tpu.vector_load %arg20[%get3A] {strides = array<i32>} : memref<656xf32, #tpu.memory_space<vmem>>, vector<16xf32>,
        %slice3A = vector.extract_strided_slice %get3A_309 {offsets = [0], sizes = [1], strides = [1]} : vector<16xf32> to vector<1xf32>
        %squeeze3A = vector.extract %slice3A[0] : f32 from vector<1xf32>
        %get3A_310 = arith.index_cast %add3A_306 : i32 to index
        %get3A_311 = arith.constant 0 : index
        %get3A_312 = tpu.vector_load %arg16[%get3A_310, %get3A_311] {strides = array<i32>} : memref<128x64xf32, #tpu.memory_space<vmem>>, vector<16xf32>,
        %mul3A_313 = vector.broadcast %squeeze3A : f32 to vector<16xf32>
        %mul3A_314 = arith.mulf %get3A_312, %mul3A_313 : vector<16xf32>
        %swap3A = arith.index_cast %add3A_306 : i32 to index
        %swap3A_315 = arith.constant 0 : index
        %swap3A_316 = tpu.vector_load %arg16[%swap3A, %swap3A_315] {strides = array<i32>} : memref<128x64xf32, #tpu.memory_space<vmem>>, vector<16xf32>,
        tpu.vector_store %arg16[%swap3A, %swap3A_315], %mul3A_314 {strides = array<i32>} : memref<128x64xf32, #tpu.memory_space<vmem>>, vector<16xf32>,
        %add3A_317 = arith.constant 384 : i32
        %add3A_318 = arith.addi %add3A_317, %add3A_306 : i32
        %get3A_319 = arith.index_cast %add3A_318 : i32 to index
        %get3A_320 = arith.constant 0 : index
        %get3A_321 = tpu.vector_load %arg19[%get3A_319, %get3A_320] {strides = array<i32>} : memref<640x64xf32, #tpu.memory_space<vmem>>, vector<16xf32>,
        %add3A_322 = arith.addf %get3A_321, %mul3A_314 : vector<16xf32>
        %add3A_323 = arith.constant 384 : i32
        %add3A_324 = arith.addi %add3A_323, %add3A_306 : i32
        %swap3A_325 = arith.index_cast %add3A_324 : i32 to index
        %swap3A_326 = arith.constant 0 : index
        %swap3A_327 = tpu.vector_load %arg19[%swap3A_325, %swap3A_326] {strides = array<i32>} : memref<640x64xf32, #tpu.memory_space<vmem>>, vector<16xf32>,
        tpu.vector_store %arg19[%swap3A_325, %swap3A_326], %add3A_322 {strides = array<i32>} : memref<640x64xf32, #tpu.memory_space<vmem>>, vector<16xf32>,
        %get3A_328 = arith.index_cast %add3A_306 : i32 to index
        %get3A_329 = arith.constant 16 : index
        %get3A_330 = tpu.vector_load %arg16[%get3A_328, %get3A_329] {strides = array<i32>} : memref<128x64xf32, #tpu.memory_space<vmem>>, vector<16xf32>,
        %mul3A_331 = vector.broadcast %squeeze3A : f32 to vector<16xf32>
        %mul3A_332 = arith.mulf %get3A_330, %mul3A_331 : vector<16xf32>
        %swap3A_333 = arith.index_cast %add3A_306 : i32 to index
        %swap3A_334 = arith.constant 16 : index
        %swap3A_335 = tpu.vector_load %arg16[%swap3A_333, %swap3A_334] {strides = array<i32>} : memref<128x64xf32, #tpu.memory_space<vmem>>, vector<16xf32>,
        tpu.vector_store %arg16[%swap3A_333, %swap3A_334], %mul3A_332 {strides = array<i32>} : memref<128x64xf32, #tpu.memory_space<vmem>>, vector<16xf32>,
        %add3A_336 = arith.constant 384 : i32
        %add3A_337 = arith.addi %add3A_336, %add3A_306 : i32
        %get3A_338 = arith.index_cast %add3A_337 : i32 to index
        %get3A_339 = arith.constant 16 : index
        %get3A_340 = tpu.vector_load %arg19[%get3A_338, %get3A_339] {strides = array<i32>} : memref<640x64xf32, #tpu.memory_space<vmem>>, vector<16xf32>,
        %add3A_341 = arith.addf %get3A_340, %mul3A_332 : vector<16xf32>
        %add3A_342 = arith.constant 384 : i32
        %add3A_343 = arith.addi %add3A_342, %add3A_306 : i32
        %swap3A_344 = arith.index_cast %add3A_343 : i32 to index
        %swap3A_345 = arith.constant 16 : index
        %swap3A_346 = tpu.vector_load %arg19[%swap3A_344, %swap3A_345] {strides = array<i32>} : memref<640x64xf32, #tpu.memory_space<vmem>>, vector<16xf32>,
        tpu.vector_store %arg19[%swap3A_344, %swap3A_345], %add3A_341 {strides = array<i32>} : memref<640x64xf32, #tpu.memory_space<vmem>>, vector<16xf32>,
        %get3A_347 = arith.index_cast %add3A_306 : i32 to index
        %get3A_348 = arith.constant 32 : index
        %get3A_349 = tpu.vector_load %arg16[%get3A_347, %get3A_348] {strides = array<i32>} : memref<128x64xf32, #tpu.memory_space<vmem>>, vector<16xf32>,
        %mul3A_350 = vector.broadcast %squeeze3A : f32 to vector<16xf32>
        %mul3A_351 = arith.mulf %get3A_349, %mul3A_350 : vector<16xf32>
        %swap3A_352 = arith.index_cast %add3A_306 : i32 to index
        %swap3A_353 = arith.constant 32 : index
        %swap3A_354 = tpu.vector_load %arg16[%swap3A_352, %swap3A_353] {strides = array<i32>} : memref<128x64xf32, #tpu.memory_space<vmem>>, vector<16xf32>,
        tpu.vector_store %arg16[%swap3A_352, %swap3A_353], %mul3A_351 {strides = array<i32>} : memref<128x64xf32, #tpu.memory_space<vmem>>, vector<16xf32>,
        %add3A_355 = arith.constant 384 : i32
        %add3A_356 = arith.addi %add3A_355, %add3A_306 : i32
        %get3A_357 = arith.index_cast %add3A_356 : i32 to index
        %get3A_358 = arith.constant 32 : index
        %get3A_359 = tpu.vector_load %arg19[%get3A_357, %get3A_358] {strides = array<i32>} : memref<640x64xf32, #tpu.memory_space<vmem>>, vector<16xf32>,
        %add3A_360 = arith.addf %get3A_359, %mul3A_351 : vector<16xf32>
        %add3A_361 = arith.constant 384 : i32
        %add3A_362 = arith.addi %add3A_361, %add3A_306 : i32
        %swap3A_363 = arith.index_cast %add3A_362 : i32 to index
        %swap3A_364 = arith.constant 32 : index
        %swap3A_365 = tpu.vector_load %arg19[%swap3A_363, %swap3A_364] {strides = array<i32>} : memref<640x64xf32, #tpu.memory_space<vmem>>, vector<16xf32>,
        tpu.vector_store %arg19[%swap3A_363, %swap3A_364], %add3A_360 {strides = array<i32>} : memref<640x64xf32, #tpu.memory_space<vmem>>, vector<16xf32>,
        %get3A_366 = arith.index_cast %add3A_306 : i32 to index
        %get3A_367 = arith.constant 48 : index
        %get3A_368 = tpu.vector_load %arg16[%get3A_366, %get3A_367] {strides = array<i32>} : memref<128x64xf32, #tpu.memory_space<vmem>>, vector<16xf32>,
        %mul3A_369 = vector.broadcast %squeeze3A : f32 to vector<16xf32>
        %mul3A_370 = arith.mulf %get3A_368, %mul3A_369 : vector<16xf32>
        %swap3A_371 = arith.index_cast %add3A_306 : i32 to index
        %swap3A_372 = arith.constant 48 : index
        %swap3A_373 = tpu.vector_load %arg16[%swap3A_371, %swap3A_372] {strides = array<i32>} : memref<128x64xf32, #tpu.memory_space<vmem>>, vector<16xf32>,
        tpu.vector_store %arg16[%swap3A_371, %swap3A_372], %mul3A_370 {strides = array<i32>} : memref<128x64xf32, #tpu.memory_space<vmem>>, vector<16xf32>,
        %add3A_374 = arith.constant 384 : i32
        %add3A_375 = arith.addi %add3A_374, %add3A_306 : i32
        %get3A_376 = arith.index_cast %add3A_375 : i32 to index
        %get3A_377 = arith.constant 48 : index
        %get3A_378 = tpu.vector_load %arg19[%get3A_376, %get3A_377] {strides = array<i32>} : memref<640x64xf32, #tpu.memory_space<vmem>>, vector<16xf32>,
        %add3A_379 = arith.addf %get3A_378, %mul3A_370 : vector<16xf32>
        %add3A_380 = arith.constant 384 : i32
        %add3A_381 = arith.addi %add3A_380, %add3A_306 : i32
        %swap3A_382 = arith.index_cast %add3A_381 : i32 to index
        %swap3A_383 = arith.constant 48 : index
        %swap3A_384 = tpu.vector_load %arg19[%swap3A_382, %swap3A_383] {strides = array<i32>} : memref<640x64xf32, #tpu.memory_space<vmem>>, vector<16xf32>,
        tpu.vector_store %arg19[%swap3A_382, %swap3A_383], %add3A_379 {strides = array<i32>} : memref<640x64xf32, #tpu.memory_space<vmem>>, vector<16xf32>,
      }
      %scan3A_205 = arith.constant 128 : i32
      %dma_start3A_206 = arith.constant 0 : i32
      %dma_start3A_207 = arith.constant 0 : i32
      %dma_start3A_208 = tpu.memref_slice %arg6[%arg0, %dma_start3A_206, %dma_start3A_207] : memref<2x10240x64xf32, #tpu.memory_space<hbm>> -> memref<1x10240x64xf32, #tpu.memory_space<hbm>>
      %dma_start3A_209 = tpu.memref_squeeze %dma_start3A_208 : memref<1x10240x64xf32, #tpu.memory_space<hbm>> -> memref<10240x64xf32, #tpu.memory_space<hbm>>
      %dma_start3A_210 = arith.constant 0 : i32
      %dma_start3A_211 = tpu.memref_slice %dma_start3A_209[%add3A_184, %dma_start3A_210] : memref<10240x64xf32, #tpu.memory_space<hbm>> -> memref<128x64xf32, #tpu.memory_space<hbm>>
      %dma_start3A_212 = arith.constant 0 : i32
      %dma_start3A_213 = arith.constant 0 : i32
      %dma_start3A_214 = tpu.memref_slice %arg6[%arg0, %dma_start3A_212, %dma_start3A_213] : memref<2x10240x64xf32, #tpu.memory_space<hbm>> -> memref<1x10240x64xf32, #tpu.memory_space<hbm>>
      %dma_start3A_215 = tpu.memref_squeeze %dma_start3A_214 : memref<1x10240x64xf32, #tpu.memory_space<hbm>> -> memref<10240x64xf32, #tpu.memory_space<hbm>>
      %dma_start3A_216 = arith.constant 0 : i32
      %dma_start3A_217 = tpu.memref_slice %dma_start3A_215[%add3A_184, %dma_start3A_216] : memref<10240x64xf32, #tpu.memory_space<hbm>> -> memref<128x64xf32, #tpu.memory_space<hbm>>
      tpu.enqueue_dma source(%arg16 : memref<128x64xf32, #tpu.memory_space<vmem>>) target(%dma_start3A_217 : memref<128x64xf32, #tpu.memory_space<hbm>>) target_semaphore(%arg38 : memref<!tpu.dma_semaphore, #tpu.memory_space<semaphore_mem>>)
      %add3A_218 = arith.constant 512 : i32
      %add3A_219 = arith.addi %mul3A_0, %add3A_218 : i32
      %add3A_220 = arith.constant 256 : i32
      %add3A_221 = arith.addi %mul3A_0, %add3A_220 : i32
      %dma_wait3A_222 = arith.constant 0 : i32
      %dma_wait3A_223 = arith.constant 0 : i32
      %dma_wait3A_224 = tpu.memref_slice %arg6[%arg0, %dma_wait3A_222, %dma_wait3A_223] : memref<2x10240x64xf32, #tpu.memory_space<hbm>> -> memref<1x10240x64xf32, #tpu.memory_space<hbm>>
      %dma_wait3A_225 = tpu.memref_squeeze %dma_wait3A_224 : memref<1x10240x64xf32, #tpu.memory_space<hbm>> -> memref<10240x64xf32, #tpu.memory_space<hbm>>
      %dma_wait3A_226 = arith.constant 0 : i32
      %dma_wait3A_227 = tpu.memref_slice %dma_wait3A_225[%add3A_221, %dma_wait3A_226] : memref<10240x64xf32, #tpu.memory_space<hbm>> -> memref<128x64xf32, #tpu.memory_space<hbm>>
      %dma_wait3A_228 = arith.constant 0 : i32
      %dma_wait3A_229 = arith.constant 0 : i32
      %dma_wait3A_230 = tpu.memref_slice %arg6[%arg0, %dma_wait3A_228, %dma_wait3A_229] : memref<2x10240x64xf32, #tpu.memory_space<hbm>> -> memref<1x10240x64xf32, #tpu.memory_space<hbm>>
      %dma_wait3A_231 = tpu.memref_squeeze %dma_wait3A_230 : memref<1x10240x64xf32, #tpu.memory_space<hbm>> -> memref<10240x64xf32, #tpu.memory_space<hbm>>
      %dma_wait3A_232 = arith.constant 0 : i32
      %dma_wait3A_233 = tpu.memref_slice %dma_wait3A_231[%add3A_221, %dma_wait3A_232] : memref<10240x64xf32, #tpu.memory_space<hbm>> -> memref<128x64xf32, #tpu.memory_space<hbm>>
      tpu.wait_dma2 semaphore(%arg37 : memref<!tpu.dma_semaphore, #tpu.memory_space<semaphore_mem>>) src(%arg15 : memref<128x64xf32, #tpu.memory_space<vmem>>) dst(%dma_wait3A_233 : memref<128x64xf32, #tpu.memory_space<hbm>>)
      "tpu.region"() ({
        %run_scoped3A_302 = tpu.sem_alloc : memref<!tpu.dma_semaphore, #tpu.memory_space<semaphore_mem>>
        %dma_start3A_303 = arith.constant 0 : i32
        %dma_start3A_304 = tpu.memref_slice %arg8[%add3A_219, %dma_start3A_303] : memref<10256x64xf32, #tpu.memory_space<vmem_shared>> -> memref<128x64xf32, #tpu.memory_space<vmem_shared>>
        %dma_start3A_305 = arith.constant 0 : i32
        %dma_start3A_306 = tpu.memref_slice %arg8[%add3A_219, %dma_start3A_305] : memref<10256x64xf32, #tpu.memory_space<vmem_shared>> -> memref<128x64xf32, #tpu.memory_space<vmem_shared>>
        tpu.enqueue_dma source(%dma_start3A_306 : memref<128x64xf32, #tpu.memory_space<vmem_shared>>) target(%arg15 : memref<128x64xf32, #tpu.memory_space<vmem>>) target_semaphore(%run_scoped3A_302 : memref<!tpu.dma_semaphore, #tpu.memory_space<semaphore_mem>>)
        %dma_wait3A_307 = arith.constant 0 : i32
        %dma_wait3A_308 = tpu.memref_slice %arg8[%add3A_219, %dma_wait3A_307] : memref<10256x64xf32, #tpu.memory_space<vmem_shared>> -> memref<128x64xf32, #tpu.memory_space<vmem_shared>>
        %dma_wait3A_309 = arith.constant 0 : i32
        %dma_wait3A_310 = tpu.memref_slice %arg8[%add3A_219, %dma_wait3A_309] : memref<10256x64xf32, #tpu.memory_space<vmem_shared>> -> memref<128x64xf32, #tpu.memory_space<vmem_shared>>
        tpu.wait_dma2 semaphore(%run_scoped3A_302 : memref<!tpu.dma_semaphore, #tpu.memory_space<semaphore_mem>>) src(%dma_wait3A_310 : memref<128x64xf32, #tpu.memory_space<vmem_shared>>) dst(%arg15 : memref<128x64xf32, #tpu.memory_space<vmem>>)
        tpu.yield
      }) : () -> ()
      %dma_start3A_234 = arith.constant 0 : i32
      %dma_start3A_235 = tpu.memref_slice %arg8[%add3A_219, %dma_start3A_234] : memref<10256x64xf32, #tpu.memory_space<vmem_shared>> -> memref<128x64xf32, #tpu.memory_space<vmem_shared>>
      tpu.enqueue_dma source(%arg5 : memref<128x64xf32, #tpu.memory_space<hbm>>) target(%dma_start3A_235 : memref<128x64xf32, #tpu.memory_space<vmem_shared>>) target_semaphore(%arg39 : memref<!tpu.dma_semaphore, #tpu.memory_space<semaphore_mem>>)
      %scan3A_236 = arith.constant 0 : i32
      %scan3A_237 = arith.constant 128 : i32
      %scan3A_238 = arith.addi %scan3A_236, %scan3A_237 : i32
      %scan3A_239 = arith.constant 1 : i32
      scf.for %scan3A_302 = %scan3A_236 to %scan3A_238 step %scan3A_239  : i32 {
        %mul3A_303 = arith.constant 1 : i32
        %mul3A_304 = arith.muli %scan3A_302, %mul3A_303 : i32
        %add3A_305 = arith.constant 0 : i32
        %add3A_306 = arith.addi %add3A_305, %mul3A_304 : i32
        %add3A_307 = arith.constant 512 : i32
        %add3A_308 = arith.addi %add3A_307, %add3A_306 : i32
        %get3A = arith.index_cast %add3A_308 : i32 to index
        %get3A_309 = tpu.vector_load %arg20[%get3A] {strides = array<i32>} : memref<656xf32, #tpu.memory_space<vmem>>, vector<16xf32>,
        %slice3A = vector.extract_strided_slice %get3A_309 {offsets = [0], sizes = [1], strides = [1]} : vector<16xf32> to vector<1xf32>
        %squeeze3A = vector.extract %slice3A[0] : f32 from vector<1xf32>
        %get3A_310 = arith.index_cast %add3A_306 : i32 to index
        %get3A_311 = arith.constant 0 : index
        %get3A_312 = tpu.vector_load %arg15[%get3A_310, %get3A_311] {strides = array<i32>} : memref<128x64xf32, #tpu.memory_space<vmem>>, vector<16xf32>,
        %mul3A_313 = vector.broadcast %squeeze3A : f32 to vector<16xf32>
        %mul3A_314 = arith.mulf %get3A_312, %mul3A_313 : vector<16xf32>
        %swap3A = arith.index_cast %add3A_306 : i32 to index
        %swap3A_315 = arith.constant 0 : index
        %swap3A_316 = tpu.vector_load %arg15[%swap3A, %swap3A_315] {strides = array<i32>} : memref<128x64xf32, #tpu.memory_space<vmem>>, vector<16xf32>,
        tpu.vector_store %arg15[%swap3A, %swap3A_315], %mul3A_314 {strides = array<i32>} : memref<128x64xf32, #tpu.memory_space<vmem>>, vector<16xf32>,
        %add3A_317 = arith.constant 512 : i32
        %add3A_318 = arith.addi %add3A_317, %add3A_306 : i32
        %get3A_319 = arith.index_cast %add3A_318 : i32 to index
        %get3A_320 = arith.constant 0 : index
        %get3A_321 = tpu.vector_load %arg19[%get3A_319, %get3A_320] {strides = array<i32>} : memref<640x64xf32, #tpu.memory_space<vmem>>, vector<16xf32>,
        %add3A_322 = arith.addf %get3A_321, %mul3A_314 : vector<16xf32>
        %add3A_323 = arith.constant 512 : i32
        %add3A_324 = arith.addi %add3A_323, %add3A_306 : i32
        %swap3A_325 = arith.index_cast %add3A_324 : i32 to index
        %swap3A_326 = arith.constant 0 : index
        %swap3A_327 = tpu.vector_load %arg19[%swap3A_325, %swap3A_326] {strides = array<i32>} : memref<640x64xf32, #tpu.memory_space<vmem>>, vector<16xf32>,
        tpu.vector_store %arg19[%swap3A_325, %swap3A_326], %add3A_322 {strides = array<i32>} : memref<640x64xf32, #tpu.memory_space<vmem>>, vector<16xf32>,
        %get3A_328 = arith.index_cast %add3A_306 : i32 to index
        %get3A_329 = arith.constant 16 : index
        %get3A_330 = tpu.vector_load %arg15[%get3A_328, %get3A_329] {strides = array<i32>} : memref<128x64xf32, #tpu.memory_space<vmem>>, vector<16xf32>,
        %mul3A_331 = vector.broadcast %squeeze3A : f32 to vector<16xf32>
        %mul3A_332 = arith.mulf %get3A_330, %mul3A_331 : vector<16xf32>
        %swap3A_333 = arith.index_cast %add3A_306 : i32 to index
        %swap3A_334 = arith.constant 16 : index
        %swap3A_335 = tpu.vector_load %arg15[%swap3A_333, %swap3A_334] {strides = array<i32>} : memref<128x64xf32, #tpu.memory_space<vmem>>, vector<16xf32>,
        tpu.vector_store %arg15[%swap3A_333, %swap3A_334], %mul3A_332 {strides = array<i32>} : memref<128x64xf32, #tpu.memory_space<vmem>>, vector<16xf32>,
        %add3A_336 = arith.constant 512 : i32
        %add3A_337 = arith.addi %add3A_336, %add3A_306 : i32
        %get3A_338 = arith.index_cast %add3A_337 : i32 to index
        %get3A_339 = arith.constant 16 : index
        %get3A_340 = tpu.vector_load %arg19[%get3A_338, %get3A_339] {strides = array<i32>} : memref<640x64xf32, #tpu.memory_space<vmem>>, vector<16xf32>,
        %add3A_341 = arith.addf %get3A_340, %mul3A_332 : vector<16xf32>
        %add3A_342 = arith.constant 512 : i32
        %add3A_343 = arith.addi %add3A_342, %add3A_306 : i32
        %swap3A_344 = arith.index_cast %add3A_343 : i32 to index
        %swap3A_345 = arith.constant 16 : index
        %swap3A_346 = tpu.vector_load %arg19[%swap3A_344, %swap3A_345] {strides = array<i32>} : memref<640x64xf32, #tpu.memory_space<vmem>>, vector<16xf32>,
        tpu.vector_store %arg19[%swap3A_344, %swap3A_345], %add3A_341 {strides = array<i32>} : memref<640x64xf32, #tpu.memory_space<vmem>>, vector<16xf32>,
        %get3A_347 = arith.index_cast %add3A_306 : i32 to index
        %get3A_348 = arith.constant 32 : index
        %get3A_349 = tpu.vector_load %arg15[%get3A_347, %get3A_348] {strides = array<i32>} : memref<128x64xf32, #tpu.memory_space<vmem>>, vector<16xf32>,
        %mul3A_350 = vector.broadcast %squeeze3A : f32 to vector<16xf32>
        %mul3A_351 = arith.mulf %get3A_349, %mul3A_350 : vector<16xf32>
        %swap3A_352 = arith.index_cast %add3A_306 : i32 to index
        %swap3A_353 = arith.constant 32 : index
        %swap3A_354 = tpu.vector_load %arg15[%swap3A_352, %swap3A_353] {strides = array<i32>} : memref<128x64xf32, #tpu.memory_space<vmem>>, vector<16xf32>,
        tpu.vector_store %arg15[%swap3A_352, %swap3A_353], %mul3A_351 {strides = array<i32>} : memref<128x64xf32, #tpu.memory_space<vmem>>, vector<16xf32>,
        %add3A_355 = arith.constant 512 : i32
        %add3A_356 = arith.addi %add3A_355, %add3A_306 : i32
        %get3A_357 = arith.index_cast %add3A_356 : i32 to index
        %get3A_358 = arith.constant 32 : index
        %get3A_359 = tpu.vector_load %arg19[%get3A_357, %get3A_358] {strides = array<i32>} : memref<640x64xf32, #tpu.memory_space<vmem>>, vector<16xf32>,
        %add3A_360 = arith.addf %get3A_359, %mul3A_351 : vector<16xf32>
        %add3A_361 = arith.constant 512 : i32
        %add3A_362 = arith.addi %add3A_361, %add3A_306 : i32
        %swap3A_363 = arith.index_cast %add3A_362 : i32 to index
        %swap3A_364 = arith.constant 32 : index
        %swap3A_365 = tpu.vector_load %arg19[%swap3A_363, %swap3A_364] {strides = array<i32>} : memref<640x64xf32, #tpu.memory_space<vmem>>, vector<16xf32>,
        tpu.vector_store %arg19[%swap3A_363, %swap3A_364], %add3A_360 {strides = array<i32>} : memref<640x64xf32, #tpu.memory_space<vmem>>, vector<16xf32>,
        %get3A_366 = arith.index_cast %add3A_306 : i32 to index
        %get3A_367 = arith.constant 48 : index
        %get3A_368 = tpu.vector_load %arg15[%get3A_366, %get3A_367] {strides = array<i32>} : memref<128x64xf32, #tpu.memory_space<vmem>>, vector<16xf32>,
        %mul3A_369 = vector.broadcast %squeeze3A : f32 to vector<16xf32>
        %mul3A_370 = arith.mulf %get3A_368, %mul3A_369 : vector<16xf32>
        %swap3A_371 = arith.index_cast %add3A_306 : i32 to index
        %swap3A_372 = arith.constant 48 : index
        %swap3A_373 = tpu.vector_load %arg15[%swap3A_371, %swap3A_372] {strides = array<i32>} : memref<128x64xf32, #tpu.memory_space<vmem>>, vector<16xf32>,
        tpu.vector_store %arg15[%swap3A_371, %swap3A_372], %mul3A_370 {strides = array<i32>} : memref<128x64xf32, #tpu.memory_space<vmem>>, vector<16xf32>,
        %add3A_374 = arith.constant 512 : i32
        %add3A_375 = arith.addi %add3A_374, %add3A_306 : i32
        %get3A_376 = arith.index_cast %add3A_375 : i32 to index
        %get3A_377 = arith.constant 48 : index
        %get3A_378 = tpu.vector_load %arg19[%get3A_376, %get3A_377] {strides = array<i32>} : memref<640x64xf32, #tpu.memory_space<vmem>>, vector<16xf32>,
        %add3A_379 = arith.addf %get3A_378, %mul3A_370 : vector<16xf32>
        %add3A_380 = arith.constant 512 : i32
        %add3A_381 = arith.addi %add3A_380, %add3A_306 : i32
        %swap3A_382 = arith.index_cast %add3A_381 : i32 to index
        %swap3A_383 = arith.constant 48 : index
        %swap3A_384 = tpu.vector_load %arg19[%swap3A_382, %swap3A_383] {strides = array<i32>} : memref<640x64xf32, #tpu.memory_space<vmem>>, vector<16xf32>,
        tpu.vector_store %arg19[%swap3A_382, %swap3A_383], %add3A_379 {strides = array<i32>} : memref<640x64xf32, #tpu.memory_space<vmem>>, vector<16xf32>,
      }
      %scan3A_240 = arith.constant 128 : i32
      %dma_start3A_241 = arith.constant 0 : i32
      %dma_start3A_242 = arith.constant 0 : i32
      %dma_start3A_243 = tpu.memref_slice %arg6[%arg0, %dma_start3A_241, %dma_start3A_242] : memref<2x10240x64xf32, #tpu.memory_space<hbm>> -> memref<1x10240x64xf32, #tpu.memory_space<hbm>>
      %dma_start3A_244 = tpu.memref_squeeze %dma_start3A_243 : memref<1x10240x64xf32, #tpu.memory_space<hbm>> -> memref<10240x64xf32, #tpu.memory_space<hbm>>
      %dma_start3A_245 = arith.constant 0 : i32
      %dma_start3A_246 = tpu.memref_slice %dma_start3A_244[%add3A_219, %dma_start3A_245] : memref<10240x64xf32, #tpu.memory_space<hbm>> -> memref<128x64xf32, #tpu.memory_space<hbm>>
      %dma_start3A_247 = arith.constant 0 : i32
      %dma_start3A_248 = arith.constant 0 : i32
      %dma_start3A_249 = tpu.memref_slice %arg6[%arg0, %dma_start3A_247, %dma_start3A_248] : memref<2x10240x64xf32, #tpu.memory_space<hbm>> -> memref<1x10240x64xf32, #tpu.memory_space<hbm>>
      %dma_start3A_250 = tpu.memref_squeeze %dma_start3A_249 : memref<1x10240x64xf32, #tpu.memory_space<hbm>> -> memref<10240x64xf32, #tpu.memory_space<hbm>>
      %dma_start3A_251 = arith.constant 0 : i32
      %dma_start3A_252 = tpu.memref_slice %dma_start3A_250[%add3A_219, %dma_start3A_251] : memref<10240x64xf32, #tpu.memory_space<hbm>> -> memref<128x64xf32, #tpu.memory_space<hbm>>
      tpu.enqueue_dma source(%arg15 : memref<128x64xf32, #tpu.memory_space<vmem>>) target(%dma_start3A_252 : memref<128x64xf32, #tpu.memory_space<hbm>>) target_semaphore(%arg37 : memref<!tpu.dma_semaphore, #tpu.memory_space<semaphore_mem>>)
      %add3A_253 = arith.constant 384 : i32
      %add3A_254 = arith.addi %mul3A_0, %add3A_253 : i32
      %dma_wait3A_255 = arith.constant 0 : i32
      %dma_wait3A_256 = arith.constant 0 : i32
      %dma_wait3A_257 = tpu.memref_slice %arg6[%arg0, %dma_wait3A_255, %dma_wait3A_256] : memref<2x10240x64xf32, #tpu.memory_space<hbm>> -> memref<1x10240x64xf32, #tpu.memory_space<hbm>>
      %dma_wait3A_258 = tpu.memref_squeeze %dma_wait3A_257 : memref<1x10240x64xf32, #tpu.memory_space<hbm>> -> memref<10240x64xf32, #tpu.memory_space<hbm>>
      %dma_wait3A_259 = arith.constant 0 : i32
      %dma_wait3A_260 = tpu.memref_slice %dma_wait3A_258[%add3A_254, %dma_wait3A_259] : memref<10240x64xf32, #tpu.memory_space<hbm>> -> memref<128x64xf32, #tpu.memory_space<hbm>>
      %dma_wait3A_261 = arith.constant 0 : i32
      %dma_wait3A_262 = arith.constant 0 : i32
      %dma_wait3A_263 = tpu.memref_slice %arg6[%arg0, %dma_wait3A_261, %dma_wait3A_262] : memref<2x10240x64xf32, #tpu.memory_space<hbm>> -> memref<1x10240x64xf32, #tpu.memory_space<hbm>>
      %dma_wait3A_264 = tpu.memref_squeeze %dma_wait3A_263 : memref<1x10240x64xf32, #tpu.memory_space<hbm>> -> memref<10240x64xf32, #tpu.memory_space<hbm>>
      %dma_wait3A_265 = arith.constant 0 : i32
      %dma_wait3A_266 = tpu.memref_slice %dma_wait3A_264[%add3A_254, %dma_wait3A_265] : memref<10240x64xf32, #tpu.memory_space<hbm>> -> memref<128x64xf32, #tpu.memory_space<hbm>>
      tpu.wait_dma2 semaphore(%arg38 : memref<!tpu.dma_semaphore, #tpu.memory_space<semaphore_mem>>) src(%arg16 : memref<128x64xf32, #tpu.memory_space<vmem>>) dst(%dma_wait3A_266 : memref<128x64xf32, #tpu.memory_space<hbm>>)
      %add3A_267 = arith.constant 512 : i32
      %add3A_268 = arith.addi %mul3A_0, %add3A_267 : i32
      %dma_wait3A_269 = arith.constant 0 : i32
      %dma_wait3A_270 = arith.constant 0 : i32
      %dma_wait3A_271 = tpu.memref_slice %arg6[%arg0, %dma_wait3A_269, %dma_wait3A_270] : memref<2x10240x64xf32, #tpu.memory_space<hbm>> -> memref<1x10240x64xf32, #tpu.memory_space<hbm>>
      %dma_wait3A_272 = tpu.memref_squeeze %dma_wait3A_271 : memref<1x10240x64xf32, #tpu.memory_space<hbm>> -> memref<10240x64xf32, #tpu.memory_space<hbm>>
      %dma_wait3A_273 = arith.constant 0 : i32
      %dma_wait3A_274 = tpu.memref_slice %dma_wait3A_272[%add3A_268, %dma_wait3A_273] : memref<10240x64xf32, #tpu.memory_space<hbm>> -> memref<128x64xf32, #tpu.memory_space<hbm>>
      %dma_wait3A_275 = arith.constant 0 : i32
      %dma_wait3A_276 = arith.constant 0 : i32
      %dma_wait3A_277 = tpu.memref_slice %arg6[%arg0, %dma_wait3A_275, %dma_wait3A_276] : memref<2x10240x64xf32, #tpu.memory_space<hbm>> -> memref<1x10240x64xf32, #tpu.memory_space<hbm>>
      %dma_wait3A_278 = tpu.memref_squeeze %dma_wait3A_277 : memref<1x10240x64xf32, #tpu.memory_space<hbm>> -> memref<10240x64xf32, #tpu.memory_space<hbm>>
      %dma_wait3A_279 = arith.constant 0 : i32
      %dma_wait3A_280 = tpu.memref_slice %dma_wait3A_278[%add3A_268, %dma_wait3A_279] : memref<10240x64xf32, #tpu.memory_space<hbm>> -> memref<128x64xf32, #tpu.memory_space<hbm>>
      tpu.wait_dma2 semaphore(%arg37 : memref<!tpu.dma_semaphore, #tpu.memory_space<semaphore_mem>>) src(%arg15 : memref<128x64xf32, #tpu.memory_space<vmem>>) dst(%dma_wait3A_280 : memref<128x64xf32, #tpu.memory_space<hbm>>)
      %add3A_281 = arith.constant 0 : i32
      %add3A_282 = arith.addi %mul3A_0, %add3A_281 : i32
      %dma_wait3A_283 = arith.constant 0 : i32
      %dma_wait3A_284 = tpu.memref_slice %arg8[%add3A_282, %dma_wait3A_283] : memref<10256x64xf32, #tpu.memory_space<vmem_shared>> -> memref<128x64xf32, #tpu.memory_space<vmem_shared>>
      tpu.wait_dma2 semaphore(%arg39 : memref<!tpu.dma_semaphore, #tpu.memory_space<semaphore_mem>>) src(%arg5 : memref<128x64xf32, #tpu.memory_space<hbm>>) dst(%dma_wait3A_284 : memref<128x64xf32, #tpu.memory_space<vmem_shared>>)
      %add3A_285 = arith.constant 128 : i32
      %add3A_286 = arith.addi %mul3A_0, %add3A_285 : i32
      %dma_wait3A_287 = arith.constant 0 : i32
      %dma_wait3A_288 = tpu.memref_slice %arg8[%add3A_286, %dma_wait3A_287] : memref<10256x64xf32, #tpu.memory_space<vmem_shared>> -> memref<128x64xf32, #tpu.memory_space<vmem_shared>>
      tpu.wait_dma2 semaphore(%arg39 : memref<!tpu.dma_semaphore, #tpu.memory_space<semaphore_mem>>) src(%arg5 : memref<128x64xf32, #tpu.memory_space<hbm>>) dst(%dma_wait3A_288 : memref<128x64xf32, #tpu.memory_space<vmem_shared>>)
      %add3A_289 = arith.constant 256 : i32
      %add3A_290 = arith.addi %mul3A_0, %add3A_289 : i32
      %dma_wait3A_291 = arith.constant 0 : i32
      %dma_wait3A_292 = tpu.memref_slice %arg8[%add3A_290, %dma_wait3A_291] : memref<10256x64xf32, #tpu.memory_space<vmem_shared>> -> memref<128x64xf32, #tpu.memory_space<vmem_shared>>
      tpu.wait_dma2 semaphore(%arg39 : memref<!tpu.dma_semaphore, #tpu.memory_space<semaphore_mem>>) src(%arg5 : memref<128x64xf32, #tpu.memory_space<hbm>>) dst(%dma_wait3A_292 : memref<128x64xf32, #tpu.memory_space<vmem_shared>>)
      %add3A_293 = arith.constant 384 : i32
      %add3A_294 = arith.addi %mul3A_0, %add3A_293 : i32
      %dma_wait3A_295 = arith.constant 0 : i32
      %dma_wait3A_296 = tpu.memref_slice %arg8[%add3A_294, %dma_wait3A_295] : memref<10256x64xf32, #tpu.memory_space<vmem_shared>> -> memref<128x64xf32, #tpu.memory_space<vmem_shared>>
      tpu.wait_dma2 semaphore(%arg39 : memref<!tpu.dma_semaphore, #tpu.memory_space<semaphore_mem>>) src(%arg5 : memref<128x64xf32, #tpu.memory_space<hbm>>) dst(%dma_wait3A_296 : memref<128x64xf32, #tpu.memory_space<vmem_shared>>)
      %add3A_297 = arith.constant 512 : i32
      %add3A_298 = arith.addi %mul3A_0, %add3A_297 : i32
      %dma_wait3A_299 = arith.constant 0 : i32
      %dma_wait3A_300 = tpu.memref_slice %arg8[%add3A_298, %dma_wait3A_299] : memref<10256x64xf32, #tpu.memory_space<vmem_shared>> -> memref<128x64xf32, #tpu.memory_space<vmem_shared>>
      tpu.wait_dma2 semaphore(%arg39 : memref<!tpu.dma_semaphore, #tpu.memory_space<semaphore_mem>>) src(%arg5 : memref<128x64xf32, #tpu.memory_space<hbm>>) dst(%dma_wait3A_300 : memref<128x64xf32, #tpu.memory_space<vmem_shared>>)
      %barrier3A_301 = arith.constant 0 : index
      tpu.barrier barrier_id(%barrier3A_301)
    }
    %scan3A_23 = arith.constant 10 : i32
    %add3A_24 = arith.constant 0 : i32
    %add3A_25 = arith.addi %mul3A_0, %add3A_24 : i32
    "tpu.region"() ({
      %run_scoped3A_34 = tpu.sem_alloc : memref<!tpu.dma_semaphore, #tpu.memory_space<semaphore_mem>>
      %dma_start3A = arith.constant 0 : i32
      %dma_start3A_35 = arith.constant 0 : i32
      %dma_start3A_36 = tpu.memref_slice %arg19[%dma_start3A, %dma_start3A_35] : memref<640x64xf32, #tpu.memory_space<vmem>> -> memref<128x64xf32, #tpu.memory_space<vmem>>
      %dma_start3A_37 = arith.constant 0 : i32
      %dma_start3A_38 = tpu.memref_slice %arg7[%arg0, %add3A_25, %dma_start3A_37] : memref<2x10240x64xf32, #tpu.memory_space<hbm>> -> memref<1x128x64xf32, #tpu.memory_space<hbm>>
      %dma_start3A_39 = tpu.memref_squeeze %dma_start3A_38 : memref<1x128x64xf32, #tpu.memory_space<hbm>> -> memref<128x64xf32, #tpu.memory_space<hbm>>
      %dma_start3A_40 = arith.constant 0 : i32
      %dma_start3A_41 = tpu.memref_slice %arg7[%arg0, %add3A_25, %dma_start3A_40] : memref<2x10240x64xf32, #tpu.memory_space<hbm>> -> memref<1x128x64xf32, #tpu.memory_space<hbm>>
      %dma_start3A_42 = tpu.memref_squeeze %dma_start3A_41 : memref<1x128x64xf32, #tpu.memory_space<hbm>> -> memref<128x64xf32, #tpu.memory_space<hbm>>
      %dma_start3A_43 = arith.constant 0 : i32
      %dma_start3A_44 = arith.constant 0 : i32
      %dma_start3A_45 = tpu.memref_slice %arg19[%dma_start3A_43, %dma_start3A_44] : memref<640x64xf32, #tpu.memory_space<vmem>> -> memref<128x64xf32, #tpu.memory_space<vmem>>
      tpu.enqueue_dma source(%dma_start3A_45 : memref<128x64xf32, #tpu.memory_space<vmem>>) target(%dma_start3A_42 : memref<128x64xf32, #tpu.memory_space<hbm>>) target_semaphore(%run_scoped3A_34 : memref<!tpu.dma_semaphore, #tpu.memory_space<semaphore_mem>>)
      %dma_wait3A = arith.constant 0 : i32
      %dma_wait3A_46 = arith.constant 0 : i32
      %dma_wait3A_47 = tpu.memref_slice %arg19[%dma_wait3A, %dma_wait3A_46] : memref<640x64xf32, #tpu.memory_space<vmem>> -> memref<128x64xf32, #tpu.memory_space<vmem>>
      %dma_wait3A_48 = arith.constant 0 : i32
      %dma_wait3A_49 = tpu.memref_slice %arg7[%arg0, %add3A_25, %dma_wait3A_48] : memref<2x10240x64xf32, #tpu.memory_space<hbm>> -> memref<1x128x64xf32, #tpu.memory_space<hbm>>
      %dma_wait3A_50 = tpu.memref_squeeze %dma_wait3A_49 : memref<1x128x64xf32, #tpu.memory_space<hbm>> -> memref<128x64xf32, #tpu.memory_space<hbm>>
      %dma_wait3A_51 = arith.constant 0 : i32
      %dma_wait3A_52 = tpu.memref_slice %arg7[%arg0, %add3A_25, %dma_wait3A_51] : memref<2x10240x64xf32, #tpu.memory_space<hbm>> -> memref<1x128x64xf32, #tpu.memory_space<hbm>>
      %dma_wait3A_53 = tpu.memref_squeeze %dma_wait3A_52 : memref<1x128x64xf32, #tpu.memory_space<hbm>> -> memref<128x64xf32, #tpu.memory_space<hbm>>
      %dma_wait3A_54 = arith.constant 0 : i32
      %dma_wait3A_55 = arith.constant 0 : i32
      %dma_wait3A_56 = tpu.memref_slice %arg19[%dma_wait3A_54, %dma_wait3A_55] : memref<640x64xf32, #tpu.memory_space<vmem>> -> memref<128x64xf32, #tpu.memory_space<vmem>>
      tpu.wait_dma2 semaphore(%run_scoped3A_34 : memref<!tpu.dma_semaphore, #tpu.memory_space<semaphore_mem>>) src(%dma_wait3A_56 : memref<128x64xf32, #tpu.memory_space<vmem>>) dst(%dma_wait3A_53 : memref<128x64xf32, #tpu.memory_space<hbm>>)
      tpu.yield
    }) : () -> ()
    %add3A_26 = arith.constant 128 : i32
    %add3A_27 = arith.addi %mul3A_0, %add3A_26 : i32
    "tpu.region"() ({
      %run_scoped3A_34 = tpu.sem_alloc : memref<!tpu.dma_semaphore, #tpu.memory_space<semaphore_mem>>
      %dma_start3A = arith.constant 128 : i32
      %dma_start3A_35 = arith.constant 0 : i32
      %dma_start3A_36 = tpu.memref_slice %arg19[%dma_start3A, %dma_start3A_35] : memref<640x64xf32, #tpu.memory_space<vmem>> -> memref<128x64xf32, #tpu.memory_space<vmem>>
      %dma_start3A_37 = arith.constant 0 : i32
      %dma_start3A_38 = tpu.memref_slice %arg7[%arg0, %add3A_27, %dma_start3A_37] : memref<2x10240x64xf32, #tpu.memory_space<hbm>> -> memref<1x128x64xf32, #tpu.memory_space<hbm>>
      %dma_start3A_39 = tpu.memref_squeeze %dma_start3A_38 : memref<1x128x64xf32, #tpu.memory_space<hbm>> -> memref<128x64xf32, #tpu.memory_space<hbm>>
      %dma_start3A_40 = arith.constant 0 : i32
      %dma_start3A_41 = tpu.memref_slice %arg7[%arg0, %add3A_27, %dma_start3A_40] : memref<2x10240x64xf32, #tpu.memory_space<hbm>> -> memref<1x128x64xf32, #tpu.memory_space<hbm>>
      %dma_start3A_42 = tpu.memref_squeeze %dma_start3A_41 : memref<1x128x64xf32, #tpu.memory_space<hbm>> -> memref<128x64xf32, #tpu.memory_space<hbm>>
      %dma_start3A_43 = arith.constant 128 : i32
      %dma_start3A_44 = arith.constant 0 : i32
      %dma_start3A_45 = tpu.memref_slice %arg19[%dma_start3A_43, %dma_start3A_44] : memref<640x64xf32, #tpu.memory_space<vmem>> -> memref<128x64xf32, #tpu.memory_space<vmem>>
      tpu.enqueue_dma source(%dma_start3A_45 : memref<128x64xf32, #tpu.memory_space<vmem>>) target(%dma_start3A_42 : memref<128x64xf32, #tpu.memory_space<hbm>>) target_semaphore(%run_scoped3A_34 : memref<!tpu.dma_semaphore, #tpu.memory_space<semaphore_mem>>)
      %dma_wait3A = arith.constant 128 : i32
      %dma_wait3A_46 = arith.constant 0 : i32
      %dma_wait3A_47 = tpu.memref_slice %arg19[%dma_wait3A, %dma_wait3A_46] : memref<640x64xf32, #tpu.memory_space<vmem>> -> memref<128x64xf32, #tpu.memory_space<vmem>>
      %dma_wait3A_48 = arith.constant 0 : i32
      %dma_wait3A_49 = tpu.memref_slice %arg7[%arg0, %add3A_27, %dma_wait3A_48] : memref<2x10240x64xf32, #tpu.memory_space<hbm>> -> memref<1x128x64xf32, #tpu.memory_space<hbm>>
      %dma_wait3A_50 = tpu.memref_squeeze %dma_wait3A_49 : memref<1x128x64xf32, #tpu.memory_space<hbm>> -> memref<128x64xf32, #tpu.memory_space<hbm>>
      %dma_wait3A_51 = arith.constant 0 : i32
      %dma_wait3A_52 = tpu.memref_slice %arg7[%arg0, %add3A_27, %dma_wait3A_51] : memref<2x10240x64xf32, #tpu.memory_space<hbm>> -> memref<1x128x64xf32, #tpu.memory_space<hbm>>
      %dma_wait3A_53 = tpu.memref_squeeze %dma_wait3A_52 : memref<1x128x64xf32, #tpu.memory_space<hbm>> -> memref<128x64xf32, #tpu.memory_space<hbm>>
      %dma_wait3A_54 = arith.constant 128 : i32
      %dma_wait3A_55 = arith.constant 0 : i32
      %dma_wait3A_56 = tpu.memref_slice %arg19[%dma_wait3A_54, %dma_wait3A_55] : memref<640x64xf32, #tpu.memory_space<vmem>> -> memref<128x64xf32, #tpu.memory_space<vmem>>
      tpu.wait_dma2 semaphore(%run_scoped3A_34 : memref<!tpu.dma_semaphore, #tpu.memory_space<semaphore_mem>>) src(%dma_wait3A_56 : memref<128x64xf32, #tpu.memory_space<vmem>>) dst(%dma_wait3A_53 : memref<128x64xf32, #tpu.memory_space<hbm>>)
      tpu.yield
    }) : () -> ()
    %add3A_28 = arith.constant 256 : i32
    %add3A_29 = arith.addi %mul3A_0, %add3A_28 : i32
    "tpu.region"() ({
      %run_scoped3A_34 = tpu.sem_alloc : memref<!tpu.dma_semaphore, #tpu.memory_space<semaphore_mem>>
      %dma_start3A = arith.constant 256 : i32
      %dma_start3A_35 = arith.constant 0 : i32
      %dma_start3A_36 = tpu.memref_slice %arg19[%dma_start3A, %dma_start3A_35] : memref<640x64xf32, #tpu.memory_space<vmem>> -> memref<128x64xf32, #tpu.memory_space<vmem>>
      %dma_start3A_37 = arith.constant 0 : i32
      %dma_start3A_38 = tpu.memref_slice %arg7[%arg0, %add3A_29, %dma_start3A_37] : memref<2x10240x64xf32, #tpu.memory_space<hbm>> -> memref<1x128x64xf32, #tpu.memory_space<hbm>>
      %dma_start3A_39 = tpu.memref_squeeze %dma_start3A_38 : memref<1x128x64xf32, #tpu.memory_space<hbm>> -> memref<128x64xf32, #tpu.memory_space<hbm>>
      %dma_start3A_40 = arith.constant 0 : i32
      %dma_start3A_41 = tpu.memref_slice %arg7[%arg0, %add3A_29, %dma_start3A_40] : memref<2x10240x64xf32, #tpu.memory_space<hbm>> -> memref<1x128x64xf32, #tpu.memory_space<hbm>>
      %dma_start3A_42 = tpu.memref_squeeze %dma_start3A_41 : memref<1x128x64xf32, #tpu.memory_space<hbm>> -> memref<128x64xf32, #tpu.memory_space<hbm>>
      %dma_start3A_43 = arith.constant 256 : i32
      %dma_start3A_44 = arith.constant 0 : i32
      %dma_start3A_45 = tpu.memref_slice %arg19[%dma_start3A_43, %dma_start3A_44] : memref<640x64xf32, #tpu.memory_space<vmem>> -> memref<128x64xf32, #tpu.memory_space<vmem>>
      tpu.enqueue_dma source(%dma_start3A_45 : memref<128x64xf32, #tpu.memory_space<vmem>>) target(%dma_start3A_42 : memref<128x64xf32, #tpu.memory_space<hbm>>) target_semaphore(%run_scoped3A_34 : memref<!tpu.dma_semaphore, #tpu.memory_space<semaphore_mem>>)
      %dma_wait3A = arith.constant 256 : i32
      %dma_wait3A_46 = arith.constant 0 : i32
      %dma_wait3A_47 = tpu.memref_slice %arg19[%dma_wait3A, %dma_wait3A_46] : memref<640x64xf32, #tpu.memory_space<vmem>> -> memref<128x64xf32, #tpu.memory_space<vmem>>
      %dma_wait3A_48 = arith.constant 0 : i32
      %dma_wait3A_49 = tpu.memref_slice %arg7[%arg0, %add3A_29, %dma_wait3A_48] : memref<2x10240x64xf32, #tpu.memory_space<hbm>> -> memref<1x128x64xf32, #tpu.memory_space<hbm>>
      %dma_wait3A_50 = tpu.memref_squeeze %dma_wait3A_49 : memref<1x128x64xf32, #tpu.memory_space<hbm>> -> memref<128x64xf32, #tpu.memory_space<hbm>>
      %dma_wait3A_51 = arith.constant 0 : i32
      %dma_wait3A_52 = tpu.memref_slice %arg7[%arg0, %add3A_29, %dma_wait3A_51] : memref<2x10240x64xf32, #tpu.memory_space<hbm>> -> memref<1x128x64xf32, #tpu.memory_space<hbm>>
      %dma_wait3A_53 = tpu.memref_squeeze %dma_wait3A_52 : memref<1x128x64xf32, #tpu.memory_space<hbm>> -> memref<128x64xf32, #tpu.memory_space<hbm>>
      %dma_wait3A_54 = arith.constant 256 : i32
      %dma_wait3A_55 = arith.constant 0 : i32
      %dma_wait3A_56 = tpu.memref_slice %arg19[%dma_wait3A_54, %dma_wait3A_55] : memref<640x64xf32, #tpu.memory_space<vmem>> -> memref<128x64xf32, #tpu.memory_space<vmem>>
      tpu.wait_dma2 semaphore(%run_scoped3A_34 : memref<!tpu.dma_semaphore, #tpu.memory_space<semaphore_mem>>) src(%dma_wait3A_56 : memref<128x64xf32, #tpu.memory_space<vmem>>) dst(%dma_wait3A_53 : memref<128x64xf32, #tpu.memory_space<hbm>>)
      tpu.yield
    }) : () -> ()
    %add3A_30 = arith.constant 384 : i32
    %add3A_31 = arith.addi %mul3A_0, %add3A_30 : i32
    "tpu.region"() ({
      %run_scoped3A_34 = tpu.sem_alloc : memref<!tpu.dma_semaphore, #tpu.memory_space<semaphore_mem>>
      %dma_start3A = arith.constant 384 : i32
      %dma_start3A_35 = arith.constant 0 : i32
      %dma_start3A_36 = tpu.memref_slice %arg19[%dma_start3A, %dma_start3A_35] : memref<640x64xf32, #tpu.memory_space<vmem>> -> memref<128x64xf32, #tpu.memory_space<vmem>>
      %dma_start3A_37 = arith.constant 0 : i32
      %dma_start3A_38 = tpu.memref_slice %arg7[%arg0, %add3A_31, %dma_start3A_37] : memref<2x10240x64xf32, #tpu.memory_space<hbm>> -> memref<1x128x64xf32, #tpu.memory_space<hbm>>
      %dma_start3A_39 = tpu.memref_squeeze %dma_start3A_38 : memref<1x128x64xf32, #tpu.memory_space<hbm>> -> memref<128x64xf32, #tpu.memory_space<hbm>>
      %dma_start3A_40 = arith.constant 0 : i32
      %dma_start3A_41 = tpu.memref_slice %arg7[%arg0, %add3A_31, %dma_start3A_40] : memref<2x10240x64xf32, #tpu.memory_space<hbm>> -> memref<1x128x64xf32, #tpu.memory_space<hbm>>
      %dma_start3A_42 = tpu.memref_squeeze %dma_start3A_41 : memref<1x128x64xf32, #tpu.memory_space<hbm>> -> memref<128x64xf32, #tpu.memory_space<hbm>>
      %dma_start3A_43 = arith.constant 384 : i32
      %dma_start3A_44 = arith.constant 0 : i32
      %dma_start3A_45 = tpu.memref_slice %arg19[%dma_start3A_43, %dma_start3A_44] : memref<640x64xf32, #tpu.memory_space<vmem>> -> memref<128x64xf32, #tpu.memory_space<vmem>>
      tpu.enqueue_dma source(%dma_start3A_45 : memref<128x64xf32, #tpu.memory_space<vmem>>) target(%dma_start3A_42 : memref<128x64xf32, #tpu.memory_space<hbm>>) target_semaphore(%run_scoped3A_34 : memref<!tpu.dma_semaphore, #tpu.memory_space<semaphore_mem>>)
      %dma_wait3A = arith.constant 384 : i32
      %dma_wait3A_46 = arith.constant 0 : i32
      %dma_wait3A_47 = tpu.memref_slice %arg19[%dma_wait3A, %dma_wait3A_46] : memref<640x64xf32, #tpu.memory_space<vmem>> -> memref<128x64xf32, #tpu.memory_space<vmem>>
      %dma_wait3A_48 = arith.constant 0 : i32
      %dma_wait3A_49 = tpu.memref_slice %arg7[%arg0, %add3A_31, %dma_wait3A_48] : memref<2x10240x64xf32, #tpu.memory_space<hbm>> -> memref<1x128x64xf32, #tpu.memory_space<hbm>>
      %dma_wait3A_50 = tpu.memref_squeeze %dma_wait3A_49 : memref<1x128x64xf32, #tpu.memory_space<hbm>> -> memref<128x64xf32, #tpu.memory_space<hbm>>
      %dma_wait3A_51 = arith.constant 0 : i32
      %dma_wait3A_52 = tpu.memref_slice %arg7[%arg0, %add3A_31, %dma_wait3A_51] : memref<2x10240x64xf32, #tpu.memory_space<hbm>> -> memref<1x128x64xf32, #tpu.memory_space<hbm>>
      %dma_wait3A_53 = tpu.memref_squeeze %dma_wait3A_52 : memref<1x128x64xf32, #tpu.memory_space<hbm>> -> memref<128x64xf32, #tpu.memory_space<hbm>>
      %dma_wait3A_54 = arith.constant 384 : i32
      %dma_wait3A_55 = arith.constant 0 : i32
      %dma_wait3A_56 = tpu.memref_slice %arg19[%dma_wait3A_54, %dma_wait3A_55] : memref<640x64xf32, #tpu.memory_space<vmem>> -> memref<128x64xf32, #tpu.memory_space<vmem>>
      tpu.wait_dma2 semaphore(%run_scoped3A_34 : memref<!tpu.dma_semaphore, #tpu.memory_space<semaphore_mem>>) src(%dma_wait3A_56 : memref<128x64xf32, #tpu.memory_space<vmem>>) dst(%dma_wait3A_53 : memref<128x64xf32, #tpu.memory_space<hbm>>)
      tpu.yield
    }) : () -> ()
    %add3A_32 = arith.constant 512 : i32
    %add3A_33 = arith.addi %mul3A_0, %add3A_32 : i32
    "tpu.region"() ({
      %run_scoped3A_34 = tpu.sem_alloc : memref<!tpu.dma_semaphore, #tpu.memory_space<semaphore_mem>>
      %dma_start3A = arith.constant 512 : i32
      %dma_start3A_35 = arith.constant 0 : i32
      %dma_start3A_36 = tpu.memref_slice %arg19[%dma_start3A, %dma_start3A_35] : memref<640x64xf32, #tpu.memory_space<vmem>> -> memref<128x64xf32, #tpu.memory_space<vmem>>
      %dma_start3A_37 = arith.constant 0 : i32
      %dma_start3A_38 = tpu.memref_slice %arg7[%arg0, %add3A_33, %dma_start3A_37] : memref<2x10240x64xf32, #tpu.memory_space<hbm>> -> memref<1x128x64xf32, #tpu.memory_space<hbm>>
      %dma_start3A_39 = tpu.memref_squeeze %dma_start3A_38 : memref<1x128x64xf32, #tpu.memory_space<hbm>> -> memref<128x64xf32, #tpu.memory_space<hbm>>
      %dma_start3A_40 = arith.constant 0 : i32
      %dma_start3A_41 = tpu.memref_slice %arg7[%arg0, %add3A_33, %dma_start3A_40] : memref<2x10240x64xf32, #tpu.memory_space<hbm>> -> memref<1x128x64xf32, #tpu.memory_space<hbm>>
      %dma_start3A_42 = tpu.memref_squeeze %dma_start3A_41 : memref<1x128x64xf32, #tpu.memory_space<hbm>> -> memref<128x64xf32, #tpu.memory_space<hbm>>
      %dma_start3A_43 = arith.constant 512 : i32
      %dma_start3A_44 = arith.constant 0 : i32
      %dma_start3A_45 = tpu.memref_slice %arg19[%dma_start3A_43, %dma_start3A_44] : memref<640x64xf32, #tpu.memory_space<vmem>> -> memref<128x64xf32, #tpu.memory_space<vmem>>
      tpu.enqueue_dma source(%dma_start3A_45 : memref<128x64xf32, #tpu.memory_space<vmem>>) target(%dma_start3A_42 : memref<128x64xf32, #tpu.memory_space<hbm>>) target_semaphore(%run_scoped3A_34 : memref<!tpu.dma_semaphore, #tpu.memory_space<semaphore_mem>>)
      %dma_wait3A = arith.constant 512 : i32
      %dma_wait3A_46 = arith.constant 0 : i32
      %dma_wait3A_47 = tpu.memref_slice %arg19[%dma_wait3A, %dma_wait3A_46] : memref<640x64xf32, #tpu.memory_space<vmem>> -> memref<128x64xf32, #tpu.memory_space<vmem>>
      %dma_wait3A_48 = arith.constant 0 : i32
      %dma_wait3A_49 = tpu.memref_slice %arg7[%arg0, %add3A_33, %dma_wait3A_48] : memref<2x10240x64xf32, #tpu.memory_space<hbm>> -> memref<1x128x64xf32, #tpu.memory_space<hbm>>
      %dma_wait3A_50 = tpu.memref_squeeze %dma_wait3A_49 : memref<1x128x64xf32, #tpu.memory_space<hbm>> -> memref<128x64xf32, #tpu.memory_space<hbm>>
      %dma_wait3A_51 = arith.constant 0 : i32
      %dma_wait3A_52 = tpu.memref_slice %arg7[%arg0, %add3A_33, %dma_wait3A_51] : memref<2x10240x64xf32, #tpu.memory_space<hbm>> -> memref<1x128x64xf32, #tpu.memory_space<hbm>>
      %dma_wait3A_53 = tpu.memref_squeeze %dma_wait3A_52 : memref<1x128x64xf32, #tpu.memory_space<hbm>> -> memref<128x64xf32, #tpu.memory_space<hbm>>
      %dma_wait3A_54 = arith.constant 512 : i32
      %dma_wait3A_55 = arith.constant 0 : i32
      %dma_wait3A_56 = tpu.memref_slice %arg19[%dma_wait3A_54, %dma_wait3A_55] : memref<640x64xf32, #tpu.memory_space<vmem>> -> memref<128x64xf32, #tpu.memory_space<vmem>>
      tpu.wait_dma2 semaphore(%run_scoped3A_34 : memref<!tpu.dma_semaphore, #tpu.memory_space<semaphore_mem>>) src(%dma_wait3A_56 : memref<128x64xf32, #tpu.memory_space<vmem>>) dst(%dma_wait3A_53 : memref<128x64xf32, #tpu.memory_space<hbm>>)
      tpu.yield
    }) : () -> ()
    return
  }
}

module attributes {stable_mosaic.version = 14 : i64} {
  func.func @_mlp1_body(%arg0: i32, %arg1: memref<640x128xf32, #tpu.memory_space<vmem>>, %arg2: memref<128x128xf32, #tpu.memory_space<vmem>>, %arg3: memref<1x128xf32, #tpu.memory_space<vmem>>, %arg4: memref<640x2xf32, #tpu.memory_space<vmem>>, %arg5: memref<640x64xf32, #tpu.memory_space<vmem>>, %arg6: memref<640x64xf32, #tpu.memory_space<vmem>>) attributes {dimension_semantics = [#tpu.dimension_semantics<arbitrary>], iteration_bounds = array<i64: 16>, scalar_prefetch = 0 : i64, scratch_operands = 0 : i64, tpu.core_type = #tpu.core_type<tc>, window_params = [{transform_indices = @transform_0, window_bounds = array<i64: 640, 128>}, {pipeline_mode = #tpu.pipeline_mode<synchronous>, transform_indices = @transform_1, window_bounds = array<i64: 128, 128>}, {pipeline_mode = #tpu.pipeline_mode<synchronous>, transform_indices = @transform_2, window_bounds = array<i64: 1, 128>}, {transform_indices = @transform_3, window_bounds = array<i64: 640, 2>}, {transform_indices = @transform_4, window_bounds = array<i64: 640, 64>}, {transform_indices = @transform_5, window_bounds = array<i64: 640, 64>}]} {
    %get3A = arith.constant 0 : index
    %get3A_0 = arith.constant 0 : index
    %get3A_1 = vector.load %arg1[%get3A, %get3A_0] : memref<640x128xf32, #tpu.memory_space<vmem>>, vector<640x128xf32>
    %get3A_2 = arith.constant 0 : index
    %get3A_3 = arith.constant 0 : index
    %get3A_4 = vector.load %arg2[%get3A_2, %get3A_3] : memref<128x128xf32, #tpu.memory_space<vmem>>, vector<128x128xf32>
    %dot_general3A = arith.constant dense<0.000000e+00> : vector<640x128xf32>
    %dot_general3A_5 = tpu.matmul %get3A_1, %get3A_4, %dot_general3A {dimension_numbers = #tpu.dot_dimension_numbers<[1], [0], [0], [1], [0, 0, 1, 1], [], []>, transpose_lhs_hint = false} : vector<640x128xf32>, vector<128x128xf32>, vector<640x128xf32> -> vector<640x128xf32>
    %get3A_6 = arith.constant 0 : index
    %get3A_7 = arith.constant 0 : index
    %get3A_8 = vector.load %arg3[%get3A_6, %get3A_7] : memref<1x128xf32, #tpu.memory_space<vmem>>, vector<1x128xf32>
    %add3A = vector.broadcast %get3A_8 : vector<1x128xf32> to vector<640x128xf32>
    %add3A_9 = arith.addf %dot_general3A_5, %add3A : vector<640x128xf32>
    %max3A = arith.constant 0.000000e+00 : f32
    %max3A_10 = vector.broadcast %max3A : f32 to vector<640x128xf32>
    %max3A_11 = arith.maximumf %add3A_9, %max3A_10 : vector<640x128xf32>
    %get3A_12 = arith.constant 0 : index
    %get3A_13 = arith.constant 0 : index
    %get3A_14 = vector.load %arg4[%get3A_12, %get3A_13] : memref<640x2xf32, #tpu.memory_space<vmem>>, vector<640x1xf32>
    %get3A_15 = arith.constant 0 : index
    %get3A_16 = arith.constant 1 : index
    %get3A_17 = vector.load %arg4[%get3A_15, %get3A_16] : memref<640x2xf32, #tpu.memory_space<vmem>>, vector<640x1xf32>
    %add3A_18 = arith.addf %get3A_14, %get3A_17 : vector<640x1xf32>
    %max3A_19 = arith.constant 1.000000e+00 : f32
    %max3A_20 = vector.broadcast %max3A_19 : f32 to vector<640x1xf32>
    %max3A_21 = arith.maximumf %add3A_18, %max3A_20 : vector<640x1xf32>
    %rsqrt3A = math.rsqrt %max3A_21 : vector<640x1xf32>
    %mul3A = vector.broadcast %rsqrt3A : vector<640x1xf32> to vector<640x128xf32>
    %mul3A_22 = arith.mulf %max3A_11, %mul3A : vector<640x128xf32>
    %mul3A_23 = arith.constant 640 : i32
    %mul3A_24 = arith.muli %arg0, %mul3A_23 : i32
    %iota3A = tpu.iota {dimensions = array<i32: 0>} : vector<640x1xi32>
    %add3A_25 = vector.broadcast %mul3A_24 : i32 to vector<640x1xi32>
    %add3A_26 = arith.addi %add3A_25, %iota3A : vector<640x1xi32>
    %lt3A = arith.constant 10000 : i32
    %lt3A_27 = vector.broadcast %lt3A : i32 to vector<640x1xi32>
    %lt3A_28 = arith.cmpi slt, %add3A_26, %lt3A_27 : vector<640x1xi32>
    %jit3A = arith.constant 0.000000e+00 : f32
    %broadcast_in_dim3A = vector.shape_cast %lt3A_28 : vector<640x1xi1> to vector<640x1xi1>
    %broadcast_in_dim3A_29 = vector.broadcast %broadcast_in_dim3A : vector<640x1xi1> to vector<640x128xi1>
    %broadcast_in_dim3A_30 = vector.broadcast %jit3A : f32 to vector<640x128xf32>
    %select_n3A = arith.select %broadcast_in_dim3A_29, %mul3A_22, %broadcast_in_dim3A_30 : vector<640x128xi1>, vector<640x128xf32>
    %slice3A = vector.extract_strided_slice %select_n3A {offsets = [0, 0], sizes = [640, 64], strides = [1, 1]} : vector<640x128xf32> to vector<640x64xf32>
    %swap3A = arith.constant 0 : index
    %swap3A_31 = arith.constant 0 : index
    %swap3A_32 = vector.load %arg5[%swap3A, %swap3A_31] : memref<640x64xf32, #tpu.memory_space<vmem>>, vector<640x64xf32>
    tpu.vector_store %arg5[%swap3A, %swap3A_31], %slice3A {strides = array<i32>} : memref<640x64xf32, #tpu.memory_space<vmem>>, vector<640x64xf32>,
    %slice3A_33 = vector.extract_strided_slice %select_n3A {offsets = [0, 64], sizes = [640, 64], strides = [1, 1]} : vector<640x128xf32> to vector<640x64xf32>
    %swap3A_34 = arith.constant 0 : index
    %swap3A_35 = arith.constant 0 : index
    %swap3A_36 = vector.load %arg6[%swap3A_34, %swap3A_35] : memref<640x64xf32, #tpu.memory_space<vmem>>, vector<640x64xf32>
    tpu.vector_store %arg6[%swap3A_34, %swap3A_35], %slice3A_33 {strides = array<i32>} : memref<640x64xf32, #tpu.memory_space<vmem>>, vector<640x64xf32>,
    return
  }
  func.func @transform_0(%arg0: i32) -> (i32, i32) {
    %c0_i32 = arith.constant 0 : i32
    %c0_i32_0 = arith.constant 0 : i32
    return %arg0, %c0_i32 : i32, i32
  }
  func.func @transform_1(%arg0: i32) -> (i32, i32) {
    %c0_i32 = arith.constant 0 : i32
    %c0_i32_0 = arith.constant 0 : i32
    %c0_i32_1 = arith.constant 0 : i32
    return %c0_i32, %c0_i32_0 : i32, i32
  }
  func.func @transform_2(%arg0: i32) -> (i32, i32) {
    %c0_i32 = arith.constant 0 : i32
    %c0_i32_0 = arith.constant 0 : i32
    %c0_i32_1 = arith.constant 0 : i32
    return %c0_i32, %c0_i32_0 : i32, i32
  }
  func.func @transform_3(%arg0: i32) -> (i32, i32) {
    %c0_i32 = arith.constant 0 : i32
    %c0_i32_0 = arith.constant 0 : i32
    return %arg0, %c0_i32 : i32, i32
  }
  func.func @transform_4(%arg0: i32) -> (i32, i32) {
    %c0_i32 = arith.constant 0 : i32
    %c0_i32_0 = arith.constant 0 : i32
    return %arg0, %c0_i32 : i32, i32
  }
  func.func @transform_5(%arg0: i32) -> (i32, i32) {
    %c0_i32 = arith.constant 0 : i32
    %c0_i32_0 = arith.constant 0 : i32
    return %arg0, %c0_i32 : i32, i32
  }
}

module attributes {stable_mosaic.version = 14 : i64} {
  func.func @_mlp2_body(%arg0: i32, %arg1: memref<1000x64xf32, #tpu.memory_space<vmem>>, %arg2: memref<1000x64xf32, #tpu.memory_space<vmem>>, %arg3: memref<1000x2xf32, #tpu.memory_space<vmem>>, %arg4: memref<128x64xf32, #tpu.memory_space<vmem>>, %arg5: memref<1x64xf32, #tpu.memory_space<vmem>>, %arg6: memref<1000x64xf32, #tpu.memory_space<vmem>>) attributes {dimension_semantics = [#tpu.dimension_semantics<arbitrary>], iteration_bounds = array<i64: 10>, scalar_prefetch = 0 : i64, scratch_operands = 0 : i64, tpu.core_type = #tpu.core_type<tc>, window_params = [{transform_indices = @transform_0, window_bounds = array<i64: 1000, 64>}, {transform_indices = @transform_1, window_bounds = array<i64: 1000, 64>}, {transform_indices = @transform_2, window_bounds = array<i64: 1000, 2>}, {pipeline_mode = #tpu.pipeline_mode<synchronous>, transform_indices = @transform_3, window_bounds = array<i64: 128, 64>}, {pipeline_mode = #tpu.pipeline_mode<synchronous>, transform_indices = @transform_4, window_bounds = array<i64: 1, 64>}, {transform_indices = @transform_5, window_bounds = array<i64: 1000, 64>}]} {
    %get3A = arith.constant 0 : index
    %get3A_0 = arith.constant 0 : index
    %get3A_1 = vector.load %arg3[%get3A, %get3A_0] : memref<1000x2xf32, #tpu.memory_space<vmem>>, vector<1000x1xf32>
    %get3A_2 = arith.constant 0 : index
    %get3A_3 = arith.constant 1 : index
    %get3A_4 = vector.load %arg3[%get3A_2, %get3A_3] : memref<1000x2xf32, #tpu.memory_space<vmem>>, vector<1000x1xf32>
    %add3A = arith.addf %get3A_1, %get3A_4 : vector<1000x1xf32>
    %max3A = arith.constant 1.000000e+00 : f32
    %max3A_5 = vector.broadcast %max3A : f32 to vector<1000x1xf32>
    %max3A_6 = arith.maximumf %add3A, %max3A_5 : vector<1000x1xf32>
    %sqrt3A = math.sqrt %max3A_6 : vector<1000x1xf32>
    %mul3A = arith.constant 0.0909090936 : f32
    %mul3A_7 = vector.broadcast %mul3A : f32 to vector<1000x1xf32>
    %mul3A_8 = arith.mulf %sqrt3A, %mul3A_7 : vector<1000x1xf32>
    %get3A_9 = arith.constant 0 : index
    %get3A_10 = arith.constant 0 : index
    %get3A_11 = vector.load %arg1[%get3A_9, %get3A_10] : memref<1000x64xf32, #tpu.memory_space<vmem>>, vector<1000x64xf32>
    %get3A_12 = arith.constant 0 : index
    %get3A_13 = arith.constant 0 : index
    %get3A_14 = vector.load %arg2[%get3A_12, %get3A_13] : memref<1000x64xf32, #tpu.memory_space<vmem>>, vector<1000x64xf32>
    %concatenate3A = tpu.concatenate %get3A_11, %get3A_14 in 1 : vector<1000x64xf32>, vector<1000x64xf32> -> vector<1000x128xf32>
    %mul3A_15 = vector.broadcast %mul3A_8 : vector<1000x1xf32> to vector<1000x128xf32>
    %mul3A_16 = arith.mulf %concatenate3A, %mul3A_15 : vector<1000x128xf32>
    %get3A_17 = arith.constant 0 : index
    %get3A_18 = arith.constant 0 : index
    %get3A_19 = vector.load %arg4[%get3A_17, %get3A_18] : memref<128x64xf32, #tpu.memory_space<vmem>>, vector<128x64xf32>
    %dot_general3A = arith.constant dense<0.000000e+00> : vector<1000x64xf32>
    %dot_general3A_20 = tpu.matmul %mul3A_16, %get3A_19, %dot_general3A {dimension_numbers = #tpu.dot_dimension_numbers<[1], [0], [0], [1], [0, 0, 1, 1], [], []>, transpose_lhs_hint = false} : vector<1000x128xf32>, vector<128x64xf32>, vector<1000x64xf32> -> vector<1000x64xf32>
    %get3A_21 = arith.constant 0 : index
    %get3A_22 = arith.constant 0 : index
    %get3A_23 = vector.load %arg5[%get3A_21, %get3A_22] : memref<1x64xf32, #tpu.memory_space<vmem>>, vector<1x64xf32>
    %add3A_24 = vector.broadcast %get3A_23 : vector<1x64xf32> to vector<1000x64xf32>
    %add3A_25 = arith.addf %dot_general3A_20, %add3A_24 : vector<1000x64xf32>
    %swap3A = arith.constant 0 : index
    %swap3A_26 = arith.constant 0 : index
    %swap3A_27 = vector.load %arg6[%swap3A, %swap3A_26] : memref<1000x64xf32, #tpu.memory_space<vmem>>, vector<1000x64xf32>
    tpu.vector_store %arg6[%swap3A, %swap3A_26], %add3A_25 {strides = array<i32>} : memref<1000x64xf32, #tpu.memory_space<vmem>>, vector<1000x64xf32>,
    return
  }
  func.func @transform_0(%arg0: i32) -> (i32, i32) {
    %c0_i32 = arith.constant 0 : i32
    %c0_i32_0 = arith.constant 0 : i32
    return %arg0, %c0_i32 : i32, i32
  }
  func.func @transform_1(%arg0: i32) -> (i32, i32) {
    %c0_i32 = arith.constant 0 : i32
    %c0_i32_0 = arith.constant 0 : i32
    return %arg0, %c0_i32 : i32, i32
  }
  func.func @transform_2(%arg0: i32) -> (i32, i32) {
    %c0_i32 = arith.constant 0 : i32
    %c0_i32_0 = arith.constant 0 : i32
    return %arg0, %c0_i32 : i32, i32
  }
  func.func @transform_3(%arg0: i32) -> (i32, i32) {
    %c0_i32 = arith.constant 0 : i32
    %c0_i32_0 = arith.constant 0 : i32
    %c0_i32_1 = arith.constant 0 : i32
    return %c0_i32, %c0_i32_0 : i32, i32
  }
  func.func @transform_4(%arg0: i32) -> (i32, i32) {
    %c0_i32 = arith.constant 0 : i32
    %c0_i32_0 = arith.constant 0 : i32
    %c0_i32_1 = arith.constant 0 : i32
    return %c0_i32, %c0_i32_0 : i32, i32
  }
  func.func @transform_5(%arg0: i32) -> (i32, i32) {
    %c0_i32 = arith.constant 0 : i32
    %c0_i32_0 = arith.constant 0 : i32
    return %arg0, %c0_i32 : i32, i32
  }
}

</mosaic_0001>

<sc_bundles>
// kernel: kernel.6.cloned.1.call-start
scs
__scs_entry_jumppad:
0x0: {  	(pc) =	sbr.rel $0x88, $3  }
0x1: {  	(tag) =	ssettag $0x0;
	lr =	simm.s32 $0x1  }
0x2: {  	[smem:$0x3F9B] =	sst lr;
	_ =	strace $0xD0000000  }
0x3: {  	_ = 	snop  }
0x4: {  	_ = 	snop  }
0x5: {  	_ = 	snop  }
0x6: {  	_ = 	snop  }
0x7: {  	_ = 	snop  }
__scs_overlays_trampoline_lowered:
0x8: {  	[smem:$0x3FAA] =	sst s0  }
0x9: {  	[smem:$0x3FAB] =	sst s1  }
0xa: {  	[smem:$0x3FAC] =	sst s2  }
0xb: {  	[smem:$0x3FAD] =	sst s3  }
0xc: {  	[smem:$0x3FAE] =	sst s4  }
0xd: {  	[smem:$0x3FAF] =	sst s5  }
0xe: {  	[smem:$0x3FB0] =	sst s6  }
0xf: {  	[smem:$0x3FB1] =	sst s7  }
0x10: {  	[smem:$0x3FB2] =	sst s8  }
0x11: {  	[smem:$0x3FB3] =	sst s9;
	s0 =	simm.s32 @!p0 $0x0  }
0x12: {  	s1 =	sld [smem:$0x3F99];
	s0 =	simm.s32 @p0 $0x1  }
0x13: {  	[smem:$0x3FB4] =	sst s0;
	s0 =	simm.s32 @!p1 $0x0  }
0x14: {  	s2 =	sld [smem:$0x3F98];
	s0 =	simm.s32 @p1 $0x1  }
0x15: {  	[smem:$0x3FB5] =	sst s0;
	s0 =	simm.s32 @!p2 $0x0  }
0x16: {  	s3 =	sld [smem:$0x3FDB];
	s0 =	simm.s32 @p2 $0x1  }
0x17: {  	s4 =	simm.s32 $0x1BF5;
	[smem:$0x3FB7] =	sst s0  }
0x18: {  	s0 =	sld [smem:$0x3F9A];
	_ =	swait.ge [sflag:s4], $0x0  }
0x19: {  	s7 =	sld [smem:$0x3F9B]  }
0x1a: {  	s8 =	sadd.s32 $0xFFFFE003, lr  }
0x1b: {  	s9 =	sadd.s32 $0xFFFFFEF7, lr;
	s5 =	simm.s32 $0xFFFFFFFF;
	p2 =	slt.u32 s8, $0xFFFFF086  }
0x1c: {  	p1 =	slt.u32 s9, $0xF7A;
	s5 =	simm.s32 @!p2 $0x0  }
0x1d: {  	s5 =	simm.s32 @p1 $0x1;
	p0 =	seq.s32 s7, s2  }
0x1e: {  	s7 =	smul.u32 @!p0 $0xF7A, s2;
	p2 =	seq.s32 @!p0 s5, $0x0  }
0x1f: {  	s9 =	smul.u32 $0xF7A, s1;
	s8 =	simm.s32 @!p0 $0x1BF5;
	p2 =	por !p2, p0  }
0x20: {  	[sflag:s8] =	ssyncset.s32 @!p0 $0xFFFFF086;
	s6 =	sadd.s32 @!p0 s3, s7;
	s7 =	simm.s32 @!p0 $0x108  }
0x21: {  	s3 =	sadd.s32 s3, s9;
	s6 =	sadd.s32 @!p0 $0x88, s6;
	s7 =	simm.s32 @p2 $0x1082  }
0x22: {  	[simem:s7], [sflag:s8] =	dma.local @!p0 [hbm:s6], $0xF7A  }
0x23: {  	s9 =	sor.u32 $0xD0000000, s2;
	s6 =	simm.s32 $0x108;
	_ =	swait.ge @!p0 [sflag:s8], $0x0  }
0x24: {  	s3 =	sadd.s32 $0x88, s3;
	s6 =	simm.s32 @!p1 $0x1082;
	[sflag:s4] =	ssyncset.s32 $0xFFFFF086  }
0x25: {  	[simem:s6], [sflag:s4] =	dma.local [hbm:s3], $0xF7A  }
0x26: {  	[smem:$0x3F9B] =	sst s1;
	(tag) =	ssettag s2;
	_ =	strace s9  }
0x27: {  	s1 =	sld [smem:$0x3FAB]  }
0x28: {  	s2 =	sld [smem:$0x3FAC]  }
0x29: {  	s4 =	sld [smem:$0x3FAE]  }
0x2a: {  	p0 =	seq.s32 s5, $0x0;
	s5 =	sld [smem:$0x3FAF]  }
0x2b: {  	s6 =	sld [smem:$0x3FB0]  }
0x2c: {  	s7 =	sld [smem:$0x3FB1]  }
0x2d: {  	s3 =	simm.s32 $0x108;
	s8 =	sld [smem:$0x3FB2]  }
0x2e: {  	s3 =	simm.s32 @!p0 $0x1082;
	s9 =	sld [smem:$0x3FB3]  }
0x2f: {  	lr =	sadd.s32 s0, s3;
	s0 =	sld [smem:$0x3FAA]  }
0x30: {  	s3 =	sld [smem:$0x3FAD]  }
0x31: {  	[smem:$0x3FB6] =	sst s10  }
0x32: {  	s10 =	sld [smem:$0x3FB4];
	_ =	sdelay $0x3  }
0x33: {  	p0 =	seq.s32 s10, $0x1;
	s10 =	sld [smem:$0x3FB6];
	_ =	sdelay $0x3  }
0x34: {  	[smem:$0x3FB6] =	sst s10  }
0x35: {  	s10 =	sld [smem:$0x3FB5];
	_ =	sdelay $0x3  }
0x36: {  	p1 =	seq.s32 s10, $0x1;
	s10 =	sld [smem:$0x3FB6];
	_ =	sdelay $0x3  }
0x37: {  	[smem:$0x3FB6] =	sst s10  }
0x38: {  	s10 =	sld [smem:$0x3FB7]  }
0x39: {  	_ = 	snop;
	(pc) =	sbr.ind lr, $3  }
0x3a: {  	_ = 	snop  }
0x3b: {  	_ = 	snop  }
0x3c: {  	p2 =	seq.s32 s10, $0x1;
	s10 =	sld [smem:$0x3FB6]  }
0x3d: {  	_ =	shalt  }
0x3e: {  	_ =	shalt  }
0x3f: {  	_ =	shalt  }
0x40: {  	_ =	shalt  }
0x41: {  	_ =	shalt  }
0x42: {  	_ =	shalt  }
0x43: {  	_ =	shalt  }
0x44: {  	_ =	shalt  }
0x45: {  	_ =	shalt  }
0x46: {  	_ =	shalt  }
0x47: {  	_ =	shalt  }
0x48: {  	_ =	shalt  }
0x49: {  	_ =	shalt  }
0x4a: {  	_ =	shalt  }
0x4b: {  	_ =	shalt  }
0x4c: {  	_ =	shalt  }
0x4d: {  	_ =	shalt  }
0x4e: {  	_ =	shalt  }
0x4f: {  	_ =	shalt  }
0x50: {  	_ =	shalt  }
0x51: {  	_ =	shalt  }
0x52: {  	_ =	shalt  }
0x53: {  	_ =	shalt  }
0x54: {  	_ =	shalt  }
0x55: {  	_ =	shalt  }
0x56: {  	_ =	shalt  }
0x57: {  	_ =	shalt  }
0x58: {  	_ =	shalt  }
0x59: {  	_ =	shalt  }
0x5a: {  	_ =	shalt  }
0x5b: {  	_ =	shalt  }
0x5c: {  	_ =	shalt  }
0x5d: {  	_ =	shalt  }
0x5e: {  	_ =	shalt  }
0x5f: {  	_ =	shalt  }
0x60: {  	_ =	shalt  }
0x61: {  	_ =	shalt  }
0x62: {  	_ =	shalt  }
0x63: {  	_ =	shalt  }
0x64: {  	_ =	shalt  }
0x65: {  	_ =	shalt  }
0x66: {  	_ =	shalt  }
0x67: {  	_ =	shalt  }
0x68: {  	_ =	shalt  }
0x69: {  	_ =	shalt  }
0x6a: {  	_ =	shalt  }
0x6b: {  	_ =	shalt  }
0x6c: {  	_ =	shalt  }
0x6d: {  	_ =	shalt  }
0x6e: {  	_ =	shalt  }
0x6f: {  	_ =	shalt  }
0x70: {  	_ =	shalt  }
0x71: {  	_ =	shalt  }
0x72: {  	_ =	shalt  }
0x73: {  	_ =	shalt  }
0x74: {  	_ =	shalt  }
0x75: {  	_ =	shalt  }
0x76: {  	_ =	shalt  }
0x77: {  	_ =	shalt  }
0x78: {  	_ =	shalt  }
0x79: {  	_ =	shalt  }
0x7a: {  	_ =	shalt  }
0x7b: {  	_ =	shalt  }
0x7c: {  	_ =	shalt  }
0x7d: {  	_ =	shalt  }
0x7e: {  	_ =	shalt  }
0x7f: {  	_ =	shalt  }
0x80: {  	_ =	shalt  }
0x81: {  	_ =	shalt  }
0x82: {  	_ =	shalt  }
0x83: {  	_ =	shalt  }
0x84: {  	_ =	shalt  }
0x85: {  	_ =	shalt  }
0x86: {  	_ =	shalt  }
0x87: {  	_ =	shalt  }
.Lfunc_end0:
.L_simem_size_0:
called_computation_lowered:
.L_overlay_start_0:
0x88: {  	s2 =	sld [smem:$0x3FD9]  }
0x89: {  	s3 =	sld [smem:$0x3FFE];
	_ =	sdelay $0x1  }
0x8a: {  	s1 =	srdreg.scid  }
0x8b: {  	s0 =	sand.u32 $0x1, s1  }
0x8c: {  	s16 =	sshll.u32 s0, $0xA;
	s2 =	sadd.s32 s3, s2  }
0x8d: {  	s2 =	sadd.s32 s2, s16  }
0x8e: {  	[smem:$0x3FC2] =	sst s2  }
0x8f: {  	_ = 	snop  }
0x90: {  	(tm) =	ssettm $0x1  }
0x91: {  	s17 =	sld [smem:$0x3FFB];
	_ =	sdelay $0x3  }
0x92: {  	_ =	strace s17  }
0x93: {  	s2 =	sld [smem:$0x3FFC];
	_ =	sdelay $0x3  }
0x94: {  	_ =	strace s2  }
0x95: {  	s2 =	sld [smem:$0x3FFD];
	_ =	sdelay $0x3  }
0x96: {  	_ =	strace s2  }
0x97: {  	_ =	strace $0x8FFFFFFF  }
0x98: {  	s18 =	sld [smem:$0x3FDB];
	_ =	sdelay $0x1  }
0x99: {  	s19 =	simm.s32 $_scs_section_size  }
0x9a: {  	s4 =	simm.s32 $_size__tile_overlayer_lowered;
	s5 =	simm.s32 $_tile_overlayer_lowered  }
0x9b: {  	s22 =	simm.s32 $0x1BFF;
	s21 =	sshll.u32 s5, $0x1;
	s2 =	sadd.s32 s19, s18  }
0x9c: {  	s6 =	simm.s32 $0x0;
	s20 =	sshll.u32 s4, $0x1;
	s4 =	sadd.s32 s21, s2  }
0x9d: {  	[timem:s6], [sflag:s22] =	dma.local [hbm:s4], s20  }
0x9e: {  	_ =	swait.ge [sflag:s22], s20  }
0x9f: {  	s3 =	ssub.s32 $0x0, s20;
	[sflag:s22] =	ssyncset.done $0x0  }
0xa0: {  	[sflag:s22] =	ssyncadd.s32 s3;
	_ =	sdelay $0x1  }
0xa1: {  	s23 =	simm.s32 $0x1B8B  }
0xa2: {  	_ =	swait.ge [sflag:s23], $0x1  }
0xa3: {  	[sflag:s23] =	ssyncset.done $0x0  }
0xa4: {  	s25 =	simm.s32 $0x1B8E;
	s24 =	sld [smem:$0x3FFE];
	[sflag:s23] =	ssyncadd.s32 $0xFFFFFFFF  }
0xa5: {  	s26 =	simm.s32 $execute0_lowered;
	[smem:$0x3FD2] =	sst s25  }
0xa6: {  	s4 =	sshll.u32 s26, $0x1;
	_ =	strace $0x80000046;
	[dreg:$0x1] =	wrdreg $0xFFFFFFFF  }
0xa7: {  	s28 =	simm.s32 $_size_execute0_lowered;
	s2 =	sadd.s32 s2, s4;
	[dreg:$0x0] =	wrdreg $0x0  }
0xa8: {  	s4 =	sshll.u32 s28, $0x1;
	[dreg:$0x2] =	wrdreg s2  }
0xa9: {  	[dreg:$0x3] =	wrdreg s4  }
0xaa: {  	[dreg:$0x4] =	wrdreg $0xC0  }
0xab: {  	_ =	task [dreg:s6], $0x5FFFF  }
0xac: {  	[dreg:$0x1] =	wrdreg $0xFFFFFFFF  }
0xad: {  	[dreg:$0x0] =	wrdreg $0x60  }
0xae: {  	[dreg:$0x2] =	wrdreg s24  }
0xaf: {  	[dreg:$0x3] =	wrdreg $0x4F800  }
0xb0: {  	[dreg:$0x4] =	wrdreg $0x9  }
0xb1: {  	_ =	task.clear_ibuf [dreg:s6], $0x5FFFF;
	_ =	strace $0x90000046  }
0xb2: {  	s29 =	simm.s32 $0x9;
	_ =	strace $0x80000048  }
0xb3: {  	_ =	swait.ge [sflag:s29], $0x1  }
0xb4: {  	[sflag:s29] =	ssyncadd.s32 $0xFFFFFFFF  }
0xb5: {  	_ =	strace $0x90000048  }
0xb6: {  	_ =	sfence  }
0xb7: {  	s30 =	sld [smem:$0x0];
	_ =	sdelay $0x2  }
0xb8: {  	s31 =	sshll.u32 s1, $0xD;
	s1 =	sshrl.u32 s1, $0x2  }
0xb9: {  	s3 =	sand.u32 $0x4000, s31;
	s1 =	sadd.s32 s1, s30  }
0xba: {  	s0 =	sor.u32 s3, s0;
	s1 =	sshll.u32 s1, $0x11  }
0xbb: {  	s0 =	sor.u32 s1, s0  }
0xbc: {  	s0 =	sadd.s32 $0x8F2B, s0  }
0xbd: {  	[sflag:s0] =	ssyncadd.remote.s32 $0x1  }
0xbe: {  	_ =	sfence.sel $0xFFFF  }
0xbf: {  	[dreg:$0x0] =	wrdreg $0xFFFFFFFF;
	(pc) =	sbr.abs _section_cstart, $3  }
0xc0: {  	[dreg:$0x1] =	wrdreg $0xFFFFFFFF  }
0xc1: {  	_ =	task.clear_ibuf [dreg:s6], $0x2FFFF;
	_ =	strace $0x9FFFFFFF  }
0xc2: {  	(tm) =	ssettm $0x7FFFFFFF  }
0xc3: {  	_ =	shalt  }
tec
execute0_lowered:
.L_overlay_start_1:
0x0: {  	(tag) =	ssettag $0x1  }
0x1: {  	s0 =	rddreg [dreg:$0x0]  }
0x2: {  	s1 =	rddreg [dreg:$0x1]  }
0x3: {  	s3 =	srdreg.scid;
	s2 =	simm.s32 $0x0;
	s20 =	stileid.u32  }
0x4: {  	s28 =	simm.s32 $0x7780;
	s29 =	simm.s32 $0x100;
	s30 =	simm.s32 $0x7A00  }
0x5: {  	s31 =	simm.s32 $0x0;
	s3 =	sand.u32 $0x1, s3;
	s5 =	smul.u32 $0x500, s20  }
0x6: {  	[smem:$0x7FF] =	sst s2;
	s7 =	sshrl.u32 s20, $0x3;
	s8 =	smul.u32 $0x5000, s20  }
0x7: {  	s23 =	sshll.u32 s20, $0x7;
	s4 =	sshll.u32 s3, $0x4;
	_ =	strace $0x80000047  }
0x8: {  	s6 =	sshll.u32 s3, $0x7;
	s3 =	ssub.s32 $0x2, s3;
	s21 =	smul.u32 $0x50000, s7  }
0x9: {  	s26 =	sand.u32 $0x380, s23;
	s23 =	simm.s32 $0x1;
	s4 =	sor.u32 s20, s4  }
0xa: {  	s5 =	sor.u32 s6, s5;
	s22 =	sshrl.u32 s3, $0x1;
	s25 =	sshrl.u32 s8, $0x2  }
0xb: {  	s4 =	smul.u32 $0x4E2, s4;
	s5 =	sshrl.u32 s5, $0x3;
	s22 =	ssub.s32 s3, s22  }
0xc: {  	s24 =	sshrl.u32 s21, $0x2;
	s3 =	sadd.s32 s25, s1;
	s25 =	simm.s32 $0x80  }
0xd: {  	s6 =	sadd.s32 $0x80, s3;
	s7 =	sadd.s32 $0x100, s3;
	s8 =	sadd.s32 $0x180, s3  }
0xe: {  	s9 =	sadd.s32 $0x200, s3;
	s10 =	sadd.s32 $0x280, s3;
	s11 =	sadd.s32 $0x300, s3  }
0xf: {  	s12 =	sadd.s32 $0x380, s3;
	s13 =	sadd.s32 $0x14000, s3;
	s14 =	sadd.s32 $0x14080, s3  }
0x10: {  	s15 =	sadd.s32 $0x14100, s3;
	s16 =	sadd.s32 $0x14180, s3;
	s17 =	sadd.s32 $0x14200, s3  }
0x11: {  	s18 =	sadd.s32 $0x14280, s3;
	s19 =	sadd.s32 $0x14300, s3;
	s20 =	sadd.s32 $0x14380, s3  }
0x12: {  	s22 =	smax.u32 s22, $0x1;
	s4 =	sadd.s32 s4, s0;
	s0 =	sadd.s32 s5, s0  }
0x13: {  	s5 =	sadd.s32 s24, s1;
	s24 =	simm.s32 $0x2780;
	s4 =	sadd.s32 $0x1800, s4  }
0x14: {  	v0 =	vimm.f32 $0.0e+00;
	v1 =	vimm.f32 $1.000000000e+00;
	s5 =	sadd.s32 s26, s5;
	s21 =	sadd.s32 $0xB600, s0;
	s26 =	simm.s32 $0x400  }
.LBB2_1:
0x15: {  	s0 =	simm.s32 $0x0  }
0x16: {  	[tilespmem:s0], [sflag:$0x1] =	stream.linear.gather [hbm4b:s4+s0], $0x2710, $0x38;
	[tilespmem:$0x7C80] =	vst v63  }
0x17: {  	_ =	swait.ge [sflag:s23], $0x2710  }
0x18: {  	[sflag:s23] =	ssyncset.done $0x0  }
0x19: {  	s0 =	simm.s32 $0x0;
	[sflag:s23] =	ssyncadd.s32 $0xFFFFD8F0  }
.LBB2_2:
0x1a: {  	p0 =	sne.s32 s0, $0x9FC0  }
.Ltmp0:
0x1b: {  	_ = 	snop;
	(pc) =	sbr.rel @p0 .LBB2_2-.Ltmp0, $3  }
0x1c: {  	_ =	sdelay $0x1  }
0x1d: {  	s1 =	sshra.s32 s0, $0x2  }
0x1e: {  	s0 =	sadd.s32 $0x40, s0;
	[tilespmem:s1+$0x2780] =	vst v0  }
0x1f: {  	s1 =	simm.s32 $0x0;
	s0 =	simm.s32 $0x40  }
.LBB2_4:
0x20: {  	p0 =	sne.s32 s0, $0x9C00;
	v2 =	vld [tilespmem:s1+$0x0];
	_ =	sdelay $0x3  }
.Ltmp1:
0x21: {  	(pc) =	sbr.rel @p0 .LBB2_4-.Ltmp1, $2  }
0x22: {  	_ =	sdelay $0x2  }
0x23: {  	s1 =	sshra.s32 s0, $0x2;
	s0 =	sadd.s32 $0x40, s0;
	[tilespmem:v2+s24+$0x0] =	vst.idx.add.f32.msk $0xffff, v1  }
0x24: {  	v2 =	vld [tilespmem:s1+$0x0];
	_ =	sdelay $0x7  }
0x25: {  	[tilespmem:v2+s24+$0x0] =	vst.idx.add.f32.msk $0xffff, v1  }
0x26: {  	[spmem:s5] =	stream.strided.scatter [tilespmem:s24], [sflag:$0x1], $0x2800, s26, s25, $0x38;
	[tilespmem:$0x7C80] =	vst v63  }
0x27: {  	_ =	swait.ge [sflag:s23], $0x2800  }
0x28: {  	[sflag:s23] =	ssyncset.done $0x0  }
0x29: {  	[sflag:s23] =	ssyncadd.s32 $0xFFFFD800  }
0x2a: {  	[bflag:$0x0] =	sbarrier.arrive $0xFFFF  }
0x2b: {  	[tilespmem:$0x7A00] =	vst v0  }
0x2c: {  	[tilespmem:$0x7A10] =	vst v0  }
0x2d: {  	[tilespmem:$0x7A20] =	vst v0  }
0x2e: {  	[tilespmem:$0x7A30] =	vst v0  }
0x2f: {  	[tilespmem:$0x7A40] =	vst v0  }
0x30: {  	[tilespmem:$0x7A50] =	vst v0  }
0x31: {  	[tilespmem:$0x7A60] =	vst v0  }
0x32: {  	[tilespmem:$0x7A70] =	vst v0  }
0x33: {  	[tilespmem:$0x7A80] =	vst v0  }
0x34: {  	[tilespmem:$0x7A90] =	vst v0  }
0x35: {  	[tilespmem:$0x7AA0] =	vst v0  }
0x36: {  	[tilespmem:$0x7AB0] =	vst v0  }
0x37: {  	[tilespmem:$0x7AC0] =	vst v0  }
0x38: {  	[tilespmem:$0x7AD0] =	vst v0  }
0x39: {  	[tilespmem:$0x7AE0] =	vst v0  }
0x3a: {  	[tilespmem:$0x7AF0] =	vst v0  }
0x3b: {  	[tilespmem:$0x7B00] =	vst v0  }
0x3c: {  	[tilespmem:$0x7B10] =	vst v0  }
0x3d: {  	[tilespmem:$0x7B20] =	vst v0  }
0x3e: {  	[tilespmem:$0x7B30] =	vst v0  }
0x3f: {  	[tilespmem:$0x7B40] =	vst v0  }
0x40: {  	[tilespmem:$0x7B50] =	vst v0  }
0x41: {  	[tilespmem:$0x7B60] =	vst v0  }
0x42: {  	[tilespmem:$0x7B70] =	vst v0  }
0x43: {  	[tilespmem:$0x7B80] =	vst v0  }
0x44: {  	[tilespmem:$0x7B90] =	vst v0  }
0x45: {  	[tilespmem:$0x7BA0] =	vst v0  }
0x46: {  	[tilespmem:$0x7BB0] =	vst v0  }
0x47: {  	[tilespmem:$0x7BC0] =	vst v0  }
0x48: {  	[tilespmem:$0x7BD0] =	vst v0  }
0x49: {  	[tilespmem:$0x7BE0] =	vst v0  }
0x4a: {  	[tilespmem:$0x7BF0] =	vst v0  }
0x4b: {  	[tilespmem:$0x7C00] =	vst v0  }
0x4c: {  	[tilespmem:$0x7C10] =	vst v0  }
0x4d: {  	[tilespmem:$0x7C20] =	vst v0  }
0x4e: {  	[tilespmem:$0x7C30] =	vst v0  }
0x4f: {  	[tilespmem:$0x7C40] =	vst v0  }
0x50: {  	[tilespmem:$0x7C50] =	vst v0  }
0x51: {  	[tilespmem:$0x7C60] =	vst v0  }
0x52: {  	[tilespmem:$0x7C70] =	vst v0  }
0x53: {  	[tilespmem:s28], [sflag:$0x1] =	stream.strided.gather [spmem:s3], $0x280, s26, s25, $0x38;
	[tilespmem:$0x7C80] =	vst v63  }
0x54: {  	_ =	swait.ge [sflag:s23], $0x280  }
0x55: {  	[sflag:s23] =	ssyncset.done $0x0  }
0x56: {  	s0 =	simm.s32 $0x0;
	[sflag:s23] =	ssyncadd.s32 $0xFFFFFD80  }
0x57: {  	s1 =	simm.s32 $0x40;
	v2 =	vld [tilespmem:s0+$0x7780]  }
.LBB2_6:
0x58: {  	p0 =	sne.s32 s1, $0x9C0;
	v3 =	vld [tilespmem:s0+$0x7A00];
	_ =	sdelay $0x2  }
.Ltmp2:
0x59: {  	(pc) =	sbr.rel @p0 .LBB2_6-.Ltmp2, $4  }
0x5a: {  	_ = 	snop  }
0x5b: {  	v3 =	vadd.f32 v2, v3  }
0x5c: {  	s2 =	sshra.s32 s1, $0x2  }
0x5d: {  	s1 =	sadd.s32 $0x40, s1;
	v2 =	vld [tilespmem:s2+$0x7780];
	[tilespmem:s0+$0x7A00] =	vst v3;
	s0 =	smov.u32 s2  }
0x5e: {  	v3 =	vld [tilespmem:s0+$0x7A00];
	_ =	sdelay $0x4  }
0x5f: {  	v2 =	vadd.f32 v2, v3;
	_ =	sdelay $0x1  }
0x60: {  	[tilespmem:s0+$0x7A00] =	vst v2  }
0x61: {  	[tilespmem:s28], [sflag:$0x1] =	stream.strided.gather [spmem:s6], $0x280, s26, s25, $0x38;
	[tilespmem:$0x7C80] =	vst v63  }
0x62: {  	_ =	swait.ge [sflag:s23], $0x280  }
0x63: {  	[sflag:s23] =	ssyncset.done $0x0  }
0x64: {  	s0 =	simm.s32 $0x0;
	[sflag:s23] =	ssyncadd.s32 $0xFFFFFD80  }
0x65: {  	s1 =	simm.s32 $0x40;
	v2 =	vld [tilespmem:s0+$0x7780]  }
.LBB2_8:
0x66: {  	p0 =	sne.s32 s1, $0x9C0;
	v3 =	vld [tilespmem:s0+$0x7A00];
	_ =	sdelay $0x2  }
.Ltmp3:
0x67: {  	(pc) =	sbr.rel @p0 .LBB2_8-.Ltmp3, $4  }
0x68: {  	_ = 	snop  }
0x69: {  	v3 =	vadd.f32 v2, v3  }
0x6a: {  	s2 =	sshra.s32 s1, $0x2  }
0x6b: {  	s1 =	sadd.s32 $0x40, s1;
	v2 =	vld [tilespmem:s2+$0x7780];
	[tilespmem:s0+$0x7A00] =	vst v3;
	s0 =	smov.u32 s2  }
0x6c: {  	v3 =	vld [tilespmem:s0+$0x7A00];
	_ =	sdelay $0x4  }
0x6d: {  	v2 =	vadd.f32 v2, v3;
	_ =	sdelay $0x1  }
0x6e: {  	[tilespmem:s0+$0x7A00] =	vst v2  }
0x6f: {  	[tilespmem:s28], [sflag:$0x1] =	stream.strided.gather [spmem:s7], $0x280, s26, s25, $0x38;
	[tilespmem:$0x7C80] =	vst v63  }
0x70: {  	_ =	swait.ge [sflag:s23], $0x280  }
0x71: {  	[sflag:s23] =	ssyncset.done $0x0  }
0x72: {  	s0 =	simm.s32 $0x0;
	[sflag:s23] =	ssyncadd.s32 $0xFFFFFD80  }
0x73: {  	s1 =	simm.s32 $0x40;
	v2 =	vld [tilespmem:s0+$0x7780]  }
.LBB2_10:
0x74: {  	p0 =	sne.s32 s1, $0x9C0;
	v3 =	vld [tilespmem:s0+$0x7A00];
	_ =	sdelay $0x2  }
.Ltmp4:
0x75: {  	(pc) =	sbr.rel @p0 .LBB2_10-.Ltmp4, $4  }
0x76: {  	_ = 	snop  }
0x77: {  	v3 =	vadd.f32 v2, v3  }
0x78: {  	s2 =	sshra.s32 s1, $0x2  }
0x79: {  	s1 =	sadd.s32 $0x40, s1;
	v2 =	vld [tilespmem:s2+$0x7780];
	[tilespmem:s0+$0x7A00] =	vst v3;
	s0 =	smov.u32 s2  }
0x7a: {  	v3 =	vld [tilespmem:s0+$0x7A00];
	_ =	sdelay $0x4  }
0x7b: {  	v2 =	vadd.f32 v2, v3;
	_ =	sdelay $0x1  }
0x7c: {  	[tilespmem:s0+$0x7A00] =	vst v2  }
0x7d: {  	[tilespmem:s28], [sflag:$0x1] =	stream.strided.gather [spmem:s8], $0x280, s26, s25, $0x38;
	[tilespmem:$0x7C80] =	vst v63  }
0x7e: {  	_ =	swait.ge [sflag:s23], $0x280  }
0x7f: {  	[sflag:s23] =	ssyncset.done $0x0  }
0x80: {  	s0 =	simm.s32 $0x0;
	[sflag:s23] =	ssyncadd.s32 $0xFFFFFD80  }
0x81: {  	s1 =	simm.s32 $0x40;
	v2 =	vld [tilespmem:s0+$0x7780]  }
.LBB2_12:
0x82: {  	p0 =	sne.s32 s1, $0x9C0;
	v3 =	vld [tilespmem:s0+$0x7A00];
	_ =	sdelay $0x2  }
.Ltmp5:
0x83: {  	(pc) =	sbr.rel @p0 .LBB2_12-.Ltmp5, $4  }
0x84: {  	_ = 	snop  }
0x85: {  	v3 =	vadd.f32 v2, v3  }
0x86: {  	s2 =	sshra.s32 s1, $0x2  }
0x87: {  	s1 =	sadd.s32 $0x40, s1;
	v2 =	vld [tilespmem:s2+$0x7780];
	[tilespmem:s0+$0x7A00] =	vst v3;
	s0 =	smov.u32 s2  }
0x88: {  	v3 =	vld [tilespmem:s0+$0x7A00];
	_ =	sdelay $0x4  }
0x89: {  	v2 =	vadd.f32 v2, v3;
	_ =	sdelay $0x1  }
0x8a: {  	[tilespmem:s0+$0x7A00] =	vst v2  }
0x8b: {  	[tilespmem:s28], [sflag:$0x1] =	stream.strided.gather [spmem:s9], $0x280, s26, s25, $0x38;
	[tilespmem:$0x7C80] =	vst v63  }
0x8c: {  	_ =	swait.ge [sflag:s23], $0x280  }
0x8d: {  	[sflag:s23] =	ssyncset.done $0x0  }
0x8e: {  	s0 =	simm.s32 $0x0;
	[sflag:s23] =	ssyncadd.s32 $0xFFFFFD80  }
0x8f: {  	s1 =	simm.s32 $0x40;
	v2 =	vld [tilespmem:s0+$0x7780]  }
.LBB2_14:
0x90: {  	p0 =	sne.s32 s1, $0x9C0;
	v3 =	vld [tilespmem:s0+$0x7A00];
	_ =	sdelay $0x2  }
.Ltmp6:
0x91: {  	(pc) =	sbr.rel @p0 .LBB2_14-.Ltmp6, $4  }
0x92: {  	_ = 	snop  }
0x93: {  	v3 =	vadd.f32 v2, v3  }
0x94: {  	s2 =	sshra.s32 s1, $0x2  }
0x95: {  	s1 =	sadd.s32 $0x40, s1;
	v2 =	vld [tilespmem:s2+$0x7780];
	[tilespmem:s0+$0x7A00] =	vst v3;
	s0 =	smov.u32 s2  }
0x96: {  	v3 =	vld [tilespmem:s0+$0x7A00];
	_ =	sdelay $0x4  }
0x97: {  	v2 =	vadd.f32 v2, v3;
	_ =	sdelay $0x1  }
0x98: {  	[tilespmem:s0+$0x7A00] =	vst v2  }
0x99: {  	[tilespmem:s28], [sflag:$0x1] =	stream.strided.gather [spmem:s10], $0x280, s26, s25, $0x38;
	[tilespmem:$0x7C80] =	vst v63  }
0x9a: {  	_ =	swait.ge [sflag:s23], $0x280  }
0x9b: {  	[sflag:s23] =	ssyncset.done $0x0  }
0x9c: {  	s0 =	simm.s32 $0x0;
	[sflag:s23] =	ssyncadd.s32 $0xFFFFFD80  }
0x9d: {  	s1 =	simm.s32 $0x40;
	v2 =	vld [tilespmem:s0+$0x7780]  }
.LBB2_16:
0x9e: {  	p0 =	sne.s32 s1, $0x9C0;
	v3 =	vld [tilespmem:s0+$0x7A00];
	_ =	sdelay $0x2  }
.Ltmp7:
0x9f: {  	(pc) =	sbr.rel @p0 .LBB2_16-.Ltmp7, $4  }
0xa0: {  	_ = 	snop  }
0xa1: {  	v3 =	vadd.f32 v2, v3  }
0xa2: {  	s2 =	sshra.s32 s1, $0x2  }
0xa3: {  	s1 =	sadd.s32 $0x40, s1;
	v2 =	vld [tilespmem:s2+$0x7780];
	[tilespmem:s0+$0x7A00] =	vst v3;
	s0 =	smov.u32 s2  }
0xa4: {  	v3 =	vld [tilespmem:s0+$0x7A00];
	_ =	sdelay $0x4  }
0xa5: {  	v2 =	vadd.f32 v2, v3;
	_ =	sdelay $0x1  }
0xa6: {  	[tilespmem:s0+$0x7A00] =	vst v2  }
0xa7: {  	[tilespmem:s28], [sflag:$0x1] =	stream.strided.gather [spmem:s11], $0x280, s26, s25, $0x38;
	[tilespmem:$0x7C80] =	vst v63  }
0xa8: {  	_ =	swait.ge [sflag:s23], $0x280  }
0xa9: {  	[sflag:s23] =	ssyncset.done $0x0  }
0xaa: {  	s0 =	simm.s32 $0x0;
	[sflag:s23] =	ssyncadd.s32 $0xFFFFFD80  }
0xab: {  	s1 =	simm.s32 $0x40;
	v2 =	vld [tilespmem:s0+$0x7780]  }
.LBB2_18:
0xac: {  	p0 =	sne.s32 s1, $0x9C0;
	v3 =	vld [tilespmem:s0+$0x7A00];
	_ =	sdelay $0x2  }
.Ltmp8:
0xad: {  	(pc) =	sbr.rel @p0 .LBB2_18-.Ltmp8, $4  }
0xae: {  	_ = 	snop  }
0xaf: {  	v3 =	vadd.f32 v2, v3  }
0xb0: {  	s2 =	sshra.s32 s1, $0x2  }
0xb1: {  	s1 =	sadd.s32 $0x40, s1;
	v2 =	vld [tilespmem:s2+$0x7780];
	[tilespmem:s0+$0x7A00] =	vst v3;
	s0 =	smov.u32 s2  }
0xb2: {  	v3 =	vld [tilespmem:s0+$0x7A00];
	_ =	sdelay $0x4  }
0xb3: {  	v2 =	vadd.f32 v2, v3;
	_ =	sdelay $0x1  }
0xb4: {  	[tilespmem:s0+$0x7A00] =	vst v2  }
0xb5: {  	[tilespmem:s28], [sflag:$0x1] =	stream.strided.gather [spmem:s12], $0x280, s26, s25, $0x38;
	[tilespmem:$0x7C80] =	vst v63  }
0xb6: {  	_ =	swait.ge [sflag:s23], $0x280  }
0xb7: {  	[sflag:s23] =	ssyncset.done $0x0  }
0xb8: {  	s0 =	simm.s32 $0x0;
	[sflag:s23] =	ssyncadd.s32 $0xFFFFFD80  }
0xb9: {  	s1 =	simm.s32 $0x40;
	v2 =	vld [tilespmem:s0+$0x7780]  }
.LBB2_20:
0xba: {  	p0 =	sne.s32 s1, $0x9C0;
	v3 =	vld [tilespmem:s0+$0x7A00];
	_ =	sdelay $0x2  }
.Ltmp9:
0xbb: {  	(pc) =	sbr.rel @p0 .LBB2_20-.Ltmp9, $4  }
0xbc: {  	_ = 	snop  }
0xbd: {  	v3 =	vadd.f32 v2, v3  }
0xbe: {  	s2 =	sshra.s32 s1, $0x2  }
0xbf: {  	s1 =	sadd.s32 $0x40, s1;
	v2 =	vld [tilespmem:s2+$0x7780];
	[tilespmem:s0+$0x7A00] =	vst v3;
	s0 =	smov.u32 s2  }
0xc0: {  	v3 =	vld [tilespmem:s0+$0x7A00];
	_ =	sdelay $0x4  }
0xc1: {  	v2 =	vadd.f32 v2, v3;
	_ =	sdelay $0x1  }
0xc2: {  	[tilespmem:s0+$0x7A00] =	vst v2  }
0xc3: {  	[tilespmem:s28], [sflag:$0x1] =	stream.strided.gather [spmem:s13], $0x280, s26, s25, $0x38;
	[tilespmem:$0x7C80] =	vst v63  }
0xc4: {  	_ =	swait.ge [sflag:s23], $0x280  }
0xc5: {  	[sflag:s23] =	ssyncset.done $0x0  }
0xc6: {  	s0 =	simm.s32 $0x0;
	[sflag:s23] =	ssyncadd.s32 $0xFFFFFD80  }
0xc7: {  	s1 =	simm.s32 $0x40;
	v2 =	vld [tilespmem:s0+$0x7780]  }
.LBB2_22:
0xc8: {  	p0 =	sne.s32 s1, $0x9C0;
	v3 =	vld [tilespmem:s0+$0x7A00];
	_ =	sdelay $0x2  }
.Ltmp10:
0xc9: {  	(pc) =	sbr.rel @p0 .LBB2_22-.Ltmp10, $4  }
0xca: {  	_ = 	snop  }
0xcb: {  	v3 =	vadd.f32 v2, v3  }
0xcc: {  	s2 =	sshra.s32 s1, $0x2  }
0xcd: {  	s1 =	sadd.s32 $0x40, s1;
	v2 =	vld [tilespmem:s2+$0x7780];
	[tilespmem:s0+$0x7A00] =	vst v3;
	s0 =	smov.u32 s2  }
0xce: {  	v3 =	vld [tilespmem:s0+$0x7A00];
	_ =	sdelay $0x4  }
0xcf: {  	v2 =	vadd.f32 v2, v3;
	_ =	sdelay $0x1  }
0xd0: {  	[tilespmem:s0+$0x7A00] =	vst v2  }
0xd1: {  	[tilespmem:s28], [sflag:$0x1] =	stream.strided.gather [spmem:s14], $0x280, s26, s25, $0x38;
	[tilespmem:$0x7C80] =	vst v63  }
0xd2: {  	_ =	swait.ge [sflag:s23], $0x280  }
0xd3: {  	[sflag:s23] =	ssyncset.done $0x0  }
0xd4: {  	s0 =	simm.s32 $0x0;
	[sflag:s23] =	ssyncadd.s32 $0xFFFFFD80  }
0xd5: {  	s1 =	simm.s32 $0x40;
	v2 =	vld [tilespmem:s0+$0x7780]  }
.LBB2_24:
0xd6: {  	p0 =	sne.s32 s1, $0x9C0;
	v3 =	vld [tilespmem:s0+$0x7A00];
	_ =	sdelay $0x2  }
.Ltmp11:
0xd7: {  	(pc) =	sbr.rel @p0 .LBB2_24-.Ltmp11, $4  }
0xd8: {  	_ = 	snop  }
0xd9: {  	v3 =	vadd.f32 v2, v3  }
0xda: {  	s2 =	sshra.s32 s1, $0x2  }
0xdb: {  	s1 =	sadd.s32 $0x40, s1;
	v2 =	vld [tilespmem:s2+$0x7780];
	[tilespmem:s0+$0x7A00] =	vst v3;
	s0 =	smov.u32 s2  }
0xdc: {  	v3 =	vld [tilespmem:s0+$0x7A00];
	_ =	sdelay $0x4  }
0xdd: {  	v2 =	vadd.f32 v2, v3;
	_ =	sdelay $0x1  }
0xde: {  	[tilespmem:s0+$0x7A00] =	vst v2  }
0xdf: {  	[tilespmem:s28], [sflag:$0x1] =	stream.strided.gather [spmem:s15], $0x280, s26, s25, $0x38;
	[tilespmem:$0x7C80] =	vst v63  }
0xe0: {  	_ =	swait.ge [sflag:s23], $0x280  }
0xe1: {  	[sflag:s23] =	ssyncset.done $0x0  }
0xe2: {  	s0 =	simm.s32 $0x0;
	[sflag:s23] =	ssyncadd.s32 $0xFFFFFD80  }
0xe3: {  	s1 =	simm.s32 $0x40;
	v2 =	vld [tilespmem:s0+$0x7780]  }
.LBB2_26:
0xe4: {  	p0 =	sne.s32 s1, $0x9C0;
	v3 =	vld [tilespmem:s0+$0x7A00];
	_ =	sdelay $0x2  }
.Ltmp12:
0xe5: {  	(pc) =	sbr.rel @p0 .LBB2_26-.Ltmp12, $4  }
0xe6: {  	_ = 	snop  }
0xe7: {  	v3 =	vadd.f32 v2, v3  }
0xe8: {  	s2 =	sshra.s32 s1, $0x2  }
0xe9: {  	s1 =	sadd.s32 $0x40, s1;
	v2 =	vld [tilespmem:s2+$0x7780];
	[tilespmem:s0+$0x7A00] =	vst v3;
	s0 =	smov.u32 s2  }
0xea: {  	v3 =	vld [tilespmem:s0+$0x7A00];
	_ =	sdelay $0x4  }
0xeb: {  	v2 =	vadd.f32 v2, v3;
	_ =	sdelay $0x1  }
0xec: {  	[tilespmem:s0+$0x7A00] =	vst v2  }
0xed: {  	[tilespmem:s28], [sflag:$0x1] =	stream.strided.gather [spmem:s16], $0x280, s26, s25, $0x38;
	[tilespmem:$0x7C80] =	vst v63  }
0xee: {  	_ =	swait.ge [sflag:s23], $0x280  }
0xef: {  	[sflag:s23] =	ssyncset.done $0x0  }
0xf0: {  	s0 =	simm.s32 $0x0;
	[sflag:s23] =	ssyncadd.s32 $0xFFFFFD80  }
0xf1: {  	s1 =	simm.s32 $0x40;
	v2 =	vld [tilespmem:s0+$0x7780]  }
.LBB2_28:
0xf2: {  	p0 =	sne.s32 s1, $0x9C0;
	v3 =	vld [tilespmem:s0+$0x7A00];
	_ =	sdelay $0x2  }
.Ltmp13:
0xf3: {  	(pc) =	sbr.rel @p0 .LBB2_28-.Ltmp13, $4  }
0xf4: {  	_ = 	snop  }
0xf5: {  	v3 =	vadd.f32 v2, v3  }
0xf6: {  	s2 =	sshra.s32 s1, $0x2  }
0xf7: {  	s1 =	sadd.s32 $0x40, s1;
	v2 =	vld [tilespmem:s2+$0x7780];
	[tilespmem:s0+$0x7A00] =	vst v3;
	s0 =	smov.u32 s2  }
0xf8: {  	v3 =	vld [tilespmem:s0+$0x7A00];
	_ =	sdelay $0x4  }
0xf9: {  	v2 =	vadd.f32 v2, v3;
	_ =	sdelay $0x1  }
0xfa: {  	[tilespmem:s0+$0x7A00] =	vst v2  }
0xfb: {  	[tilespmem:s28], [sflag:$0x1] =	stream.strided.gather [spmem:s17], $0x280, s26, s25, $0x38;
	[tilespmem:$0x7C80] =	vst v63  }
0xfc: {  	_ =	swait.ge [sflag:s23], $0x280  }
0xfd: {  	[sflag:s23] =	ssyncset.done $0x0  }
0xfe: {  	s0 =	simm.s32 $0x0;
	[sflag:s23] =	ssyncadd.s32 $0xFFFFFD80  }
0xff: {  	s1 =	simm.s32 $0x40;
	v2 =	vld [tilespmem:s0+$0x7780]  }
.LBB2_30:
0x100: {  	p0 =	sne.s32 s1, $0x9C0;
	v3 =	vld [tilespmem:s0+$0x7A00];
	_ =	sdelay $0x2  }
.Ltmp14:
0x101: {  	(pc) =	sbr.rel @p0 .LBB2_30-.Ltmp14, $4  }
0x102: {  	_ = 	snop  }
0x103: {  	v3 =	vadd.f32 v2, v3  }
0x104: {  	s2 =	sshra.s32 s1, $0x2  }
0x105: {  	s1 =	sadd.s32 $0x40, s1;
	v2 =	vld [tilespmem:s2+$0x7780];
	[tilespmem:s0+$0x7A00] =	vst v3;
	s0 =	smov.u32 s2  }
0x106: {  	v3 =	vld [tilespmem:s0+$0x7A00];
	_ =	sdelay $0x4  }
0x107: {  	v2 =	vadd.f32 v2, v3;
	_ =	sdelay $0x1  }
0x108: {  	[tilespmem:s0+$0x7A00] =	vst v2  }
0x109: {  	[tilespmem:s28], [sflag:$0x1] =	stream.strided.gather [spmem:s18], $0x280, s26, s25, $0x38;
	[tilespmem:$0x7C80] =	vst v63  }
0x10a: {  	_ =	swait.ge [sflag:s23], $0x280  }
0x10b: {  	[sflag:s23] =	ssyncset.done $0x0  }
0x10c: {  	s0 =	simm.s32 $0x0;
	[sflag:s23] =	ssyncadd.s32 $0xFFFFFD80  }
0x10d: {  	s1 =	simm.s32 $0x40;
	v2 =	vld [tilespmem:s0+$0x7780]  }
.LBB2_32:
0x10e: {  	p0 =	sne.s32 s1, $0x9C0;
	v3 =	vld [tilespmem:s0+$0x7A00];
	_ =	sdelay $0x2  }
.Ltmp15:
0x10f: {  	(pc) =	sbr.rel @p0 .LBB2_32-.Ltmp15, $4  }
0x110: {  	_ = 	snop  }
0x111: {  	v3 =	vadd.f32 v2, v3  }
0x112: {  	s2 =	sshra.s32 s1, $0x2  }
0x113: {  	s1 =	sadd.s32 $0x40, s1;
	v2 =	vld [tilespmem:s2+$0x7780];
	[tilespmem:s0+$0x7A00] =	vst v3;
	s0 =	smov.u32 s2  }
0x114: {  	v3 =	vld [tilespmem:s0+$0x7A00];
	_ =	sdelay $0x4  }
0x115: {  	v2 =	vadd.f32 v2, v3;
	_ =	sdelay $0x1  }
0x116: {  	[tilespmem:s0+$0x7A00] =	vst v2  }
0x117: {  	[tilespmem:s28], [sflag:$0x1] =	stream.strided.gather [spmem:s19], $0x280, s26, s25, $0x38;
	[tilespmem:$0x7C80] =	vst v63  }
0x118: {  	_ =	swait.ge [sflag:s23], $0x280  }
0x119: {  	[sflag:s23] =	ssyncset.done $0x0  }
0x11a: {  	s0 =	simm.s32 $0x0;
	[sflag:s23] =	ssyncadd.s32 $0xFFFFFD80  }
0x11b: {  	s1 =	simm.s32 $0x40;
	v2 =	vld [tilespmem:s0+$0x7780]  }
.LBB2_34:
0x11c: {  	p0 =	sne.s32 s1, $0x9C0;
	v3 =	vld [tilespmem:s0+$0x7A00];
	_ =	sdelay $0x2  }
.Ltmp16:
0x11d: {  	(pc) =	sbr.rel @p0 .LBB2_34-.Ltmp16, $4  }
0x11e: {  	_ = 	snop  }
0x11f: {  	v3 =	vadd.f32 v2, v3  }
0x120: {  	s2 =	sshra.s32 s1, $0x2  }
0x121: {  	s1 =	sadd.s32 $0x40, s1;
	v2 =	vld [tilespmem:s2+$0x7780];
	[tilespmem:s0+$0x7A00] =	vst v3;
	s0 =	smov.u32 s2  }
0x122: {  	v3 =	vld [tilespmem:s0+$0x7A00];
	_ =	sdelay $0x4  }
0x123: {  	v2 =	vadd.f32 v2, v3;
	_ =	sdelay $0x1  }
0x124: {  	[tilespmem:s0+$0x7A00] =	vst v2  }
0x125: {  	[tilespmem:s28], [sflag:$0x1] =	stream.strided.gather [spmem:s20], $0x280, s26, s25, $0x38;
	[tilespmem:$0x7C80] =	vst v63  }
0x126: {  	_ =	swait.ge [sflag:s23], $0x280  }
0x127: {  	[sflag:s23] =	ssyncset.done $0x0  }
0x128: {  	s0 =	simm.s32 $0x0;
	[sflag:s23] =	ssyncadd.s32 $0xFFFFFD80  }
0x129: {  	s1 =	simm.s32 $0x40;
	v2 =	vld [tilespmem:s0+$0x7780]  }
.LBB2_36:
0x12a: {  	p0 =	sne.s32 s1, $0x9C0;
	v3 =	vld [tilespmem:s0+$0x7A00];
	_ =	sdelay $0x2  }
.Ltmp17:
0x12b: {  	(pc) =	sbr.rel @p0 .LBB2_36-.Ltmp17, $4  }
0x12c: {  	_ = 	snop  }
0x12d: {  	v3 =	vadd.f32 v2, v3  }
0x12e: {  	s2 =	sshra.s32 s1, $0x2  }
0x12f: {  	s1 =	sadd.s32 $0x40, s1;
	v2 =	vld [tilespmem:s2+$0x7780];
	[tilespmem:s0+$0x7A00] =	vst v3;
	s0 =	smov.u32 s2  }
0x130: {  	v3 =	vld [tilespmem:s0+$0x7A00];
	_ =	sdelay $0x4  }
0x131: {  	s31 =	sadd.s32 $0x1, s31;
	v2 =	vadd.f32 v2, v3  }
0x132: {  	p0 =	sne.s32 s31, s22  }
.Ltmp18:
0x133: {  	[tilespmem:s0+$0x7A00] =	vst v2;
	(pc) =	sbr.rel @p0 .LBB2_1-.Ltmp18, $4  }
0x134: {  	[hbm4b:s21+s25] =	stream.strided.scatter [tilespmem:s30], [sflag:$0x1], $0x280, s29, s25, $0x38;
	[tilespmem:$0x7C80] =	vst v63  }
0x135: {  	_ =	swait.ge [sflag:s23], $0x280  }
0x136: {  	[sflag:s23] =	ssyncset.done $0x0  }
0x137: {  	[sflag:s23] =	ssyncadd.s32 $0xFFFFFD80  }
0x138: {  	_ =	sfence.sel $0x180000  }
0x139: {  	[bflag:$0x0] =	sbarrier.arrive $0xFFFF  }
0x13a: {  	_ =	strace $0x90000047  }
0x13b: {  	s0 =	stileid.u32;
	[bflag:$0x2] =	sbarrier.arrive $0xFFFF  }
0x13c: {  	p0 =	sne.s32 s0, $0x0;
	s0 =	rddreg [dreg:$0x2]  }
0x13d: {  	s0 =	sadd.s32 @!p0 $0x100000, s0  }
0x13e: {  	[sflag:s0] =	ssyncadd.tile.s32 @!p0 $0x1;
	_ =	shalt  }
.Lfunc_end2:
_tile_overlayer_lowered:
.L_overlay_start_2:
0x13f: {  	(tag) =	ssettag $0x2  }
0x140: {  	s0 =	rddreg [dreg:$0x0];
	s2 =	stileid.u32  }
0x141: {  	s1 =	rddreg [dreg:$0x1];
	p0 =	sne.s32 s2, $0x0  }
0x142: {  	s3 =	rddreg [dreg:$0x2];
	[bflag:$0x3] =	sbarrier.arrive $0xFFFF;
	s2 =	simm.s32 @!p0 $0x1C01  }
0x143: {  	[timem:s3], [sflag:s2] =	dma.local @!p0 [hbm:s0], s1  }
0x144: {  	s0 =	simm.s32 @!p0 $0x1  }
0x145: {  	_ =	swait.ge @!p0 [sflag:s0], s1  }
0x146: {  	s1 =	ssub.s32 @!p0 $0x0, s1;
	[sflag:s0] =	ssyncset.done @!p0 $0x0  }
0x147: {  	[sflag:s0] =	ssyncadd.s32 @!p0 s1  }
0x148: {  	[bflag:$0x3] =	sbarrier.arrive $0xFFFF  }
0x149: {  	_ =	shalt  }

// kernel: kernel.9.cloned.1.call-start
scs
__scs_entry_jumppad:
0x0: {  	(pc) =	sbr.rel $0x88, $3  }
0x1: {  	(tag) =	ssettag $0x0;
	lr =	simm.s32 $0x1  }
0x2: {  	[smem:$0x3F9B] =	sst lr;
	_ =	strace $0xD0000000  }
0x3: {  	_ = 	snop  }
0x4: {  	_ = 	snop  }
0x5: {  	_ = 	snop  }
0x6: {  	_ = 	snop  }
0x7: {  	_ = 	snop  }
__scs_overlays_trampoline_lowered:
0x8: {  	[smem:$0x3FAA] =	sst s0  }
0x9: {  	[smem:$0x3FAB] =	sst s1  }
0xa: {  	[smem:$0x3FAC] =	sst s2  }
0xb: {  	[smem:$0x3FAD] =	sst s3  }
0xc: {  	[smem:$0x3FAE] =	sst s4  }
0xd: {  	[smem:$0x3FAF] =	sst s5  }
0xe: {  	[smem:$0x3FB0] =	sst s6  }
0xf: {  	[smem:$0x3FB1] =	sst s7  }
0x10: {  	[smem:$0x3FB2] =	sst s8  }
0x11: {  	[smem:$0x3FB3] =	sst s9;
	s0 =	simm.s32 @!p0 $0x0  }
0x12: {  	s1 =	sld [smem:$0x3F99];
	s0 =	simm.s32 @p0 $0x1  }
0x13: {  	[smem:$0x3FB4] =	sst s0;
	s0 =	simm.s32 @!p1 $0x0  }
0x14: {  	s2 =	sld [smem:$0x3F98];
	s0 =	simm.s32 @p1 $0x1  }
0x15: {  	[smem:$0x3FB5] =	sst s0;
	s0 =	simm.s32 @!p2 $0x0  }
0x16: {  	s3 =	sld [smem:$0x3FDB];
	s0 =	simm.s32 @p2 $0x1  }
0x17: {  	s4 =	simm.s32 $0x1BF5;
	[smem:$0x3FB7] =	sst s0  }
0x18: {  	s0 =	sld [smem:$0x3F9A];
	_ =	swait.ge [sflag:s4], $0x0  }
0x19: {  	s7 =	sld [smem:$0x3F9B]  }
0x1a: {  	s8 =	sadd.s32 $0xFFFFE003, lr  }
0x1b: {  	s9 =	sadd.s32 $0xFFFFFEF7, lr;
	s5 =	simm.s32 $0xFFFFFFFF;
	p2 =	slt.u32 s8, $0xFFFFF086  }
0x1c: {  	p1 =	slt.u32 s9, $0xF7A;
	s5 =	simm.s32 @!p2 $0x0  }
0x1d: {  	s5 =	simm.s32 @p1 $0x1;
	p0 =	seq.s32 s7, s2  }
0x1e: {  	s7 =	smul.u32 @!p0 $0xF7A, s2;
	p2 =	seq.s32 @!p0 s5, $0x0  }
0x1f: {  	s9 =	smul.u32 $0xF7A, s1;
	s8 =	simm.s32 @!p0 $0x1BF5;
	p2 =	por !p2, p0  }
0x20: {  	[sflag:s8] =	ssyncset.s32 @!p0 $0xFFFFF086;
	s6 =	sadd.s32 @!p0 s3, s7;
	s7 =	simm.s32 @!p0 $0x108  }
0x21: {  	s3 =	sadd.s32 s3, s9;
	s6 =	sadd.s32 @!p0 $0x88, s6;
	s7 =	simm.s32 @p2 $0x1082  }
0x22: {  	[simem:s7], [sflag:s8] =	dma.local @!p0 [hbm:s6], $0xF7A  }
0x23: {  	s9 =	sor.u32 $0xD0000000, s2;
	s6 =	simm.s32 $0x108;
	_ =	swait.ge @!p0 [sflag:s8], $0x0  }
0x24: {  	s3 =	sadd.s32 $0x88, s3;
	s6 =	simm.s32 @!p1 $0x1082;
	[sflag:s4] =	ssyncset.s32 $0xFFFFF086  }
0x25: {  	[simem:s6], [sflag:s4] =	dma.local [hbm:s3], $0xF7A  }
0x26: {  	[smem:$0x3F9B] =	sst s1;
	(tag) =	ssettag s2;
	_ =	strace s9  }
0x27: {  	s1 =	sld [smem:$0x3FAB]  }
0x28: {  	s2 =	sld [smem:$0x3FAC]  }
0x29: {  	s4 =	sld [smem:$0x3FAE]  }
0x2a: {  	p0 =	seq.s32 s5, $0x0;
	s5 =	sld [smem:$0x3FAF]  }
0x2b: {  	s6 =	sld [smem:$0x3FB0]  }
0x2c: {  	s7 =	sld [smem:$0x3FB1]  }
0x2d: {  	s3 =	simm.s32 $0x108;
	s8 =	sld [smem:$0x3FB2]  }
0x2e: {  	s3 =	simm.s32 @!p0 $0x1082;
	s9 =	sld [smem:$0x3FB3]  }
0x2f: {  	lr =	sadd.s32 s0, s3;
	s0 =	sld [smem:$0x3FAA]  }
0x30: {  	s3 =	sld [smem:$0x3FAD]  }
0x31: {  	[smem:$0x3FB6] =	sst s10  }
0x32: {  	s10 =	sld [smem:$0x3FB4];
	_ =	sdelay $0x3  }
0x33: {  	p0 =	seq.s32 s10, $0x1;
	s10 =	sld [smem:$0x3FB6];
	_ =	sdelay $0x3  }
0x34: {  	[smem:$0x3FB6] =	sst s10  }
0x35: {  	s10 =	sld [smem:$0x3FB5];
	_ =	sdelay $0x3  }
0x36: {  	p1 =	seq.s32 s10, $0x1;
	s10 =	sld [smem:$0x3FB6];
	_ =	sdelay $0x3  }
0x37: {  	[smem:$0x3FB6] =	sst s10  }
0x38: {  	s10 =	sld [smem:$0x3FB7]  }
0x39: {  	_ = 	snop;
	(pc) =	sbr.ind lr, $3  }
0x3a: {  	_ = 	snop  }
0x3b: {  	_ = 	snop  }
0x3c: {  	p2 =	seq.s32 s10, $0x1;
	s10 =	sld [smem:$0x3FB6]  }
0x3d: {  	_ =	shalt  }
0x3e: {  	_ =	shalt  }
0x3f: {  	_ =	shalt  }
0x40: {  	_ =	shalt  }
0x41: {  	_ =	shalt  }
0x42: {  	_ =	shalt  }
0x43: {  	_ =	shalt  }
0x44: {  	_ =	shalt  }
0x45: {  	_ =	shalt  }
0x46: {  	_ =	shalt  }
0x47: {  	_ =	shalt  }
0x48: {  	_ =	shalt  }
0x49: {  	_ =	shalt  }
0x4a: {  	_ =	shalt  }
0x4b: {  	_ =	shalt  }
0x4c: {  	_ =	shalt  }
0x4d: {  	_ =	shalt  }
0x4e: {  	_ =	shalt  }
0x4f: {  	_ =	shalt  }
0x50: {  	_ =	shalt  }
0x51: {  	_ =	shalt  }
0x52: {  	_ =	shalt  }
0x53: {  	_ =	shalt  }
0x54: {  	_ =	shalt  }
0x55: {  	_ =	shalt  }
0x56: {  	_ =	shalt  }
0x57: {  	_ =	shalt  }
0x58: {  	_ =	shalt  }
0x59: {  	_ =	shalt  }
0x5a: {  	_ =	shalt  }
0x5b: {  	_ =	shalt  }
0x5c: {  	_ =	shalt  }
0x5d: {  	_ =	shalt  }
0x5e: {  	_ =	shalt  }
0x5f: {  	_ =	shalt  }
0x60: {  	_ =	shalt  }
0x61: {  	_ =	shalt  }
0x62: {  	_ =	shalt  }
0x63: {  	_ =	shalt  }
0x64: {  	_ =	shalt  }
0x65: {  	_ =	shalt  }
0x66: {  	_ =	shalt  }
0x67: {  	_ =	shalt  }
0x68: {  	_ =	shalt  }
0x69: {  	_ =	shalt  }
0x6a: {  	_ =	shalt  }
0x6b: {  	_ =	shalt  }
0x6c: {  	_ =	shalt  }
0x6d: {  	_ =	shalt  }
0x6e: {  	_ =	shalt  }
0x6f: {  	_ =	shalt  }
0x70: {  	_ =	shalt  }
0x71: {  	_ =	shalt  }
0x72: {  	_ =	shalt  }
0x73: {  	_ =	shalt  }
0x74: {  	_ =	shalt  }
0x75: {  	_ =	shalt  }
0x76: {  	_ =	shalt  }
0x77: {  	_ =	shalt  }
0x78: {  	_ =	shalt  }
0x79: {  	_ =	shalt  }
0x7a: {  	_ =	shalt  }
0x7b: {  	_ =	shalt  }
0x7c: {  	_ =	shalt  }
0x7d: {  	_ =	shalt  }
0x7e: {  	_ =	shalt  }
0x7f: {  	_ =	shalt  }
0x80: {  	_ =	shalt  }
0x81: {  	_ =	shalt  }
0x82: {  	_ =	shalt  }
0x83: {  	_ =	shalt  }
0x84: {  	_ =	shalt  }
0x85: {  	_ =	shalt  }
0x86: {  	_ =	shalt  }
0x87: {  	_ =	shalt  }
.Lfunc_end0:
.L_simem_size_0:
called_computation.1_lowered:
.L_overlay_start_0:
0x88: {  	s2 =	sld [smem:$0x3FD9]  }
0x89: {  	s3 =	sld [smem:$0x3FFE];
	_ =	sdelay $0x1  }
0x8a: {  	s1 =	srdreg.scid  }
0x8b: {  	s0 =	sand.u32 $0x1, s1  }
0x8c: {  	s17 =	sshll.u32 s0, $0xA;
	s2 =	sadd.s32 s3, s2  }
0x8d: {  	s2 =	sadd.s32 s2, s17  }
0x8e: {  	[smem:$0x3FC2] =	sst s2  }
0x8f: {  	_ = 	snop  }
0x90: {  	s2 =	sld [smem:$0x3FD0];
	(tm) =	ssettm $0x1  }
0x91: {  	s18 =	sld [smem:$0x3FFB];
	_ =	sdelay $0x3  }
0x92: {  	_ =	strace s18  }
0x93: {  	s3 =	sld [smem:$0x3FFC];
	_ =	sdelay $0x3  }
0x94: {  	_ =	strace s3  }
0x95: {  	s3 =	sld [smem:$0x3FFD];
	_ =	sdelay $0x3  }
0x96: {  	_ =	strace s3  }
0x97: {  	_ =	strace $0x8FFFFFFF  }
0x98: {  	s19 =	sld [smem:$0x3FDB];
	_ =	sdelay $0x1  }
0x99: {  	s4 =	simm.s32 $_scs_section_size  }
0x9a: {  	s5 =	simm.s32 $_size__tile_overlayer_lowered;
	s6 =	simm.s32 $_tile_overlayer_lowered  }
0x9b: {  	s22 =	simm.s32 $0x1BFF;
	s21 =	sshll.u32 s6, $0x1;
	s3 =	sadd.s32 s4, s19  }
0x9c: {  	s7 =	simm.s32 $0x0;
	s20 =	sshll.u32 s5, $0x1;
	s5 =	sadd.s32 s21, s3  }
0x9d: {  	[timem:s7], [sflag:s22] =	dma.local [hbm:s5], s20  }
0x9e: {  	_ =	swait.ge [sflag:s22], s20  }
0x9f: {  	s4 =	ssub.s32 $0x0, s20;
	[sflag:s22] =	ssyncset.done $0x0  }
0xa0: {  	[sflag:s22] =	ssyncadd.s32 s4;
	_ =	sdelay $0x1  }
0xa1: {  	s23 =	simm.s32 $0x1B8B  }
0xa2: {  	_ =	swait.ge [sflag:s23], $0x1  }
0xa3: {  	[sflag:s23] =	ssyncset.done $0x0  }
0xa4: {  	s25 =	simm.s32 $0x1B8E;
	s24 =	sld [smem:$0x3FFE];
	[sflag:s23] =	ssyncadd.s32 $0xFFFFFFFF  }
0xa5: {  	s26 =	simm.s32 $execute0_lowered;
	[smem:$0x3FD2] =	sst s25  }
0xa6: {  	s5 =	sshll.u32 s26, $0x1;
	_ =	strace $0x80000049;
	[dreg:$0x1] =	wrdreg $0xFFFFFFFF  }
0xa7: {  	s28 =	simm.s32 $_size_execute0_lowered;
	s3 =	sadd.s32 s3, s5;
	[dreg:$0x0] =	wrdreg $0x0  }
0xa8: {  	s5 =	sshll.u32 s28, $0x1;
	[dreg:$0x2] =	wrdreg s3  }
0xa9: {  	[dreg:$0x3] =	wrdreg s5  }
0xaa: {  	[dreg:$0x4] =	wrdreg $0xC0  }
0xab: {  	_ =	task [dreg:s7], $0x5FFFF  }
0xac: {  	[dreg:$0x1] =	wrdreg $0xFFFFFFFF  }
0xad: {  	[dreg:$0x0] =	wrdreg $0x60  }
0xae: {  	[dreg:$0x2] =	wrdreg s2  }
0xaf: {  	[dreg:$0x3] =	wrdreg s24  }
0xb0: {  	[dreg:$0x4] =	wrdreg $0x0  }
0xb1: {  	[dreg:$0x5] =	wrdreg $0x9  }
0xb2: {  	_ =	task.clear_ibuf [dreg:s7], $0x6FFFF;
	_ =	strace $0x90000049  }
0xb3: {  	s29 =	simm.s32 $0x9;
	_ =	strace $0x8000004B  }
0xb4: {  	_ =	swait.ge [sflag:s29], $0x1  }
0xb5: {  	[sflag:s29] =	ssyncadd.s32 $0xFFFFFFFF  }
0xb6: {  	_ =	strace $0x9000004B  }
0xb7: {  	_ =	sfence  }
0xb8: {  	s30 =	sld [smem:$0x0];
	_ =	sdelay $0x2  }
0xb9: {  	s31 =	sshll.u32 s1, $0xD;
	s1 =	sshrl.u32 s1, $0x2  }
0xba: {  	s3 =	sand.u32 $0x4000, s31;
	s1 =	sadd.s32 s1, s30  }
0xbb: {  	s0 =	sor.u32 s3, s0;
	s1 =	sshll.u32 s1, $0x11  }
0xbc: {  	s0 =	sor.u32 s1, s0  }
0xbd: {  	s0 =	sadd.s32 $0x8F2B, s0  }
0xbe: {  	[sflag:s0] =	ssyncadd.remote.s32 $0x1  }
0xbf: {  	_ =	sfence.sel $0xFFFF  }
0xc0: {  	[dreg:$0x0] =	wrdreg $0xFFFFFFFF;
	(pc) =	sbr.abs _section_cstart, $3  }
0xc1: {  	[dreg:$0x1] =	wrdreg $0xFFFFFFFF  }
0xc2: {  	_ =	task.clear_ibuf [dreg:s7], $0x2FFFF;
	_ =	strace $0x9FFFFFFF  }
0xc3: {  	(tm) =	ssettm $0x7FFFFFFF  }
tec
execute0_lowered:
.L_overlay_start_1:
0x0: {  	(tag) =	ssettag $0x1  }
0x1: {  	s0 =	rddreg [dreg:$0x0]  }
0x2: {  	s1 =	rddreg [dreg:$0x1];
	s18 =	stileid.u32  }
0x3: {  	s2 =	rddreg [dreg:$0x2];
	s4 =	smul.u32 $0x280, s18  }
0x4: {  	s3 =	srdreg.scid;
	s20 =	simm.s32 $0x0;
	s6 =	smul.u32 $0xA000, s18  }
0x5: {  	s3 =	sand.u32 $0x1, s3;
	[smem:$0x7FF] =	sst s20;
	s22 =	smul.u32 $0x9D00, s18  }
0x6: {  	s7 =	sadd.s32 $0x2200, s1;
	s9 =	sadd.s32 $0x52600, s1;
	s26 =	smul.u32 $0x13A0, s18  }
0x7: {  	p0 =	sne.s32 s18, $0xF;
	s18 =	simm.s32 $0x80;
	s5 =	smul.u32 $0xA0000, s3  }
0x8: {  	_ =	strace $0x8000004A;
	s3 =	ssub.s32 $0x2, s3;
	s4 =	sshrl.u32 s4, $0x3  }
0x9: {  	s10 =	sadd.s32 $0x2000, s6;
	s11 =	sshrl.u32 s3, $0x1;
	s15 =	sadd.s32 $0x6000, s6  }
0xa: {  	s8 =	sshrl.u32 s5, $0x3;
	s12 =	sadd.s32 s6, s5;
	s13 =	sadd.s32 s5, s10  }
0xb: {  	s3 =	ssub.s32 s3, s11;
	s16 =	sadd.s32 s5, s15;
	s4 =	sadd.s32 s4, s1  }
0xc: {  	s30 =	sshrl.u32 s12, $0x3;
	s31 =	sshrl.u32 s13, $0x3;
	s28 =	sadd.s32 $0x1800, s4  }
0xd: {  	s13 =	sadd.s32 $0x4000, s6;
	s29 =	sadd.s32 $0x1D00, s4;
	[dreg:$0x10] =	wrdreg s28  }
0xe: {  	s16 =	sshrl.u32 s16, $0x3;
	s3 =	smax.u32 s3, $0x1;
	[dreg:$0x11] =	wrdreg s29  }
0xf: {  	s8 =	sadd.s32 s8, s1;
	s17 =	sadd.s32 s7, s30;
	[dreg:$0x17] =	wrdreg s3  }
0x10: {  	s4 =	simm.s32 $0x5;
	s19 =	sadd.s32 s7, s31;
	[dreg:$0x4] =	wrdreg s17  }
0x11: {  	s14 =	sadd.s32 s5, s13;
	s21 =	sadd.s32 s7, s16;
	[dreg:$0x5] =	wrdreg s19  }
0x12: {  	s11 =	sadd.s32 s9, s30;
	s23 =	sadd.s32 s9, s31;
	[dreg:$0x7] =	wrdreg s21  }
0x13: {  	s25 =	sadd.s32 s9, s16;
	s16 =	sadd.s32 s26, s0;
	[dreg:$0x9] =	wrdreg s11  }
0x14: {  	s30 =	sadd.s32 s6, s2;
	s31 =	sshrl.u32 s6, $0x3;
	[dreg:$0xa] =	wrdreg s23  }
0x15: {  	s12 =	sadd.s32 s13, s2;
	s3 =	simm.s32 $0x0;
	[dreg:$0xc] =	wrdreg s25  }
0x16: {  	s17 =	sadd.s32 $0x8000, s6;
	s14 =	sshrl.u32 s14, $0x3;
	[dreg:$0x12] =	wrdreg s30  }
0x17: {  	s11 =	sshrl.u32 s10, $0x3;
	[dreg:$0x14] =	wrdreg s12;
	s21 =	sadd.s32 s15, s2  }
0x18: {  	s12 =	simm.s32 $0x14640;
	s19 =	sadd.s32 s7, s14;
	[dreg:$0x15] =	wrdreg s21  }
0x19: {  	s5 =	sadd.s32 s5, s17;
	s24 =	sadd.s32 s9, s14;
	[dreg:$0x6] =	wrdreg s19  }
0x1a: {  	s23 =	sadd.s32 s17, s2;
	s5 =	sshrl.u32 s5, $0x3;
	[dreg:$0xb] =	wrdreg s24  }
0x1b: {  	s19 =	sadd.s32 $0x2A600, s8;
	s8 =	sadd.s32 s10, s2;
	[dreg:$0x16] =	wrdreg s23  }
0x1c: {  	s14 =	sshrl.u32 s13, $0x3;
	s7 =	sadd.s32 s7, s5;
	[dreg:$0x13] =	wrdreg s8  }
0x1d: {  	s13 =	simm.s32 $0x16640;
	s5 =	sadd.s32 s9, s5;
	[dreg:$0x8] =	wrdreg s7  }
0x1e: {  	s24 =	sshrl.u32 s17, $0x3;
	s25 =	sadd.s32 s11, s19;
	[dreg:$0xd] =	wrdreg s5  }
0x1f: {  	s10 =	simm.s32 $0x12;
	s26 =	sadd.s32 s14, s19;
	[dreg:$0x19] =	wrdreg s25  }
0x20: {  	s9 =	sadd.s32 $0x2A200, s1;
	s29 =	sadd.s32 s24, s19;
	[dreg:$0x1a] =	wrdreg s26  }
0x21: {  	s7 =	sshrl.u32 s22, $0x3;
	s22 =	sshrl.u32 s15, $0x3;
	[dreg:$0x1c] =	wrdreg s29  }
0x22: {  	[dreg:$0xe] =	wrdreg s9;
	s7 =	sadd.s32 s0, s7;
	s0 =	sadd.s32 s31, s19  }
0x23: {  	s17 =	simm.s32 $0xA640;
	s28 =	sadd.s32 s22, s19;
	[dreg:$0x18] =	wrdreg s0  }
0x24: {  	s11 =	simm.s32 $0x12640;
	s14 =	simm.s32 $0x18640;
	[dreg:$0x1b] =	wrdreg s28  }
0x25: {  	s8 =	simm.s32 $0x7;
	s30 =	sadd.s32 $0x20, s7;
	[dreg:$0xf] =	wrdreg s7  }
0x26: {  	s0 =	sadd.s32 $0xA0000, s2;
	s31 =	sadd.s32 $0x40, s7;
	[dreg:$0x1e] =	wrdreg s30  }
0x27: {  	s1 =	simm.s32 $0xB;
	s0 =	sshrl.u32 @!p0 s0, $0x3;
	[dreg:$0x1f] =	wrdreg s31  }
0x28: {  	s15 =	simm.s32 $0x1A640;
	s25 =	simm.s32 $0xA040;
	[dreg:$0x1d] =	wrdreg s0  }
.LBB2_1:
0x29: {  	[smem:$0x7FD] =	sst s3  }
0x2a: {  	s0 =	rddreg [dreg:$0x10];
	s29 =	simm.s32 $0x1C8D0  }
0x2b: {  	[tilespmem:s29], [sflag:$0x12] =	stream.linear.gather [hbm4b:s0+s20], $0x280, $0x38;
	[tilespmem:$0x1CDD0] =	vst v63  }
0x2c: {  	_ =	swait.ge [sflag:s10], $0x280  }
0x2d: {  	[sflag:s10] =	ssyncset.done $0x0  }
0x2e: {  	s31 =	simm.s32 $0x1CB50;
	s30 =	rddreg [dreg:$0x11];
	[sflag:s10] =	ssyncadd.s32 $0xFFFFFD80  }
0x2f: {  	[tilespmem:s31], [sflag:$0x12] =	stream.linear.gather [hbm4b:s30+s20], $0x280, $0x38;
	[tilespmem:$0x1CDD0] =	vst v63  }
0x30: {  	_ =	swait.ge [sflag:s10], $0x280  }
0x31: {  	[sflag:s10] =	ssyncset.done $0x0  }
0x32: {  	s0 =	simm.s32 $0x0;
	[sflag:s10] =	ssyncadd.s32 $0xFFFFFD80  }
0x33: {  	v0 =	vld [tilespmem:s0+$0x1C8D0]  }
0x34: {  	v1 =	vld [tilespmem:s0+$0x1CB50]  }
0x35: {  	s3 =	simm.s32 $0x10  }
0x36: {  	v2 =	vld [tilespmem:s3+$0x1C8D0]  }
0x37: {  	v3 =	vld [tilespmem:s3+$0x1CB50];
	_ =	sdelay $0x1  }
0x38: {  	v0 =	vadd.f32 v1, v0;
	_ =	sdelay $0x1  }
0x39: {  	v0 =	vmax.f32 v0, $1.000000000e+00  }
0x3a: {  	v1 =	vadd.f32 v3, v2;
	(erf) = vrcp.f32 v0;
	_ =	sdelay $0x1  }
0x3b: {  	s5 =	simm.s32 $0x20;
	v2 =	vmax.f32 v1, $1.000000000e+00  }
0x3c: {  	v1 =	vld [tilespmem:s5+$0x1CB50];
	(erf) = vrcp.f32 v2  }
0x3d: {  	v0 =	vld [tilespmem:s5+$0x1C8D0];
	_ =	sdelay $0x1  }
0x3e: {  	s6 =	simm.s32 $0xC0  }
.LBB2_2:
0x3f: {  	p1 =	sne.s32 s6, $0x9C0  }
.Ltmp0:
0x40: {  	s7 =	sshra.s32 s6, $0x2;
	(pc) =	sbr.rel @p1 .LBB2_2-.Ltmp0, $4  }
0x41: {  	s6 =	sadd.s32 $0x40, s6;
	v3 =	vpop (erf);
	v2 =	vadd.f32 v1, v0;
	v0 =	vld [tilespmem:s7+$0x1C8D0]  }
0x42: {  	v1 =	vld [tilespmem:s7+$0x1CB50];
	[tilespmem:s0+$0x1C640] =	vst v3;
	s0 =	smov.u32 s3;
	s3 =	smov.u32 s5;
	s5 =	smov.u32 s7  }
0x43: {  	v2 =	vmax.f32 v2, $1.000000000e+00  }
0x44: {  	(erf) = vrcp.f32 v2  }
0x45: {  	_ =	sdelay $0x1  }
0x46: {  	v0 =	vadd.f32 v1, v0;
	_ =	sdelay $0x1  }
0x47: {  	v0 =	vmax.f32 v0, $1.000000000e+00  }
0x48: {  	(erf) = vrcp.f32 v0;
	_ =	sdelay $0x6  }
0x49: {  	v61 =	vpop (erf);
	s29 =	stileid.u32  }
0x4a: {  	s30 =	rddreg [dreg:$0x12];
	[tilespmem:s0+$0x1C640] =	vst v61;
	s0 =	sshll.u32 s29, $0x6;
	v62 =	vpop (erf)  }
0x4b: {  	[smem:$0x7F7] =	sst s0;
	[tilespmem:s3+$0x1C640] =	vst v62;
	s3 =	sshrl.u32 s30, $0x3;
	v63 =	vpop (erf)  }
0x4c: {  	s0 =	sor.u32 $0x1C12, s0;
	[smem:$0x7F8] =	sst s3;
	[tilespmem:s5+$0x1C640] =	vst v63  }
0x4d: {  	[spmem:s3], [sflag:s0] =	dma.local [hbm:s9], $0x400  }
0x4e: {  	_ =	swait.ge [sflag:s10], $0x400  }
0x4f: {  	[sflag:s10] =	ssyncset.done $0x0  }
0x50: {  	s31 =	rddreg [dreg:$0x4];
	[sflag:s10] =	ssyncadd.s32 $0xFFFFFC00  }
0x51: {  	[tilespmem:s11], [sflag:$0x12] =	stream.linear.gather [hbm4b:s31+s20], $0x2000, $0x38;
	[tilespmem:$0x1CDD0] =	vst v63  }
0x52: {  	_ =	swait.ge [sflag:s10], $0x2000  }
0x53: {  	[sflag:s10] =	ssyncset.done $0x0  }
0x54: {  	s5 =	rddreg [dreg:$0x18];
	[sflag:s10] =	ssyncadd.s32 $0xFFFFE000  }
0x55: {  	[hbm4b:s5+s20] =	stream.linear.scatter [tilespmem:s11], [sflag:$0x12], $0x2000, $0x38;
	[tilespmem:$0x1CDD0] =	vst v63  }
0x56: {  	_ =	swait.ge [sflag:s10], $0x2000  }
0x57: {  	s6 =	rddreg [dreg:$0x13]  }
0x58: {  	[sflag:s10] =	ssyncset.done $0x0;
	s3 =	sshrl.u32 s6, $0x3  }
0x59: {  	[sflag:s10] =	ssyncadd.s32 $0xFFFFE000;
	[smem:$0x7F9] =	sst s3  }
0x5a: {  	[spmem:s3], [sflag:s0] =	dma.local [hbm:s9], $0x400  }
0x5b: {  	_ =	swait.ge [sflag:s10], $0x400  }
0x5c: {  	[sflag:s10] =	ssyncset.done $0x0  }
0x5d: {  	s7 =	rddreg [dreg:$0x5];
	[sflag:s10] =	ssyncadd.s32 $0xFFFFFC00  }
0x5e: {  	[tilespmem:s12], [sflag:$0x12] =	stream.linear.gather [hbm4b:s7+s20], $0x2000, $0x38;
	[tilespmem:$0x1CDD0] =	vst v63  }
0x5f: {  	_ =	swait.ge [sflag:s10], $0x2000  }
0x60: {  	[sflag:s10] =	ssyncset.done $0x0  }
0x61: {  	s11 =	rddreg [dreg:$0x19];
	[sflag:s10] =	ssyncadd.s32 $0xFFFFE000  }
0x62: {  	[hbm4b:s11+s20] =	stream.linear.scatter [tilespmem:s12], [sflag:$0x12], $0x2000, $0x38;
	[tilespmem:$0x1CDD0] =	vst v63  }
0x63: {  	_ =	swait.ge [sflag:s10], $0x2000  }
0x64: {  	s21 =	rddreg [dreg:$0x14]  }
0x65: {  	[sflag:s10] =	ssyncset.done $0x0;
	s3 =	sshrl.u32 s21, $0x3  }
0x66: {  	[sflag:s10] =	ssyncadd.s32 $0xFFFFE000;
	[smem:$0x7FA] =	sst s3  }
0x67: {  	[spmem:s3], [sflag:s0] =	dma.local [hbm:s9], $0x400  }
0x68: {  	_ =	swait.ge [sflag:s10], $0x400  }
0x69: {  	[sflag:s10] =	ssyncset.done $0x0  }
0x6a: {  	s22 =	rddreg [dreg:$0x6];
	[sflag:s10] =	ssyncadd.s32 $0xFFFFFC00  }
0x6b: {  	[tilespmem:s13], [sflag:$0x12] =	stream.linear.gather [hbm4b:s22+s20], $0x2000, $0x38;
	[tilespmem:$0x1CDD0] =	vst v63  }
0x6c: {  	_ =	swait.ge [sflag:s10], $0x2000  }
0x6d: {  	[sflag:s10] =	ssyncset.done $0x0  }
0x6e: {  	s23 =	rddreg [dreg:$0x1a];
	[sflag:s10] =	ssyncadd.s32 $0xFFFFE000  }
0x6f: {  	[hbm4b:s23+s20] =	stream.linear.scatter [tilespmem:s13], [sflag:$0x12], $0x2000, $0x38;
	[tilespmem:$0x1CDD0] =	vst v63  }
0x70: {  	_ =	swait.ge [sflag:s10], $0x2000  }
0x71: {  	s24 =	rddreg [dreg:$0x15]  }
0x72: {  	[sflag:s10] =	ssyncset.done $0x0;
	s3 =	sshrl.u32 s24, $0x3  }
0x73: {  	[sflag:s10] =	ssyncadd.s32 $0xFFFFE000;
	[smem:$0x7FB] =	sst s3  }
0x74: {  	[spmem:s3], [sflag:s0] =	dma.local [hbm:s9], $0x400  }
0x75: {  	_ =	swait.ge [sflag:s10], $0x400  }
0x76: {  	[sflag:s10] =	ssyncset.done $0x0  }
0x77: {  	s26 =	rddreg [dreg:$0x7];
	[sflag:s10] =	ssyncadd.s32 $0xFFFFFC00  }
0x78: {  	[tilespmem:s14], [sflag:$0x12] =	stream.linear.gather [hbm4b:s26+s20], $0x2000, $0x38;
	[tilespmem:$0x1CDD0] =	vst v63  }
0x79: {  	_ =	swait.ge [sflag:s10], $0x2000  }
0x7a: {  	[sflag:s10] =	ssyncset.done $0x0  }
0x7b: {  	s28 =	rddreg [dreg:$0x1b];
	[sflag:s10] =	ssyncadd.s32 $0xFFFFE000  }
0x7c: {  	[hbm4b:s28+s20] =	stream.linear.scatter [tilespmem:s14], [sflag:$0x12], $0x2000, $0x38;
	[tilespmem:$0x1CDD0] =	vst v63  }
0x7d: {  	_ =	swait.ge [sflag:s10], $0x2000  }
0x7e: {  	s29 =	rddreg [dreg:$0x16]  }
0x7f: {  	[sflag:s10] =	ssyncset.done $0x0;
	s3 =	sshrl.u32 s29, $0x3  }
0x80: {  	[sflag:s10] =	ssyncadd.s32 $0xFFFFE000;
	[smem:$0x7FC] =	sst s3  }
0x81: {  	[spmem:s3], [sflag:s0] =	dma.local [hbm:s9], $0x400  }
0x82: {  	_ =	swait.ge [sflag:s10], $0x400  }
0x83: {  	[sflag:s10] =	ssyncset.done $0x0  }
0x84: {  	s30 =	rddreg [dreg:$0x8];
	[sflag:s10] =	ssyncadd.s32 $0xFFFFFC00  }
0x85: {  	[tilespmem:s15], [sflag:$0x12] =	stream.linear.gather [hbm4b:s30+s20], $0x2000, $0x38;
	[tilespmem:$0x1CDD0] =	vst v63  }
0x86: {  	_ =	swait.ge [sflag:s10], $0x2000  }
0x87: {  	[sflag:s10] =	ssyncset.done $0x0  }
0x88: {  	s31 =	rddreg [dreg:$0x1c];
	[sflag:s10] =	ssyncadd.s32 $0xFFFFE000  }
0x89: {  	[hbm4b:s31+s20] =	stream.linear.scatter [tilespmem:s15], [sflag:$0x12], $0x2000, $0x38;
	[tilespmem:$0x1CDD0] =	vst v63  }
0x8a: {  	_ =	swait.ge [sflag:s10], $0x2000  }
0x8b: {  	[sflag:s10] =	ssyncset.done $0x0  }
0x8c: {  	s3 =	rddreg [dreg:$0x1d];
	[sflag:s10] =	ssyncadd.s32 $0xFFFFE000  }
0x8d: {  	[spmem:s3], [sflag:s0] =	dma.local @!p0 [hbm:s9], $0x80  }
0x8e: {  	s0 =	simm.s32 @!p0 $0x12  }
0x8f: {  	_ =	swait.ge @!p0 [sflag:s0], $0x80  }
0x90: {  	[sflag:s0] =	ssyncset.done @!p0 $0x0  }
0x91: {  	[sflag:s0] =	ssyncadd.s32 @!p0 $0xFFFFFF80  }
0x92: {  	s3 =	simm.s32 $0x0;
	[bflag:$0x0] =	sbarrier.arrive $0xFFFF  }
.LBB2_4:
0x93: {  	[smem:$0x7F6] =	sst s3  }
0x94: {  	s0 =	rddreg [dreg:$0xf];
	s21 =	simm.s32 $0xA040;
	s7 =	simm.s32 $0x0  }
0x95: {  	[tilespmem:s21], [sflag:$0x1] =	stream.linear.gather [hbm4b:s0+s7], $0x100, $0x38;
	[tilespmem:$0x1CDD0] =	vst v63  }
0x96: {  	s22 =	rddreg [dreg:$0x1e];
	s5 =	simm.s32 $0xA140  }
0x97: {  	[tilespmem:s5], [sflag:$0x2] =	stream.linear.gather [hbm4b:s22+s7], $0x100, $0x38;
	[tilespmem:$0x1CDD0] =	vst v63  }
0x98: {  	s23 =	rddreg [dreg:$0x1f];
	s6 =	simm.s32 $0xA240;
	s24 =	simm.s32 $0x1  }
0x99: {  	[tilespmem:s6], [sflag:$0x3] =	stream.linear.gather [hbm4b:s23+s7], $0x100, $0x38;
	[tilespmem:$0x1CDD0] =	vst v63  }
0x9a: {  	_ =	swait.ge [sflag:s24], $0x100  }
0x9b: {  	[sflag:s24] =	ssyncset.done $0x0  }
0x9c: {  	[sflag:s24] =	ssyncadd.s32 $0xFFFFFF00  }
0x9d: {  	[tilespmem:s17], [sflag:$0x7] =	stream.indirect.gather [hbm4b:s19+s18], $0x40, s21, s18, $0xb8;
	[tilespmem:$0x1CDD0] =	vst v63  }
.Ltmp1:
0x9e: {  	s26 =	simm.s32 $0x2;
	(pc) =	sbr.rel .LBB2_5-.Ltmp1, $4  }
0x9f: {  	_ =	swait.ge [sflag:s26], $0x100  }
0xa0: {  	s31 =	simm.s32 $0xC640;
	s28 =	simm.s32 $0xFFFFFFFE;
	[sflag:s26] =	ssyncset.done $0x0  }
0xa1: {  	s29 =	simm.s32 $0x0;
	s30 =	simm.s32 $0x0;
	[sflag:s26] =	ssyncadd.s32 $0xFFFFFF00  }
0xa2: {  	[tilespmem:s31], [sflag:$0x8] =	stream.indirect.gather [hbm4b:s19+s18], $0x40, s5, s18, $0xb8;
	[tilespmem:$0x1CDD0] =	vst v63  }
.LBB2_6:
0xa3: {  	s3 =	simm.s32 $0x8  }
0xa4: {  	_ =	swait.ge [sflag:s3], $0x2000  }
0xa5: {  	[sflag:s3] =	ssyncset.done $0x0  }
0xa6: {  	s26 =	simm.s32 $0xC640;
	s5 =	simm.s32 $0xA1C0;
	[sflag:s3] =	ssyncadd.s32 $0xFFFFE000  }
0xa7: {  	[spmem:s2] =	stream.indirect.scatter.add.f32 [tilespmem:s26], [sflag:$0xC], $0x40, s5, s18, $0xb8;
	[tilespmem:$0x1CDD0] =	vst v63  }
.LBB2_8:
0xa8: {  	s3 =	sadd.s32 s29, s16  }
0xa9: {  	s6 =	simm.s32 $0xA540;
	s5 =	sadd.s32 $0xA0, s3  }
0xaa: {  	[tilespmem:s6], [sflag:$0x6] =	stream.linear.gather [hbm4b:s5+s9], $0x100, $0x38;
	[tilespmem:$0x1CDD0] =	vst v63  }
0xab: {  	_ =	swait.ge [sflag:s1], $0x2000  }
0xac: {  	[sflag:s1] =	ssyncset.done $0x0  }
0xad: {  	[sflag:s1] =	ssyncadd.s32 $0xFFFFE000  }
0xae: {  	_ =	swait.ge [sflag:s4], $0x100  }
0xaf: {  	[sflag:s4] =	ssyncset.done $0x0  }
0xb0: {  	s26 =	simm.s32 $0xA440;
	s5 =	simm.s32 @!p3 $0x9;
	[sflag:s4] =	ssyncadd.s32 $0xFFFFFF00  }
0xb1: {  	[tilespmem:s17], [sflag:$0x7] =	stream.indirect.gather [hbm4b:s19+s18], $0x40, s26, s18, $0xb8;
	[tilespmem:$0x1CDD0] =	vst v63  }
0xb2: {  	_ =	swait.ge @!p3 [sflag:s5], $0x2000  }
0xb3: {  	s7 =	simm.s32 @!p3 $0xE640;
	[sflag:s5] =	ssyncset.done @!p3 $0x0  }
0xb4: {  	s6 =	simm.s32 @!p3 $0xA2C0;
	[sflag:s5] =	ssyncadd.s32 @!p3 $0xFFFFE000;
	s5 =	simm.s32 @!p3 $0x80  }
0xb5: {  	[spmem:s2] =	stream.indirect.scatter.add.f32 @!p3 [tilespmem:s7], [sflag:$0xD], $0x40, s6, s5, $0xb8;
	[tilespmem:$0x1CDD0] =	vst v63  }
0xb6: {  	s3 =	sadd.s32 $0xC0, s3  }
0xb7: {  	[tilespmem:s25], [sflag:$0x1] =	stream.linear.gather [hbm4b:s3+s9], $0x100, $0x38;
	[tilespmem:$0x1CDD0] =	vst v63  }
.LBB2_9:
0xb8: {  	p3 =	sgt.u32 s0, $0x9E  }
0xb9: {  	s0 =	simm.s32 @!p3 $0xC  }
0xba: {  	_ =	swait.ge @!p3 [sflag:s0], $0x2000  }
0xbb: {  	[sflag:s0] =	ssyncset.done @!p3 $0x0  }
0xbc: {  	s24 =	simm.s32 @!p1 $0x6;
	[sflag:s0] =	ssyncadd.s32 @!p3 $0xFFFFE000  }
0xbd: {  	_ =	swait.ge @!p1 [sflag:s24], $0x100  }
0xbe: {  	s17 =	simm.s32 @!p1 $0x80;
	s20 =	simm.s32 @!p1 $0xA540;
	[sflag:s24] =	ssyncset.done @!p1 $0x0  }
0xbf: {  	s21 =	simm.s32 @!p1 $0xC640;
	s0 =	simm.s32 @!p2 $0xA;
	[sflag:s24] =	ssyncadd.s32 @!p1 $0xFFFFFF00  }
0xc0: {  	[tilespmem:s21], [sflag:$0x8] =	stream.indirect.gather @!p1 [hbm4b:s19+s17], $0x40, s20, s17, $0xb8;
	[tilespmem:$0x1CDD0] =	vst v63  }
0xc1: {  	s3 =	simm.s32 @!p2 $0xA3C0;
	_ =	swait.ge @!p2 [sflag:s0], $0x2000  }
0xc2: {  	s5 =	simm.s32 @!p2 $0x10640;
	s15 =	simm.s32 @!p1 $0x0;
	[sflag:s0] =	ssyncset.done @!p2 $0x0  }
0xc3: {  	p3 =	sgt.u32 @!p1 s30, $0xC;
	[sflag:s0] =	ssyncadd.s32 @!p2 $0xFFFFE000;
	s0 =	simm.s32 @!p2 $0x80  }
0xc4: {  	[spmem:s2] =	stream.indirect.scatter.add.f32 @!p2 [tilespmem:s5], [sflag:$0xE], $0x40, s3, s0, $0xb8;
	[tilespmem:$0x1CDD0] =	vst v63  }
0xc5: {  	p3 =	por p3, p1;
	s0 =	sadd.s32 @!p1 $0xE0, s31;
	s3 =	simm.s32 @!p1 $0xA140  }
0xc6: {  	[tilespmem:s3], [sflag:$0x2] =	stream.linear.gather @!p1 [hbm4b:s0+s15], $0x100, $0x38;
	[tilespmem:$0x1CDD0] =	vst v63  }
0xc7: {  	s0 =	simm.s32 @!p3 $0xD  }
0xc8: {  	_ =	swait.ge @!p3 [sflag:s0], $0x2000  }
0xc9: {  	[sflag:s0] =	ssyncset.done @!p3 $0x0  }
0xca: {  	s13 =	simm.s32 @!p1 $0x1;
	[sflag:s0] =	ssyncadd.s32 @!p3 $0xFFFFE000  }
0xcb: {  	_ =	swait.ge @!p1 [sflag:s13], $0x100  }
0xcc: {  	s22 =	simm.s32 @!p1 $0xE640;
	[sflag:s13] =	ssyncset.done @!p1 $0x0  }
0xcd: {  	s11 =	simm.s32 @!p1 $0x7;
	s5 =	simm.s32 @!p1 $0xA040;
	[sflag:s13] =	ssyncadd.s32 @!p1 $0xFFFFFF00  }
0xce: {  	[tilespmem:s22], [sflag:$0x9] =	stream.indirect.gather @!p1 [hbm4b:s19+s17], $0x40, s5, s17, $0xb8;
	[tilespmem:$0x1CDD0] =	vst v63  }
0xcf: {  	_ =	swait.ge @!p1 [sflag:s11], $0x2000  }
0xd0: {  	[sflag:s11] =	ssyncset.done @!p1 $0x0  }
0xd1: {  	s26 =	simm.s32 @!p1 $0xA4C0;
	s6 =	simm.s32 @!p1 $0xA640;
	[sflag:s11] =	ssyncadd.s32 @!p1 $0xFFFFE000  }
0xd2: {  	[spmem:s2] =	stream.indirect.scatter.add.f32 @!p1 [tilespmem:s6], [sflag:$0xB], $0x40, s26, s17, $0xb8;
	[tilespmem:$0x1CDD0] =	vst v63  }
0xd3: {  	s12 =	simm.s32 @!p1 $0xA240;
	s0 =	sadd.s32 @!p1 $0x100, s31  }
0xd4: {  	[tilespmem:s12], [sflag:$0x3] =	stream.linear.gather @!p1 [hbm4b:s0+s15], $0x100, $0x38;
	[tilespmem:$0x1CDD0] =	vst v63  }
0xd5: {  	s0 =	simm.s32 @!p2 $0xE  }
0xd6: {  	_ =	swait.ge @!p2 [sflag:s0], $0x2000  }
0xd7: {  	[sflag:s0] =	ssyncset.done @!p2 $0x0  }
0xd8: {  	[sflag:s0] =	ssyncadd.s32 @!p2 $0xFFFFE000;
	s0 =	simm.s32 @!p1 $0x2  }
0xd9: {  	_ =	swait.ge @!p1 [sflag:s0], $0x100  }
0xda: {  	[sflag:s0] =	ssyncset.done @!p1 $0x0  }
0xdb: {  	s7 =	simm.s32 @!p1 $0x8;
	[sflag:s0] =	ssyncadd.s32 @!p1 $0xFFFFFF00;
	s0 =	simm.s32 @!p1 $0x10640  }
0xdc: {  	[tilespmem:s0], [sflag:$0xA] =	stream.indirect.gather @!p1 [hbm4b:s19+s17], $0x40, s3, s17, $0xb8;
	[tilespmem:$0x1CDD0] =	vst v63  }
0xdd: {  	_ =	swait.ge @!p1 [sflag:s7], $0x2000  }
0xde: {  	[sflag:s7] =	ssyncset.done @!p1 $0x0  }
0xdf: {  	s14 =	simm.s32 @!p1 $0xA5C0;
	[sflag:s7] =	ssyncadd.s32 @!p1 $0xFFFFE000  }
0xe0: {  	[spmem:s2] =	stream.indirect.scatter.add.f32 @!p1 [tilespmem:s21], [sflag:$0xC], $0x40, s14, s17, $0xb8;
	[tilespmem:$0x1CDD0] =	vst v63  }
0xe1: {  	s10 =	simm.s32 @!p1 $0xA340;
	s9 =	simm.s32 @!p1 $0xB;
	s3 =	sadd.s32 @!p1 $0x120, s31  }
0xe2: {  	[tilespmem:s10], [sflag:$0x4] =	stream.linear.gather @!p1 [hbm4b:s3+s15], $0x100, $0x38;
	[tilespmem:$0x1CDD0] =	vst v63  }
0xe3: {  	_ =	swait.ge @!p1 [sflag:s9], $0x2000  }
0xe4: {  	[sflag:s9] =	ssyncset.done @!p1 $0x0  }
0xe5: {  	s3 =	simm.s32 @!p1 $0x3;
	[sflag:s9] =	ssyncadd.s32 @!p1 $0xFFFFE000  }
0xe6: {  	_ =	swait.ge @!p1 [sflag:s3], $0x100  }
0xe7: {  	[sflag:s3] =	ssyncset.done @!p1 $0x0  }
0xe8: {  	[sflag:s3] =	ssyncadd.s32 @!p1 $0xFFFFFF00;
	s3 =	simm.s32 @!p1 $0x9  }
0xe9: {  	[tilespmem:s6], [sflag:$0x7] =	stream.indirect.gather @!p1 [hbm4b:s19+s17], $0x40, s12, s17, $0xb8;
	[tilespmem:$0x1CDD0] =	vst v63  }
0xea: {  	_ =	swait.ge @!p1 [sflag:s3], $0x2000  }
0xeb: {  	[sflag:s3] =	ssyncset.done @!p1 $0x0  }
0xec: {  	s12 =	simm.s32 @!p1 $0xA0C0;
	[sflag:s3] =	ssyncadd.s32 @!p1 $0xFFFFE000  }
0xed: {  	[spmem:s2] =	stream.indirect.scatter.add.f32 @!p1 [tilespmem:s22], [sflag:$0xD], $0x40, s12, s17, $0xb8;
	[tilespmem:$0x1CDD0] =	vst v63  }
0xee: {  	s23 =	simm.s32 @!p1 $0xA440;
	s12 =	sadd.s32 @!p1 $0x140, s31  }
0xef: {  	[tilespmem:s23], [sflag:$0x5] =	stream.linear.gather @!p1 [hbm4b:s12+s15], $0x100, $0x38;
	[tilespmem:$0x1CDD0] =	vst v63  }
0xf0: {  	s12 =	simm.s32 @!p1 $0xC  }
0xf1: {  	_ =	swait.ge @!p1 [sflag:s12], $0x2000  }
0xf2: {  	[sflag:s12] =	ssyncset.done @!p1 $0x0  }
0xf3: {  	[sflag:s12] =	ssyncadd.s32 @!p1 $0xFFFFE000;
	s12 =	simm.s32 @!p1 $0x4  }
0xf4: {  	_ =	swait.ge @!p1 [sflag:s12], $0x100  }
0xf5: {  	[sflag:s12] =	ssyncset.done @!p1 $0x0  }
0xf6: {  	[sflag:s12] =	ssyncadd.s32 @!p1 $0xFFFFFF00;
	s12 =	simm.s32 @!p1 $0xA  }
0xf7: {  	[tilespmem:s21], [sflag:$0x8] =	stream.indirect.gather @!p1 [hbm4b:s19+s17], $0x40, s10, s17, $0xb8;
	[tilespmem:$0x1CDD0] =	vst v63  }
0xf8: {  	_ =	swait.ge @!p1 [sflag:s12], $0x2000  }
0xf9: {  	[sflag:s12] =	ssyncset.done @!p1 $0x0  }
0xfa: {  	s10 =	simm.s32 @!p1 $0xA1C0;
	[sflag:s12] =	ssyncadd.s32 @!p1 $0xFFFFE000  }
0xfb: {  	[spmem:s2] =	stream.indirect.scatter.add.f32 @!p1 [tilespmem:s0], [sflag:$0xE], $0x40, s10, s17, $0xb8;
	[tilespmem:$0x1CDD0] =	vst v63  }
0xfc: {  	s10 =	sadd.s32 @!p1 $0x160, s31  }
0xfd: {  	[tilespmem:s20], [sflag:$0x6] =	stream.linear.gather @!p1 [hbm4b:s10+s15], $0x100, $0x38;
	[tilespmem:$0x1CDD0] =	vst v63  }
0xfe: {  	s10 =	simm.s32 @!p1 $0xD  }
0xff: {  	_ =	swait.ge @!p1 [sflag:s10], $0x2000  }
0x100: {  	[sflag:s10] =	ssyncset.done @!p1 $0x0  }
0x101: {  	[sflag:s10] =	ssyncadd.s32 @!p1 $0xFFFFE000;
	s10 =	simm.s32 @!p1 $0x5  }
0x102: {  	_ =	swait.ge @!p1 [sflag:s10], $0x100  }
0x103: {  	[sflag:s10] =	ssyncset.done @!p1 $0x0  }
0x104: {  	[sflag:s10] =	ssyncadd.s32 @!p1 $0xFFFFFF00  }
0x105: {  	[tilespmem:s22], [sflag:$0x9] =	stream.indirect.gather @!p1 [hbm4b:s19+s17], $0x40, s23, s17, $0xb8;
	[tilespmem:$0x1CDD0] =	vst v63  }
0x106: {  	_ =	swait.ge @!p1 [sflag:s11], $0x2000  }
0x107: {  	[sflag:s11] =	ssyncset.done @!p1 $0x0  }
0x108: {  	s10 =	simm.s32 @!p1 $0xA2C0;
	[sflag:s11] =	ssyncadd.s32 @!p1 $0xFFFFE000  }
0x109: {  	[spmem:s2] =	stream.indirect.scatter.add.f32 @!p1 [tilespmem:s6], [sflag:$0xB], $0x40, s10, s17, $0xb8;
	[tilespmem:$0x1CDD0] =	vst v63  }
0x10a: {  	s10 =	sadd.s32 @!p1 $0x180, s31  }
0x10b: {  	[tilespmem:s5], [sflag:$0x1] =	stream.linear.gather @!p1 [hbm4b:s10+s15], $0x100, $0x38;
	[tilespmem:$0x1CDD0] =	vst v63  }
0x10c: {  	s10 =	simm.s32 @!p1 $0xE  }
0x10d: {  	_ =	swait.ge @!p1 [sflag:s10], $0x2000  }
0x10e: {  	[sflag:s10] =	ssyncset.done @!p1 $0x0  }
0x10f: {  	[sflag:s10] =	ssyncadd.s32 @!p1 $0xFFFFE000  }
0x110: {  	_ =	swait.ge @!p1 [sflag:s24], $0x100  }
0x111: {  	[sflag:s24] =	ssyncset.done @!p1 $0x0  }
0x112: {  	[sflag:s24] =	ssyncadd.s32 @!p1 $0xFFFFFF00  }
0x113: {  	[tilespmem:s0], [sflag:$0xA] =	stream.indirect.gather @!p1 [hbm4b:s19+s17], $0x40, s20, s17, $0xb8;
	[tilespmem:$0x1CDD0] =	vst v63  }
0x114: {  	_ =	swait.ge @!p1 [sflag:s7], $0x2000  }
0x115: {  	p2 =	sgt.u32 @!p1 s30, $0xB;
	[sflag:s7] =	ssyncset.done @!p1 $0x0  }
0x116: {  	p2 =	por p2, p1;
	[sflag:s7] =	ssyncadd.s32 @!p1 $0xFFFFE000;
	s7 =	simm.s32 @!p1 $0xA3C0  }
0x117: {  	[spmem:s2] =	stream.indirect.scatter.add.f32 @!p1 [tilespmem:s21], [sflag:$0xC], $0x40, s7, s17, $0xb8;
	[tilespmem:$0x1CDD0] =	vst v63  }
0x118: {  	s7 =	sadd.s32 @!p2 s29, s16  }
0x119: {  	s11 =	simm.s32 @!p2 $0xA140;
	s10 =	simm.s32 @!p2 $0x0;
	s7 =	sadd.s32 @!p2 $0x1A0, s7  }
0x11a: {  	[tilespmem:s11], [sflag:$0x2] =	stream.linear.gather @!p2 [hbm4b:s7+s10], $0x100, $0x38;
	[tilespmem:$0x1CDD0] =	vst v63  }
0x11b: {  	_ =	swait.ge @!p1 [sflag:s9], $0x2000  }
0x11c: {  	[sflag:s9] =	ssyncset.done @!p1 $0x0  }
0x11d: {  	[sflag:s9] =	ssyncadd.s32 @!p1 $0xFFFFE000  }
0x11e: {  	_ =	swait.ge @!p1 [sflag:s13], $0x100  }
0x11f: {  	[sflag:s13] =	ssyncset.done @!p1 $0x0  }
0x120: {  	[sflag:s13] =	ssyncadd.s32 @!p1 $0xFFFFFF00  }
0x121: {  	[tilespmem:s6], [sflag:$0x7] =	stream.indirect.gather @!p1 [hbm4b:s19+s17], $0x40, s5, s17, $0xb8;
	[tilespmem:$0x1CDD0] =	vst v63  }
0x122: {  	p2 =	slt.u32 @!p1 s30, $0xC;
	_ =	swait.ge @!p1 [sflag:s3], $0x2000  }
0x123: {  	p3 =	por !p2, p1;
	[sflag:s3] =	ssyncset.done @!p1 $0x0  }
0x124: {  	[sflag:s3] =	ssyncadd.s32 @!p1 $0xFFFFE000;
	s3 =	sadd.s32 @!p3 s29, s16  }
0x125: {  	[spmem:s2] =	stream.indirect.scatter.add.f32 @!p1 [tilespmem:s22], [sflag:$0xD], $0x40, s26, s17, $0xb8;
	[tilespmem:$0x1CDD0] =	vst v63  }
0x126: {  	s5 =	simm.s32 @!p3 $0x0;
	s6 =	simm.s32 @!p3 $0xA240;
	s3 =	sadd.s32 @!p3 $0x1C0, s3  }
0x127: {  	[tilespmem:s6], [sflag:$0x3] =	stream.linear.gather @!p3 [hbm4b:s3+s5], $0x100, $0x38;
	[tilespmem:$0x1CDD0] =	vst v63  }
0x128: {  	s3 =	simm.s32 @!p3 $0xC  }
0x129: {  	_ =	swait.ge @!p3 [sflag:s3], $0x2000  }
0x12a: {  	[sflag:s3] =	ssyncset.done @!p3 $0x0  }
0x12b: {  	[sflag:s3] =	ssyncadd.s32 @!p3 $0xFFFFE000;
	s3 =	simm.s32 @!p3 $0x2  }
0x12c: {  	_ =	swait.ge @!p3 [sflag:s3], $0x100  }
0x12d: {  	p2 =	por p2, p1;
	s5 =	simm.s32 @!p3 $0xA140;
	[sflag:s3] =	ssyncset.done @!p3 $0x0  }
0x12e: {  	s6 =	simm.s32 @!p3 $0xC640;
	[sflag:s3] =	ssyncadd.s32 @!p3 $0xFFFFFF00;
	s3 =	simm.s32 @!p3 $0x80  }
0x12f: {  	[tilespmem:s6], [sflag:$0x8] =	stream.indirect.gather @!p3 [hbm4b:s19+s3], $0x40, s5, s3, $0xb8;
	[tilespmem:$0x1CDD0] =	vst v63  }
0x130: {  	s3 =	simm.s32 @!p2 $0xC  }
0x131: {  	_ =	swait.ge @!p2 [sflag:s3], $0x2000  }
0x132: {  	s29 =	sadd.s32 @!p1 $0x180, s29;
	[sflag:s3] =	ssyncset.done @!p2 $0x0  }
0x133: {  	[sflag:s3] =	ssyncadd.s32 @!p2 $0xFFFFE000;
	p2 =	sne.s32 @!p1 s29, $0x1500  }
0x134: {  	p2 =	por p1, !p2  }
.Ltmp2:
0x135: {  	_ =	swait.ge @!p1 [sflag:s12], $0x2000;
	(pc) =	sbr.rel @p2 .LBB2_10-.Ltmp2, $4  }
0x136: {  	[sflag:s12] =	ssyncset.done @!p1 $0x0  }
0x137: {  	[sflag:s12] =	ssyncadd.s32 @!p1 $0xFFFFE000  }
0x138: {  	[spmem:s2] =	stream.indirect.scatter.add.f32 @!p1 [tilespmem:s0], [sflag:$0xE], $0x40, s14, s17, $0xb8;
	[tilespmem:$0x1CDD0] =	vst v63  }
0x139: {  	s28 =	sadd.s32 @!p1 $0xC, s28;
	s30 =	sadd.s32 @!p1 $0x1, s30;
	s17 =	simm.s32 $0xA640  }
.LBB2_5:
0x13a: {  	s0 =	sadd.s32 $0x5, s28  }
0x13b: {  	p2 =	sgt.u32 s0, $0x9C  }
0x13c: {  	s3 =	sadd.s32 @!p2 s29, s16;
	s5 =	simm.s32 @!p2 $0x0;
	p1 =	sgt.u32 @!p2 s28, $0x9C  }
0x13d: {  	s6 =	simm.s32 @!p2 $0xA340;
	s3 =	sadd.s32 @!p2 $0x60, s3;
	p1 =	por p2, !p1  }
0x13e: {  	[tilespmem:s6], [sflag:$0x4] =	stream.linear.gather @!p2 [hbm4b:s3+s5], $0x100, $0x38;
	[tilespmem:$0x1CDD0] =	vst v63  }
0x13f: {  	s3 =	simm.s32 @p1 $0xD  }
0x140: {  	_ =	swait.ge @p1 [sflag:s3], $0x2000  }
0x141: {  	p3 =	sgt.u32 s30, $0xC;
	[sflag:s3] =	ssyncset.done @p1 $0x0  }
0x142: {  	[sflag:s3] =	ssyncadd.s32 @p1 $0xFFFFE000;
	s3 =	simm.s32 @!p3 $0x3  }
0x143: {  	_ =	swait.ge @!p3 [sflag:s3], $0x100  }
0x144: {  	s5 =	simm.s32 @!p3 $0xA240;
	[sflag:s3] =	ssyncset.done @!p3 $0x0  }
0x145: {  	s6 =	simm.s32 @!p3 $0xE640;
	[sflag:s3] =	ssyncadd.s32 @!p3 $0xFFFFFF00;
	s3 =	simm.s32 @!p3 $0x80  }
0x146: {  	[tilespmem:s6], [sflag:$0x9] =	stream.indirect.gather @!p3 [hbm4b:s19+s3], $0x40, s5, s3, $0xb8;
	[tilespmem:$0x1CDD0] =	vst v63  }
0x147: {  	p1 =	seq.s32 s29, $0x1380;
	_ =	swait.ge [sflag:s8], $0x2000  }
0x148: {  	s26 =	simm.s32 $0xA0C0;
	p4 =	seq.s32 @!p1 s29, $0x0;
	[sflag:s8] =	ssyncset.done $0x0  }
0x149: {  	s31 =	sadd.s32 @!p1 s29, s16;
	p4 =	por p1, !p4;
	[sflag:s8] =	ssyncadd.s32 $0xFFFFE000  }
0x14a: {  	[spmem:s2] =	stream.indirect.scatter.add.f32 [tilespmem:s17], [sflag:$0xB], $0x40, s26, s18, $0xb8;
	[tilespmem:$0x1CDD0] =	vst v63  }
0x14b: {  	s3 =	sadd.s32 @!p1 $0x80, s31;
	s5 =	simm.s32 @!p1 $0x0;
	s6 =	simm.s32 @!p1 $0xA440  }
0x14c: {  	[tilespmem:s6], [sflag:$0x5] =	stream.linear.gather @!p1 [hbm4b:s3+s5], $0x100, $0x38;
	[tilespmem:$0x1CDD0] =	vst v63  }
0x14d: {  	s3 =	simm.s32 @p4 $0xE  }
0x14e: {  	_ =	swait.ge @p4 [sflag:s3], $0x2000  }
0x14f: {  	[sflag:s3] =	ssyncset.done @p4 $0x0  }
.Ltmp3:
0x150: {  	[sflag:s3] =	ssyncadd.s32 @p4 $0xFFFFE000;
	s3 =	simm.s32 @!p2 $0x4;
	(pc) =	sbr.rel @!p3 .LBB2_6-.Ltmp3, $4  }
0x151: {  	_ =	swait.ge @!p2 [sflag:s3], $0x100  }
0x152: {  	s9 =	simm.s32 $0x0;
	s5 =	simm.s32 @!p2 $0xA340;
	[sflag:s3] =	ssyncset.done @!p2 $0x0  }
0x153: {  	s6 =	simm.s32 @!p2 $0x10640;
	[sflag:s3] =	ssyncadd.s32 @!p2 $0xFFFFFF00;
	s3 =	simm.s32 @!p2 $0x80  }
0x154: {  	[tilespmem:s6], [sflag:$0xA] =	stream.indirect.gather @!p2 [hbm4b:s19+s3], $0x40, s5, s3, $0xb8;
	[tilespmem:$0x1CDD0] =	vst v63  }
.Ltmp4:
0x155: {  	(pc) =	sbr.rel @!p1 .LBB2_8-.Ltmp4, $1  }
0x156: {  	_ =	sdelay $0x3  }
.Ltmp5:
0x157: {  	(pc) =	sbr.rel .LBB2_9-.Ltmp5, $4  }
0x158: {  	_ = 	snop  }
0x159: {  	_ =	swait.ge [sflag:s1], $0x2000  }
0x15a: {  	[sflag:s1] =	ssyncset.done $0x0  }
0x15b: {  	[sflag:s1] =	ssyncadd.s32 $0xFFFFE000  }
.LBB2_10:
0x15c: {  	[bflag:$0x0] =	sbarrier.arrive $0xFFFF  }
0x15d: {  	s10 =	simm.s32 $0x12;
	s0 =	rddreg [dreg:$0x12]  }
0x15e: {  	[tilespmem:s17], [sflag:$0x12] =	stream.linear.gather [spmem:s0], $0x2000, $0x38;
	[tilespmem:$0x1CDD0] =	vst v63  }
0x15f: {  	_ =	swait.ge [sflag:s10], $0x2000  }
0x160: {  	s30 =	sld [smem:$0x7F7]  }
0x161: {  	s31 =	sld [smem:$0x7F8]  }
0x162: {  	s0 =	simm.s32 $0x0;
	[sflag:s10] =	ssyncset.done $0x0  }
0x163: {  	s9 =	rddreg [dreg:$0xe];
	[sflag:s10] =	ssyncadd.s32 $0xFFFFE000;
	s28 =	sor.u32 $0x1C11, s30  }
0x164: {  	[spmem:s31], [sflag:s28] =	dma.local [hbm:s9], $0x400  }
0x165: {  	s3 =	simm.s32 $0x1C640;
	v3 =	vld [tilespmem:s0+$0xA660]  }
0x166: {  	v0 =	vld.msk [tilespmem:s3+$0x0 ss:$0x0], $0xffff  }
0x167: {  	v6 =	vld [tilespmem:s0+$0xA670]  }
0x168: {  	v8 =	vld [tilespmem:s0+$0xA650]  }
0x169: {  	v2 =	vld [tilespmem:s0+$0xA640]  }
0x16a: {  	v7 =	vld [tilespmem:s0+$0x12650]  }
0x16b: {  	v1 =	vld [tilespmem:s0+$0x12670]  }
0x16c: {  	v5 =	vld [tilespmem:s0+$0x12660];
	v4 =	vmul.f32 v3, v0  }
0x16d: {  	s5 =	simm.s32 $0x100;
	v3 =	vmul.f32 v6, v0;
	v6 =	vld [tilespmem:s0+$0x12640];
	v8 =	vmul.f32 v8, v0  }
.LBB2_11:
0x16e: {  	p1 =	sne.s32 s5, $0x7F00  }
0x16f: {  	[tilespmem:s0+$0xA670] =	vst v3;
	s3 =	sadd.s32 $0x1, s3;
	s6 =	smov.u32 s5;
	s5 =	sadd.s32 $0x100, s5  }
0x170: {  	[tilespmem:s0+$0xA650] =	vst v8;
	v7 =	vadd.f32 v7, v8  }
0x171: {  	v0 =	vmul.f32 v0, v2;
	[tilespmem:s0+$0xA660] =	vst v4  }
0x172: {  	[tilespmem:s0+$0x12650] =	vst v7;
	v2 =	vadd.f32 v5, v4  }
0x173: {  	v1 =	vadd.f32 v1, v3;
	[tilespmem:s0+$0xA640] =	vst v0;
	v0 =	vadd.f32 v6, v0  }
0x174: {  	[tilespmem:s0+$0x12660] =	vst v2  }
0x175: {  	s6 =	sshra.s32 s6, $0x2;
	[tilespmem:s0+$0x12670] =	vst v1  }
0x176: {  	v3 =	vld [tilespmem:s6+$0xA660];
	[tilespmem:s0+$0x12640] =	vst v0;
	s0 =	smov.u32 s6  }
0x177: {  	v0 =	vld.msk [tilespmem:s3+$0x0 ss:$0x0], $0xffff  }
0x178: {  	v6 =	vld [tilespmem:s0+$0xA670]  }
0x179: {  	v8 =	vld [tilespmem:s0+$0xA650]  }
.Ltmp6:
0x17a: {  	v2 =	vld [tilespmem:s0+$0xA640];
	(pc) =	sbr.rel @p1 .LBB2_11-.Ltmp6, $4  }
0x17b: {  	v7 =	vld [tilespmem:s0+$0x12650]  }
0x17c: {  	v1 =	vld [tilespmem:s0+$0x12670]  }
0x17d: {  	v4 =	vmul.f32 v3, v0;
	v5 =	vld [tilespmem:s0+$0x12660];
	v3 =	vmul.f32 v6, v0  }
0x17e: {  	v6 =	vld [tilespmem:s0+$0x12640];
	v8 =	vmul.f32 v8, v0  }
0x17f: {  	[tilespmem:s0+$0xA670] =	vst v3  }
0x180: {  	v0 =	vmul.f32 v0, v2;
	[tilespmem:s0+$0xA660] =	vst v4  }
0x181: {  	[tilespmem:s0+$0xA650] =	vst v8;
	v7 =	vadd.f32 v7, v8  }
0x182: {  	[tilespmem:s0+$0xA640] =	vst v0;
	v1 =	vadd.f32 v1, v3  }
0x183: {  	[tilespmem:s0+$0x12650] =	vst v7;
	v2 =	vadd.f32 v5, v4  }
0x184: {  	v0 =	vadd.f32 v6, v0;
	[tilespmem:s0+$0x12670] =	vst v1  }
0x185: {  	[tilespmem:s0+$0x12660] =	vst v2  }
0x186: {  	s26 =	simm.s32 $0x0;
	s3 =	rddreg [dreg:$0x18];
	[tilespmem:s0+$0x12640] =	vst v0  }
0x187: {  	[hbm4b:s3+s26] =	stream.linear.scatter [tilespmem:s17], [sflag:$0xF], $0x2000, $0x38;
	[tilespmem:$0x1CDD0] =	vst v63  }
0x188: {  	s29 =	rddreg [dreg:$0x13];
	s30 =	simm.s32 $0xC640  }
0x189: {  	[tilespmem:s30], [sflag:$0x12] =	stream.linear.gather [spmem:s29], $0x2000, $0x38;
	[tilespmem:$0x1CDD0] =	vst v63  }
0x18a: {  	_ =	swait.ge [sflag:s10], $0x2000  }
0x18b: {  	s31 =	sld [smem:$0x7F9]  }
0x18c: {  	[sflag:s10] =	ssyncset.done $0x0  }
0x18d: {  	s0 =	simm.s32 $0x0;
	[sflag:s10] =	ssyncadd.s32 $0xFFFFE000  }
0x18e: {  	[spmem:s31], [sflag:s28] =	dma.local [hbm:s9], $0x400  }
0x18f: {  	s3 =	simm.s32 $0x1C6C0;
	v3 =	vld [tilespmem:s0+$0xC660]  }
0x190: {  	v0 =	vld.msk [tilespmem:s3+$0x0 ss:$0x0], $0xffff  }
0x191: {  	v6 =	vld [tilespmem:s0+$0xC670]  }
0x192: {  	v8 =	vld [tilespmem:s0+$0xC650]  }
0x193: {  	v2 =	vld [tilespmem:s0+$0xC640]  }
0x194: {  	v7 =	vld [tilespmem:s0+$0x14650]  }
0x195: {  	v1 =	vld [tilespmem:s0+$0x14670]  }
0x196: {  	s5 =	simm.s32 $0x100;
	v5 =	vld [tilespmem:s0+$0x14660];
	v4 =	vmul.f32 v3, v0  }
0x197: {  	s20 =	simm.s32 $0x0;
	s7 =	simm.s32 $0xF;
	s11 =	simm.s32 $0x10;
	v3 =	vmul.f32 v6, v0;
	v6 =	vld [tilespmem:s0+$0x14640];
	v8 =	vmul.f32 v8, v0  }
.LBB2_13:
0x198: {  	p1 =	sne.s32 s5, $0x7F00  }
0x199: {  	[tilespmem:s0+$0xC670] =	vst v3;
	s3 =	sadd.s32 $0x1, s3;
	s6 =	smov.u32 s5;
	s5 =	sadd.s32 $0x100, s5  }
0x19a: {  	[tilespmem:s0+$0xC650] =	vst v8;
	v7 =	vadd.f32 v7, v8  }
0x19b: {  	v0 =	vmul.f32 v0, v2;
	[tilespmem:s0+$0xC660] =	vst v4  }
0x19c: {  	[tilespmem:s0+$0x14650] =	vst v7;
	v2 =	vadd.f32 v5, v4  }
0x19d: {  	v1 =	vadd.f32 v1, v3;
	[tilespmem:s0+$0xC640] =	vst v0;
	v0 =	vadd.f32 v6, v0  }
0x19e: {  	[tilespmem:s0+$0x14660] =	vst v2  }
0x19f: {  	s6 =	sshra.s32 s6, $0x2;
	[tilespmem:s0+$0x14670] =	vst v1  }
0x1a0: {  	v3 =	vld [tilespmem:s6+$0xC660];
	[tilespmem:s0+$0x14640] =	vst v0;
	s0 =	smov.u32 s6  }
0x1a1: {  	v0 =	vld.msk [tilespmem:s3+$0x0 ss:$0x0], $0xffff  }
0x1a2: {  	v6 =	vld [tilespmem:s0+$0xC670]  }
0x1a3: {  	v8 =	vld [tilespmem:s0+$0xC650]  }
.Ltmp7:
0x1a4: {  	v2 =	vld [tilespmem:s0+$0xC640];
	(pc) =	sbr.rel @p1 .LBB2_13-.Ltmp7, $4  }
0x1a5: {  	v7 =	vld [tilespmem:s0+$0x14650]  }
0x1a6: {  	v1 =	vld [tilespmem:s0+$0x14670]  }
0x1a7: {  	v4 =	vmul.f32 v3, v0;
	v5 =	vld [tilespmem:s0+$0x14660];
	v3 =	vmul.f32 v6, v0  }
0x1a8: {  	v6 =	vld [tilespmem:s0+$0x14640];
	v8 =	vmul.f32 v8, v0  }
0x1a9: {  	[tilespmem:s0+$0xC670] =	vst v3  }
0x1aa: {  	v0 =	vmul.f32 v0, v2;
	[tilespmem:s0+$0xC660] =	vst v4  }
0x1ab: {  	[tilespmem:s0+$0xC650] =	vst v8;
	v7 =	vadd.f32 v7, v8  }
0x1ac: {  	[tilespmem:s0+$0xC640] =	vst v0;
	v1 =	vadd.f32 v1, v3  }
0x1ad: {  	[tilespmem:s0+$0x14650] =	vst v7;
	v2 =	vadd.f32 v5, v4  }
0x1ae: {  	v0 =	vadd.f32 v6, v0;
	[tilespmem:s0+$0x14670] =	vst v1  }
0x1af: {  	[tilespmem:s0+$0x14660] =	vst v2  }
0x1b0: {  	s29 =	simm.s32 $0x0;
	s3 =	rddreg [dreg:$0x19];
	s5 =	simm.s32 $0xC640;
	[tilespmem:s0+$0x14640] =	vst v0  }
0x1b1: {  	[hbm4b:s3+s29] =	stream.linear.scatter [tilespmem:s5], [sflag:$0x10], $0x2000, $0x38;
	[tilespmem:$0x1CDD0] =	vst v63  }
0x1b2: {  	_ =	swait.ge [sflag:s7], $0x2000  }
0x1b3: {  	[sflag:s7] =	ssyncset.done $0x0  }
0x1b4: {  	s30 =	rddreg [dreg:$0x14];
	[sflag:s7] =	ssyncadd.s32 $0xFFFFE000  }
0x1b5: {  	[tilespmem:s17], [sflag:$0x12] =	stream.linear.gather [spmem:s30], $0x2000, $0x38;
	[tilespmem:$0x1CDD0] =	vst v63  }
0x1b6: {  	_ =	swait.ge [sflag:s10], $0x2000  }
0x1b7: {  	s31 =	sld [smem:$0x7FA]  }
0x1b8: {  	[sflag:s10] =	ssyncset.done $0x0  }
0x1b9: {  	s0 =	simm.s32 $0x0;
	[sflag:s10] =	ssyncadd.s32 $0xFFFFE000  }
0x1ba: {  	[spmem:s31], [sflag:s28] =	dma.local [hbm:s9], $0x400  }
0x1bb: {  	s3 =	simm.s32 $0x1C740;
	v3 =	vld [tilespmem:s0+$0xA660]  }
0x1bc: {  	v0 =	vld.msk [tilespmem:s3+$0x0 ss:$0x0], $0xffff  }
0x1bd: {  	v6 =	vld [tilespmem:s0+$0xA670]  }
0x1be: {  	v8 =	vld [tilespmem:s0+$0xA650]  }
0x1bf: {  	v2 =	vld [tilespmem:s0+$0xA640]  }
0x1c0: {  	v7 =	vld [tilespmem:s0+$0x16650]  }
0x1c1: {  	v1 =	vld [tilespmem:s0+$0x16670]  }
0x1c2: {  	v5 =	vld [tilespmem:s0+$0x16660];
	v4 =	vmul.f32 v3, v0  }
0x1c3: {  	s5 =	simm.s32 $0x100;
	v3 =	vmul.f32 v6, v0;
	v6 =	vld [tilespmem:s0+$0x16640];
	v8 =	vmul.f32 v8, v0  }
.LBB2_15:
0x1c4: {  	p1 =	sne.s32 s5, $0x7F00  }
0x1c5: {  	[tilespmem:s0+$0xA670] =	vst v3;
	s3 =	sadd.s32 $0x1, s3;
	s6 =	smov.u32 s5;
	s5 =	sadd.s32 $0x100, s5  }
0x1c6: {  	[tilespmem:s0+$0xA650] =	vst v8;
	v7 =	vadd.f32 v7, v8  }
0x1c7: {  	v0 =	vmul.f32 v0, v2;
	[tilespmem:s0+$0xA660] =	vst v4  }
0x1c8: {  	[tilespmem:s0+$0x16650] =	vst v7;
	v2 =	vadd.f32 v5, v4  }
0x1c9: {  	v1 =	vadd.f32 v1, v3;
	[tilespmem:s0+$0xA640] =	vst v0;
	v0 =	vadd.f32 v6, v0  }
0x1ca: {  	[tilespmem:s0+$0x16660] =	vst v2  }
0x1cb: {  	s6 =	sshra.s32 s6, $0x2;
	[tilespmem:s0+$0x16670] =	vst v1  }
0x1cc: {  	v3 =	vld [tilespmem:s6+$0xA660];
	[tilespmem:s0+$0x16640] =	vst v0;
	s0 =	smov.u32 s6  }
0x1cd: {  	v0 =	vld.msk [tilespmem:s3+$0x0 ss:$0x0], $0xffff  }
0x1ce: {  	v6 =	vld [tilespmem:s0+$0xA670]  }
0x1cf: {  	v8 =	vld [tilespmem:s0+$0xA650]  }
.Ltmp8:
0x1d0: {  	v2 =	vld [tilespmem:s0+$0xA640];
	(pc) =	sbr.rel @p1 .LBB2_15-.Ltmp8, $4  }
0x1d1: {  	v7 =	vld [tilespmem:s0+$0x16650]  }
0x1d2: {  	v1 =	vld [tilespmem:s0+$0x16670]  }
0x1d3: {  	v4 =	vmul.f32 v3, v0;
	v5 =	vld [tilespmem:s0+$0x16660];
	v3 =	vmul.f32 v6, v0  }
0x1d4: {  	v6 =	vld [tilespmem:s0+$0x16640];
	v8 =	vmul.f32 v8, v0  }
0x1d5: {  	[tilespmem:s0+$0xA670] =	vst v3  }
0x1d6: {  	v0 =	vmul.f32 v0, v2;
	[tilespmem:s0+$0xA660] =	vst v4  }
0x1d7: {  	[tilespmem:s0+$0xA650] =	vst v8;
	v7 =	vadd.f32 v7, v8  }
0x1d8: {  	[tilespmem:s0+$0xA640] =	vst v0;
	v1 =	vadd.f32 v1, v3  }
0x1d9: {  	[tilespmem:s0+$0x16650] =	vst v7;
	v2 =	vadd.f32 v5, v4  }
0x1da: {  	v0 =	vadd.f32 v6, v0;
	[tilespmem:s0+$0x16670] =	vst v1  }
0x1db: {  	[tilespmem:s0+$0x16660] =	vst v2  }
0x1dc: {  	s26 =	simm.s32 $0x0;
	s3 =	rddreg [dreg:$0x1a];
	[tilespmem:s0+$0x16640] =	vst v0  }
0x1dd: {  	[hbm4b:s3+s26] =	stream.linear.scatter [tilespmem:s17], [sflag:$0xF], $0x2000, $0x38;
	[tilespmem:$0x1CDD0] =	vst v63  }
0x1de: {  	_ =	swait.ge [sflag:s11], $0x2000  }
0x1df: {  	[sflag:s11] =	ssyncset.done $0x0  }
0x1e0: {  	s30 =	simm.s32 $0xC640;
	s29 =	rddreg [dreg:$0x15];
	[sflag:s11] =	ssyncadd.s32 $0xFFFFE000  }
0x1e1: {  	[tilespmem:s30], [sflag:$0x12] =	stream.linear.gather [spmem:s29], $0x2000, $0x38;
	[tilespmem:$0x1CDD0] =	vst v63  }
0x1e2: {  	_ =	swait.ge [sflag:s10], $0x2000  }
0x1e3: {  	s31 =	sld [smem:$0x7FB]  }
0x1e4: {  	[sflag:s10] =	ssyncset.done $0x0  }
0x1e5: {  	s0 =	simm.s32 $0x0;
	[sflag:s10] =	ssyncadd.s32 $0xFFFFE000  }
0x1e6: {  	[spmem:s31], [sflag:s28] =	dma.local [hbm:s9], $0x400  }
0x1e7: {  	s3 =	simm.s32 $0x1C7C0;
	v3 =	vld [tilespmem:s0+$0xC660]  }
0x1e8: {  	v0 =	vld.msk [tilespmem:s3+$0x0 ss:$0x0], $0xffff  }
0x1e9: {  	v6 =	vld [tilespmem:s0+$0xC670]  }
0x1ea: {  	v8 =	vld [tilespmem:s0+$0xC650]  }
0x1eb: {  	v2 =	vld [tilespmem:s0+$0xC640]  }
0x1ec: {  	v7 =	vld [tilespmem:s0+$0x18650]  }
0x1ed: {  	v1 =	vld [tilespmem:s0+$0x18670]  }
0x1ee: {  	v5 =	vld [tilespmem:s0+$0x18660];
	v4 =	vmul.f32 v3, v0  }
0x1ef: {  	s5 =	simm.s32 $0x100;
	v3 =	vmul.f32 v6, v0;
	v6 =	vld [tilespmem:s0+$0x18640];
	v8 =	vmul.f32 v8, v0  }
.LBB2_17:
0x1f0: {  	p1 =	sne.s32 s5, $0x7F00  }
0x1f1: {  	[tilespmem:s0+$0xC670] =	vst v3;
	s3 =	sadd.s32 $0x1, s3;
	s6 =	smov.u32 s5;
	s5 =	sadd.s32 $0x100, s5  }
0x1f2: {  	[tilespmem:s0+$0xC650] =	vst v8;
	v7 =	vadd.f32 v7, v8  }
0x1f3: {  	v0 =	vmul.f32 v0, v2;
	[tilespmem:s0+$0xC660] =	vst v4  }
0x1f4: {  	[tilespmem:s0+$0x18650] =	vst v7;
	v2 =	vadd.f32 v5, v4  }
0x1f5: {  	v1 =	vadd.f32 v1, v3;
	[tilespmem:s0+$0xC640] =	vst v0;
	v0 =	vadd.f32 v6, v0  }
0x1f6: {  	[tilespmem:s0+$0x18660] =	vst v2  }
0x1f7: {  	s6 =	sshra.s32 s6, $0x2;
	[tilespmem:s0+$0x18670] =	vst v1  }
0x1f8: {  	v3 =	vld [tilespmem:s6+$0xC660];
	[tilespmem:s0+$0x18640] =	vst v0;
	s0 =	smov.u32 s6  }
0x1f9: {  	v0 =	vld.msk [tilespmem:s3+$0x0 ss:$0x0], $0xffff  }
0x1fa: {  	v6 =	vld [tilespmem:s0+$0xC670]  }
0x1fb: {  	v8 =	vld [tilespmem:s0+$0xC650]  }
.Ltmp9:
0x1fc: {  	v2 =	vld [tilespmem:s0+$0xC640];
	(pc) =	sbr.rel @p1 .LBB2_17-.Ltmp9, $4  }
0x1fd: {  	v7 =	vld [tilespmem:s0+$0x18650]  }
0x1fe: {  	v1 =	vld [tilespmem:s0+$0x18670]  }
0x1ff: {  	v4 =	vmul.f32 v3, v0;
	v5 =	vld [tilespmem:s0+$0x18660];
	v3 =	vmul.f32 v6, v0  }
0x200: {  	v6 =	vld [tilespmem:s0+$0x18640];
	v8 =	vmul.f32 v8, v0  }
0x201: {  	[tilespmem:s0+$0xC670] =	vst v3  }
0x202: {  	v0 =	vmul.f32 v0, v2;
	[tilespmem:s0+$0xC660] =	vst v4  }
0x203: {  	[tilespmem:s0+$0xC650] =	vst v8;
	v7 =	vadd.f32 v7, v8  }
0x204: {  	[tilespmem:s0+$0xC640] =	vst v0;
	v1 =	vadd.f32 v1, v3  }
0x205: {  	[tilespmem:s0+$0x18650] =	vst v7;
	v2 =	vadd.f32 v5, v4  }
0x206: {  	v0 =	vadd.f32 v6, v0;
	[tilespmem:s0+$0x18670] =	vst v1  }
0x207: {  	[tilespmem:s0+$0x18660] =	vst v2  }
0x208: {  	s29 =	simm.s32 $0x0;
	s3 =	rddreg [dreg:$0x1b];
	s5 =	simm.s32 $0xC640;
	[tilespmem:s0+$0x18640] =	vst v0  }
0x209: {  	[hbm4b:s3+s29] =	stream.linear.scatter [tilespmem:s5], [sflag:$0x10], $0x2000, $0x38;
	[tilespmem:$0x1CDD0] =	vst v63  }
0x20a: {  	_ =	swait.ge [sflag:s7], $0x2000  }
0x20b: {  	[sflag:s7] =	ssyncset.done $0x0  }
0x20c: {  	s30 =	rddreg [dreg:$0x16];
	[sflag:s7] =	ssyncadd.s32 $0xFFFFE000  }
0x20d: {  	[tilespmem:s17], [sflag:$0x12] =	stream.linear.gather [spmem:s30], $0x2000, $0x38;
	[tilespmem:$0x1CDD0] =	vst v63  }
0x20e: {  	_ =	swait.ge [sflag:s10], $0x2000  }
0x20f: {  	s31 =	sld [smem:$0x7FC]  }
0x210: {  	[sflag:s10] =	ssyncset.done $0x0  }
0x211: {  	s0 =	simm.s32 $0x0;
	[sflag:s10] =	ssyncadd.s32 $0xFFFFE000  }
0x212: {  	[spmem:s31], [sflag:s28] =	dma.local [hbm:s9], $0x400  }
0x213: {  	s3 =	simm.s32 $0x1C840;
	v3 =	vld [tilespmem:s0+$0xA660]  }
0x214: {  	v0 =	vld.msk [tilespmem:s3+$0x0 ss:$0x0], $0xffff  }
0x215: {  	v6 =	vld [tilespmem:s0+$0xA670]  }
0x216: {  	v8 =	vld [tilespmem:s0+$0xA650]  }
0x217: {  	v2 =	vld [tilespmem:s0+$0xA640]  }
0x218: {  	v7 =	vld [tilespmem:s0+$0x1A650]  }
0x219: {  	v1 =	vld [tilespmem:s0+$0x1A670]  }
0x21a: {  	v5 =	vld [tilespmem:s0+$0x1A660];
	v4 =	vmul.f32 v3, v0  }
0x21b: {  	s5 =	simm.s32 $0x100;
	v3 =	vmul.f32 v6, v0;
	v6 =	vld [tilespmem:s0+$0x1A640];
	v8 =	vmul.f32 v8, v0  }
.LBB2_19:
0x21c: {  	p1 =	sne.s32 s5, $0x7F00  }
0x21d: {  	[tilespmem:s0+$0xA670] =	vst v3;
	s3 =	sadd.s32 $0x1, s3;
	s6 =	smov.u32 s5;
	s5 =	sadd.s32 $0x100, s5  }
0x21e: {  	[tilespmem:s0+$0xA650] =	vst v8;
	v7 =	vadd.f32 v7, v8  }
0x21f: {  	v0 =	vmul.f32 v0, v2;
	[tilespmem:s0+$0xA660] =	vst v4  }
0x220: {  	[tilespmem:s0+$0x1A650] =	vst v7;
	v2 =	vadd.f32 v5, v4  }
0x221: {  	v1 =	vadd.f32 v1, v3;
	[tilespmem:s0+$0xA640] =	vst v0;
	v0 =	vadd.f32 v6, v0  }
0x222: {  	[tilespmem:s0+$0x1A660] =	vst v2  }
0x223: {  	s6 =	sshra.s32 s6, $0x2;
	[tilespmem:s0+$0x1A670] =	vst v1  }
0x224: {  	v3 =	vld [tilespmem:s6+$0xA660];
	[tilespmem:s0+$0x1A640] =	vst v0;
	s0 =	smov.u32 s6  }
0x225: {  	v0 =	vld.msk [tilespmem:s3+$0x0 ss:$0x0], $0xffff  }
0x226: {  	v6 =	vld [tilespmem:s0+$0xA670]  }
0x227: {  	v8 =	vld [tilespmem:s0+$0xA650]  }
.Ltmp10:
0x228: {  	v2 =	vld [tilespmem:s0+$0xA640];
	(pc) =	sbr.rel @p1 .LBB2_19-.Ltmp10, $4  }
0x229: {  	v7 =	vld [tilespmem:s0+$0x1A650]  }
0x22a: {  	v1 =	vld [tilespmem:s0+$0x1A670]  }
0x22b: {  	v4 =	vmul.f32 v3, v0;
	v5 =	vld [tilespmem:s0+$0x1A660];
	v3 =	vmul.f32 v6, v0  }
0x22c: {  	v6 =	vld [tilespmem:s0+$0x1A640];
	v8 =	vmul.f32 v8, v0  }
0x22d: {  	[tilespmem:s0+$0xA670] =	vst v3  }
0x22e: {  	v0 =	vmul.f32 v0, v2;
	[tilespmem:s0+$0xA660] =	vst v4  }
0x22f: {  	[tilespmem:s0+$0xA650] =	vst v8;
	v7 =	vadd.f32 v7, v8  }
0x230: {  	[tilespmem:s0+$0xA640] =	vst v0;
	v1 =	vadd.f32 v1, v3  }
0x231: {  	[tilespmem:s0+$0x1A650] =	vst v7;
	v63 =	vadd.f32 v5, v4  }
0x232: {  	v0 =	vadd.f32 v6, v0;
	[tilespmem:s0+$0x1A670] =	vst v1  }
0x233: {  	[tilespmem:s0+$0x1A660] =	vst v63  }
0x234: {  	s30 =	rddreg [dreg:$0x1c];
	[tilespmem:s0+$0x1A640] =	vst v0  }
0x235: {  	[hbm4b:s30+s20] =	stream.linear.scatter [tilespmem:s17], [sflag:$0xF], $0x2000, $0x38;
	[tilespmem:$0x1CDD0] =	vst v63  }
0x236: {  	_ =	swait.ge [sflag:s11], $0x2000  }
0x237: {  	[sflag:s11] =	ssyncset.done $0x0  }
0x238: {  	[sflag:s11] =	ssyncadd.s32 $0xFFFFE000  }
0x239: {  	_ =	swait.ge [sflag:s7], $0x2000  }
0x23a: {  	[sflag:s7] =	ssyncset.done $0x0  }
0x23b: {  	s31 =	simm.s32 $0x11;
	[sflag:s7] =	ssyncadd.s32 $0xFFFFE000  }
0x23c: {  	_ =	swait.ge [sflag:s31], $0x400  }
0x23d: {  	[sflag:s31] =	ssyncset.done $0x0  }
0x23e: {  	[sflag:s31] =	ssyncadd.s32 $0xFFFFFC00  }
0x23f: {  	_ =	swait.ge [sflag:s31], $0x400  }
0x240: {  	[sflag:s31] =	ssyncset.done $0x0  }
0x241: {  	[sflag:s31] =	ssyncadd.s32 $0xFFFFFC00  }
0x242: {  	_ =	swait.ge [sflag:s31], $0x400  }
0x243: {  	[sflag:s31] =	ssyncset.done $0x0  }
0x244: {  	[sflag:s31] =	ssyncadd.s32 $0xFFFFFC00  }
0x245: {  	_ =	swait.ge [sflag:s31], $0x400  }
0x246: {  	[sflag:s31] =	ssyncset.done $0x0  }
0x247: {  	[sflag:s31] =	ssyncadd.s32 $0xFFFFFC00  }
0x248: {  	_ =	swait.ge [sflag:s31], $0x400  }
0x249: {  	s3 =	sld [smem:$0x7F6];
	_ =	sdelay $0x2  }
0x24a: {  	s3 =	sadd.s32 $0x1, s3  }
0x24b: {  	p1 =	sne.s32 s3, $0xA  }
.Ltmp11:
0x24c: {  	_ = 	snop;
	(pc) =	sbr.rel @p1 .LBB2_4-.Ltmp11, $3  }
0x24d: {  	[sflag:s31] =	ssyncset.done $0x0  }
0x24e: {  	[sflag:s31] =	ssyncadd.s32 $0xFFFFFC00  }
0x24f: {  	[bflag:$0x0] =	sbarrier.arrive $0xFFFF;
	_ =	sdelay $0x1  }
0x250: {  	s0 =	rddreg [dreg:$0x9];
	s11 =	simm.s32 $0x12640  }
0x251: {  	[hbm4b:s0+s20] =	stream.linear.scatter [tilespmem:s11], [sflag:$0x12], $0x2000, $0x38;
	[tilespmem:$0x1CDD0] =	vst v63  }
0x252: {  	_ =	swait.ge [sflag:s10], $0x2000  }
0x253: {  	[sflag:s10] =	ssyncset.done $0x0  }
0x254: {  	s12 =	simm.s32 $0x14640;
	s26 =	rddreg [dreg:$0xa];
	[sflag:s10] =	ssyncadd.s32 $0xFFFFE000  }
0x255: {  	[hbm4b:s26+s20] =	stream.linear.scatter [tilespmem:s12], [sflag:$0x12], $0x2000, $0x38;
	[tilespmem:$0x1CDD0] =	vst v63  }
0x256: {  	_ =	swait.ge [sflag:s10], $0x2000  }
0x257: {  	[sflag:s10] =	ssyncset.done $0x0  }
0x258: {  	s13 =	simm.s32 $0x16640;
	s28 =	rddreg [dreg:$0xb];
	[sflag:s10] =	ssyncadd.s32 $0xFFFFE000  }
0x259: {  	[hbm4b:s28+s20] =	stream.linear.scatter [tilespmem:s13], [sflag:$0x12], $0x2000, $0x38;
	[tilespmem:$0x1CDD0] =	vst v63  }
0x25a: {  	_ =	swait.ge [sflag:s10], $0x2000  }
0x25b: {  	[sflag:s10] =	ssyncset.done $0x0  }
0x25c: {  	s14 =	simm.s32 $0x18640;
	s29 =	rddreg [dreg:$0xc];
	[sflag:s10] =	ssyncadd.s32 $0xFFFFE000  }
0x25d: {  	[hbm4b:s29+s20] =	stream.linear.scatter [tilespmem:s14], [sflag:$0x12], $0x2000, $0x38;
	[tilespmem:$0x1CDD0] =	vst v63  }
0x25e: {  	_ =	swait.ge [sflag:s10], $0x2000  }
0x25f: {  	[sflag:s10] =	ssyncset.done $0x0  }
0x260: {  	s15 =	simm.s32 $0x1A640;
	s30 =	rddreg [dreg:$0xd];
	[sflag:s10] =	ssyncadd.s32 $0xFFFFE000  }
0x261: {  	[hbm4b:s30+s20] =	stream.linear.scatter [tilespmem:s15], [sflag:$0x12], $0x2000, $0x38;
	[tilespmem:$0x1CDD0] =	vst v63  }
0x262: {  	_ =	swait.ge [sflag:s10], $0x2000  }
0x263: {  	s3 =	sld [smem:$0x7FD];
	_ =	sdelay $0x2  }
0x264: {  	s31 =	rddreg [dreg:$0x17];
	s3 =	sadd.s32 $0x1, s3  }
0x265: {  	p1 =	sne.s32 s3, s31  }
.Ltmp12:
0x266: {  	_ = 	snop;
	(pc) =	sbr.rel @p1 .LBB2_1-.Ltmp12, $3  }
0x267: {  	_ =	sdelay $0x1  }
0x268: {  	[sflag:s10] =	ssyncset.done $0x0  }
0x269: {  	[sflag:s10] =	ssyncadd.s32 $0xFFFFE000  }
0x26a: {  	_ =	sfence.sel $0x180000  }
0x26b: {  	[bflag:$0x0] =	sbarrier.arrive $0xFFFF  }
0x26c: {  	_ =	strace $0x9000004A  }
0x26d: {  	s0 =	stileid.u32;
	[bflag:$0x2] =	sbarrier.arrive $0xFFFF  }
0x26e: {  	p0 =	sne.s32 s0, $0x0;
	s0 =	rddreg [dreg:$0x3]  }
0x26f: {  	s0 =	sadd.s32 @!p0 $0x100000, s0  }
0x270: {  	[sflag:s0] =	ssyncadd.tile.s32 @!p0 $0x1;
	_ =	shalt  }
.Lfunc_end2:
_tile_overlayer_lowered:
.L_overlay_start_2:
0x271: {  	(tag) =	ssettag $0x2  }
0x272: {  	s0 =	rddreg [dreg:$0x0];
	s2 =	stileid.u32  }
0x273: {  	s1 =	rddreg [dreg:$0x1];
	p0 =	sne.s32 s2, $0x0  }
0x274: {  	s3 =	rddreg [dreg:$0x2];
	[bflag:$0x3] =	sbarrier.arrive $0xFFFF;
	s2 =	simm.s32 @!p0 $0x1C12  }
0x275: {  	[timem:s3], [sflag:s2] =	dma.local @!p0 [hbm:s0], s1  }
0x276: {  	s0 =	simm.s32 @!p0 $0x12  }
0x277: {  	_ =	swait.ge @!p0 [sflag:s0], s1  }
0x278: {  	s1 =	ssub.s32 @!p0 $0x0, s1;
	[sflag:s0] =	ssyncset.done @!p0 $0x0  }
0x279: {  	[sflag:s0] =	ssyncadd.s32 @!p0 s1  }
0x27a: {  	[bflag:$0x3] =	sbarrier.arrive $0xFFFF  }
0x27b: {  	_ =	shalt  }

</sc_bundles>
